<compile_context>
chip_gen: v7x
topology: tpu7x:2x2x1
jax: 0.10.2.dev20260603
libtpu: 0.0.44.dev20260713+nightly
codegen_flags: <defaults>
</compile_context>

<pallas_src>
import jax
import jax.numpy as jnp
from jax.experimental import pallas as pl
from jax.experimental.pallas import tpu as pltpu

_B, _I, _J, _NI, _NO = 32, 1024, 64, 16, 16
_O = _J * _NO
_TOPK = 16
_EPS = 1e-8

_ITM = 64
_G1 = _I // _ITM
_CH = 64
_NCH = _I // _CH
_CHT = 256
_NCHT = _I // _CHT


def _rb(x):
    return x.astype(jnp.bfloat16).astype(jnp.float32)


def _uhat_kernel(d_ref, w_ref, out_ref):
    for i in range(_ITM):
        d = d_ref[:, i, :].astype(jnp.bfloat16)
        r = jnp.dot(d, w_ref[i], preferred_element_type=jnp.float32)
        out_ref[i, :, 0, :] = r.astype(jnp.bfloat16)


def _route_kernel(ut_ref, bias_ref, out_ref, bvec_ref, c_ref, bvt_ref):
    bias = bias_ref[...]
    uh = ut_ref[:, 0, 0, :]

    mask_oj = (jax.lax.broadcasted_iota(jnp.int32, (_O, _J), 0) % _J
               == jax.lax.broadcasted_iota(jnp.int32, (_O, _J), 1))
    mask_jo = (jax.lax.broadcasted_iota(jnp.int32, (_J, _O), 1) % _J
               == jax.lax.broadcasted_iota(jnp.int32, (_J, _O), 0))

    def jsl(n):
        return slice(n * _J, (n + 1) * _J)

    def squash_slices(s_flat):
        sq = None
        for n in range(_NO):
            p = s_flat[:, jsl(n)]
            p = p * p
            sq = p if sq is None else sq + p
        fac = (sq / (1.0 + sq)) / jnp.sqrt(sq + _EPS)
        vs = [s_flat[:, jsl(n)] * fac for n in range(_NO)]
        return jnp.concatenate(vs, axis=1)

    ones = jnp.ones((1, _I), jnp.bfloat16)
    s = (jnp.dot(ones, uh, preferred_element_type=jnp.float32) * (1.0 / _J)
         + bias)
    v = squash_slices(s)

    def bupdate(vflat, first):
        vcol = jnp.transpose(vflat)
        vmat = jnp.where(mask_oj, vcol, 0.0).astype(jnp.bfloat16)
        delta = jnp.dot(uh, vmat, preferred_element_type=jnp.float32)
        bvec_ref[...] = delta if first else bvec_ref[...] + delta

    def topk_softmax():
        for tc in range(_NCHT):
            sl = slice(tc * _CHT, (tc + 1) * _CHT)
            blk = bvec_ref[sl, :]
            bvt_ref[:, sl] = jnp.transpose(blk)
        for tc in range(2):
            sl = slice(tc * (_I // 2), (tc + 1) * (_I // 2))
            t = bvt_ref[:, sl]
            gmax = jnp.max(t, axis=0, keepdims=True)
            kept = jnp.sum(jnp.where(t == gmax, 1.0, 0.0),
                           axis=0, keepdims=True)
            tau = gmax
            w = jnp.where(t == gmax, -jnp.inf, t)
            for _step in range(_TOPK - 1):
                m = jnp.max(w, axis=0, keepdims=True)
                cnt = jnp.sum(jnp.where(w == m, 1.0, 0.0),
                              axis=0, keepdims=True)
                active = kept < _TOPK
                tau = jnp.where(active, m, tau)
                kept = kept + jnp.where(active, cnt, 0.0)
                w = jnp.where(w == m, -jnp.inf, w)
            e = jnp.where(t >= tau, jnp.exp(t - gmax), 0.0)
            cth = e / jnp.sum(e, axis=0, keepdims=True)
            c_ref[:, sl] = cth.astype(jnp.bfloat16)

    def sstep():
        m = jnp.dot(c_ref[...], uh, preferred_element_type=jnp.float32)
        s_flat = jnp.sum(jnp.where(mask_jo, m, 0.0),
                         axis=0, keepdims=True)
        return s_flat + bias

    bupdate(v, True)
    for it in (1, 2):
        topk_softmax()
        v = squash_slices(sstep())
        if it == 1:
            bupdate(v, False)

    out_ref[0] = v


def kernel(data, W, bias):
    Wt = (W.reshape(_I, _J, _NO, _NI).transpose(0, 3, 2, 1)
           .reshape(_I, _NI, _O).astype(jnp.bfloat16))
    bias_flat = bias.transpose(1, 0).reshape(1, _O)

    ut = pl.pallas_call(
        _uhat_kernel,
        grid=(_G1,),
        in_specs=[
            pl.BlockSpec((_B, _ITM, _NI), lambda g: (0, g, 0)),
            pl.BlockSpec((_ITM, _NI, _O), lambda g: (g, 0, 0)),
        ],
        out_specs=pl.BlockSpec((_ITM, _B, 1, _O), lambda g: (g, 0, 0, 0)),
        out_shape=jax.ShapeDtypeStruct((_I, _B, 1, _O), jnp.bfloat16),
    )(data, Wt)

    vout = pl.pallas_call(
        _route_kernel,
        grid=(_B,),
        in_specs=[
            pl.BlockSpec((_I, 1, 1, _O), lambda b: (0, b, 0, 0)),
            pl.BlockSpec((1, _O), lambda b: (0, 0)),
        ],
        out_specs=pl.BlockSpec((1, 1, _O), lambda b: (b, 0, 0)),
        out_shape=jax.ShapeDtypeStruct((_B, 1, _O), jnp.float32),
        scratch_shapes=[
            pltpu.VMEM((_I, _J), jnp.float32),
            pltpu.VMEM((_J, _I), jnp.bfloat16),
            pltpu.VMEM((_J, _I), jnp.float32),
        ],
    )(ut, bias_flat)

    return vout.reshape(_B, _NO, _J).transpose(0, 2, 1)

# --- scband reference (transcript-rebuilt; emitter-appended) ---
"""Pipeline reference for scband-test-model-49366354100542 (READ-ONLY COPY).

The authoritative reference and input builder live on the scoring server;
editing this copy changes nothing except your own understanding.
"""

import jax, jax.numpy as jnp
import numpy as np

B, I, J, N_IN, N_OUT = 32, 1024, 64, 16, 16
TOPK = 16
ITERS = 3

def squash(s, eps=1e-8):
    sq = jnp.sum(s * s, axis=-1, keepdims=True)
    return (sq / (1.0 + sq)) * s / jnp.sqrt(sq + eps)

def setup_inputs(seed: int = 0):
    key = jax.random.key(seed)
    k1, k2, k3 = jax.random.split(key, 3)
    data = jax.random.normal(k1, (B, I, N_IN), dtype=jnp.float32)
    # DenseCapsuleLayer weight, init stdev=0.1: maps each child capsule (len 16)
    # to J*N_OUT predictions
    W = 0.1 * jax.random.normal(k2, (I, J * N_OUT, N_IN), dtype=jnp.float32)
    # bias_routing=True: per-parent-capsule bias added to pre-squash vote sum
    bias = 0.01 * jax.random.normal(k3, (J, N_OUT), dtype=jnp.float32)
    return {"data": data, "W": W, "bias": bias}

def _topk_mask_logits(b_vec):
    # sparsify='nodes_topk': for each child capsule, keep only the TOPK
    # largest routing logits over the parent dim (axis=1), mask rest
    t = jnp.transpose(b_vec, (0, 2, 1))  # [b, i, j]
    vals, _ = jax.lax.top_k(t, TOPK)
    thresh = vals[..., -1:]
    masked = jnp.where(t >= thresh, t, -1e9)
    return jnp.transpose(masked, (0, 2, 1))  # [b, j, i]

def reference(data, W, bias):
    b = data.shape[0]
    # DenseCapsuleLayer: u_hat[b, j, i, n_out] = W_i @ x_i per child capsule
    u = jnp.einsum('ion,bin->bio', W, data)  # [b, i, J*N_OUT]
    u_hat = u.reshape(b, I, J, N_OUT).transpose(0, 2, 1, 3)  # [b, j, i, n]
    # DynamicRouting with 3 iterations, softmax over parents (dim=1)
    b_vec = jnp.zeros((b, J, I), dtype=jnp.float32)
    v = None
    for it in range(ITERS):
        logits = _topk_mask_logits(b_vec) if it > 0 else b_vec
        c = jax.nn.softmax(logits, axis=1)  # [b, j, i]
        s = jnp.einsum('bji,bjin->bjn', c, u_hat) + bias[None]  # [b, j, n]
        v = squash(s)
        if it < ITERS - 1:
            b_vec = b_vec + jnp.einsum('bjin,bjn->bji', u_hat, v)
    return v

if __name__ == "__main__":
    import jax
    _d = setup_inputs()
    print(jax.jit(kernel)(*tuple(_d.values())))

</pallas_src>

<mosaic_0001>
module attributes {stable_mosaic.version = 14 : i64} {
  func.func @_uhat_kernel(%arg0: i32, %arg1: memref<32x64x16xf32, #tpu.memory_space<vmem>>, %arg2: memref<64x16x1024xbf16, #tpu.memory_space<vmem>>, %arg3: memref<64x32x1x1024xbf16, #tpu.memory_space<vmem>>) attributes {dimension_semantics = [#tpu.dimension_semantics<arbitrary>], iteration_bounds = array<i64: 16>, scalar_prefetch = 0 : i64, scratch_operands = 0 : i64, tpu.core_type = #tpu.core_type<tc>, window_params = [{transform_indices = @transform_0, window_bounds = array<i64: 32, 64, 16>}, {transform_indices = @transform_1, window_bounds = array<i64: 64, 16, 1024>}, {transform_indices = @transform_2, window_bounds = array<i64: 64, 32, 1, 1024>}]} {
    %get3A = arith.constant 0 : index
    %get3A_0 = arith.constant 0 : index
    %get3A_1 = arith.constant 0 : index
    %get3A_2 = vector.load %arg1[%get3A, %get3A_0, %get3A_1] : memref<32x64x16xf32, #tpu.memory_space<vmem>>, vector<32x1x16xf32>
    %get3A_3 = vector.shape_cast %get3A_2 : vector<32x1x16xf32> to vector<32x16xf32>
    %convert_element_type3A = arith.truncf %get3A_3 : vector<32x16xf32> to vector<32x16xbf16>
    %get3A_4 = arith.constant 0 : index
    %get3A_5 = arith.constant 0 : index
    %get3A_6 = arith.constant 0 : index
    %get3A_7 = vector.load %arg2[%get3A_4, %get3A_5, %get3A_6] : memref<64x16x1024xbf16, #tpu.memory_space<vmem>>, vector<1x16x1024xbf16>
    %get3A_8 = vector.shape_cast %get3A_7 : vector<1x16x1024xbf16> to vector<16x1024xbf16>
    %dot_general3A = arith.constant dense<0.000000e+00> : vector<32x1024xf32>
    %dot_general3A_9 = tpu.matmul %convert_element_type3A, %get3A_8, %dot_general3A {dimension_numbers = #tpu.dot_dimension_numbers<[1], [0], [0], [1], [0, 0, 1, 1], [], []>, transpose_lhs_hint = false} : vector<32x16xbf16>, vector<16x1024xbf16>, vector<32x1024xf32> -> vector<32x1024xf32>
    %convert_element_type3A_10 = arith.truncf %dot_general3A_9 : vector<32x1024xf32> to vector<32x1024xbf16>
    %swap3A = arith.constant 0 : index
    %swap3A_11 = arith.constant 0 : index
    %swap3A_12 = arith.constant 0 : index
    %swap3A_13 = arith.constant 0 : index
    %swap3A_14 = vector.load %arg3[%swap3A, %swap3A_11, %swap3A_12, %swap3A_13] : memref<64x32x1x1024xbf16, #tpu.memory_space<vmem>>, vector<1x32x1x1024xbf16>
    %swap3A_15 = vector.shape_cast %swap3A_14 : vector<1x32x1x1024xbf16> to vector<32x1024xbf16>
    %swap3A_16 = vector.shape_cast %convert_element_type3A_10 : vector<32x1024xbf16> to vector<1x32x1x1024xbf16>
    tpu.vector_store %arg3[%swap3A, %swap3A_11, %swap3A_12, %swap3A_13], %swap3A_16 {strides = array<i32>} : memref<64x32x1x1024xbf16, #tpu.memory_space<vmem>>, vector<1x32x1x1024xbf16>,
    %get3A_17 = arith.constant 0 : index
    %get3A_18 = arith.constant 1 : index
    %get3A_19 = arith.constant 0 : index
    %get3A_20 = vector.load %arg1[%get3A_17, %get3A_18, %get3A_19] : memref<32x64x16xf32, #tpu.memory_space<vmem>>, vector<32x1x16xf32>
    %get3A_21 = vector.shape_cast %get3A_20 : vector<32x1x16xf32> to vector<32x16xf32>
    %convert_element_type3A_22 = arith.truncf %get3A_21 : vector<32x16xf32> to vector<32x16xbf16>
    %get3A_23 = arith.constant 1 : index
    %get3A_24 = arith.constant 0 : index
    %get3A_25 = arith.constant 0 : index
    %get3A_26 = vector.load %arg2[%get3A_23, %get3A_24, %get3A_25] : memref<64x16x1024xbf16, #tpu.memory_space<vmem>>, vector<1x16x1024xbf16>
    %get3A_27 = vector.shape_cast %get3A_26 : vector<1x16x1024xbf16> to vector<16x1024xbf16>
    %dot_general3A_28 = arith.constant dense<0.000000e+00> : vector<32x1024xf32>
    %dot_general3A_29 = tpu.matmul %convert_element_type3A_22, %get3A_27, %dot_general3A_28 {dimension_numbers = #tpu.dot_dimension_numbers<[1], [0], [0], [1], [0, 0, 1, 1], [], []>, transpose_lhs_hint = false} : vector<32x16xbf16>, vector<16x1024xbf16>, vector<32x1024xf32> -> vector<32x1024xf32>
    %convert_element_type3A_30 = arith.truncf %dot_general3A_29 : vector<32x1024xf32> to vector<32x1024xbf16>
    %swap3A_31 = arith.constant 1 : index
    %swap3A_32 = arith.constant 0 : index
    %swap3A_33 = arith.constant 0 : index
    %swap3A_34 = arith.constant 0 : index
    %swap3A_35 = vector.load %arg3[%swap3A_31, %swap3A_32, %swap3A_33, %swap3A_34] : memref<64x32x1x1024xbf16, #tpu.memory_space<vmem>>, vector<1x32x1x1024xbf16>
    %swap3A_36 = vector.shape_cast %swap3A_35 : vector<1x32x1x1024xbf16> to vector<32x1024xbf16>
    %swap3A_37 = vector.shape_cast %convert_element_type3A_30 : vector<32x1024xbf16> to vector<1x32x1x1024xbf16>
    tpu.vector_store %arg3[%swap3A_31, %swap3A_32, %swap3A_33, %swap3A_34], %swap3A_37 {strides = array<i32>} : memref<64x32x1x1024xbf16, #tpu.memory_space<vmem>>, vector<1x32x1x1024xbf16>,
    %get3A_38 = arith.constant 0 : index
    %get3A_39 = arith.constant 2 : index
    %get3A_40 = arith.constant 0 : index
    %get3A_41 = vector.load %arg1[%get3A_38, %get3A_39, %get3A_40] : memref<32x64x16xf32, #tpu.memory_space<vmem>>, vector<32x1x16xf32>
    %get3A_42 = vector.shape_cast %get3A_41 : vector<32x1x16xf32> to vector<32x16xf32>
    %convert_element_type3A_43 = arith.truncf %get3A_42 : vector<32x16xf32> to vector<32x16xbf16>
    %get3A_44 = arith.constant 2 : index
    %get3A_45 = arith.constant 0 : index
    %get3A_46 = arith.constant 0 : index
    %get3A_47 = vector.load %arg2[%get3A_44, %get3A_45, %get3A_46] : memref<64x16x1024xbf16, #tpu.memory_space<vmem>>, vector<1x16x1024xbf16>
    %get3A_48 = vector.shape_cast %get3A_47 : vector<1x16x1024xbf16> to vector<16x1024xbf16>
    %dot_general3A_49 = arith.constant dense<0.000000e+00> : vector<32x1024xf32>
    %dot_general3A_50 = tpu.matmul %convert_element_type3A_43, %get3A_48, %dot_general3A_49 {dimension_numbers = #tpu.dot_dimension_numbers<[1], [0], [0], [1], [0, 0, 1, 1], [], []>, transpose_lhs_hint = false} : vector<32x16xbf16>, vector<16x1024xbf16>, vector<32x1024xf32> -> vector<32x1024xf32>
    %convert_element_type3A_51 = arith.truncf %dot_general3A_50 : vector<32x1024xf32> to vector<32x1024xbf16>
    %swap3A_52 = arith.constant 2 : index
    %swap3A_53 = arith.constant 0 : index
    %swap3A_54 = arith.constant 0 : index
    %swap3A_55 = arith.constant 0 : index
    %swap3A_56 = vector.load %arg3[%swap3A_52, %swap3A_53, %swap3A_54, %swap3A_55] : memref<64x32x1x1024xbf16, #tpu.memory_space<vmem>>, vector<1x32x1x1024xbf16>
    %swap3A_57 = vector.shape_cast %swap3A_56 : vector<1x32x1x1024xbf16> to vector<32x1024xbf16>
    %swap3A_58 = vector.shape_cast %convert_element_type3A_51 : vector<32x1024xbf16> to vector<1x32x1x1024xbf16>
    tpu.vector_store %arg3[%swap3A_52, %swap3A_53, %swap3A_54, %swap3A_55], %swap3A_58 {strides = array<i32>} : memref<64x32x1x1024xbf16, #tpu.memory_space<vmem>>, vector<1x32x1x1024xbf16>,
    %get3A_59 = arith.constant 0 : index
    %get3A_60 = arith.constant 3 : index
    %get3A_61 = arith.constant 0 : index
    %get3A_62 = vector.load %arg1[%get3A_59, %get3A_60, %get3A_61] : memref<32x64x16xf32, #tpu.memory_space<vmem>>, vector<32x1x16xf32>
    %get3A_63 = vector.shape_cast %get3A_62 : vector<32x1x16xf32> to vector<32x16xf32>
    %convert_element_type3A_64 = arith.truncf %get3A_63 : vector<32x16xf32> to vector<32x16xbf16>
    %get3A_65 = arith.constant 3 : index
    %get3A_66 = arith.constant 0 : index
    %get3A_67 = arith.constant 0 : index
    %get3A_68 = vector.load %arg2[%get3A_65, %get3A_66, %get3A_67] : memref<64x16x1024xbf16, #tpu.memory_space<vmem>>, vector<1x16x1024xbf16>
    %get3A_69 = vector.shape_cast %get3A_68 : vector<1x16x1024xbf16> to vector<16x1024xbf16>
    %dot_general3A_70 = arith.constant dense<0.000000e+00> : vector<32x1024xf32>
    %dot_general3A_71 = tpu.matmul %convert_element_type3A_64, %get3A_69, %dot_general3A_70 {dimension_numbers = #tpu.dot_dimension_numbers<[1], [0], [0], [1], [0, 0, 1, 1], [], []>, transpose_lhs_hint = false} : vector<32x16xbf16>, vector<16x1024xbf16>, vector<32x1024xf32> -> vector<32x1024xf32>
    %convert_element_type3A_72 = arith.truncf %dot_general3A_71 : vector<32x1024xf32> to vector<32x1024xbf16>
    %swap3A_73 = arith.constant 3 : index
    %swap3A_74 = arith.constant 0 : index
    %swap3A_75 = arith.constant 0 : index
    %swap3A_76 = arith.constant 0 : index
    %swap3A_77 = vector.load %arg3[%swap3A_73, %swap3A_74, %swap3A_75, %swap3A_76] : memref<64x32x1x1024xbf16, #tpu.memory_space<vmem>>, vector<1x32x1x1024xbf16>
    %swap3A_78 = vector.shape_cast %swap3A_77 : vector<1x32x1x1024xbf16> to vector<32x1024xbf16>
    %swap3A_79 = vector.shape_cast %convert_element_type3A_72 : vector<32x1024xbf16> to vector<1x32x1x1024xbf16>
    tpu.vector_store %arg3[%swap3A_73, %swap3A_74, %swap3A_75, %swap3A_76], %swap3A_79 {strides = array<i32>} : memref<64x32x1x1024xbf16, #tpu.memory_space<vmem>>, vector<1x32x1x1024xbf16>,
    %get3A_80 = arith.constant 0 : index
    %get3A_81 = arith.constant 4 : index
    %get3A_82 = arith.constant 0 : index
    %get3A_83 = vector.load %arg1[%get3A_80, %get3A_81, %get3A_82] : memref<32x64x16xf32, #tpu.memory_space<vmem>>, vector<32x1x16xf32>
    %get3A_84 = vector.shape_cast %get3A_83 : vector<32x1x16xf32> to vector<32x16xf32>
    %convert_element_type3A_85 = arith.truncf %get3A_84 : vector<32x16xf32> to vector<32x16xbf16>
    %get3A_86 = arith.constant 4 : index
    %get3A_87 = arith.constant 0 : index
    %get3A_88 = arith.constant 0 : index
    %get3A_89 = vector.load %arg2[%get3A_86, %get3A_87, %get3A_88] : memref<64x16x1024xbf16, #tpu.memory_space<vmem>>, vector<1x16x1024xbf16>
    %get3A_90 = vector.shape_cast %get3A_89 : vector<1x16x1024xbf16> to vector<16x1024xbf16>
    %dot_general3A_91 = arith.constant dense<0.000000e+00> : vector<32x1024xf32>
    %dot_general3A_92 = tpu.matmul %convert_element_type3A_85, %get3A_90, %dot_general3A_91 {dimension_numbers = #tpu.dot_dimension_numbers<[1], [0], [0], [1], [0, 0, 1, 1], [], []>, transpose_lhs_hint = false} : vector<32x16xbf16>, vector<16x1024xbf16>, vector<32x1024xf32> -> vector<32x1024xf32>
    %convert_element_type3A_93 = arith.truncf %dot_general3A_92 : vector<32x1024xf32> to vector<32x1024xbf16>
    %swap3A_94 = arith.constant 4 : index
    %swap3A_95 = arith.constant 0 : index
    %swap3A_96 = arith.constant 0 : index
    %swap3A_97 = arith.constant 0 : index
    %swap3A_98 = vector.load %arg3[%swap3A_94, %swap3A_95, %swap3A_96, %swap3A_97] : memref<64x32x1x1024xbf16, #tpu.memory_space<vmem>>, vector<1x32x1x1024xbf16>
    %swap3A_99 = vector.shape_cast %swap3A_98 : vector<1x32x1x1024xbf16> to vector<32x1024xbf16>
    %swap3A_100 = vector.shape_cast %convert_element_type3A_93 : vector<32x1024xbf16> to vector<1x32x1x1024xbf16>
    tpu.vector_store %arg3[%swap3A_94, %swap3A_95, %swap3A_96, %swap3A_97], %swap3A_100 {strides = array<i32>} : memref<64x32x1x1024xbf16, #tpu.memory_space<vmem>>, vector<1x32x1x1024xbf16>,
    %get3A_101 = arith.constant 0 : index
    %get3A_102 = arith.constant 5 : index
    %get3A_103 = arith.constant 0 : index
    %get3A_104 = vector.load %arg1[%get3A_101, %get3A_102, %get3A_103] : memref<32x64x16xf32, #tpu.memory_space<vmem>>, vector<32x1x16xf32>
    %get3A_105 = vector.shape_cast %get3A_104 : vector<32x1x16xf32> to vector<32x16xf32>
    %convert_element_type3A_106 = arith.truncf %get3A_105 : vector<32x16xf32> to vector<32x16xbf16>
    %get3A_107 = arith.constant 5 : index
    %get3A_108 = arith.constant 0 : index
    %get3A_109 = arith.constant 0 : index
    %get3A_110 = vector.load %arg2[%get3A_107, %get3A_108, %get3A_109] : memref<64x16x1024xbf16, #tpu.memory_space<vmem>>, vector<1x16x1024xbf16>
    %get3A_111 = vector.shape_cast %get3A_110 : vector<1x16x1024xbf16> to vector<16x1024xbf16>
    %dot_general3A_112 = arith.constant dense<0.000000e+00> : vector<32x1024xf32>
    %dot_general3A_113 = tpu.matmul %convert_element_type3A_106, %get3A_111, %dot_general3A_112 {dimension_numbers = #tpu.dot_dimension_numbers<[1], [0], [0], [1], [0, 0, 1, 1], [], []>, transpose_lhs_hint = false} : vector<32x16xbf16>, vector<16x1024xbf16>, vector<32x1024xf32> -> vector<32x1024xf32>
    %convert_element_type3A_114 = arith.truncf %dot_general3A_113 : vector<32x1024xf32> to vector<32x1024xbf16>
    %swap3A_115 = arith.constant 5 : index
    %swap3A_116 = arith.constant 0 : index
    %swap3A_117 = arith.constant 0 : index
    %swap3A_118 = arith.constant 0 : index
    %swap3A_119 = vector.load %arg3[%swap3A_115, %swap3A_116, %swap3A_117, %swap3A_118] : memref<64x32x1x1024xbf16, #tpu.memory_space<vmem>>, vector<1x32x1x1024xbf16>
    %swap3A_120 = vector.shape_cast %swap3A_119 : vector<1x32x1x1024xbf16> to vector<32x1024xbf16>
    %swap3A_121 = vector.shape_cast %convert_element_type3A_114 : vector<32x1024xbf16> to vector<1x32x1x1024xbf16>
    tpu.vector_store %arg3[%swap3A_115, %swap3A_116, %swap3A_117, %swap3A_118], %swap3A_121 {strides = array<i32>} : memref<64x32x1x1024xbf16, #tpu.memory_space<vmem>>, vector<1x32x1x1024xbf16>,
    %get3A_122 = arith.constant 0 : index
    %get3A_123 = arith.constant 6 : index
    %get3A_124 = arith.constant 0 : index
    %get3A_125 = vector.load %arg1[%get3A_122, %get3A_123, %get3A_124] : memref<32x64x16xf32, #tpu.memory_space<vmem>>, vector<32x1x16xf32>
    %get3A_126 = vector.shape_cast %get3A_125 : vector<32x1x16xf32> to vector<32x16xf32>
    %convert_element_type3A_127 = arith.truncf %get3A_126 : vector<32x16xf32> to vector<32x16xbf16>
    %get3A_128 = arith.constant 6 : index
    %get3A_129 = arith.constant 0 : index
    %get3A_130 = arith.constant 0 : index
    %get3A_131 = vector.load %arg2[%get3A_128, %get3A_129, %get3A_130] : memref<64x16x1024xbf16, #tpu.memory_space<vmem>>, vector<1x16x1024xbf16>
    %get3A_132 = vector.shape_cast %get3A_131 : vector<1x16x1024xbf16> to vector<16x1024xbf16>
    %dot_general3A_133 = arith.constant dense<0.000000e+00> : vector<32x1024xf32>
    %dot_general3A_134 = tpu.matmul %convert_element_type3A_127, %get3A_132, %dot_general3A_133 {dimension_numbers = #tpu.dot_dimension_numbers<[1], [0], [0], [1], [0, 0, 1, 1], [], []>, transpose_lhs_hint = false} : vector<32x16xbf16>, vector<16x1024xbf16>, vector<32x1024xf32> -> vector<32x1024xf32>
    %convert_element_type3A_135 = arith.truncf %dot_general3A_134 : vector<32x1024xf32> to vector<32x1024xbf16>
    %swap3A_136 = arith.constant 6 : index
    %swap3A_137 = arith.constant 0 : index
    %swap3A_138 = arith.constant 0 : index
    %swap3A_139 = arith.constant 0 : index
    %swap3A_140 = vector.load %arg3[%swap3A_136, %swap3A_137, %swap3A_138, %swap3A_139] : memref<64x32x1x1024xbf16, #tpu.memory_space<vmem>>, vector<1x32x1x1024xbf16>
    %swap3A_141 = vector.shape_cast %swap3A_140 : vector<1x32x1x1024xbf16> to vector<32x1024xbf16>
    %swap3A_142 = vector.shape_cast %convert_element_type3A_135 : vector<32x1024xbf16> to vector<1x32x1x1024xbf16>
    tpu.vector_store %arg3[%swap3A_136, %swap3A_137, %swap3A_138, %swap3A_139], %swap3A_142 {strides = array<i32>} : memref<64x32x1x1024xbf16, #tpu.memory_space<vmem>>, vector<1x32x1x1024xbf16>,
    %get3A_143 = arith.constant 0 : index
    %get3A_144 = arith.constant 7 : index
    %get3A_145 = arith.constant 0 : index
    %get3A_146 = vector.load %arg1[%get3A_143, %get3A_144, %get3A_145] : memref<32x64x16xf32, #tpu.memory_space<vmem>>, vector<32x1x16xf32>
    %get3A_147 = vector.shape_cast %get3A_146 : vector<32x1x16xf32> to vector<32x16xf32>
    %convert_element_type3A_148 = arith.truncf %get3A_147 : vector<32x16xf32> to vector<32x16xbf16>
    %get3A_149 = arith.constant 7 : index
    %get3A_150 = arith.constant 0 : index
    %get3A_151 = arith.constant 0 : index
    %get3A_152 = vector.load %arg2[%get3A_149, %get3A_150, %get3A_151] : memref<64x16x1024xbf16, #tpu.memory_space<vmem>>, vector<1x16x1024xbf16>
    %get3A_153 = vector.shape_cast %get3A_152 : vector<1x16x1024xbf16> to vector<16x1024xbf16>
    %dot_general3A_154 = arith.constant dense<0.000000e+00> : vector<32x1024xf32>
    %dot_general3A_155 = tpu.matmul %convert_element_type3A_148, %get3A_153, %dot_general3A_154 {dimension_numbers = #tpu.dot_dimension_numbers<[1], [0], [0], [1], [0, 0, 1, 1], [], []>, transpose_lhs_hint = false} : vector<32x16xbf16>, vector<16x1024xbf16>, vector<32x1024xf32> -> vector<32x1024xf32>
    %convert_element_type3A_156 = arith.truncf %dot_general3A_155 : vector<32x1024xf32> to vector<32x1024xbf16>
    %swap3A_157 = arith.constant 7 : index
    %swap3A_158 = arith.constant 0 : index
    %swap3A_159 = arith.constant 0 : index
    %swap3A_160 = arith.constant 0 : index
    %swap3A_161 = vector.load %arg3[%swap3A_157, %swap3A_158, %swap3A_159, %swap3A_160] : memref<64x32x1x1024xbf16, #tpu.memory_space<vmem>>, vector<1x32x1x1024xbf16>
    %swap3A_162 = vector.shape_cast %swap3A_161 : vector<1x32x1x1024xbf16> to vector<32x1024xbf16>
    %swap3A_163 = vector.shape_cast %convert_element_type3A_156 : vector<32x1024xbf16> to vector<1x32x1x1024xbf16>
    tpu.vector_store %arg3[%swap3A_157, %swap3A_158, %swap3A_159, %swap3A_160], %swap3A_163 {strides = array<i32>} : memref<64x32x1x1024xbf16, #tpu.memory_space<vmem>>, vector<1x32x1x1024xbf16>,
    %get3A_164 = arith.constant 0 : index
    %get3A_165 = arith.constant 8 : index
    %get3A_166 = arith.constant 0 : index
    %get3A_167 = vector.load %arg1[%get3A_164, %get3A_165, %get3A_166] : memref<32x64x16xf32, #tpu.memory_space<vmem>>, vector<32x1x16xf32>
    %get3A_168 = vector.shape_cast %get3A_167 : vector<32x1x16xf32> to vector<32x16xf32>
    %convert_element_type3A_169 = arith.truncf %get3A_168 : vector<32x16xf32> to vector<32x16xbf16>
    %get3A_170 = arith.constant 8 : index
    %get3A_171 = arith.constant 0 : index
    %get3A_172 = arith.constant 0 : index
    %get3A_173 = vector.load %arg2[%get3A_170, %get3A_171, %get3A_172] : memref<64x16x1024xbf16, #tpu.memory_space<vmem>>, vector<1x16x1024xbf16>
    %get3A_174 = vector.shape_cast %get3A_173 : vector<1x16x1024xbf16> to vector<16x1024xbf16>
    %dot_general3A_175 = arith.constant dense<0.000000e+00> : vector<32x1024xf32>
    %dot_general3A_176 = tpu.matmul %convert_element_type3A_169, %get3A_174, %dot_general3A_175 {dimension_numbers = #tpu.dot_dimension_numbers<[1], [0], [0], [1], [0, 0, 1, 1], [], []>, transpose_lhs_hint = false} : vector<32x16xbf16>, vector<16x1024xbf16>, vector<32x1024xf32> -> vector<32x1024xf32>
    %convert_element_type3A_177 = arith.truncf %dot_general3A_176 : vector<32x1024xf32> to vector<32x1024xbf16>
    %swap3A_178 = arith.constant 8 : index
    %swap3A_179 = arith.constant 0 : index
    %swap3A_180 = arith.constant 0 : index
    %swap3A_181 = arith.constant 0 : index
    %swap3A_182 = vector.load %arg3[%swap3A_178, %swap3A_179, %swap3A_180, %swap3A_181] : memref<64x32x1x1024xbf16, #tpu.memory_space<vmem>>, vector<1x32x1x1024xbf16>
    %swap3A_183 = vector.shape_cast %swap3A_182 : vector<1x32x1x1024xbf16> to vector<32x1024xbf16>
    %swap3A_184 = vector.shape_cast %convert_element_type3A_177 : vector<32x1024xbf16> to vector<1x32x1x1024xbf16>
    tpu.vector_store %arg3[%swap3A_178, %swap3A_179, %swap3A_180, %swap3A_181], %swap3A_184 {strides = array<i32>} : memref<64x32x1x1024xbf16, #tpu.memory_space<vmem>>, vector<1x32x1x1024xbf16>,
    %get3A_185 = arith.constant 0 : index
    %get3A_186 = arith.constant 9 : index
    %get3A_187 = arith.constant 0 : index
    %get3A_188 = vector.load %arg1[%get3A_185, %get3A_186, %get3A_187] : memref<32x64x16xf32, #tpu.memory_space<vmem>>, vector<32x1x16xf32>
    %get3A_189 = vector.shape_cast %get3A_188 : vector<32x1x16xf32> to vector<32x16xf32>
    %convert_element_type3A_190 = arith.truncf %get3A_189 : vector<32x16xf32> to vector<32x16xbf16>
    %get3A_191 = arith.constant 9 : index
    %get3A_192 = arith.constant 0 : index
    %get3A_193 = arith.constant 0 : index
    %get3A_194 = vector.load %arg2[%get3A_191, %get3A_192, %get3A_193] : memref<64x16x1024xbf16, #tpu.memory_space<vmem>>, vector<1x16x1024xbf16>
    %get3A_195 = vector.shape_cast %get3A_194 : vector<1x16x1024xbf16> to vector<16x1024xbf16>
    %dot_general3A_196 = arith.constant dense<0.000000e+00> : vector<32x1024xf32>
    %dot_general3A_197 = tpu.matmul %convert_element_type3A_190, %get3A_195, %dot_general3A_196 {dimension_numbers = #tpu.dot_dimension_numbers<[1], [0], [0], [1], [0, 0, 1, 1], [], []>, transpose_lhs_hint = false} : vector<32x16xbf16>, vector<16x1024xbf16>, vector<32x1024xf32> -> vector<32x1024xf32>
    %convert_element_type3A_198 = arith.truncf %dot_general3A_197 : vector<32x1024xf32> to vector<32x1024xbf16>
    %swap3A_199 = arith.constant 9 : index
    %swap3A_200 = arith.constant 0 : index
    %swap3A_201 = arith.constant 0 : index
    %swap3A_202 = arith.constant 0 : index
    %swap3A_203 = vector.load %arg3[%swap3A_199, %swap3A_200, %swap3A_201, %swap3A_202] : memref<64x32x1x1024xbf16, #tpu.memory_space<vmem>>, vector<1x32x1x1024xbf16>
    %swap3A_204 = vector.shape_cast %swap3A_203 : vector<1x32x1x1024xbf16> to vector<32x1024xbf16>
    %swap3A_205 = vector.shape_cast %convert_element_type3A_198 : vector<32x1024xbf16> to vector<1x32x1x1024xbf16>
    tpu.vector_store %arg3[%swap3A_199, %swap3A_200, %swap3A_201, %swap3A_202], %swap3A_205 {strides = array<i32>} : memref<64x32x1x1024xbf16, #tpu.memory_space<vmem>>, vector<1x32x1x1024xbf16>,
    %get3A_206 = arith.constant 0 : index
    %get3A_207 = arith.constant 10 : index
    %get3A_208 = arith.constant 0 : index
    %get3A_209 = vector.load %arg1[%get3A_206, %get3A_207, %get3A_208] : memref<32x64x16xf32, #tpu.memory_space<vmem>>, vector<32x1x16xf32>
    %get3A_210 = vector.shape_cast %get3A_209 : vector<32x1x16xf32> to vector<32x16xf32>
    %convert_element_type3A_211 = arith.truncf %get3A_210 : vector<32x16xf32> to vector<32x16xbf16>
    %get3A_212 = arith.constant 10 : index
    %get3A_213 = arith.constant 0 : index
    %get3A_214 = arith.constant 0 : index
    %get3A_215 = vector.load %arg2[%get3A_212, %get3A_213, %get3A_214] : memref<64x16x1024xbf16, #tpu.memory_space<vmem>>, vector<1x16x1024xbf16>
    %get3A_216 = vector.shape_cast %get3A_215 : vector<1x16x1024xbf16> to vector<16x1024xbf16>
    %dot_general3A_217 = arith.constant dense<0.000000e+00> : vector<32x1024xf32>
    %dot_general3A_218 = tpu.matmul %convert_element_type3A_211, %get3A_216, %dot_general3A_217 {dimension_numbers = #tpu.dot_dimension_numbers<[1], [0], [0], [1], [0, 0, 1, 1], [], []>, transpose_lhs_hint = false} : vector<32x16xbf16>, vector<16x1024xbf16>, vector<32x1024xf32> -> vector<32x1024xf32>
    %convert_element_type3A_219 = arith.truncf %dot_general3A_218 : vector<32x1024xf32> to vector<32x1024xbf16>
    %swap3A_220 = arith.constant 10 : index
    %swap3A_221 = arith.constant 0 : index
    %swap3A_222 = arith.constant 0 : index
    %swap3A_223 = arith.constant 0 : index
    %swap3A_224 = vector.load %arg3[%swap3A_220, %swap3A_221, %swap3A_222, %swap3A_223] : memref<64x32x1x1024xbf16, #tpu.memory_space<vmem>>, vector<1x32x1x1024xbf16>
    %swap3A_225 = vector.shape_cast %swap3A_224 : vector<1x32x1x1024xbf16> to vector<32x1024xbf16>
    %swap3A_226 = vector.shape_cast %convert_element_type3A_219 : vector<32x1024xbf16> to vector<1x32x1x1024xbf16>
    tpu.vector_store %arg3[%swap3A_220, %swap3A_221, %swap3A_222, %swap3A_223], %swap3A_226 {strides = array<i32>} : memref<64x32x1x1024xbf16, #tpu.memory_space<vmem>>, vector<1x32x1x1024xbf16>,
    %get3A_227 = arith.constant 0 : index
    %get3A_228 = arith.constant 11 : index
    %get3A_229 = arith.constant 0 : index
    %get3A_230 = vector.load %arg1[%get3A_227, %get3A_228, %get3A_229] : memref<32x64x16xf32, #tpu.memory_space<vmem>>, vector<32x1x16xf32>
    %get3A_231 = vector.shape_cast %get3A_230 : vector<32x1x16xf32> to vector<32x16xf32>
    %convert_element_type3A_232 = arith.truncf %get3A_231 : vector<32x16xf32> to vector<32x16xbf16>
    %get3A_233 = arith.constant 11 : index
    %get3A_234 = arith.constant 0 : index
    %get3A_235 = arith.constant 0 : index
    %get3A_236 = vector.load %arg2[%get3A_233, %get3A_234, %get3A_235] : memref<64x16x1024xbf16, #tpu.memory_space<vmem>>, vector<1x16x1024xbf16>
    %get3A_237 = vector.shape_cast %get3A_236 : vector<1x16x1024xbf16> to vector<16x1024xbf16>
    %dot_general3A_238 = arith.constant dense<0.000000e+00> : vector<32x1024xf32>
    %dot_general3A_239 = tpu.matmul %convert_element_type3A_232, %get3A_237, %dot_general3A_238 {dimension_numbers = #tpu.dot_dimension_numbers<[1], [0], [0], [1], [0, 0, 1, 1], [], []>, transpose_lhs_hint = false} : vector<32x16xbf16>, vector<16x1024xbf16>, vector<32x1024xf32> -> vector<32x1024xf32>
    %convert_element_type3A_240 = arith.truncf %dot_general3A_239 : vector<32x1024xf32> to vector<32x1024xbf16>
    %swap3A_241 = arith.constant 11 : index
    %swap3A_242 = arith.constant 0 : index
    %swap3A_243 = arith.constant 0 : index
    %swap3A_244 = arith.constant 0 : index
    %swap3A_245 = vector.load %arg3[%swap3A_241, %swap3A_242, %swap3A_243, %swap3A_244] : memref<64x32x1x1024xbf16, #tpu.memory_space<vmem>>, vector<1x32x1x1024xbf16>
    %swap3A_246 = vector.shape_cast %swap3A_245 : vector<1x32x1x1024xbf16> to vector<32x1024xbf16>
    %swap3A_247 = vector.shape_cast %convert_element_type3A_240 : vector<32x1024xbf16> to vector<1x32x1x1024xbf16>
    tpu.vector_store %arg3[%swap3A_241, %swap3A_242, %swap3A_243, %swap3A_244], %swap3A_247 {strides = array<i32>} : memref<64x32x1x1024xbf16, #tpu.memory_space<vmem>>, vector<1x32x1x1024xbf16>,
    %get3A_248 = arith.constant 0 : index
    %get3A_249 = arith.constant 12 : index
    %get3A_250 = arith.constant 0 : index
    %get3A_251 = vector.load %arg1[%get3A_248, %get3A_249, %get3A_250] : memref<32x64x16xf32, #tpu.memory_space<vmem>>, vector<32x1x16xf32>
    %get3A_252 = vector.shape_cast %get3A_251 : vector<32x1x16xf32> to vector<32x16xf32>
    %convert_element_type3A_253 = arith.truncf %get3A_252 : vector<32x16xf32> to vector<32x16xbf16>
    %get3A_254 = arith.constant 12 : index
    %get3A_255 = arith.constant 0 : index
    %get3A_256 = arith.constant 0 : index
    %get3A_257 = vector.load %arg2[%get3A_254, %get3A_255, %get3A_256] : memref<64x16x1024xbf16, #tpu.memory_space<vmem>>, vector<1x16x1024xbf16>
    %get3A_258 = vector.shape_cast %get3A_257 : vector<1x16x1024xbf16> to vector<16x1024xbf16>
    %dot_general3A_259 = arith.constant dense<0.000000e+00> : vector<32x1024xf32>
    %dot_general3A_260 = tpu.matmul %convert_element_type3A_253, %get3A_258, %dot_general3A_259 {dimension_numbers = #tpu.dot_dimension_numbers<[1], [0], [0], [1], [0, 0, 1, 1], [], []>, transpose_lhs_hint = false} : vector<32x16xbf16>, vector<16x1024xbf16>, vector<32x1024xf32> -> vector<32x1024xf32>
    %convert_element_type3A_261 = arith.truncf %dot_general3A_260 : vector<32x1024xf32> to vector<32x1024xbf16>
    %swap3A_262 = arith.constant 12 : index
    %swap3A_263 = arith.constant 0 : index
    %swap3A_264 = arith.constant 0 : index
    %swap3A_265 = arith.constant 0 : index
    %swap3A_266 = vector.load %arg3[%swap3A_262, %swap3A_263, %swap3A_264, %swap3A_265] : memref<64x32x1x1024xbf16, #tpu.memory_space<vmem>>, vector<1x32x1x1024xbf16>
    %swap3A_267 = vector.shape_cast %swap3A_266 : vector<1x32x1x1024xbf16> to vector<32x1024xbf16>
    %swap3A_268 = vector.shape_cast %convert_element_type3A_261 : vector<32x1024xbf16> to vector<1x32x1x1024xbf16>
    tpu.vector_store %arg3[%swap3A_262, %swap3A_263, %swap3A_264, %swap3A_265], %swap3A_268 {strides = array<i32>} : memref<64x32x1x1024xbf16, #tpu.memory_space<vmem>>, vector<1x32x1x1024xbf16>,
    %get3A_269 = arith.constant 0 : index
    %get3A_270 = arith.constant 13 : index
    %get3A_271 = arith.constant 0 : index
    %get3A_272 = vector.load %arg1[%get3A_269, %get3A_270, %get3A_271] : memref<32x64x16xf32, #tpu.memory_space<vmem>>, vector<32x1x16xf32>
    %get3A_273 = vector.shape_cast %get3A_272 : vector<32x1x16xf32> to vector<32x16xf32>
    %convert_element_type3A_274 = arith.truncf %get3A_273 : vector<32x16xf32> to vector<32x16xbf16>
    %get3A_275 = arith.constant 13 : index
    %get3A_276 = arith.constant 0 : index
    %get3A_277 = arith.constant 0 : index
    %get3A_278 = vector.load %arg2[%get3A_275, %get3A_276, %get3A_277] : memref<64x16x1024xbf16, #tpu.memory_space<vmem>>, vector<1x16x1024xbf16>
    %get3A_279 = vector.shape_cast %get3A_278 : vector<1x16x1024xbf16> to vector<16x1024xbf16>
    %dot_general3A_280 = arith.constant dense<0.000000e+00> : vector<32x1024xf32>
    %dot_general3A_281 = tpu.matmul %convert_element_type3A_274, %get3A_279, %dot_general3A_280 {dimension_numbers = #tpu.dot_dimension_numbers<[1], [0], [0], [1], [0, 0, 1, 1], [], []>, transpose_lhs_hint = false} : vector<32x16xbf16>, vector<16x1024xbf16>, vector<32x1024xf32> -> vector<32x1024xf32>
    %convert_element_type3A_282 = arith.truncf %dot_general3A_281 : vector<32x1024xf32> to vector<32x1024xbf16>
    %swap3A_283 = arith.constant 13 : index
    %swap3A_284 = arith.constant 0 : index
    %swap3A_285 = arith.constant 0 : index
    %swap3A_286 = arith.constant 0 : index
    %swap3A_287 = vector.load %arg3[%swap3A_283, %swap3A_284, %swap3A_285, %swap3A_286] : memref<64x32x1x1024xbf16, #tpu.memory_space<vmem>>, vector<1x32x1x1024xbf16>
    %swap3A_288 = vector.shape_cast %swap3A_287 : vector<1x32x1x1024xbf16> to vector<32x1024xbf16>
    %swap3A_289 = vector.shape_cast %convert_element_type3A_282 : vector<32x1024xbf16> to vector<1x32x1x1024xbf16>
    tpu.vector_store %arg3[%swap3A_283, %swap3A_284, %swap3A_285, %swap3A_286], %swap3A_289 {strides = array<i32>} : memref<64x32x1x1024xbf16, #tpu.memory_space<vmem>>, vector<1x32x1x1024xbf16>,
    %get3A_290 = arith.constant 0 : index
    %get3A_291 = arith.constant 14 : index
    %get3A_292 = arith.constant 0 : index
    %get3A_293 = vector.load %arg1[%get3A_290, %get3A_291, %get3A_292] : memref<32x64x16xf32, #tpu.memory_space<vmem>>, vector<32x1x16xf32>
    %get3A_294 = vector.shape_cast %get3A_293 : vector<32x1x16xf32> to vector<32x16xf32>
    %convert_element_type3A_295 = arith.truncf %get3A_294 : vector<32x16xf32> to vector<32x16xbf16>
    %get3A_296 = arith.constant 14 : index
    %get3A_297 = arith.constant 0 : index
    %get3A_298 = arith.constant 0 : index
    %get3A_299 = vector.load %arg2[%get3A_296, %get3A_297, %get3A_298] : memref<64x16x1024xbf16, #tpu.memory_space<vmem>>, vector<1x16x1024xbf16>
    %get3A_300 = vector.shape_cast %get3A_299 : vector<1x16x1024xbf16> to vector<16x1024xbf16>
    %dot_general3A_301 = arith.constant dense<0.000000e+00> : vector<32x1024xf32>
    %dot_general3A_302 = tpu.matmul %convert_element_type3A_295, %get3A_300, %dot_general3A_301 {dimension_numbers = #tpu.dot_dimension_numbers<[1], [0], [0], [1], [0, 0, 1, 1], [], []>, transpose_lhs_hint = false} : vector<32x16xbf16>, vector<16x1024xbf16>, vector<32x1024xf32> -> vector<32x1024xf32>
    %convert_element_type3A_303 = arith.truncf %dot_general3A_302 : vector<32x1024xf32> to vector<32x1024xbf16>
    %swap3A_304 = arith.constant 14 : index
    %swap3A_305 = arith.constant 0 : index
    %swap3A_306 = arith.constant 0 : index
    %swap3A_307 = arith.constant 0 : index
    %swap3A_308 = vector.load %arg3[%swap3A_304, %swap3A_305, %swap3A_306, %swap3A_307] : memref<64x32x1x1024xbf16, #tpu.memory_space<vmem>>, vector<1x32x1x1024xbf16>
    %swap3A_309 = vector.shape_cast %swap3A_308 : vector<1x32x1x1024xbf16> to vector<32x1024xbf16>
    %swap3A_310 = vector.shape_cast %convert_element_type3A_303 : vector<32x1024xbf16> to vector<1x32x1x1024xbf16>
    tpu.vector_store %arg3[%swap3A_304, %swap3A_305, %swap3A_306, %swap3A_307], %swap3A_310 {strides = array<i32>} : memref<64x32x1x1024xbf16, #tpu.memory_space<vmem>>, vector<1x32x1x1024xbf16>,
    %get3A_311 = arith.constant 0 : index
    %get3A_312 = arith.constant 15 : index
    %get3A_313 = arith.constant 0 : index
    %get3A_314 = vector.load %arg1[%get3A_311, %get3A_312, %get3A_313] : memref<32x64x16xf32, #tpu.memory_space<vmem>>, vector<32x1x16xf32>
    %get3A_315 = vector.shape_cast %get3A_314 : vector<32x1x16xf32> to vector<32x16xf32>
    %convert_element_type3A_316 = arith.truncf %get3A_315 : vector<32x16xf32> to vector<32x16xbf16>
    %get3A_317 = arith.constant 15 : index
    %get3A_318 = arith.constant 0 : index
    %get3A_319 = arith.constant 0 : index
    %get3A_320 = vector.load %arg2[%get3A_317, %get3A_318, %get3A_319] : memref<64x16x1024xbf16, #tpu.memory_space<vmem>>, vector<1x16x1024xbf16>
    %get3A_321 = vector.shape_cast %get3A_320 : vector<1x16x1024xbf16> to vector<16x1024xbf16>
    %dot_general3A_322 = arith.constant dense<0.000000e+00> : vector<32x1024xf32>
    %dot_general3A_323 = tpu.matmul %convert_element_type3A_316, %get3A_321, %dot_general3A_322 {dimension_numbers = #tpu.dot_dimension_numbers<[1], [0], [0], [1], [0, 0, 1, 1], [], []>, transpose_lhs_hint = false} : vector<32x16xbf16>, vector<16x1024xbf16>, vector<32x1024xf32> -> vector<32x1024xf32>
    %convert_element_type3A_324 = arith.truncf %dot_general3A_323 : vector<32x1024xf32> to vector<32x1024xbf16>
    %swap3A_325 = arith.constant 15 : index
    %swap3A_326 = arith.constant 0 : index
    %swap3A_327 = arith.constant 0 : index
    %swap3A_328 = arith.constant 0 : index
    %swap3A_329 = vector.load %arg3[%swap3A_325, %swap3A_326, %swap3A_327, %swap3A_328] : memref<64x32x1x1024xbf16, #tpu.memory_space<vmem>>, vector<1x32x1x1024xbf16>
    %swap3A_330 = vector.shape_cast %swap3A_329 : vector<1x32x1x1024xbf16> to vector<32x1024xbf16>
    %swap3A_331 = vector.shape_cast %convert_element_type3A_324 : vector<32x1024xbf16> to vector<1x32x1x1024xbf16>
    tpu.vector_store %arg3[%swap3A_325, %swap3A_326, %swap3A_327, %swap3A_328], %swap3A_331 {strides = array<i32>} : memref<64x32x1x1024xbf16, #tpu.memory_space<vmem>>, vector<1x32x1x1024xbf16>,
    %get3A_332 = arith.constant 0 : index
    %get3A_333 = arith.constant 16 : index
    %get3A_334 = arith.constant 0 : index
    %get3A_335 = vector.load %arg1[%get3A_332, %get3A_333, %get3A_334] : memref<32x64x16xf32, #tpu.memory_space<vmem>>, vector<32x1x16xf32>
    %get3A_336 = vector.shape_cast %get3A_335 : vector<32x1x16xf32> to vector<32x16xf32>
    %convert_element_type3A_337 = arith.truncf %get3A_336 : vector<32x16xf32> to vector<32x16xbf16>
    %get3A_338 = arith.constant 16 : index
    %get3A_339 = arith.constant 0 : index
    %get3A_340 = arith.constant 0 : index
    %get3A_341 = vector.load %arg2[%get3A_338, %get3A_339, %get3A_340] : memref<64x16x1024xbf16, #tpu.memory_space<vmem>>, vector<1x16x1024xbf16>
    %get3A_342 = vector.shape_cast %get3A_341 : vector<1x16x1024xbf16> to vector<16x1024xbf16>
    %dot_general3A_343 = arith.constant dense<0.000000e+00> : vector<32x1024xf32>
    %dot_general3A_344 = tpu.matmul %convert_element_type3A_337, %get3A_342, %dot_general3A_343 {dimension_numbers = #tpu.dot_dimension_numbers<[1], [0], [0], [1], [0, 0, 1, 1], [], []>, transpose_lhs_hint = false} : vector<32x16xbf16>, vector<16x1024xbf16>, vector<32x1024xf32> -> vector<32x1024xf32>
    %convert_element_type3A_345 = arith.truncf %dot_general3A_344 : vector<32x1024xf32> to vector<32x1024xbf16>
    %swap3A_346 = arith.constant 16 : index
    %swap3A_347 = arith.constant 0 : index
    %swap3A_348 = arith.constant 0 : index
    %swap3A_349 = arith.constant 0 : index
    %swap3A_350 = vector.load %arg3[%swap3A_346, %swap3A_347, %swap3A_348, %swap3A_349] : memref<64x32x1x1024xbf16, #tpu.memory_space<vmem>>, vector<1x32x1x1024xbf16>
    %swap3A_351 = vector.shape_cast %swap3A_350 : vector<1x32x1x1024xbf16> to vector<32x1024xbf16>
    %swap3A_352 = vector.shape_cast %convert_element_type3A_345 : vector<32x1024xbf16> to vector<1x32x1x1024xbf16>
    tpu.vector_store %arg3[%swap3A_346, %swap3A_347, %swap3A_348, %swap3A_349], %swap3A_352 {strides = array<i32>} : memref<64x32x1x1024xbf16, #tpu.memory_space<vmem>>, vector<1x32x1x1024xbf16>,
    %get3A_353 = arith.constant 0 : index
    %get3A_354 = arith.constant 17 : index
    %get3A_355 = arith.constant 0 : index
    %get3A_356 = vector.load %arg1[%get3A_353, %get3A_354, %get3A_355] : memref<32x64x16xf32, #tpu.memory_space<vmem>>, vector<32x1x16xf32>
    %get3A_357 = vector.shape_cast %get3A_356 : vector<32x1x16xf32> to vector<32x16xf32>
    %convert_element_type3A_358 = arith.truncf %get3A_357 : vector<32x16xf32> to vector<32x16xbf16>
    %get3A_359 = arith.constant 17 : index
    %get3A_360 = arith.constant 0 : index
    %get3A_361 = arith.constant 0 : index
    %get3A_362 = vector.load %arg2[%get3A_359, %get3A_360, %get3A_361] : memref<64x16x1024xbf16, #tpu.memory_space<vmem>>, vector<1x16x1024xbf16>
    %get3A_363 = vector.shape_cast %get3A_362 : vector<1x16x1024xbf16> to vector<16x1024xbf16>
    %dot_general3A_364 = arith.constant dense<0.000000e+00> : vector<32x1024xf32>
    %dot_general3A_365 = tpu.matmul %convert_element_type3A_358, %get3A_363, %dot_general3A_364 {dimension_numbers = #tpu.dot_dimension_numbers<[1], [0], [0], [1], [0, 0, 1, 1], [], []>, transpose_lhs_hint = false} : vector<32x16xbf16>, vector<16x1024xbf16>, vector<32x1024xf32> -> vector<32x1024xf32>
    %convert_element_type3A_366 = arith.truncf %dot_general3A_365 : vector<32x1024xf32> to vector<32x1024xbf16>
    %swap3A_367 = arith.constant 17 : index
    %swap3A_368 = arith.constant 0 : index
    %swap3A_369 = arith.constant 0 : index
    %swap3A_370 = arith.constant 0 : index
    %swap3A_371 = vector.load %arg3[%swap3A_367, %swap3A_368, %swap3A_369, %swap3A_370] : memref<64x32x1x1024xbf16, #tpu.memory_space<vmem>>, vector<1x32x1x1024xbf16>
    %swap3A_372 = vector.shape_cast %swap3A_371 : vector<1x32x1x1024xbf16> to vector<32x1024xbf16>
    %swap3A_373 = vector.shape_cast %convert_element_type3A_366 : vector<32x1024xbf16> to vector<1x32x1x1024xbf16>
    tpu.vector_store %arg3[%swap3A_367, %swap3A_368, %swap3A_369, %swap3A_370], %swap3A_373 {strides = array<i32>} : memref<64x32x1x1024xbf16, #tpu.memory_space<vmem>>, vector<1x32x1x1024xbf16>,
    %get3A_374 = arith.constant 0 : index
    %get3A_375 = arith.constant 18 : index
    %get3A_376 = arith.constant 0 : index
    %get3A_377 = vector.load %arg1[%get3A_374, %get3A_375, %get3A_376] : memref<32x64x16xf32, #tpu.memory_space<vmem>>, vector<32x1x16xf32>
    %get3A_378 = vector.shape_cast %get3A_377 : vector<32x1x16xf32> to vector<32x16xf32>
    %convert_element_type3A_379 = arith.truncf %get3A_378 : vector<32x16xf32> to vector<32x16xbf16>
    %get3A_380 = arith.constant 18 : index
    %get3A_381 = arith.constant 0 : index
    %get3A_382 = arith.constant 0 : index
    %get3A_383 = vector.load %arg2[%get3A_380, %get3A_381, %get3A_382] : memref<64x16x1024xbf16, #tpu.memory_space<vmem>>, vector<1x16x1024xbf16>
    %get3A_384 = vector.shape_cast %get3A_383 : vector<1x16x1024xbf16> to vector<16x1024xbf16>
    %dot_general3A_385 = arith.constant dense<0.000000e+00> : vector<32x1024xf32>
    %dot_general3A_386 = tpu.matmul %convert_element_type3A_379, %get3A_384, %dot_general3A_385 {dimension_numbers = #tpu.dot_dimension_numbers<[1], [0], [0], [1], [0, 0, 1, 1], [], []>, transpose_lhs_hint = false} : vector<32x16xbf16>, vector<16x1024xbf16>, vector<32x1024xf32> -> vector<32x1024xf32>
    %convert_element_type3A_387 = arith.truncf %dot_general3A_386 : vector<32x1024xf32> to vector<32x1024xbf16>
    %swap3A_388 = arith.constant 18 : index
    %swap3A_389 = arith.constant 0 : index
    %swap3A_390 = arith.constant 0 : index
    %swap3A_391 = arith.constant 0 : index
    %swap3A_392 = vector.load %arg3[%swap3A_388, %swap3A_389, %swap3A_390, %swap3A_391] : memref<64x32x1x1024xbf16, #tpu.memory_space<vmem>>, vector<1x32x1x1024xbf16>
    %swap3A_393 = vector.shape_cast %swap3A_392 : vector<1x32x1x1024xbf16> to vector<32x1024xbf16>
    %swap3A_394 = vector.shape_cast %convert_element_type3A_387 : vector<32x1024xbf16> to vector<1x32x1x1024xbf16>
    tpu.vector_store %arg3[%swap3A_388, %swap3A_389, %swap3A_390, %swap3A_391], %swap3A_394 {strides = array<i32>} : memref<64x32x1x1024xbf16, #tpu.memory_space<vmem>>, vector<1x32x1x1024xbf16>,
    %get3A_395 = arith.constant 0 : index
    %get3A_396 = arith.constant 19 : index
    %get3A_397 = arith.constant 0 : index
    %get3A_398 = vector.load %arg1[%get3A_395, %get3A_396, %get3A_397] : memref<32x64x16xf32, #tpu.memory_space<vmem>>, vector<32x1x16xf32>
    %get3A_399 = vector.shape_cast %get3A_398 : vector<32x1x16xf32> to vector<32x16xf32>
    %convert_element_type3A_400 = arith.truncf %get3A_399 : vector<32x16xf32> to vector<32x16xbf16>
    %get3A_401 = arith.constant 19 : index
    %get3A_402 = arith.constant 0 : index
    %get3A_403 = arith.constant 0 : index
    %get3A_404 = vector.load %arg2[%get3A_401, %get3A_402, %get3A_403] : memref<64x16x1024xbf16, #tpu.memory_space<vmem>>, vector<1x16x1024xbf16>
    %get3A_405 = vector.shape_cast %get3A_404 : vector<1x16x1024xbf16> to vector<16x1024xbf16>
    %dot_general3A_406 = arith.constant dense<0.000000e+00> : vector<32x1024xf32>
    %dot_general3A_407 = tpu.matmul %convert_element_type3A_400, %get3A_405, %dot_general3A_406 {dimension_numbers = #tpu.dot_dimension_numbers<[1], [0], [0], [1], [0, 0, 1, 1], [], []>, transpose_lhs_hint = false} : vector<32x16xbf16>, vector<16x1024xbf16>, vector<32x1024xf32> -> vector<32x1024xf32>
    %convert_element_type3A_408 = arith.truncf %dot_general3A_407 : vector<32x1024xf32> to vector<32x1024xbf16>
    %swap3A_409 = arith.constant 19 : index
    %swap3A_410 = arith.constant 0 : index
    %swap3A_411 = arith.constant 0 : index
    %swap3A_412 = arith.constant 0 : index
    %swap3A_413 = vector.load %arg3[%swap3A_409, %swap3A_410, %swap3A_411, %swap3A_412] : memref<64x32x1x1024xbf16, #tpu.memory_space<vmem>>, vector<1x32x1x1024xbf16>
    %swap3A_414 = vector.shape_cast %swap3A_413 : vector<1x32x1x1024xbf16> to vector<32x1024xbf16>
    %swap3A_415 = vector.shape_cast %convert_element_type3A_408 : vector<32x1024xbf16> to vector<1x32x1x1024xbf16>
    tpu.vector_store %arg3[%swap3A_409, %swap3A_410, %swap3A_411, %swap3A_412], %swap3A_415 {strides = array<i32>} : memref<64x32x1x1024xbf16, #tpu.memory_space<vmem>>, vector<1x32x1x1024xbf16>,
    %get3A_416 = arith.constant 0 : index
    %get3A_417 = arith.constant 20 : index
    %get3A_418 = arith.constant 0 : index
    %get3A_419 = vector.load %arg1[%get3A_416, %get3A_417, %get3A_418] : memref<32x64x16xf32, #tpu.memory_space<vmem>>, vector<32x1x16xf32>
    %get3A_420 = vector.shape_cast %get3A_419 : vector<32x1x16xf32> to vector<32x16xf32>
    %convert_element_type3A_421 = arith.truncf %get3A_420 : vector<32x16xf32> to vector<32x16xbf16>
    %get3A_422 = arith.constant 20 : index
    %get3A_423 = arith.constant 0 : index
    %get3A_424 = arith.constant 0 : index
    %get3A_425 = vector.load %arg2[%get3A_422, %get3A_423, %get3A_424] : memref<64x16x1024xbf16, #tpu.memory_space<vmem>>, vector<1x16x1024xbf16>
    %get3A_426 = vector.shape_cast %get3A_425 : vector<1x16x1024xbf16> to vector<16x1024xbf16>
    %dot_general3A_427 = arith.constant dense<0.000000e+00> : vector<32x1024xf32>
    %dot_general3A_428 = tpu.matmul %convert_element_type3A_421, %get3A_426, %dot_general3A_427 {dimension_numbers = #tpu.dot_dimension_numbers<[1], [0], [0], [1], [0, 0, 1, 1], [], []>, transpose_lhs_hint = false} : vector<32x16xbf16>, vector<16x1024xbf16>, vector<32x1024xf32> -> vector<32x1024xf32>
    %convert_element_type3A_429 = arith.truncf %dot_general3A_428 : vector<32x1024xf32> to vector<32x1024xbf16>
    %swap3A_430 = arith.constant 20 : index
    %swap3A_431 = arith.constant 0 : index
    %swap3A_432 = arith.constant 0 : index
    %swap3A_433 = arith.constant 0 : index
    %swap3A_434 = vector.load %arg3[%swap3A_430, %swap3A_431, %swap3A_432, %swap3A_433] : memref<64x32x1x1024xbf16, #tpu.memory_space<vmem>>, vector<1x32x1x1024xbf16>
    %swap3A_435 = vector.shape_cast %swap3A_434 : vector<1x32x1x1024xbf16> to vector<32x1024xbf16>
    %swap3A_436 = vector.shape_cast %convert_element_type3A_429 : vector<32x1024xbf16> to vector<1x32x1x1024xbf16>
    tpu.vector_store %arg3[%swap3A_430, %swap3A_431, %swap3A_432, %swap3A_433], %swap3A_436 {strides = array<i32>} : memref<64x32x1x1024xbf16, #tpu.memory_space<vmem>>, vector<1x32x1x1024xbf16>,
    %get3A_437 = arith.constant 0 : index
    %get3A_438 = arith.constant 21 : index
    %get3A_439 = arith.constant 0 : index
    %get3A_440 = vector.load %arg1[%get3A_437, %get3A_438, %get3A_439] : memref<32x64x16xf32, #tpu.memory_space<vmem>>, vector<32x1x16xf32>
    %get3A_441 = vector.shape_cast %get3A_440 : vector<32x1x16xf32> to vector<32x16xf32>
    %convert_element_type3A_442 = arith.truncf %get3A_441 : vector<32x16xf32> to vector<32x16xbf16>
    %get3A_443 = arith.constant 21 : index
    %get3A_444 = arith.constant 0 : index
    %get3A_445 = arith.constant 0 : index
    %get3A_446 = vector.load %arg2[%get3A_443, %get3A_444, %get3A_445] : memref<64x16x1024xbf16, #tpu.memory_space<vmem>>, vector<1x16x1024xbf16>
    %get3A_447 = vector.shape_cast %get3A_446 : vector<1x16x1024xbf16> to vector<16x1024xbf16>
    %dot_general3A_448 = arith.constant dense<0.000000e+00> : vector<32x1024xf32>
    %dot_general3A_449 = tpu.matmul %convert_element_type3A_442, %get3A_447, %dot_general3A_448 {dimension_numbers = #tpu.dot_dimension_numbers<[1], [0], [0], [1], [0, 0, 1, 1], [], []>, transpose_lhs_hint = false} : vector<32x16xbf16>, vector<16x1024xbf16>, vector<32x1024xf32> -> vector<32x1024xf32>
    %convert_element_type3A_450 = arith.truncf %dot_general3A_449 : vector<32x1024xf32> to vector<32x1024xbf16>
    %swap3A_451 = arith.constant 21 : index
    %swap3A_452 = arith.constant 0 : index
    %swap3A_453 = arith.constant 0 : index
    %swap3A_454 = arith.constant 0 : index
    %swap3A_455 = vector.load %arg3[%swap3A_451, %swap3A_452, %swap3A_453, %swap3A_454] : memref<64x32x1x1024xbf16, #tpu.memory_space<vmem>>, vector<1x32x1x1024xbf16>
    %swap3A_456 = vector.shape_cast %swap3A_455 : vector<1x32x1x1024xbf16> to vector<32x1024xbf16>
    %swap3A_457 = vector.shape_cast %convert_element_type3A_450 : vector<32x1024xbf16> to vector<1x32x1x1024xbf16>
    tpu.vector_store %arg3[%swap3A_451, %swap3A_452, %swap3A_453, %swap3A_454], %swap3A_457 {strides = array<i32>} : memref<64x32x1x1024xbf16, #tpu.memory_space<vmem>>, vector<1x32x1x1024xbf16>,
    %get3A_458 = arith.constant 0 : index
    %get3A_459 = arith.constant 22 : index
    %get3A_460 = arith.constant 0 : index
    %get3A_461 = vector.load %arg1[%get3A_458, %get3A_459, %get3A_460] : memref<32x64x16xf32, #tpu.memory_space<vmem>>, vector<32x1x16xf32>
    %get3A_462 = vector.shape_cast %get3A_461 : vector<32x1x16xf32> to vector<32x16xf32>
    %convert_element_type3A_463 = arith.truncf %get3A_462 : vector<32x16xf32> to vector<32x16xbf16>
    %get3A_464 = arith.constant 22 : index
    %get3A_465 = arith.constant 0 : index
    %get3A_466 = arith.constant 0 : index
    %get3A_467 = vector.load %arg2[%get3A_464, %get3A_465, %get3A_466] : memref<64x16x1024xbf16, #tpu.memory_space<vmem>>, vector<1x16x1024xbf16>
    %get3A_468 = vector.shape_cast %get3A_467 : vector<1x16x1024xbf16> to vector<16x1024xbf16>
    %dot_general3A_469 = arith.constant dense<0.000000e+00> : vector<32x1024xf32>
    %dot_general3A_470 = tpu.matmul %convert_element_type3A_463, %get3A_468, %dot_general3A_469 {dimension_numbers = #tpu.dot_dimension_numbers<[1], [0], [0], [1], [0, 0, 1, 1], [], []>, transpose_lhs_hint = false} : vector<32x16xbf16>, vector<16x1024xbf16>, vector<32x1024xf32> -> vector<32x1024xf32>
    %convert_element_type3A_471 = arith.truncf %dot_general3A_470 : vector<32x1024xf32> to vector<32x1024xbf16>
    %swap3A_472 = arith.constant 22 : index
    %swap3A_473 = arith.constant 0 : index
    %swap3A_474 = arith.constant 0 : index
    %swap3A_475 = arith.constant 0 : index
    %swap3A_476 = vector.load %arg3[%swap3A_472, %swap3A_473, %swap3A_474, %swap3A_475] : memref<64x32x1x1024xbf16, #tpu.memory_space<vmem>>, vector<1x32x1x1024xbf16>
    %swap3A_477 = vector.shape_cast %swap3A_476 : vector<1x32x1x1024xbf16> to vector<32x1024xbf16>
    %swap3A_478 = vector.shape_cast %convert_element_type3A_471 : vector<32x1024xbf16> to vector<1x32x1x1024xbf16>
    tpu.vector_store %arg3[%swap3A_472, %swap3A_473, %swap3A_474, %swap3A_475], %swap3A_478 {strides = array<i32>} : memref<64x32x1x1024xbf16, #tpu.memory_space<vmem>>, vector<1x32x1x1024xbf16>,
    %get3A_479 = arith.constant 0 : index
    %get3A_480 = arith.constant 23 : index
    %get3A_481 = arith.constant 0 : index
    %get3A_482 = vector.load %arg1[%get3A_479, %get3A_480, %get3A_481] : memref<32x64x16xf32, #tpu.memory_space<vmem>>, vector<32x1x16xf32>
    %get3A_483 = vector.shape_cast %get3A_482 : vector<32x1x16xf32> to vector<32x16xf32>
    %convert_element_type3A_484 = arith.truncf %get3A_483 : vector<32x16xf32> to vector<32x16xbf16>
    %get3A_485 = arith.constant 23 : index
    %get3A_486 = arith.constant 0 : index
    %get3A_487 = arith.constant 0 : index
    %get3A_488 = vector.load %arg2[%get3A_485, %get3A_486, %get3A_487] : memref<64x16x1024xbf16, #tpu.memory_space<vmem>>, vector<1x16x1024xbf16>
    %get3A_489 = vector.shape_cast %get3A_488 : vector<1x16x1024xbf16> to vector<16x1024xbf16>
    %dot_general3A_490 = arith.constant dense<0.000000e+00> : vector<32x1024xf32>
    %dot_general3A_491 = tpu.matmul %convert_element_type3A_484, %get3A_489, %dot_general3A_490 {dimension_numbers = #tpu.dot_dimension_numbers<[1], [0], [0], [1], [0, 0, 1, 1], [], []>, transpose_lhs_hint = false} : vector<32x16xbf16>, vector<16x1024xbf16>, vector<32x1024xf32> -> vector<32x1024xf32>
    %convert_element_type3A_492 = arith.truncf %dot_general3A_491 : vector<32x1024xf32> to vector<32x1024xbf16>
    %swap3A_493 = arith.constant 23 : index
    %swap3A_494 = arith.constant 0 : index
    %swap3A_495 = arith.constant 0 : index
    %swap3A_496 = arith.constant 0 : index
    %swap3A_497 = vector.load %arg3[%swap3A_493, %swap3A_494, %swap3A_495, %swap3A_496] : memref<64x32x1x1024xbf16, #tpu.memory_space<vmem>>, vector<1x32x1x1024xbf16>
    %swap3A_498 = vector.shape_cast %swap3A_497 : vector<1x32x1x1024xbf16> to vector<32x1024xbf16>
    %swap3A_499 = vector.shape_cast %convert_element_type3A_492 : vector<32x1024xbf16> to vector<1x32x1x1024xbf16>
    tpu.vector_store %arg3[%swap3A_493, %swap3A_494, %swap3A_495, %swap3A_496], %swap3A_499 {strides = array<i32>} : memref<64x32x1x1024xbf16, #tpu.memory_space<vmem>>, vector<1x32x1x1024xbf16>,
    %get3A_500 = arith.constant 0 : index
    %get3A_501 = arith.constant 24 : index
    %get3A_502 = arith.constant 0 : index
    %get3A_503 = vector.load %arg1[%get3A_500, %get3A_501, %get3A_502] : memref<32x64x16xf32, #tpu.memory_space<vmem>>, vector<32x1x16xf32>
    %get3A_504 = vector.shape_cast %get3A_503 : vector<32x1x16xf32> to vector<32x16xf32>
    %convert_element_type3A_505 = arith.truncf %get3A_504 : vector<32x16xf32> to vector<32x16xbf16>
    %get3A_506 = arith.constant 24 : index
    %get3A_507 = arith.constant 0 : index
    %get3A_508 = arith.constant 0 : index
    %get3A_509 = vector.load %arg2[%get3A_506, %get3A_507, %get3A_508] : memref<64x16x1024xbf16, #tpu.memory_space<vmem>>, vector<1x16x1024xbf16>
    %get3A_510 = vector.shape_cast %get3A_509 : vector<1x16x1024xbf16> to vector<16x1024xbf16>
    %dot_general3A_511 = arith.constant dense<0.000000e+00> : vector<32x1024xf32>
    %dot_general3A_512 = tpu.matmul %convert_element_type3A_505, %get3A_510, %dot_general3A_511 {dimension_numbers = #tpu.dot_dimension_numbers<[1], [0], [0], [1], [0, 0, 1, 1], [], []>, transpose_lhs_hint = false} : vector<32x16xbf16>, vector<16x1024xbf16>, vector<32x1024xf32> -> vector<32x1024xf32>
    %convert_element_type3A_513 = arith.truncf %dot_general3A_512 : vector<32x1024xf32> to vector<32x1024xbf16>
    %swap3A_514 = arith.constant 24 : index
    %swap3A_515 = arith.constant 0 : index
    %swap3A_516 = arith.constant 0 : index
    %swap3A_517 = arith.constant 0 : index
    %swap3A_518 = vector.load %arg3[%swap3A_514, %swap3A_515, %swap3A_516, %swap3A_517] : memref<64x32x1x1024xbf16, #tpu.memory_space<vmem>>, vector<1x32x1x1024xbf16>
    %swap3A_519 = vector.shape_cast %swap3A_518 : vector<1x32x1x1024xbf16> to vector<32x1024xbf16>
    %swap3A_520 = vector.shape_cast %convert_element_type3A_513 : vector<32x1024xbf16> to vector<1x32x1x1024xbf16>
    tpu.vector_store %arg3[%swap3A_514, %swap3A_515, %swap3A_516, %swap3A_517], %swap3A_520 {strides = array<i32>} : memref<64x32x1x1024xbf16, #tpu.memory_space<vmem>>, vector<1x32x1x1024xbf16>,
    %get3A_521 = arith.constant 0 : index
    %get3A_522 = arith.constant 25 : index
    %get3A_523 = arith.constant 0 : index
    %get3A_524 = vector.load %arg1[%get3A_521, %get3A_522, %get3A_523] : memref<32x64x16xf32, #tpu.memory_space<vmem>>, vector<32x1x16xf32>
    %get3A_525 = vector.shape_cast %get3A_524 : vector<32x1x16xf32> to vector<32x16xf32>
    %convert_element_type3A_526 = arith.truncf %get3A_525 : vector<32x16xf32> to vector<32x16xbf16>
    %get3A_527 = arith.constant 25 : index
    %get3A_528 = arith.constant 0 : index
    %get3A_529 = arith.constant 0 : index
    %get3A_530 = vector.load %arg2[%get3A_527, %get3A_528, %get3A_529] : memref<64x16x1024xbf16, #tpu.memory_space<vmem>>, vector<1x16x1024xbf16>
    %get3A_531 = vector.shape_cast %get3A_530 : vector<1x16x1024xbf16> to vector<16x1024xbf16>
    %dot_general3A_532 = arith.constant dense<0.000000e+00> : vector<32x1024xf32>
    %dot_general3A_533 = tpu.matmul %convert_element_type3A_526, %get3A_531, %dot_general3A_532 {dimension_numbers = #tpu.dot_dimension_numbers<[1], [0], [0], [1], [0, 0, 1, 1], [], []>, transpose_lhs_hint = false} : vector<32x16xbf16>, vector<16x1024xbf16>, vector<32x1024xf32> -> vector<32x1024xf32>
    %convert_element_type3A_534 = arith.truncf %dot_general3A_533 : vector<32x1024xf32> to vector<32x1024xbf16>
    %swap3A_535 = arith.constant 25 : index
    %swap3A_536 = arith.constant 0 : index
    %swap3A_537 = arith.constant 0 : index
    %swap3A_538 = arith.constant 0 : index
    %swap3A_539 = vector.load %arg3[%swap3A_535, %swap3A_536, %swap3A_537, %swap3A_538] : memref<64x32x1x1024xbf16, #tpu.memory_space<vmem>>, vector<1x32x1x1024xbf16>
    %swap3A_540 = vector.shape_cast %swap3A_539 : vector<1x32x1x1024xbf16> to vector<32x1024xbf16>
    %swap3A_541 = vector.shape_cast %convert_element_type3A_534 : vector<32x1024xbf16> to vector<1x32x1x1024xbf16>
    tpu.vector_store %arg3[%swap3A_535, %swap3A_536, %swap3A_537, %swap3A_538], %swap3A_541 {strides = array<i32>} : memref<64x32x1x1024xbf16, #tpu.memory_space<vmem>>, vector<1x32x1x1024xbf16>,
    %get3A_542 = arith.constant 0 : index
    %get3A_543 = arith.constant 26 : index
    %get3A_544 = arith.constant 0 : index
    %get3A_545 = vector.load %arg1[%get3A_542, %get3A_543, %get3A_544] : memref<32x64x16xf32, #tpu.memory_space<vmem>>, vector<32x1x16xf32>
    %get3A_546 = vector.shape_cast %get3A_545 : vector<32x1x16xf32> to vector<32x16xf32>
    %convert_element_type3A_547 = arith.truncf %get3A_546 : vector<32x16xf32> to vector<32x16xbf16>
    %get3A_548 = arith.constant 26 : index
    %get3A_549 = arith.constant 0 : index
    %get3A_550 = arith.constant 0 : index
    %get3A_551 = vector.load %arg2[%get3A_548, %get3A_549, %get3A_550] : memref<64x16x1024xbf16, #tpu.memory_space<vmem>>, vector<1x16x1024xbf16>
    %get3A_552 = vector.shape_cast %get3A_551 : vector<1x16x1024xbf16> to vector<16x1024xbf16>
    %dot_general3A_553 = arith.constant dense<0.000000e+00> : vector<32x1024xf32>
    %dot_general3A_554 = tpu.matmul %convert_element_type3A_547, %get3A_552, %dot_general3A_553 {dimension_numbers = #tpu.dot_dimension_numbers<[1], [0], [0], [1], [0, 0, 1, 1], [], []>, transpose_lhs_hint = false} : vector<32x16xbf16>, vector<16x1024xbf16>, vector<32x1024xf32> -> vector<32x1024xf32>
    %convert_element_type3A_555 = arith.truncf %dot_general3A_554 : vector<32x1024xf32> to vector<32x1024xbf16>
    %swap3A_556 = arith.constant 26 : index
    %swap3A_557 = arith.constant 0 : index
    %swap3A_558 = arith.constant 0 : index
    %swap3A_559 = arith.constant 0 : index
    %swap3A_560 = vector.load %arg3[%swap3A_556, %swap3A_557, %swap3A_558, %swap3A_559] : memref<64x32x1x1024xbf16, #tpu.memory_space<vmem>>, vector<1x32x1x1024xbf16>
    %swap3A_561 = vector.shape_cast %swap3A_560 : vector<1x32x1x1024xbf16> to vector<32x1024xbf16>
    %swap3A_562 = vector.shape_cast %convert_element_type3A_555 : vector<32x1024xbf16> to vector<1x32x1x1024xbf16>
    tpu.vector_store %arg3[%swap3A_556, %swap3A_557, %swap3A_558, %swap3A_559], %swap3A_562 {strides = array<i32>} : memref<64x32x1x1024xbf16, #tpu.memory_space<vmem>>, vector<1x32x1x1024xbf16>,
    %get3A_563 = arith.constant 0 : index
    %get3A_564 = arith.constant 27 : index
    %get3A_565 = arith.constant 0 : index
    %get3A_566 = vector.load %arg1[%get3A_563, %get3A_564, %get3A_565] : memref<32x64x16xf32, #tpu.memory_space<vmem>>, vector<32x1x16xf32>
    %get3A_567 = vector.shape_cast %get3A_566 : vector<32x1x16xf32> to vector<32x16xf32>
    %convert_element_type3A_568 = arith.truncf %get3A_567 : vector<32x16xf32> to vector<32x16xbf16>
    %get3A_569 = arith.constant 27 : index
    %get3A_570 = arith.constant 0 : index
    %get3A_571 = arith.constant 0 : index
    %get3A_572 = vector.load %arg2[%get3A_569, %get3A_570, %get3A_571] : memref<64x16x1024xbf16, #tpu.memory_space<vmem>>, vector<1x16x1024xbf16>
    %get3A_573 = vector.shape_cast %get3A_572 : vector<1x16x1024xbf16> to vector<16x1024xbf16>
    %dot_general3A_574 = arith.constant dense<0.000000e+00> : vector<32x1024xf32>
    %dot_general3A_575 = tpu.matmul %convert_element_type3A_568, %get3A_573, %dot_general3A_574 {dimension_numbers = #tpu.dot_dimension_numbers<[1], [0], [0], [1], [0, 0, 1, 1], [], []>, transpose_lhs_hint = false} : vector<32x16xbf16>, vector<16x1024xbf16>, vector<32x1024xf32> -> vector<32x1024xf32>
    %convert_element_type3A_576 = arith.truncf %dot_general3A_575 : vector<32x1024xf32> to vector<32x1024xbf16>
    %swap3A_577 = arith.constant 27 : index
    %swap3A_578 = arith.constant 0 : index
    %swap3A_579 = arith.constant 0 : index
    %swap3A_580 = arith.constant 0 : index
    %swap3A_581 = vector.load %arg3[%swap3A_577, %swap3A_578, %swap3A_579, %swap3A_580] : memref<64x32x1x1024xbf16, #tpu.memory_space<vmem>>, vector<1x32x1x1024xbf16>
    %swap3A_582 = vector.shape_cast %swap3A_581 : vector<1x32x1x1024xbf16> to vector<32x1024xbf16>
    %swap3A_583 = vector.shape_cast %convert_element_type3A_576 : vector<32x1024xbf16> to vector<1x32x1x1024xbf16>
    tpu.vector_store %arg3[%swap3A_577, %swap3A_578, %swap3A_579, %swap3A_580], %swap3A_583 {strides = array<i32>} : memref<64x32x1x1024xbf16, #tpu.memory_space<vmem>>, vector<1x32x1x1024xbf16>,
    %get3A_584 = arith.constant 0 : index
    %get3A_585 = arith.constant 28 : index
    %get3A_586 = arith.constant 0 : index
    %get3A_587 = vector.load %arg1[%get3A_584, %get3A_585, %get3A_586] : memref<32x64x16xf32, #tpu.memory_space<vmem>>, vector<32x1x16xf32>
    %get3A_588 = vector.shape_cast %get3A_587 : vector<32x1x16xf32> to vector<32x16xf32>
    %convert_element_type3A_589 = arith.truncf %get3A_588 : vector<32x16xf32> to vector<32x16xbf16>
    %get3A_590 = arith.constant 28 : index
    %get3A_591 = arith.constant 0 : index
    %get3A_592 = arith.constant 0 : index
    %get3A_593 = vector.load %arg2[%get3A_590, %get3A_591, %get3A_592] : memref<64x16x1024xbf16, #tpu.memory_space<vmem>>, vector<1x16x1024xbf16>
    %get3A_594 = vector.shape_cast %get3A_593 : vector<1x16x1024xbf16> to vector<16x1024xbf16>
    %dot_general3A_595 = arith.constant dense<0.000000e+00> : vector<32x1024xf32>
    %dot_general3A_596 = tpu.matmul %convert_element_type3A_589, %get3A_594, %dot_general3A_595 {dimension_numbers = #tpu.dot_dimension_numbers<[1], [0], [0], [1], [0, 0, 1, 1], [], []>, transpose_lhs_hint = false} : vector<32x16xbf16>, vector<16x1024xbf16>, vector<32x1024xf32> -> vector<32x1024xf32>
    %convert_element_type3A_597 = arith.truncf %dot_general3A_596 : vector<32x1024xf32> to vector<32x1024xbf16>
    %swap3A_598 = arith.constant 28 : index
    %swap3A_599 = arith.constant 0 : index
    %swap3A_600 = arith.constant 0 : index
    %swap3A_601 = arith.constant 0 : index
    %swap3A_602 = vector.load %arg3[%swap3A_598, %swap3A_599, %swap3A_600, %swap3A_601] : memref<64x32x1x1024xbf16, #tpu.memory_space<vmem>>, vector<1x32x1x1024xbf16>
    %swap3A_603 = vector.shape_cast %swap3A_602 : vector<1x32x1x1024xbf16> to vector<32x1024xbf16>
    %swap3A_604 = vector.shape_cast %convert_element_type3A_597 : vector<32x1024xbf16> to vector<1x32x1x1024xbf16>
    tpu.vector_store %arg3[%swap3A_598, %swap3A_599, %swap3A_600, %swap3A_601], %swap3A_604 {strides = array<i32>} : memref<64x32x1x1024xbf16, #tpu.memory_space<vmem>>, vector<1x32x1x1024xbf16>,
    %get3A_605 = arith.constant 0 : index
    %get3A_606 = arith.constant 29 : index
    %get3A_607 = arith.constant 0 : index
    %get3A_608 = vector.load %arg1[%get3A_605, %get3A_606, %get3A_607] : memref<32x64x16xf32, #tpu.memory_space<vmem>>, vector<32x1x16xf32>
    %get3A_609 = vector.shape_cast %get3A_608 : vector<32x1x16xf32> to vector<32x16xf32>
    %convert_element_type3A_610 = arith.truncf %get3A_609 : vector<32x16xf32> to vector<32x16xbf16>
    %get3A_611 = arith.constant 29 : index
    %get3A_612 = arith.constant 0 : index
    %get3A_613 = arith.constant 0 : index
    %get3A_614 = vector.load %arg2[%get3A_611, %get3A_612, %get3A_613] : memref<64x16x1024xbf16, #tpu.memory_space<vmem>>, vector<1x16x1024xbf16>
    %get3A_615 = vector.shape_cast %get3A_614 : vector<1x16x1024xbf16> to vector<16x1024xbf16>
    %dot_general3A_616 = arith.constant dense<0.000000e+00> : vector<32x1024xf32>
    %dot_general3A_617 = tpu.matmul %convert_element_type3A_610, %get3A_615, %dot_general3A_616 {dimension_numbers = #tpu.dot_dimension_numbers<[1], [0], [0], [1], [0, 0, 1, 1], [], []>, transpose_lhs_hint = false} : vector<32x16xbf16>, vector<16x1024xbf16>, vector<32x1024xf32> -> vector<32x1024xf32>
    %convert_element_type3A_618 = arith.truncf %dot_general3A_617 : vector<32x1024xf32> to vector<32x1024xbf16>
    %swap3A_619 = arith.constant 29 : index
    %swap3A_620 = arith.constant 0 : index
    %swap3A_621 = arith.constant 0 : index
    %swap3A_622 = arith.constant 0 : index
    %swap3A_623 = vector.load %arg3[%swap3A_619, %swap3A_620, %swap3A_621, %swap3A_622] : memref<64x32x1x1024xbf16, #tpu.memory_space<vmem>>, vector<1x32x1x1024xbf16>
    %swap3A_624 = vector.shape_cast %swap3A_623 : vector<1x32x1x1024xbf16> to vector<32x1024xbf16>
    %swap3A_625 = vector.shape_cast %convert_element_type3A_618 : vector<32x1024xbf16> to vector<1x32x1x1024xbf16>
    tpu.vector_store %arg3[%swap3A_619, %swap3A_620, %swap3A_621, %swap3A_622], %swap3A_625 {strides = array<i32>} : memref<64x32x1x1024xbf16, #tpu.memory_space<vmem>>, vector<1x32x1x1024xbf16>,
    %get3A_626 = arith.constant 0 : index
    %get3A_627 = arith.constant 30 : index
    %get3A_628 = arith.constant 0 : index
    %get3A_629 = vector.load %arg1[%get3A_626, %get3A_627, %get3A_628] : memref<32x64x16xf32, #tpu.memory_space<vmem>>, vector<32x1x16xf32>
    %get3A_630 = vector.shape_cast %get3A_629 : vector<32x1x16xf32> to vector<32x16xf32>
    %convert_element_type3A_631 = arith.truncf %get3A_630 : vector<32x16xf32> to vector<32x16xbf16>
    %get3A_632 = arith.constant 30 : index
    %get3A_633 = arith.constant 0 : index
    %get3A_634 = arith.constant 0 : index
    %get3A_635 = vector.load %arg2[%get3A_632, %get3A_633, %get3A_634] : memref<64x16x1024xbf16, #tpu.memory_space<vmem>>, vector<1x16x1024xbf16>
    %get3A_636 = vector.shape_cast %get3A_635 : vector<1x16x1024xbf16> to vector<16x1024xbf16>
    %dot_general3A_637 = arith.constant dense<0.000000e+00> : vector<32x1024xf32>
    %dot_general3A_638 = tpu.matmul %convert_element_type3A_631, %get3A_636, %dot_general3A_637 {dimension_numbers = #tpu.dot_dimension_numbers<[1], [0], [0], [1], [0, 0, 1, 1], [], []>, transpose_lhs_hint = false} : vector<32x16xbf16>, vector<16x1024xbf16>, vector<32x1024xf32> -> vector<32x1024xf32>
    %convert_element_type3A_639 = arith.truncf %dot_general3A_638 : vector<32x1024xf32> to vector<32x1024xbf16>
    %swap3A_640 = arith.constant 30 : index
    %swap3A_641 = arith.constant 0 : index
    %swap3A_642 = arith.constant 0 : index
    %swap3A_643 = arith.constant 0 : index
    %swap3A_644 = vector.load %arg3[%swap3A_640, %swap3A_641, %swap3A_642, %swap3A_643] : memref<64x32x1x1024xbf16, #tpu.memory_space<vmem>>, vector<1x32x1x1024xbf16>
    %swap3A_645 = vector.shape_cast %swap3A_644 : vector<1x32x1x1024xbf16> to vector<32x1024xbf16>
    %swap3A_646 = vector.shape_cast %convert_element_type3A_639 : vector<32x1024xbf16> to vector<1x32x1x1024xbf16>
    tpu.vector_store %arg3[%swap3A_640, %swap3A_641, %swap3A_642, %swap3A_643], %swap3A_646 {strides = array<i32>} : memref<64x32x1x1024xbf16, #tpu.memory_space<vmem>>, vector<1x32x1x1024xbf16>,
    %get3A_647 = arith.constant 0 : index
    %get3A_648 = arith.constant 31 : index
    %get3A_649 = arith.constant 0 : index
    %get3A_650 = vector.load %arg1[%get3A_647, %get3A_648, %get3A_649] : memref<32x64x16xf32, #tpu.memory_space<vmem>>, vector<32x1x16xf32>
    %get3A_651 = vector.shape_cast %get3A_650 : vector<32x1x16xf32> to vector<32x16xf32>
    %convert_element_type3A_652 = arith.truncf %get3A_651 : vector<32x16xf32> to vector<32x16xbf16>
    %get3A_653 = arith.constant 31 : index
    %get3A_654 = arith.constant 0 : index
    %get3A_655 = arith.constant 0 : index
    %get3A_656 = vector.load %arg2[%get3A_653, %get3A_654, %get3A_655] : memref<64x16x1024xbf16, #tpu.memory_space<vmem>>, vector<1x16x1024xbf16>
    %get3A_657 = vector.shape_cast %get3A_656 : vector<1x16x1024xbf16> to vector<16x1024xbf16>
    %dot_general3A_658 = arith.constant dense<0.000000e+00> : vector<32x1024xf32>
    %dot_general3A_659 = tpu.matmul %convert_element_type3A_652, %get3A_657, %dot_general3A_658 {dimension_numbers = #tpu.dot_dimension_numbers<[1], [0], [0], [1], [0, 0, 1, 1], [], []>, transpose_lhs_hint = false} : vector<32x16xbf16>, vector<16x1024xbf16>, vector<32x1024xf32> -> vector<32x1024xf32>
    %convert_element_type3A_660 = arith.truncf %dot_general3A_659 : vector<32x1024xf32> to vector<32x1024xbf16>
    %swap3A_661 = arith.constant 31 : index
    %swap3A_662 = arith.constant 0 : index
    %swap3A_663 = arith.constant 0 : index
    %swap3A_664 = arith.constant 0 : index
    %swap3A_665 = vector.load %arg3[%swap3A_661, %swap3A_662, %swap3A_663, %swap3A_664] : memref<64x32x1x1024xbf16, #tpu.memory_space<vmem>>, vector<1x32x1x1024xbf16>
    %swap3A_666 = vector.shape_cast %swap3A_665 : vector<1x32x1x1024xbf16> to vector<32x1024xbf16>
    %swap3A_667 = vector.shape_cast %convert_element_type3A_660 : vector<32x1024xbf16> to vector<1x32x1x1024xbf16>
    tpu.vector_store %arg3[%swap3A_661, %swap3A_662, %swap3A_663, %swap3A_664], %swap3A_667 {strides = array<i32>} : memref<64x32x1x1024xbf16, #tpu.memory_space<vmem>>, vector<1x32x1x1024xbf16>,
    %get3A_668 = arith.constant 0 : index
    %get3A_669 = arith.constant 32 : index
    %get3A_670 = arith.constant 0 : index
    %get3A_671 = vector.load %arg1[%get3A_668, %get3A_669, %get3A_670] : memref<32x64x16xf32, #tpu.memory_space<vmem>>, vector<32x1x16xf32>
    %get3A_672 = vector.shape_cast %get3A_671 : vector<32x1x16xf32> to vector<32x16xf32>
    %convert_element_type3A_673 = arith.truncf %get3A_672 : vector<32x16xf32> to vector<32x16xbf16>
    %get3A_674 = arith.constant 32 : index
    %get3A_675 = arith.constant 0 : index
    %get3A_676 = arith.constant 0 : index
    %get3A_677 = vector.load %arg2[%get3A_674, %get3A_675, %get3A_676] : memref<64x16x1024xbf16, #tpu.memory_space<vmem>>, vector<1x16x1024xbf16>
    %get3A_678 = vector.shape_cast %get3A_677 : vector<1x16x1024xbf16> to vector<16x1024xbf16>
    %dot_general3A_679 = arith.constant dense<0.000000e+00> : vector<32x1024xf32>
    %dot_general3A_680 = tpu.matmul %convert_element_type3A_673, %get3A_678, %dot_general3A_679 {dimension_numbers = #tpu.dot_dimension_numbers<[1], [0], [0], [1], [0, 0, 1, 1], [], []>, transpose_lhs_hint = false} : vector<32x16xbf16>, vector<16x1024xbf16>, vector<32x1024xf32> -> vector<32x1024xf32>
    %convert_element_type3A_681 = arith.truncf %dot_general3A_680 : vector<32x1024xf32> to vector<32x1024xbf16>
    %swap3A_682 = arith.constant 32 : index
    %swap3A_683 = arith.constant 0 : index
    %swap3A_684 = arith.constant 0 : index
    %swap3A_685 = arith.constant 0 : index
    %swap3A_686 = vector.load %arg3[%swap3A_682, %swap3A_683, %swap3A_684, %swap3A_685] : memref<64x32x1x1024xbf16, #tpu.memory_space<vmem>>, vector<1x32x1x1024xbf16>
    %swap3A_687 = vector.shape_cast %swap3A_686 : vector<1x32x1x1024xbf16> to vector<32x1024xbf16>
    %swap3A_688 = vector.shape_cast %convert_element_type3A_681 : vector<32x1024xbf16> to vector<1x32x1x1024xbf16>
    tpu.vector_store %arg3[%swap3A_682, %swap3A_683, %swap3A_684, %swap3A_685], %swap3A_688 {strides = array<i32>} : memref<64x32x1x1024xbf16, #tpu.memory_space<vmem>>, vector<1x32x1x1024xbf16>,
    %get3A_689 = arith.constant 0 : index
    %get3A_690 = arith.constant 33 : index
    %get3A_691 = arith.constant 0 : index
    %get3A_692 = vector.load %arg1[%get3A_689, %get3A_690, %get3A_691] : memref<32x64x16xf32, #tpu.memory_space<vmem>>, vector<32x1x16xf32>
    %get3A_693 = vector.shape_cast %get3A_692 : vector<32x1x16xf32> to vector<32x16xf32>
    %convert_element_type3A_694 = arith.truncf %get3A_693 : vector<32x16xf32> to vector<32x16xbf16>
    %get3A_695 = arith.constant 33 : index
    %get3A_696 = arith.constant 0 : index
    %get3A_697 = arith.constant 0 : index
    %get3A_698 = vector.load %arg2[%get3A_695, %get3A_696, %get3A_697] : memref<64x16x1024xbf16, #tpu.memory_space<vmem>>, vector<1x16x1024xbf16>
    %get3A_699 = vector.shape_cast %get3A_698 : vector<1x16x1024xbf16> to vector<16x1024xbf16>
    %dot_general3A_700 = arith.constant dense<0.000000e+00> : vector<32x1024xf32>
    %dot_general3A_701 = tpu.matmul %convert_element_type3A_694, %get3A_699, %dot_general3A_700 {dimension_numbers = #tpu.dot_dimension_numbers<[1], [0], [0], [1], [0, 0, 1, 1], [], []>, transpose_lhs_hint = false} : vector<32x16xbf16>, vector<16x1024xbf16>, vector<32x1024xf32> -> vector<32x1024xf32>
    %convert_element_type3A_702 = arith.truncf %dot_general3A_701 : vector<32x1024xf32> to vector<32x1024xbf16>
    %swap3A_703 = arith.constant 33 : index
    %swap3A_704 = arith.constant 0 : index
    %swap3A_705 = arith.constant 0 : index
    %swap3A_706 = arith.constant 0 : index
    %swap3A_707 = vector.load %arg3[%swap3A_703, %swap3A_704, %swap3A_705, %swap3A_706] : memref<64x32x1x1024xbf16, #tpu.memory_space<vmem>>, vector<1x32x1x1024xbf16>
    %swap3A_708 = vector.shape_cast %swap3A_707 : vector<1x32x1x1024xbf16> to vector<32x1024xbf16>
    %swap3A_709 = vector.shape_cast %convert_element_type3A_702 : vector<32x1024xbf16> to vector<1x32x1x1024xbf16>
    tpu.vector_store %arg3[%swap3A_703, %swap3A_704, %swap3A_705, %swap3A_706], %swap3A_709 {strides = array<i32>} : memref<64x32x1x1024xbf16, #tpu.memory_space<vmem>>, vector<1x32x1x1024xbf16>,
    %get3A_710 = arith.constant 0 : index
    %get3A_711 = arith.constant 34 : index
    %get3A_712 = arith.constant 0 : index
    %get3A_713 = vector.load %arg1[%get3A_710, %get3A_711, %get3A_712] : memref<32x64x16xf32, #tpu.memory_space<vmem>>, vector<32x1x16xf32>
    %get3A_714 = vector.shape_cast %get3A_713 : vector<32x1x16xf32> to vector<32x16xf32>
    %convert_element_type3A_715 = arith.truncf %get3A_714 : vector<32x16xf32> to vector<32x16xbf16>
    %get3A_716 = arith.constant 34 : index
    %get3A_717 = arith.constant 0 : index
    %get3A_718 = arith.constant 0 : index
    %get3A_719 = vector.load %arg2[%get3A_716, %get3A_717, %get3A_718] : memref<64x16x1024xbf16, #tpu.memory_space<vmem>>, vector<1x16x1024xbf16>
    %get3A_720 = vector.shape_cast %get3A_719 : vector<1x16x1024xbf16> to vector<16x1024xbf16>
    %dot_general3A_721 = arith.constant dense<0.000000e+00> : vector<32x1024xf32>
    %dot_general3A_722 = tpu.matmul %convert_element_type3A_715, %get3A_720, %dot_general3A_721 {dimension_numbers = #tpu.dot_dimension_numbers<[1], [0], [0], [1], [0, 0, 1, 1], [], []>, transpose_lhs_hint = false} : vector<32x16xbf16>, vector<16x1024xbf16>, vector<32x1024xf32> -> vector<32x1024xf32>
    %convert_element_type3A_723 = arith.truncf %dot_general3A_722 : vector<32x1024xf32> to vector<32x1024xbf16>
    %swap3A_724 = arith.constant 34 : index
    %swap3A_725 = arith.constant 0 : index
    %swap3A_726 = arith.constant 0 : index
    %swap3A_727 = arith.constant 0 : index
    %swap3A_728 = vector.load %arg3[%swap3A_724, %swap3A_725, %swap3A_726, %swap3A_727] : memref<64x32x1x1024xbf16, #tpu.memory_space<vmem>>, vector<1x32x1x1024xbf16>
    %swap3A_729 = vector.shape_cast %swap3A_728 : vector<1x32x1x1024xbf16> to vector<32x1024xbf16>
    %swap3A_730 = vector.shape_cast %convert_element_type3A_723 : vector<32x1024xbf16> to vector<1x32x1x1024xbf16>
    tpu.vector_store %arg3[%swap3A_724, %swap3A_725, %swap3A_726, %swap3A_727], %swap3A_730 {strides = array<i32>} : memref<64x32x1x1024xbf16, #tpu.memory_space<vmem>>, vector<1x32x1x1024xbf16>,
    %get3A_731 = arith.constant 0 : index
    %get3A_732 = arith.constant 35 : index
    %get3A_733 = arith.constant 0 : index
    %get3A_734 = vector.load %arg1[%get3A_731, %get3A_732, %get3A_733] : memref<32x64x16xf32, #tpu.memory_space<vmem>>, vector<32x1x16xf32>
    %get3A_735 = vector.shape_cast %get3A_734 : vector<32x1x16xf32> to vector<32x16xf32>
    %convert_element_type3A_736 = arith.truncf %get3A_735 : vector<32x16xf32> to vector<32x16xbf16>
    %get3A_737 = arith.constant 35 : index
    %get3A_738 = arith.constant 0 : index
    %get3A_739 = arith.constant 0 : index
    %get3A_740 = vector.load %arg2[%get3A_737, %get3A_738, %get3A_739] : memref<64x16x1024xbf16, #tpu.memory_space<vmem>>, vector<1x16x1024xbf16>
    %get3A_741 = vector.shape_cast %get3A_740 : vector<1x16x1024xbf16> to vector<16x1024xbf16>
    %dot_general3A_742 = arith.constant dense<0.000000e+00> : vector<32x1024xf32>
    %dot_general3A_743 = tpu.matmul %convert_element_type3A_736, %get3A_741, %dot_general3A_742 {dimension_numbers = #tpu.dot_dimension_numbers<[1], [0], [0], [1], [0, 0, 1, 1], [], []>, transpose_lhs_hint = false} : vector<32x16xbf16>, vector<16x1024xbf16>, vector<32x1024xf32> -> vector<32x1024xf32>
    %convert_element_type3A_744 = arith.truncf %dot_general3A_743 : vector<32x1024xf32> to vector<32x1024xbf16>
    %swap3A_745 = arith.constant 35 : index
    %swap3A_746 = arith.constant 0 : index
    %swap3A_747 = arith.constant 0 : index
    %swap3A_748 = arith.constant 0 : index
    %swap3A_749 = vector.load %arg3[%swap3A_745, %swap3A_746, %swap3A_747, %swap3A_748] : memref<64x32x1x1024xbf16, #tpu.memory_space<vmem>>, vector<1x32x1x1024xbf16>
    %swap3A_750 = vector.shape_cast %swap3A_749 : vector<1x32x1x1024xbf16> to vector<32x1024xbf16>
    %swap3A_751 = vector.shape_cast %convert_element_type3A_744 : vector<32x1024xbf16> to vector<1x32x1x1024xbf16>
    tpu.vector_store %arg3[%swap3A_745, %swap3A_746, %swap3A_747, %swap3A_748], %swap3A_751 {strides = array<i32>} : memref<64x32x1x1024xbf16, #tpu.memory_space<vmem>>, vector<1x32x1x1024xbf16>,
    %get3A_752 = arith.constant 0 : index
    %get3A_753 = arith.constant 36 : index
    %get3A_754 = arith.constant 0 : index
    %get3A_755 = vector.load %arg1[%get3A_752, %get3A_753, %get3A_754] : memref<32x64x16xf32, #tpu.memory_space<vmem>>, vector<32x1x16xf32>
    %get3A_756 = vector.shape_cast %get3A_755 : vector<32x1x16xf32> to vector<32x16xf32>
    %convert_element_type3A_757 = arith.truncf %get3A_756 : vector<32x16xf32> to vector<32x16xbf16>
    %get3A_758 = arith.constant 36 : index
    %get3A_759 = arith.constant 0 : index
    %get3A_760 = arith.constant 0 : index
    %get3A_761 = vector.load %arg2[%get3A_758, %get3A_759, %get3A_760] : memref<64x16x1024xbf16, #tpu.memory_space<vmem>>, vector<1x16x1024xbf16>
    %get3A_762 = vector.shape_cast %get3A_761 : vector<1x16x1024xbf16> to vector<16x1024xbf16>
    %dot_general3A_763 = arith.constant dense<0.000000e+00> : vector<32x1024xf32>
    %dot_general3A_764 = tpu.matmul %convert_element_type3A_757, %get3A_762, %dot_general3A_763 {dimension_numbers = #tpu.dot_dimension_numbers<[1], [0], [0], [1], [0, 0, 1, 1], [], []>, transpose_lhs_hint = false} : vector<32x16xbf16>, vector<16x1024xbf16>, vector<32x1024xf32> -> vector<32x1024xf32>
    %convert_element_type3A_765 = arith.truncf %dot_general3A_764 : vector<32x1024xf32> to vector<32x1024xbf16>
    %swap3A_766 = arith.constant 36 : index
    %swap3A_767 = arith.constant 0 : index
    %swap3A_768 = arith.constant 0 : index
    %swap3A_769 = arith.constant 0 : index
    %swap3A_770 = vector.load %arg3[%swap3A_766, %swap3A_767, %swap3A_768, %swap3A_769] : memref<64x32x1x1024xbf16, #tpu.memory_space<vmem>>, vector<1x32x1x1024xbf16>
    %swap3A_771 = vector.shape_cast %swap3A_770 : vector<1x32x1x1024xbf16> to vector<32x1024xbf16>
    %swap3A_772 = vector.shape_cast %convert_element_type3A_765 : vector<32x1024xbf16> to vector<1x32x1x1024xbf16>
    tpu.vector_store %arg3[%swap3A_766, %swap3A_767, %swap3A_768, %swap3A_769], %swap3A_772 {strides = array<i32>} : memref<64x32x1x1024xbf16, #tpu.memory_space<vmem>>, vector<1x32x1x1024xbf16>,
    %get3A_773 = arith.constant 0 : index
    %get3A_774 = arith.constant 37 : index
    %get3A_775 = arith.constant 0 : index
    %get3A_776 = vector.load %arg1[%get3A_773, %get3A_774, %get3A_775] : memref<32x64x16xf32, #tpu.memory_space<vmem>>, vector<32x1x16xf32>
    %get3A_777 = vector.shape_cast %get3A_776 : vector<32x1x16xf32> to vector<32x16xf32>
    %convert_element_type3A_778 = arith.truncf %get3A_777 : vector<32x16xf32> to vector<32x16xbf16>
    %get3A_779 = arith.constant 37 : index
    %get3A_780 = arith.constant 0 : index
    %get3A_781 = arith.constant 0 : index
    %get3A_782 = vector.load %arg2[%get3A_779, %get3A_780, %get3A_781] : memref<64x16x1024xbf16, #tpu.memory_space<vmem>>, vector<1x16x1024xbf16>
    %get3A_783 = vector.shape_cast %get3A_782 : vector<1x16x1024xbf16> to vector<16x1024xbf16>
    %dot_general3A_784 = arith.constant dense<0.000000e+00> : vector<32x1024xf32>
    %dot_general3A_785 = tpu.matmul %convert_element_type3A_778, %get3A_783, %dot_general3A_784 {dimension_numbers = #tpu.dot_dimension_numbers<[1], [0], [0], [1], [0, 0, 1, 1], [], []>, transpose_lhs_hint = false} : vector<32x16xbf16>, vector<16x1024xbf16>, vector<32x1024xf32> -> vector<32x1024xf32>
    %convert_element_type3A_786 = arith.truncf %dot_general3A_785 : vector<32x1024xf32> to vector<32x1024xbf16>
    %swap3A_787 = arith.constant 37 : index
    %swap3A_788 = arith.constant 0 : index
    %swap3A_789 = arith.constant 0 : index
    %swap3A_790 = arith.constant 0 : index
    %swap3A_791 = vector.load %arg3[%swap3A_787, %swap3A_788, %swap3A_789, %swap3A_790] : memref<64x32x1x1024xbf16, #tpu.memory_space<vmem>>, vector<1x32x1x1024xbf16>
    %swap3A_792 = vector.shape_cast %swap3A_791 : vector<1x32x1x1024xbf16> to vector<32x1024xbf16>
    %swap3A_793 = vector.shape_cast %convert_element_type3A_786 : vector<32x1024xbf16> to vector<1x32x1x1024xbf16>
    tpu.vector_store %arg3[%swap3A_787, %swap3A_788, %swap3A_789, %swap3A_790], %swap3A_793 {strides = array<i32>} : memref<64x32x1x1024xbf16, #tpu.memory_space<vmem>>, vector<1x32x1x1024xbf16>,
    %get3A_794 = arith.constant 0 : index
    %get3A_795 = arith.constant 38 : index
    %get3A_796 = arith.constant 0 : index
    %get3A_797 = vector.load %arg1[%get3A_794, %get3A_795, %get3A_796] : memref<32x64x16xf32, #tpu.memory_space<vmem>>, vector<32x1x16xf32>
    %get3A_798 = vector.shape_cast %get3A_797 : vector<32x1x16xf32> to vector<32x16xf32>
    %convert_element_type3A_799 = arith.truncf %get3A_798 : vector<32x16xf32> to vector<32x16xbf16>
    %get3A_800 = arith.constant 38 : index
    %get3A_801 = arith.constant 0 : index
    %get3A_802 = arith.constant 0 : index
    %get3A_803 = vector.load %arg2[%get3A_800, %get3A_801, %get3A_802] : memref<64x16x1024xbf16, #tpu.memory_space<vmem>>, vector<1x16x1024xbf16>
    %get3A_804 = vector.shape_cast %get3A_803 : vector<1x16x1024xbf16> to vector<16x1024xbf16>
    %dot_general3A_805 = arith.constant dense<0.000000e+00> : vector<32x1024xf32>
    %dot_general3A_806 = tpu.matmul %convert_element_type3A_799, %get3A_804, %dot_general3A_805 {dimension_numbers = #tpu.dot_dimension_numbers<[1], [0], [0], [1], [0, 0, 1, 1], [], []>, transpose_lhs_hint = false} : vector<32x16xbf16>, vector<16x1024xbf16>, vector<32x1024xf32> -> vector<32x1024xf32>
    %convert_element_type3A_807 = arith.truncf %dot_general3A_806 : vector<32x1024xf32> to vector<32x1024xbf16>
    %swap3A_808 = arith.constant 38 : index
    %swap3A_809 = arith.constant 0 : index
    %swap3A_810 = arith.constant 0 : index
    %swap3A_811 = arith.constant 0 : index
    %swap3A_812 = vector.load %arg3[%swap3A_808, %swap3A_809, %swap3A_810, %swap3A_811] : memref<64x32x1x1024xbf16, #tpu.memory_space<vmem>>, vector<1x32x1x1024xbf16>
    %swap3A_813 = vector.shape_cast %swap3A_812 : vector<1x32x1x1024xbf16> to vector<32x1024xbf16>
    %swap3A_814 = vector.shape_cast %convert_element_type3A_807 : vector<32x1024xbf16> to vector<1x32x1x1024xbf16>
    tpu.vector_store %arg3[%swap3A_808, %swap3A_809, %swap3A_810, %swap3A_811], %swap3A_814 {strides = array<i32>} : memref<64x32x1x1024xbf16, #tpu.memory_space<vmem>>, vector<1x32x1x1024xbf16>,
    %get3A_815 = arith.constant 0 : index
    %get3A_816 = arith.constant 39 : index
    %get3A_817 = arith.constant 0 : index
    %get3A_818 = vector.load %arg1[%get3A_815, %get3A_816, %get3A_817] : memref<32x64x16xf32, #tpu.memory_space<vmem>>, vector<32x1x16xf32>
    %get3A_819 = vector.shape_cast %get3A_818 : vector<32x1x16xf32> to vector<32x16xf32>
    %convert_element_type3A_820 = arith.truncf %get3A_819 : vector<32x16xf32> to vector<32x16xbf16>
    %get3A_821 = arith.constant 39 : index
    %get3A_822 = arith.constant 0 : index
    %get3A_823 = arith.constant 0 : index
    %get3A_824 = vector.load %arg2[%get3A_821, %get3A_822, %get3A_823] : memref<64x16x1024xbf16, #tpu.memory_space<vmem>>, vector<1x16x1024xbf16>
    %get3A_825 = vector.shape_cast %get3A_824 : vector<1x16x1024xbf16> to vector<16x1024xbf16>
    %dot_general3A_826 = arith.constant dense<0.000000e+00> : vector<32x1024xf32>
    %dot_general3A_827 = tpu.matmul %convert_element_type3A_820, %get3A_825, %dot_general3A_826 {dimension_numbers = #tpu.dot_dimension_numbers<[1], [0], [0], [1], [0, 0, 1, 1], [], []>, transpose_lhs_hint = false} : vector<32x16xbf16>, vector<16x1024xbf16>, vector<32x1024xf32> -> vector<32x1024xf32>
    %convert_element_type3A_828 = arith.truncf %dot_general3A_827 : vector<32x1024xf32> to vector<32x1024xbf16>
    %swap3A_829 = arith.constant 39 : index
    %swap3A_830 = arith.constant 0 : index
    %swap3A_831 = arith.constant 0 : index
    %swap3A_832 = arith.constant 0 : index
    %swap3A_833 = vector.load %arg3[%swap3A_829, %swap3A_830, %swap3A_831, %swap3A_832] : memref<64x32x1x1024xbf16, #tpu.memory_space<vmem>>, vector<1x32x1x1024xbf16>
    %swap3A_834 = vector.shape_cast %swap3A_833 : vector<1x32x1x1024xbf16> to vector<32x1024xbf16>
    %swap3A_835 = vector.shape_cast %convert_element_type3A_828 : vector<32x1024xbf16> to vector<1x32x1x1024xbf16>
    tpu.vector_store %arg3[%swap3A_829, %swap3A_830, %swap3A_831, %swap3A_832], %swap3A_835 {strides = array<i32>} : memref<64x32x1x1024xbf16, #tpu.memory_space<vmem>>, vector<1x32x1x1024xbf16>,
    %get3A_836 = arith.constant 0 : index
    %get3A_837 = arith.constant 40 : index
    %get3A_838 = arith.constant 0 : index
    %get3A_839 = vector.load %arg1[%get3A_836, %get3A_837, %get3A_838] : memref<32x64x16xf32, #tpu.memory_space<vmem>>, vector<32x1x16xf32>
    %get3A_840 = vector.shape_cast %get3A_839 : vector<32x1x16xf32> to vector<32x16xf32>
    %convert_element_type3A_841 = arith.truncf %get3A_840 : vector<32x16xf32> to vector<32x16xbf16>
    %get3A_842 = arith.constant 40 : index
    %get3A_843 = arith.constant 0 : index
    %get3A_844 = arith.constant 0 : index
    %get3A_845 = vector.load %arg2[%get3A_842, %get3A_843, %get3A_844] : memref<64x16x1024xbf16, #tpu.memory_space<vmem>>, vector<1x16x1024xbf16>
    %get3A_846 = vector.shape_cast %get3A_845 : vector<1x16x1024xbf16> to vector<16x1024xbf16>
    %dot_general3A_847 = arith.constant dense<0.000000e+00> : vector<32x1024xf32>
    %dot_general3A_848 = tpu.matmul %convert_element_type3A_841, %get3A_846, %dot_general3A_847 {dimension_numbers = #tpu.dot_dimension_numbers<[1], [0], [0], [1], [0, 0, 1, 1], [], []>, transpose_lhs_hint = false} : vector<32x16xbf16>, vector<16x1024xbf16>, vector<32x1024xf32> -> vector<32x1024xf32>
    %convert_element_type3A_849 = arith.truncf %dot_general3A_848 : vector<32x1024xf32> to vector<32x1024xbf16>
    %swap3A_850 = arith.constant 40 : index
    %swap3A_851 = arith.constant 0 : index
    %swap3A_852 = arith.constant 0 : index
    %swap3A_853 = arith.constant 0 : index
    %swap3A_854 = vector.load %arg3[%swap3A_850, %swap3A_851, %swap3A_852, %swap3A_853] : memref<64x32x1x1024xbf16, #tpu.memory_space<vmem>>, vector<1x32x1x1024xbf16>
    %swap3A_855 = vector.shape_cast %swap3A_854 : vector<1x32x1x1024xbf16> to vector<32x1024xbf16>
    %swap3A_856 = vector.shape_cast %convert_element_type3A_849 : vector<32x1024xbf16> to vector<1x32x1x1024xbf16>
    tpu.vector_store %arg3[%swap3A_850, %swap3A_851, %swap3A_852, %swap3A_853], %swap3A_856 {strides = array<i32>} : memref<64x32x1x1024xbf16, #tpu.memory_space<vmem>>, vector<1x32x1x1024xbf16>,
    %get3A_857 = arith.constant 0 : index
    %get3A_858 = arith.constant 41 : index
    %get3A_859 = arith.constant 0 : index
    %get3A_860 = vector.load %arg1[%get3A_857, %get3A_858, %get3A_859] : memref<32x64x16xf32, #tpu.memory_space<vmem>>, vector<32x1x16xf32>
    %get3A_861 = vector.shape_cast %get3A_860 : vector<32x1x16xf32> to vector<32x16xf32>
    %convert_element_type3A_862 = arith.truncf %get3A_861 : vector<32x16xf32> to vector<32x16xbf16>
    %get3A_863 = arith.constant 41 : index
    %get3A_864 = arith.constant 0 : index
    %get3A_865 = arith.constant 0 : index
    %get3A_866 = vector.load %arg2[%get3A_863, %get3A_864, %get3A_865] : memref<64x16x1024xbf16, #tpu.memory_space<vmem>>, vector<1x16x1024xbf16>
    %get3A_867 = vector.shape_cast %get3A_866 : vector<1x16x1024xbf16> to vector<16x1024xbf16>
    %dot_general3A_868 = arith.constant dense<0.000000e+00> : vector<32x1024xf32>
    %dot_general3A_869 = tpu.matmul %convert_element_type3A_862, %get3A_867, %dot_general3A_868 {dimension_numbers = #tpu.dot_dimension_numbers<[1], [0], [0], [1], [0, 0, 1, 1], [], []>, transpose_lhs_hint = false} : vector<32x16xbf16>, vector<16x1024xbf16>, vector<32x1024xf32> -> vector<32x1024xf32>
    %convert_element_type3A_870 = arith.truncf %dot_general3A_869 : vector<32x1024xf32> to vector<32x1024xbf16>
    %swap3A_871 = arith.constant 41 : index
    %swap3A_872 = arith.constant 0 : index
    %swap3A_873 = arith.constant 0 : index
    %swap3A_874 = arith.constant 0 : index
    %swap3A_875 = vector.load %arg3[%swap3A_871, %swap3A_872, %swap3A_873, %swap3A_874] : memref<64x32x1x1024xbf16, #tpu.memory_space<vmem>>, vector<1x32x1x1024xbf16>
    %swap3A_876 = vector.shape_cast %swap3A_875 : vector<1x32x1x1024xbf16> to vector<32x1024xbf16>
    %swap3A_877 = vector.shape_cast %convert_element_type3A_870 : vector<32x1024xbf16> to vector<1x32x1x1024xbf16>
    tpu.vector_store %arg3[%swap3A_871, %swap3A_872, %swap3A_873, %swap3A_874], %swap3A_877 {strides = array<i32>} : memref<64x32x1x1024xbf16, #tpu.memory_space<vmem>>, vector<1x32x1x1024xbf16>,
    %get3A_878 = arith.constant 0 : index
    %get3A_879 = arith.constant 42 : index
    %get3A_880 = arith.constant 0 : index
    %get3A_881 = vector.load %arg1[%get3A_878, %get3A_879, %get3A_880] : memref<32x64x16xf32, #tpu.memory_space<vmem>>, vector<32x1x16xf32>
    %get3A_882 = vector.shape_cast %get3A_881 : vector<32x1x16xf32> to vector<32x16xf32>
    %convert_element_type3A_883 = arith.truncf %get3A_882 : vector<32x16xf32> to vector<32x16xbf16>
    %get3A_884 = arith.constant 42 : index
    %get3A_885 = arith.constant 0 : index
    %get3A_886 = arith.constant 0 : index
    %get3A_887 = vector.load %arg2[%get3A_884, %get3A_885, %get3A_886] : memref<64x16x1024xbf16, #tpu.memory_space<vmem>>, vector<1x16x1024xbf16>
    %get3A_888 = vector.shape_cast %get3A_887 : vector<1x16x1024xbf16> to vector<16x1024xbf16>
    %dot_general3A_889 = arith.constant dense<0.000000e+00> : vector<32x1024xf32>
    %dot_general3A_890 = tpu.matmul %convert_element_type3A_883, %get3A_888, %dot_general3A_889 {dimension_numbers = #tpu.dot_dimension_numbers<[1], [0], [0], [1], [0, 0, 1, 1], [], []>, transpose_lhs_hint = false} : vector<32x16xbf16>, vector<16x1024xbf16>, vector<32x1024xf32> -> vector<32x1024xf32>
    %convert_element_type3A_891 = arith.truncf %dot_general3A_890 : vector<32x1024xf32> to vector<32x1024xbf16>
    %swap3A_892 = arith.constant 42 : index
    %swap3A_893 = arith.constant 0 : index
    %swap3A_894 = arith.constant 0 : index
    %swap3A_895 = arith.constant 0 : index
    %swap3A_896 = vector.load %arg3[%swap3A_892, %swap3A_893, %swap3A_894, %swap3A_895] : memref<64x32x1x1024xbf16, #tpu.memory_space<vmem>>, vector<1x32x1x1024xbf16>
    %swap3A_897 = vector.shape_cast %swap3A_896 : vector<1x32x1x1024xbf16> to vector<32x1024xbf16>
    %swap3A_898 = vector.shape_cast %convert_element_type3A_891 : vector<32x1024xbf16> to vector<1x32x1x1024xbf16>
    tpu.vector_store %arg3[%swap3A_892, %swap3A_893, %swap3A_894, %swap3A_895], %swap3A_898 {strides = array<i32>} : memref<64x32x1x1024xbf16, #tpu.memory_space<vmem>>, vector<1x32x1x1024xbf16>,
    %get3A_899 = arith.constant 0 : index
    %get3A_900 = arith.constant 43 : index
    %get3A_901 = arith.constant 0 : index
    %get3A_902 = vector.load %arg1[%get3A_899, %get3A_900, %get3A_901] : memref<32x64x16xf32, #tpu.memory_space<vmem>>, vector<32x1x16xf32>
    %get3A_903 = vector.shape_cast %get3A_902 : vector<32x1x16xf32> to vector<32x16xf32>
    %convert_element_type3A_904 = arith.truncf %get3A_903 : vector<32x16xf32> to vector<32x16xbf16>
    %get3A_905 = arith.constant 43 : index
    %get3A_906 = arith.constant 0 : index
    %get3A_907 = arith.constant 0 : index
    %get3A_908 = vector.load %arg2[%get3A_905, %get3A_906, %get3A_907] : memref<64x16x1024xbf16, #tpu.memory_space<vmem>>, vector<1x16x1024xbf16>
    %get3A_909 = vector.shape_cast %get3A_908 : vector<1x16x1024xbf16> to vector<16x1024xbf16>
    %dot_general3A_910 = arith.constant dense<0.000000e+00> : vector<32x1024xf32>
    %dot_general3A_911 = tpu.matmul %convert_element_type3A_904, %get3A_909, %dot_general3A_910 {dimension_numbers = #tpu.dot_dimension_numbers<[1], [0], [0], [1], [0, 0, 1, 1], [], []>, transpose_lhs_hint = false} : vector<32x16xbf16>, vector<16x1024xbf16>, vector<32x1024xf32> -> vector<32x1024xf32>
    %convert_element_type3A_912 = arith.truncf %dot_general3A_911 : vector<32x1024xf32> to vector<32x1024xbf16>
    %swap3A_913 = arith.constant 43 : index
    %swap3A_914 = arith.constant 0 : index
    %swap3A_915 = arith.constant 0 : index
    %swap3A_916 = arith.constant 0 : index
    %swap3A_917 = vector.load %arg3[%swap3A_913, %swap3A_914, %swap3A_915, %swap3A_916] : memref<64x32x1x1024xbf16, #tpu.memory_space<vmem>>, vector<1x32x1x1024xbf16>
    %swap3A_918 = vector.shape_cast %swap3A_917 : vector<1x32x1x1024xbf16> to vector<32x1024xbf16>
    %swap3A_919 = vector.shape_cast %convert_element_type3A_912 : vector<32x1024xbf16> to vector<1x32x1x1024xbf16>
    tpu.vector_store %arg3[%swap3A_913, %swap3A_914, %swap3A_915, %swap3A_916], %swap3A_919 {strides = array<i32>} : memref<64x32x1x1024xbf16, #tpu.memory_space<vmem>>, vector<1x32x1x1024xbf16>,
    %get3A_920 = arith.constant 0 : index
    %get3A_921 = arith.constant 44 : index
    %get3A_922 = arith.constant 0 : index
    %get3A_923 = vector.load %arg1[%get3A_920, %get3A_921, %get3A_922] : memref<32x64x16xf32, #tpu.memory_space<vmem>>, vector<32x1x16xf32>
    %get3A_924 = vector.shape_cast %get3A_923 : vector<32x1x16xf32> to vector<32x16xf32>
    %convert_element_type3A_925 = arith.truncf %get3A_924 : vector<32x16xf32> to vector<32x16xbf16>
    %get3A_926 = arith.constant 44 : index
    %get3A_927 = arith.constant 0 : index
    %get3A_928 = arith.constant 0 : index
    %get3A_929 = vector.load %arg2[%get3A_926, %get3A_927, %get3A_928] : memref<64x16x1024xbf16, #tpu.memory_space<vmem>>, vector<1x16x1024xbf16>
    %get3A_930 = vector.shape_cast %get3A_929 : vector<1x16x1024xbf16> to vector<16x1024xbf16>
    %dot_general3A_931 = arith.constant dense<0.000000e+00> : vector<32x1024xf32>
    %dot_general3A_932 = tpu.matmul %convert_element_type3A_925, %get3A_930, %dot_general3A_931 {dimension_numbers = #tpu.dot_dimension_numbers<[1], [0], [0], [1], [0, 0, 1, 1], [], []>, transpose_lhs_hint = false} : vector<32x16xbf16>, vector<16x1024xbf16>, vector<32x1024xf32> -> vector<32x1024xf32>
    %convert_element_type3A_933 = arith.truncf %dot_general3A_932 : vector<32x1024xf32> to vector<32x1024xbf16>
    %swap3A_934 = arith.constant 44 : index
    %swap3A_935 = arith.constant 0 : index
    %swap3A_936 = arith.constant 0 : index
    %swap3A_937 = arith.constant 0 : index
    %swap3A_938 = vector.load %arg3[%swap3A_934, %swap3A_935, %swap3A_936, %swap3A_937] : memref<64x32x1x1024xbf16, #tpu.memory_space<vmem>>, vector<1x32x1x1024xbf16>
    %swap3A_939 = vector.shape_cast %swap3A_938 : vector<1x32x1x1024xbf16> to vector<32x1024xbf16>
    %swap3A_940 = vector.shape_cast %convert_element_type3A_933 : vector<32x1024xbf16> to vector<1x32x1x1024xbf16>
    tpu.vector_store %arg3[%swap3A_934, %swap3A_935, %swap3A_936, %swap3A_937], %swap3A_940 {strides = array<i32>} : memref<64x32x1x1024xbf16, #tpu.memory_space<vmem>>, vector<1x32x1x1024xbf16>,
    %get3A_941 = arith.constant 0 : index
    %get3A_942 = arith.constant 45 : index
    %get3A_943 = arith.constant 0 : index
    %get3A_944 = vector.load %arg1[%get3A_941, %get3A_942, %get3A_943] : memref<32x64x16xf32, #tpu.memory_space<vmem>>, vector<32x1x16xf32>
    %get3A_945 = vector.shape_cast %get3A_944 : vector<32x1x16xf32> to vector<32x16xf32>
    %convert_element_type3A_946 = arith.truncf %get3A_945 : vector<32x16xf32> to vector<32x16xbf16>
    %get3A_947 = arith.constant 45 : index
    %get3A_948 = arith.constant 0 : index
    %get3A_949 = arith.constant 0 : index
    %get3A_950 = vector.load %arg2[%get3A_947, %get3A_948, %get3A_949] : memref<64x16x1024xbf16, #tpu.memory_space<vmem>>, vector<1x16x1024xbf16>
    %get3A_951 = vector.shape_cast %get3A_950 : vector<1x16x1024xbf16> to vector<16x1024xbf16>
    %dot_general3A_952 = arith.constant dense<0.000000e+00> : vector<32x1024xf32>
    %dot_general3A_953 = tpu.matmul %convert_element_type3A_946, %get3A_951, %dot_general3A_952 {dimension_numbers = #tpu.dot_dimension_numbers<[1], [0], [0], [1], [0, 0, 1, 1], [], []>, transpose_lhs_hint = false} : vector<32x16xbf16>, vector<16x1024xbf16>, vector<32x1024xf32> -> vector<32x1024xf32>
    %convert_element_type3A_954 = arith.truncf %dot_general3A_953 : vector<32x1024xf32> to vector<32x1024xbf16>
    %swap3A_955 = arith.constant 45 : index
    %swap3A_956 = arith.constant 0 : index
    %swap3A_957 = arith.constant 0 : index
    %swap3A_958 = arith.constant 0 : index
    %swap3A_959 = vector.load %arg3[%swap3A_955, %swap3A_956, %swap3A_957, %swap3A_958] : memref<64x32x1x1024xbf16, #tpu.memory_space<vmem>>, vector<1x32x1x1024xbf16>
    %swap3A_960 = vector.shape_cast %swap3A_959 : vector<1x32x1x1024xbf16> to vector<32x1024xbf16>
    %swap3A_961 = vector.shape_cast %convert_element_type3A_954 : vector<32x1024xbf16> to vector<1x32x1x1024xbf16>
    tpu.vector_store %arg3[%swap3A_955, %swap3A_956, %swap3A_957, %swap3A_958], %swap3A_961 {strides = array<i32>} : memref<64x32x1x1024xbf16, #tpu.memory_space<vmem>>, vector<1x32x1x1024xbf16>,
    %get3A_962 = arith.constant 0 : index
    %get3A_963 = arith.constant 46 : index
    %get3A_964 = arith.constant 0 : index
    %get3A_965 = vector.load %arg1[%get3A_962, %get3A_963, %get3A_964] : memref<32x64x16xf32, #tpu.memory_space<vmem>>, vector<32x1x16xf32>
    %get3A_966 = vector.shape_cast %get3A_965 : vector<32x1x16xf32> to vector<32x16xf32>
    %convert_element_type3A_967 = arith.truncf %get3A_966 : vector<32x16xf32> to vector<32x16xbf16>
    %get3A_968 = arith.constant 46 : index
    %get3A_969 = arith.constant 0 : index
    %get3A_970 = arith.constant 0 : index
    %get3A_971 = vector.load %arg2[%get3A_968, %get3A_969, %get3A_970] : memref<64x16x1024xbf16, #tpu.memory_space<vmem>>, vector<1x16x1024xbf16>
    %get3A_972 = vector.shape_cast %get3A_971 : vector<1x16x1024xbf16> to vector<16x1024xbf16>
    %dot_general3A_973 = arith.constant dense<0.000000e+00> : vector<32x1024xf32>
    %dot_general3A_974 = tpu.matmul %convert_element_type3A_967, %get3A_972, %dot_general3A_973 {dimension_numbers = #tpu.dot_dimension_numbers<[1], [0], [0], [1], [0, 0, 1, 1], [], []>, transpose_lhs_hint = false} : vector<32x16xbf16>, vector<16x1024xbf16>, vector<32x1024xf32> -> vector<32x1024xf32>
    %convert_element_type3A_975 = arith.truncf %dot_general3A_974 : vector<32x1024xf32> to vector<32x1024xbf16>
    %swap3A_976 = arith.constant 46 : index
    %swap3A_977 = arith.constant 0 : index
    %swap3A_978 = arith.constant 0 : index
    %swap3A_979 = arith.constant 0 : index
    %swap3A_980 = vector.load %arg3[%swap3A_976, %swap3A_977, %swap3A_978, %swap3A_979] : memref<64x32x1x1024xbf16, #tpu.memory_space<vmem>>, vector<1x32x1x1024xbf16>
    %swap3A_981 = vector.shape_cast %swap3A_980 : vector<1x32x1x1024xbf16> to vector<32x1024xbf16>
    %swap3A_982 = vector.shape_cast %convert_element_type3A_975 : vector<32x1024xbf16> to vector<1x32x1x1024xbf16>
    tpu.vector_store %arg3[%swap3A_976, %swap3A_977, %swap3A_978, %swap3A_979], %swap3A_982 {strides = array<i32>} : memref<64x32x1x1024xbf16, #tpu.memory_space<vmem>>, vector<1x32x1x1024xbf16>,
    %get3A_983 = arith.constant 0 : index
    %get3A_984 = arith.constant 47 : index
    %get3A_985 = arith.constant 0 : index
    %get3A_986 = vector.load %arg1[%get3A_983, %get3A_984, %get3A_985] : memref<32x64x16xf32, #tpu.memory_space<vmem>>, vector<32x1x16xf32>
    %get3A_987 = vector.shape_cast %get3A_986 : vector<32x1x16xf32> to vector<32x16xf32>
    %convert_element_type3A_988 = arith.truncf %get3A_987 : vector<32x16xf32> to vector<32x16xbf16>
    %get3A_989 = arith.constant 47 : index
    %get3A_990 = arith.constant 0 : index
    %get3A_991 = arith.constant 0 : index
    %get3A_992 = vector.load %arg2[%get3A_989, %get3A_990, %get3A_991] : memref<64x16x1024xbf16, #tpu.memory_space<vmem>>, vector<1x16x1024xbf16>
    %get3A_993 = vector.shape_cast %get3A_992 : vector<1x16x1024xbf16> to vector<16x1024xbf16>
    %dot_general3A_994 = arith.constant dense<0.000000e+00> : vector<32x1024xf32>
    %dot_general3A_995 = tpu.matmul %convert_element_type3A_988, %get3A_993, %dot_general3A_994 {dimension_numbers = #tpu.dot_dimension_numbers<[1], [0], [0], [1], [0, 0, 1, 1], [], []>, transpose_lhs_hint = false} : vector<32x16xbf16>, vector<16x1024xbf16>, vector<32x1024xf32> -> vector<32x1024xf32>
    %convert_element_type3A_996 = arith.truncf %dot_general3A_995 : vector<32x1024xf32> to vector<32x1024xbf16>
    %swap3A_997 = arith.constant 47 : index
    %swap3A_998 = arith.constant 0 : index
    %swap3A_999 = arith.constant 0 : index
    %swap3A_1000 = arith.constant 0 : index
    %swap3A_1001 = vector.load %arg3[%swap3A_997, %swap3A_998, %swap3A_999, %swap3A_1000] : memref<64x32x1x1024xbf16, #tpu.memory_space<vmem>>, vector<1x32x1x1024xbf16>
    %swap3A_1002 = vector.shape_cast %swap3A_1001 : vector<1x32x1x1024xbf16> to vector<32x1024xbf16>
    %swap3A_1003 = vector.shape_cast %convert_element_type3A_996 : vector<32x1024xbf16> to vector<1x32x1x1024xbf16>
    tpu.vector_store %arg3[%swap3A_997, %swap3A_998, %swap3A_999, %swap3A_1000], %swap3A_1003 {strides = array<i32>} : memref<64x32x1x1024xbf16, #tpu.memory_space<vmem>>, vector<1x32x1x1024xbf16>,
    %get3A_1004 = arith.constant 0 : index
    %get3A_1005 = arith.constant 48 : index
    %get3A_1006 = arith.constant 0 : index
    %get3A_1007 = vector.load %arg1[%get3A_1004, %get3A_1005, %get3A_1006] : memref<32x64x16xf32, #tpu.memory_space<vmem>>, vector<32x1x16xf32>
    %get3A_1008 = vector.shape_cast %get3A_1007 : vector<32x1x16xf32> to vector<32x16xf32>
    %convert_element_type3A_1009 = arith.truncf %get3A_1008 : vector<32x16xf32> to vector<32x16xbf16>
    %get3A_1010 = arith.constant 48 : index
    %get3A_1011 = arith.constant 0 : index
    %get3A_1012 = arith.constant 0 : index
    %get3A_1013 = vector.load %arg2[%get3A_1010, %get3A_1011, %get3A_1012] : memref<64x16x1024xbf16, #tpu.memory_space<vmem>>, vector<1x16x1024xbf16>
    %get3A_1014 = vector.shape_cast %get3A_1013 : vector<1x16x1024xbf16> to vector<16x1024xbf16>
    %dot_general3A_1015 = arith.constant dense<0.000000e+00> : vector<32x1024xf32>
    %dot_general3A_1016 = tpu.matmul %convert_element_type3A_1009, %get3A_1014, %dot_general3A_1015 {dimension_numbers = #tpu.dot_dimension_numbers<[1], [0], [0], [1], [0, 0, 1, 1], [], []>, transpose_lhs_hint = false} : vector<32x16xbf16>, vector<16x1024xbf16>, vector<32x1024xf32> -> vector<32x1024xf32>
    %convert_element_type3A_1017 = arith.truncf %dot_general3A_1016 : vector<32x1024xf32> to vector<32x1024xbf16>
    %swap3A_1018 = arith.constant 48 : index
    %swap3A_1019 = arith.constant 0 : index
    %swap3A_1020 = arith.constant 0 : index
    %swap3A_1021 = arith.constant 0 : index
    %swap3A_1022 = vector.load %arg3[%swap3A_1018, %swap3A_1019, %swap3A_1020, %swap3A_1021] : memref<64x32x1x1024xbf16, #tpu.memory_space<vmem>>, vector<1x32x1x1024xbf16>
    %swap3A_1023 = vector.shape_cast %swap3A_1022 : vector<1x32x1x1024xbf16> to vector<32x1024xbf16>
    %swap3A_1024 = vector.shape_cast %convert_element_type3A_1017 : vector<32x1024xbf16> to vector<1x32x1x1024xbf16>
    tpu.vector_store %arg3[%swap3A_1018, %swap3A_1019, %swap3A_1020, %swap3A_1021], %swap3A_1024 {strides = array<i32>} : memref<64x32x1x1024xbf16, #tpu.memory_space<vmem>>, vector<1x32x1x1024xbf16>,
    %get3A_1025 = arith.constant 0 : index
    %get3A_1026 = arith.constant 49 : index
    %get3A_1027 = arith.constant 0 : index
    %get3A_1028 = vector.load %arg1[%get3A_1025, %get3A_1026, %get3A_1027] : memref<32x64x16xf32, #tpu.memory_space<vmem>>, vector<32x1x16xf32>
    %get3A_1029 = vector.shape_cast %get3A_1028 : vector<32x1x16xf32> to vector<32x16xf32>
    %convert_element_type3A_1030 = arith.truncf %get3A_1029 : vector<32x16xf32> to vector<32x16xbf16>
    %get3A_1031 = arith.constant 49 : index
    %get3A_1032 = arith.constant 0 : index
    %get3A_1033 = arith.constant 0 : index
    %get3A_1034 = vector.load %arg2[%get3A_1031, %get3A_1032, %get3A_1033] : memref<64x16x1024xbf16, #tpu.memory_space<vmem>>, vector<1x16x1024xbf16>
    %get3A_1035 = vector.shape_cast %get3A_1034 : vector<1x16x1024xbf16> to vector<16x1024xbf16>
    %dot_general3A_1036 = arith.constant dense<0.000000e+00> : vector<32x1024xf32>
    %dot_general3A_1037 = tpu.matmul %convert_element_type3A_1030, %get3A_1035, %dot_general3A_1036 {dimension_numbers = #tpu.dot_dimension_numbers<[1], [0], [0], [1], [0, 0, 1, 1], [], []>, transpose_lhs_hint = false} : vector<32x16xbf16>, vector<16x1024xbf16>, vector<32x1024xf32> -> vector<32x1024xf32>
    %convert_element_type3A_1038 = arith.truncf %dot_general3A_1037 : vector<32x1024xf32> to vector<32x1024xbf16>
    %swap3A_1039 = arith.constant 49 : index
    %swap3A_1040 = arith.constant 0 : index
    %swap3A_1041 = arith.constant 0 : index
    %swap3A_1042 = arith.constant 0 : index
    %swap3A_1043 = vector.load %arg3[%swap3A_1039, %swap3A_1040, %swap3A_1041, %swap3A_1042] : memref<64x32x1x1024xbf16, #tpu.memory_space<vmem>>, vector<1x32x1x1024xbf16>
    %swap3A_1044 = vector.shape_cast %swap3A_1043 : vector<1x32x1x1024xbf16> to vector<32x1024xbf16>
    %swap3A_1045 = vector.shape_cast %convert_element_type3A_1038 : vector<32x1024xbf16> to vector<1x32x1x1024xbf16>
    tpu.vector_store %arg3[%swap3A_1039, %swap3A_1040, %swap3A_1041, %swap3A_1042], %swap3A_1045 {strides = array<i32>} : memref<64x32x1x1024xbf16, #tpu.memory_space<vmem>>, vector<1x32x1x1024xbf16>,
    %get3A_1046 = arith.constant 0 : index
    %get3A_1047 = arith.constant 50 : index
    %get3A_1048 = arith.constant 0 : index
    %get3A_1049 = vector.load %arg1[%get3A_1046, %get3A_1047, %get3A_1048] : memref<32x64x16xf32, #tpu.memory_space<vmem>>, vector<32x1x16xf32>
    %get3A_1050 = vector.shape_cast %get3A_1049 : vector<32x1x16xf32> to vector<32x16xf32>
    %convert_element_type3A_1051 = arith.truncf %get3A_1050 : vector<32x16xf32> to vector<32x16xbf16>
    %get3A_1052 = arith.constant 50 : index
    %get3A_1053 = arith.constant 0 : index
    %get3A_1054 = arith.constant 0 : index
    %get3A_1055 = vector.load %arg2[%get3A_1052, %get3A_1053, %get3A_1054] : memref<64x16x1024xbf16, #tpu.memory_space<vmem>>, vector<1x16x1024xbf16>
    %get3A_1056 = vector.shape_cast %get3A_1055 : vector<1x16x1024xbf16> to vector<16x1024xbf16>
    %dot_general3A_1057 = arith.constant dense<0.000000e+00> : vector<32x1024xf32>
    %dot_general3A_1058 = tpu.matmul %convert_element_type3A_1051, %get3A_1056, %dot_general3A_1057 {dimension_numbers = #tpu.dot_dimension_numbers<[1], [0], [0], [1], [0, 0, 1, 1], [], []>, transpose_lhs_hint = false} : vector<32x16xbf16>, vector<16x1024xbf16>, vector<32x1024xf32> -> vector<32x1024xf32>
    %convert_element_type3A_1059 = arith.truncf %dot_general3A_1058 : vector<32x1024xf32> to vector<32x1024xbf16>
    %swap3A_1060 = arith.constant 50 : index
    %swap3A_1061 = arith.constant 0 : index
    %swap3A_1062 = arith.constant 0 : index
    %swap3A_1063 = arith.constant 0 : index
    %swap3A_1064 = vector.load %arg3[%swap3A_1060, %swap3A_1061, %swap3A_1062, %swap3A_1063] : memref<64x32x1x1024xbf16, #tpu.memory_space<vmem>>, vector<1x32x1x1024xbf16>
    %swap3A_1065 = vector.shape_cast %swap3A_1064 : vector<1x32x1x1024xbf16> to vector<32x1024xbf16>
    %swap3A_1066 = vector.shape_cast %convert_element_type3A_1059 : vector<32x1024xbf16> to vector<1x32x1x1024xbf16>
    tpu.vector_store %arg3[%swap3A_1060, %swap3A_1061, %swap3A_1062, %swap3A_1063], %swap3A_1066 {strides = array<i32>} : memref<64x32x1x1024xbf16, #tpu.memory_space<vmem>>, vector<1x32x1x1024xbf16>,
    %get3A_1067 = arith.constant 0 : index
    %get3A_1068 = arith.constant 51 : index
    %get3A_1069 = arith.constant 0 : index
    %get3A_1070 = vector.load %arg1[%get3A_1067, %get3A_1068, %get3A_1069] : memref<32x64x16xf32, #tpu.memory_space<vmem>>, vector<32x1x16xf32>
    %get3A_1071 = vector.shape_cast %get3A_1070 : vector<32x1x16xf32> to vector<32x16xf32>
    %convert_element_type3A_1072 = arith.truncf %get3A_1071 : vector<32x16xf32> to vector<32x16xbf16>
    %get3A_1073 = arith.constant 51 : index
    %get3A_1074 = arith.constant 0 : index
    %get3A_1075 = arith.constant 0 : index
    %get3A_1076 = vector.load %arg2[%get3A_1073, %get3A_1074, %get3A_1075] : memref<64x16x1024xbf16, #tpu.memory_space<vmem>>, vector<1x16x1024xbf16>
    %get3A_1077 = vector.shape_cast %get3A_1076 : vector<1x16x1024xbf16> to vector<16x1024xbf16>
    %dot_general3A_1078 = arith.constant dense<0.000000e+00> : vector<32x1024xf32>
    %dot_general3A_1079 = tpu.matmul %convert_element_type3A_1072, %get3A_1077, %dot_general3A_1078 {dimension_numbers = #tpu.dot_dimension_numbers<[1], [0], [0], [1], [0, 0, 1, 1], [], []>, transpose_lhs_hint = false} : vector<32x16xbf16>, vector<16x1024xbf16>, vector<32x1024xf32> -> vector<32x1024xf32>
    %convert_element_type3A_1080 = arith.truncf %dot_general3A_1079 : vector<32x1024xf32> to vector<32x1024xbf16>
    %swap3A_1081 = arith.constant 51 : index
    %swap3A_1082 = arith.constant 0 : index
    %swap3A_1083 = arith.constant 0 : index
    %swap3A_1084 = arith.constant 0 : index
    %swap3A_1085 = vector.load %arg3[%swap3A_1081, %swap3A_1082, %swap3A_1083, %swap3A_1084] : memref<64x32x1x1024xbf16, #tpu.memory_space<vmem>>, vector<1x32x1x1024xbf16>
    %swap3A_1086 = vector.shape_cast %swap3A_1085 : vector<1x32x1x1024xbf16> to vector<32x1024xbf16>
    %swap3A_1087 = vector.shape_cast %convert_element_type3A_1080 : vector<32x1024xbf16> to vector<1x32x1x1024xbf16>
    tpu.vector_store %arg3[%swap3A_1081, %swap3A_1082, %swap3A_1083, %swap3A_1084], %swap3A_1087 {strides = array<i32>} : memref<64x32x1x1024xbf16, #tpu.memory_space<vmem>>, vector<1x32x1x1024xbf16>,
    %get3A_1088 = arith.constant 0 : index
    %get3A_1089 = arith.constant 52 : index
    %get3A_1090 = arith.constant 0 : index
    %get3A_1091 = vector.load %arg1[%get3A_1088, %get3A_1089, %get3A_1090] : memref<32x64x16xf32, #tpu.memory_space<vmem>>, vector<32x1x16xf32>
    %get3A_1092 = vector.shape_cast %get3A_1091 : vector<32x1x16xf32> to vector<32x16xf32>
    %convert_element_type3A_1093 = arith.truncf %get3A_1092 : vector<32x16xf32> to vector<32x16xbf16>
    %get3A_1094 = arith.constant 52 : index
    %get3A_1095 = arith.constant 0 : index
    %get3A_1096 = arith.constant 0 : index
    %get3A_1097 = vector.load %arg2[%get3A_1094, %get3A_1095, %get3A_1096] : memref<64x16x1024xbf16, #tpu.memory_space<vmem>>, vector<1x16x1024xbf16>
    %get3A_1098 = vector.shape_cast %get3A_1097 : vector<1x16x1024xbf16> to vector<16x1024xbf16>
    %dot_general3A_1099 = arith.constant dense<0.000000e+00> : vector<32x1024xf32>
    %dot_general3A_1100 = tpu.matmul %convert_element_type3A_1093, %get3A_1098, %dot_general3A_1099 {dimension_numbers = #tpu.dot_dimension_numbers<[1], [0], [0], [1], [0, 0, 1, 1], [], []>, transpose_lhs_hint = false} : vector<32x16xbf16>, vector<16x1024xbf16>, vector<32x1024xf32> -> vector<32x1024xf32>
    %convert_element_type3A_1101 = arith.truncf %dot_general3A_1100 : vector<32x1024xf32> to vector<32x1024xbf16>
    %swap3A_1102 = arith.constant 52 : index
    %swap3A_1103 = arith.constant 0 : index
    %swap3A_1104 = arith.constant 0 : index
    %swap3A_1105 = arith.constant 0 : index
    %swap3A_1106 = vector.load %arg3[%swap3A_1102, %swap3A_1103, %swap3A_1104, %swap3A_1105] : memref<64x32x1x1024xbf16, #tpu.memory_space<vmem>>, vector<1x32x1x1024xbf16>
    %swap3A_1107 = vector.shape_cast %swap3A_1106 : vector<1x32x1x1024xbf16> to vector<32x1024xbf16>
    %swap3A_1108 = vector.shape_cast %convert_element_type3A_1101 : vector<32x1024xbf16> to vector<1x32x1x1024xbf16>
    tpu.vector_store %arg3[%swap3A_1102, %swap3A_1103, %swap3A_1104, %swap3A_1105], %swap3A_1108 {strides = array<i32>} : memref<64x32x1x1024xbf16, #tpu.memory_space<vmem>>, vector<1x32x1x1024xbf16>,
    %get3A_1109 = arith.constant 0 : index
    %get3A_1110 = arith.constant 53 : index
    %get3A_1111 = arith.constant 0 : index
    %get3A_1112 = vector.load %arg1[%get3A_1109, %get3A_1110, %get3A_1111] : memref<32x64x16xf32, #tpu.memory_space<vmem>>, vector<32x1x16xf32>
    %get3A_1113 = vector.shape_cast %get3A_1112 : vector<32x1x16xf32> to vector<32x16xf32>
    %convert_element_type3A_1114 = arith.truncf %get3A_1113 : vector<32x16xf32> to vector<32x16xbf16>
    %get3A_1115 = arith.constant 53 : index
    %get3A_1116 = arith.constant 0 : index
    %get3A_1117 = arith.constant 0 : index
    %get3A_1118 = vector.load %arg2[%get3A_1115, %get3A_1116, %get3A_1117] : memref<64x16x1024xbf16, #tpu.memory_space<vmem>>, vector<1x16x1024xbf16>
    %get3A_1119 = vector.shape_cast %get3A_1118 : vector<1x16x1024xbf16> to vector<16x1024xbf16>
    %dot_general3A_1120 = arith.constant dense<0.000000e+00> : vector<32x1024xf32>
    %dot_general3A_1121 = tpu.matmul %convert_element_type3A_1114, %get3A_1119, %dot_general3A_1120 {dimension_numbers = #tpu.dot_dimension_numbers<[1], [0], [0], [1], [0, 0, 1, 1], [], []>, transpose_lhs_hint = false} : vector<32x16xbf16>, vector<16x1024xbf16>, vector<32x1024xf32> -> vector<32x1024xf32>
    %convert_element_type3A_1122 = arith.truncf %dot_general3A_1121 : vector<32x1024xf32> to vector<32x1024xbf16>
    %swap3A_1123 = arith.constant 53 : index
    %swap3A_1124 = arith.constant 0 : index
    %swap3A_1125 = arith.constant 0 : index
    %swap3A_1126 = arith.constant 0 : index
    %swap3A_1127 = vector.load %arg3[%swap3A_1123, %swap3A_1124, %swap3A_1125, %swap3A_1126] : memref<64x32x1x1024xbf16, #tpu.memory_space<vmem>>, vector<1x32x1x1024xbf16>
    %swap3A_1128 = vector.shape_cast %swap3A_1127 : vector<1x32x1x1024xbf16> to vector<32x1024xbf16>
    %swap3A_1129 = vector.shape_cast %convert_element_type3A_1122 : vector<32x1024xbf16> to vector<1x32x1x1024xbf16>
    tpu.vector_store %arg3[%swap3A_1123, %swap3A_1124, %swap3A_1125, %swap3A_1126], %swap3A_1129 {strides = array<i32>} : memref<64x32x1x1024xbf16, #tpu.memory_space<vmem>>, vector<1x32x1x1024xbf16>,
    %get3A_1130 = arith.constant 0 : index
    %get3A_1131 = arith.constant 54 : index
    %get3A_1132 = arith.constant 0 : index
    %get3A_1133 = vector.load %arg1[%get3A_1130, %get3A_1131, %get3A_1132] : memref<32x64x16xf32, #tpu.memory_space<vmem>>, vector<32x1x16xf32>
    %get3A_1134 = vector.shape_cast %get3A_1133 : vector<32x1x16xf32> to vector<32x16xf32>
    %convert_element_type3A_1135 = arith.truncf %get3A_1134 : vector<32x16xf32> to vector<32x16xbf16>
    %get3A_1136 = arith.constant 54 : index
    %get3A_1137 = arith.constant 0 : index
    %get3A_1138 = arith.constant 0 : index
    %get3A_1139 = vector.load %arg2[%get3A_1136, %get3A_1137, %get3A_1138] : memref<64x16x1024xbf16, #tpu.memory_space<vmem>>, vector<1x16x1024xbf16>
    %get3A_1140 = vector.shape_cast %get3A_1139 : vector<1x16x1024xbf16> to vector<16x1024xbf16>
    %dot_general3A_1141 = arith.constant dense<0.000000e+00> : vector<32x1024xf32>
    %dot_general3A_1142 = tpu.matmul %convert_element_type3A_1135, %get3A_1140, %dot_general3A_1141 {dimension_numbers = #tpu.dot_dimension_numbers<[1], [0], [0], [1], [0, 0, 1, 1], [], []>, transpose_lhs_hint = false} : vector<32x16xbf16>, vector<16x1024xbf16>, vector<32x1024xf32> -> vector<32x1024xf32>
    %convert_element_type3A_1143 = arith.truncf %dot_general3A_1142 : vector<32x1024xf32> to vector<32x1024xbf16>
    %swap3A_1144 = arith.constant 54 : index
    %swap3A_1145 = arith.constant 0 : index
    %swap3A_1146 = arith.constant 0 : index
    %swap3A_1147 = arith.constant 0 : index
    %swap3A_1148 = vector.load %arg3[%swap3A_1144, %swap3A_1145, %swap3A_1146, %swap3A_1147] : memref<64x32x1x1024xbf16, #tpu.memory_space<vmem>>, vector<1x32x1x1024xbf16>
    %swap3A_1149 = vector.shape_cast %swap3A_1148 : vector<1x32x1x1024xbf16> to vector<32x1024xbf16>
    %swap3A_1150 = vector.shape_cast %convert_element_type3A_1143 : vector<32x1024xbf16> to vector<1x32x1x1024xbf16>
    tpu.vector_store %arg3[%swap3A_1144, %swap3A_1145, %swap3A_1146, %swap3A_1147], %swap3A_1150 {strides = array<i32>} : memref<64x32x1x1024xbf16, #tpu.memory_space<vmem>>, vector<1x32x1x1024xbf16>,
    %get3A_1151 = arith.constant 0 : index
    %get3A_1152 = arith.constant 55 : index
    %get3A_1153 = arith.constant 0 : index
    %get3A_1154 = vector.load %arg1[%get3A_1151, %get3A_1152, %get3A_1153] : memref<32x64x16xf32, #tpu.memory_space<vmem>>, vector<32x1x16xf32>
    %get3A_1155 = vector.shape_cast %get3A_1154 : vector<32x1x16xf32> to vector<32x16xf32>
    %convert_element_type3A_1156 = arith.truncf %get3A_1155 : vector<32x16xf32> to vector<32x16xbf16>
    %get3A_1157 = arith.constant 55 : index
    %get3A_1158 = arith.constant 0 : index
    %get3A_1159 = arith.constant 0 : index
    %get3A_1160 = vector.load %arg2[%get3A_1157, %get3A_1158, %get3A_1159] : memref<64x16x1024xbf16, #tpu.memory_space<vmem>>, vector<1x16x1024xbf16>
    %get3A_1161 = vector.shape_cast %get3A_1160 : vector<1x16x1024xbf16> to vector<16x1024xbf16>
    %dot_general3A_1162 = arith.constant dense<0.000000e+00> : vector<32x1024xf32>
    %dot_general3A_1163 = tpu.matmul %convert_element_type3A_1156, %get3A_1161, %dot_general3A_1162 {dimension_numbers = #tpu.dot_dimension_numbers<[1], [0], [0], [1], [0, 0, 1, 1], [], []>, transpose_lhs_hint = false} : vector<32x16xbf16>, vector<16x1024xbf16>, vector<32x1024xf32> -> vector<32x1024xf32>
    %convert_element_type3A_1164 = arith.truncf %dot_general3A_1163 : vector<32x1024xf32> to vector<32x1024xbf16>
    %swap3A_1165 = arith.constant 55 : index
    %swap3A_1166 = arith.constant 0 : index
    %swap3A_1167 = arith.constant 0 : index
    %swap3A_1168 = arith.constant 0 : index
    %swap3A_1169 = vector.load %arg3[%swap3A_1165, %swap3A_1166, %swap3A_1167, %swap3A_1168] : memref<64x32x1x1024xbf16, #tpu.memory_space<vmem>>, vector<1x32x1x1024xbf16>
    %swap3A_1170 = vector.shape_cast %swap3A_1169 : vector<1x32x1x1024xbf16> to vector<32x1024xbf16>
    %swap3A_1171 = vector.shape_cast %convert_element_type3A_1164 : vector<32x1024xbf16> to vector<1x32x1x1024xbf16>
    tpu.vector_store %arg3[%swap3A_1165, %swap3A_1166, %swap3A_1167, %swap3A_1168], %swap3A_1171 {strides = array<i32>} : memref<64x32x1x1024xbf16, #tpu.memory_space<vmem>>, vector<1x32x1x1024xbf16>,
    %get3A_1172 = arith.constant 0 : index
    %get3A_1173 = arith.constant 56 : index
    %get3A_1174 = arith.constant 0 : index
    %get3A_1175 = vector.load %arg1[%get3A_1172, %get3A_1173, %get3A_1174] : memref<32x64x16xf32, #tpu.memory_space<vmem>>, vector<32x1x16xf32>
    %get3A_1176 = vector.shape_cast %get3A_1175 : vector<32x1x16xf32> to vector<32x16xf32>
    %convert_element_type3A_1177 = arith.truncf %get3A_1176 : vector<32x16xf32> to vector<32x16xbf16>
    %get3A_1178 = arith.constant 56 : index
    %get3A_1179 = arith.constant 0 : index
    %get3A_1180 = arith.constant 0 : index
    %get3A_1181 = vector.load %arg2[%get3A_1178, %get3A_1179, %get3A_1180] : memref<64x16x1024xbf16, #tpu.memory_space<vmem>>, vector<1x16x1024xbf16>
    %get3A_1182 = vector.shape_cast %get3A_1181 : vector<1x16x1024xbf16> to vector<16x1024xbf16>
    %dot_general3A_1183 = arith.constant dense<0.000000e+00> : vector<32x1024xf32>
    %dot_general3A_1184 = tpu.matmul %convert_element_type3A_1177, %get3A_1182, %dot_general3A_1183 {dimension_numbers = #tpu.dot_dimension_numbers<[1], [0], [0], [1], [0, 0, 1, 1], [], []>, transpose_lhs_hint = false} : vector<32x16xbf16>, vector<16x1024xbf16>, vector<32x1024xf32> -> vector<32x1024xf32>
    %convert_element_type3A_1185 = arith.truncf %dot_general3A_1184 : vector<32x1024xf32> to vector<32x1024xbf16>
    %swap3A_1186 = arith.constant 56 : index
    %swap3A_1187 = arith.constant 0 : index
    %swap3A_1188 = arith.constant 0 : index
    %swap3A_1189 = arith.constant 0 : index
    %swap3A_1190 = vector.load %arg3[%swap3A_1186, %swap3A_1187, %swap3A_1188, %swap3A_1189] : memref<64x32x1x1024xbf16, #tpu.memory_space<vmem>>, vector<1x32x1x1024xbf16>
    %swap3A_1191 = vector.shape_cast %swap3A_1190 : vector<1x32x1x1024xbf16> to vector<32x1024xbf16>
    %swap3A_1192 = vector.shape_cast %convert_element_type3A_1185 : vector<32x1024xbf16> to vector<1x32x1x1024xbf16>
    tpu.vector_store %arg3[%swap3A_1186, %swap3A_1187, %swap3A_1188, %swap3A_1189], %swap3A_1192 {strides = array<i32>} : memref<64x32x1x1024xbf16, #tpu.memory_space<vmem>>, vector<1x32x1x1024xbf16>,
    %get3A_1193 = arith.constant 0 : index
    %get3A_1194 = arith.constant 57 : index
    %get3A_1195 = arith.constant 0 : index
    %get3A_1196 = vector.load %arg1[%get3A_1193, %get3A_1194, %get3A_1195] : memref<32x64x16xf32, #tpu.memory_space<vmem>>, vector<32x1x16xf32>
    %get3A_1197 = vector.shape_cast %get3A_1196 : vector<32x1x16xf32> to vector<32x16xf32>
    %convert_element_type3A_1198 = arith.truncf %get3A_1197 : vector<32x16xf32> to vector<32x16xbf16>
    %get3A_1199 = arith.constant 57 : index
    %get3A_1200 = arith.constant 0 : index
    %get3A_1201 = arith.constant 0 : index
    %get3A_1202 = vector.load %arg2[%get3A_1199, %get3A_1200, %get3A_1201] : memref<64x16x1024xbf16, #tpu.memory_space<vmem>>, vector<1x16x1024xbf16>
    %get3A_1203 = vector.shape_cast %get3A_1202 : vector<1x16x1024xbf16> to vector<16x1024xbf16>
    %dot_general3A_1204 = arith.constant dense<0.000000e+00> : vector<32x1024xf32>
    %dot_general3A_1205 = tpu.matmul %convert_element_type3A_1198, %get3A_1203, %dot_general3A_1204 {dimension_numbers = #tpu.dot_dimension_numbers<[1], [0], [0], [1], [0, 0, 1, 1], [], []>, transpose_lhs_hint = false} : vector<32x16xbf16>, vector<16x1024xbf16>, vector<32x1024xf32> -> vector<32x1024xf32>
    %convert_element_type3A_1206 = arith.truncf %dot_general3A_1205 : vector<32x1024xf32> to vector<32x1024xbf16>
    %swap3A_1207 = arith.constant 57 : index
    %swap3A_1208 = arith.constant 0 : index
    %swap3A_1209 = arith.constant 0 : index
    %swap3A_1210 = arith.constant 0 : index
    %swap3A_1211 = vector.load %arg3[%swap3A_1207, %swap3A_1208, %swap3A_1209, %swap3A_1210] : memref<64x32x1x1024xbf16, #tpu.memory_space<vmem>>, vector<1x32x1x1024xbf16>
    %swap3A_1212 = vector.shape_cast %swap3A_1211 : vector<1x32x1x1024xbf16> to vector<32x1024xbf16>
    %swap3A_1213 = vector.shape_cast %convert_element_type3A_1206 : vector<32x1024xbf16> to vector<1x32x1x1024xbf16>
    tpu.vector_store %arg3[%swap3A_1207, %swap3A_1208, %swap3A_1209, %swap3A_1210], %swap3A_1213 {strides = array<i32>} : memref<64x32x1x1024xbf16, #tpu.memory_space<vmem>>, vector<1x32x1x1024xbf16>,
    %get3A_1214 = arith.constant 0 : index
    %get3A_1215 = arith.constant 58 : index
    %get3A_1216 = arith.constant 0 : index
    %get3A_1217 = vector.load %arg1[%get3A_1214, %get3A_1215, %get3A_1216] : memref<32x64x16xf32, #tpu.memory_space<vmem>>, vector<32x1x16xf32>
    %get3A_1218 = vector.shape_cast %get3A_1217 : vector<32x1x16xf32> to vector<32x16xf32>
    %convert_element_type3A_1219 = arith.truncf %get3A_1218 : vector<32x16xf32> to vector<32x16xbf16>
    %get3A_1220 = arith.constant 58 : index
    %get3A_1221 = arith.constant 0 : index
    %get3A_1222 = arith.constant 0 : index
    %get3A_1223 = vector.load %arg2[%get3A_1220, %get3A_1221, %get3A_1222] : memref<64x16x1024xbf16, #tpu.memory_space<vmem>>, vector<1x16x1024xbf16>
    %get3A_1224 = vector.shape_cast %get3A_1223 : vector<1x16x1024xbf16> to vector<16x1024xbf16>
    %dot_general3A_1225 = arith.constant dense<0.000000e+00> : vector<32x1024xf32>
    %dot_general3A_1226 = tpu.matmul %convert_element_type3A_1219, %get3A_1224, %dot_general3A_1225 {dimension_numbers = #tpu.dot_dimension_numbers<[1], [0], [0], [1], [0, 0, 1, 1], [], []>, transpose_lhs_hint = false} : vector<32x16xbf16>, vector<16x1024xbf16>, vector<32x1024xf32> -> vector<32x1024xf32>
    %convert_element_type3A_1227 = arith.truncf %dot_general3A_1226 : vector<32x1024xf32> to vector<32x1024xbf16>
    %swap3A_1228 = arith.constant 58 : index
    %swap3A_1229 = arith.constant 0 : index
    %swap3A_1230 = arith.constant 0 : index
    %swap3A_1231 = arith.constant 0 : index
    %swap3A_1232 = vector.load %arg3[%swap3A_1228, %swap3A_1229, %swap3A_1230, %swap3A_1231] : memref<64x32x1x1024xbf16, #tpu.memory_space<vmem>>, vector<1x32x1x1024xbf16>
    %swap3A_1233 = vector.shape_cast %swap3A_1232 : vector<1x32x1x1024xbf16> to vector<32x1024xbf16>
    %swap3A_1234 = vector.shape_cast %convert_element_type3A_1227 : vector<32x1024xbf16> to vector<1x32x1x1024xbf16>
    tpu.vector_store %arg3[%swap3A_1228, %swap3A_1229, %swap3A_1230, %swap3A_1231], %swap3A_1234 {strides = array<i32>} : memref<64x32x1x1024xbf16, #tpu.memory_space<vmem>>, vector<1x32x1x1024xbf16>,
    %get3A_1235 = arith.constant 0 : index
    %get3A_1236 = arith.constant 59 : index
    %get3A_1237 = arith.constant 0 : index
    %get3A_1238 = vector.load %arg1[%get3A_1235, %get3A_1236, %get3A_1237] : memref<32x64x16xf32, #tpu.memory_space<vmem>>, vector<32x1x16xf32>
    %get3A_1239 = vector.shape_cast %get3A_1238 : vector<32x1x16xf32> to vector<32x16xf32>
    %convert_element_type3A_1240 = arith.truncf %get3A_1239 : vector<32x16xf32> to vector<32x16xbf16>
    %get3A_1241 = arith.constant 59 : index
    %get3A_1242 = arith.constant 0 : index
    %get3A_1243 = arith.constant 0 : index
    %get3A_1244 = vector.load %arg2[%get3A_1241, %get3A_1242, %get3A_1243] : memref<64x16x1024xbf16, #tpu.memory_space<vmem>>, vector<1x16x1024xbf16>
    %get3A_1245 = vector.shape_cast %get3A_1244 : vector<1x16x1024xbf16> to vector<16x1024xbf16>
    %dot_general3A_1246 = arith.constant dense<0.000000e+00> : vector<32x1024xf32>
    %dot_general3A_1247 = tpu.matmul %convert_element_type3A_1240, %get3A_1245, %dot_general3A_1246 {dimension_numbers = #tpu.dot_dimension_numbers<[1], [0], [0], [1], [0, 0, 1, 1], [], []>, transpose_lhs_hint = false} : vector<32x16xbf16>, vector<16x1024xbf16>, vector<32x1024xf32> -> vector<32x1024xf32>
    %convert_element_type3A_1248 = arith.truncf %dot_general3A_1247 : vector<32x1024xf32> to vector<32x1024xbf16>
    %swap3A_1249 = arith.constant 59 : index
    %swap3A_1250 = arith.constant 0 : index
    %swap3A_1251 = arith.constant 0 : index
    %swap3A_1252 = arith.constant 0 : index
    %swap3A_1253 = vector.load %arg3[%swap3A_1249, %swap3A_1250, %swap3A_1251, %swap3A_1252] : memref<64x32x1x1024xbf16, #tpu.memory_space<vmem>>, vector<1x32x1x1024xbf16>
    %swap3A_1254 = vector.shape_cast %swap3A_1253 : vector<1x32x1x1024xbf16> to vector<32x1024xbf16>
    %swap3A_1255 = vector.shape_cast %convert_element_type3A_1248 : vector<32x1024xbf16> to vector<1x32x1x1024xbf16>
    tpu.vector_store %arg3[%swap3A_1249, %swap3A_1250, %swap3A_1251, %swap3A_1252], %swap3A_1255 {strides = array<i32>} : memref<64x32x1x1024xbf16, #tpu.memory_space<vmem>>, vector<1x32x1x1024xbf16>,
    %get3A_1256 = arith.constant 0 : index
    %get3A_1257 = arith.constant 60 : index
    %get3A_1258 = arith.constant 0 : index
    %get3A_1259 = vector.load %arg1[%get3A_1256, %get3A_1257, %get3A_1258] : memref<32x64x16xf32, #tpu.memory_space<vmem>>, vector<32x1x16xf32>
    %get3A_1260 = vector.shape_cast %get3A_1259 : vector<32x1x16xf32> to vector<32x16xf32>
    %convert_element_type3A_1261 = arith.truncf %get3A_1260 : vector<32x16xf32> to vector<32x16xbf16>
    %get3A_1262 = arith.constant 60 : index
    %get3A_1263 = arith.constant 0 : index
    %get3A_1264 = arith.constant 0 : index
    %get3A_1265 = vector.load %arg2[%get3A_1262, %get3A_1263, %get3A_1264] : memref<64x16x1024xbf16, #tpu.memory_space<vmem>>, vector<1x16x1024xbf16>
    %get3A_1266 = vector.shape_cast %get3A_1265 : vector<1x16x1024xbf16> to vector<16x1024xbf16>
    %dot_general3A_1267 = arith.constant dense<0.000000e+00> : vector<32x1024xf32>
    %dot_general3A_1268 = tpu.matmul %convert_element_type3A_1261, %get3A_1266, %dot_general3A_1267 {dimension_numbers = #tpu.dot_dimension_numbers<[1], [0], [0], [1], [0, 0, 1, 1], [], []>, transpose_lhs_hint = false} : vector<32x16xbf16>, vector<16x1024xbf16>, vector<32x1024xf32> -> vector<32x1024xf32>
    %convert_element_type3A_1269 = arith.truncf %dot_general3A_1268 : vector<32x1024xf32> to vector<32x1024xbf16>
    %swap3A_1270 = arith.constant 60 : index
    %swap3A_1271 = arith.constant 0 : index
    %swap3A_1272 = arith.constant 0 : index
    %swap3A_1273 = arith.constant 0 : index
    %swap3A_1274 = vector.load %arg3[%swap3A_1270, %swap3A_1271, %swap3A_1272, %swap3A_1273] : memref<64x32x1x1024xbf16, #tpu.memory_space<vmem>>, vector<1x32x1x1024xbf16>
    %swap3A_1275 = vector.shape_cast %swap3A_1274 : vector<1x32x1x1024xbf16> to vector<32x1024xbf16>
    %swap3A_1276 = vector.shape_cast %convert_element_type3A_1269 : vector<32x1024xbf16> to vector<1x32x1x1024xbf16>
    tpu.vector_store %arg3[%swap3A_1270, %swap3A_1271, %swap3A_1272, %swap3A_1273], %swap3A_1276 {strides = array<i32>} : memref<64x32x1x1024xbf16, #tpu.memory_space<vmem>>, vector<1x32x1x1024xbf16>,
    %get3A_1277 = arith.constant 0 : index
    %get3A_1278 = arith.constant 61 : index
    %get3A_1279 = arith.constant 0 : index
    %get3A_1280 = vector.load %arg1[%get3A_1277, %get3A_1278, %get3A_1279] : memref<32x64x16xf32, #tpu.memory_space<vmem>>, vector<32x1x16xf32>
    %get3A_1281 = vector.shape_cast %get3A_1280 : vector<32x1x16xf32> to vector<32x16xf32>
    %convert_element_type3A_1282 = arith.truncf %get3A_1281 : vector<32x16xf32> to vector<32x16xbf16>
    %get3A_1283 = arith.constant 61 : index
    %get3A_1284 = arith.constant 0 : index
    %get3A_1285 = arith.constant 0 : index
    %get3A_1286 = vector.load %arg2[%get3A_1283, %get3A_1284, %get3A_1285] : memref<64x16x1024xbf16, #tpu.memory_space<vmem>>, vector<1x16x1024xbf16>
    %get3A_1287 = vector.shape_cast %get3A_1286 : vector<1x16x1024xbf16> to vector<16x1024xbf16>
    %dot_general3A_1288 = arith.constant dense<0.000000e+00> : vector<32x1024xf32>
    %dot_general3A_1289 = tpu.matmul %convert_element_type3A_1282, %get3A_1287, %dot_general3A_1288 {dimension_numbers = #tpu.dot_dimension_numbers<[1], [0], [0], [1], [0, 0, 1, 1], [], []>, transpose_lhs_hint = false} : vector<32x16xbf16>, vector<16x1024xbf16>, vector<32x1024xf32> -> vector<32x1024xf32>
    %convert_element_type3A_1290 = arith.truncf %dot_general3A_1289 : vector<32x1024xf32> to vector<32x1024xbf16>
    %swap3A_1291 = arith.constant 61 : index
    %swap3A_1292 = arith.constant 0 : index
    %swap3A_1293 = arith.constant 0 : index
    %swap3A_1294 = arith.constant 0 : index
    %swap3A_1295 = vector.load %arg3[%swap3A_1291, %swap3A_1292, %swap3A_1293, %swap3A_1294] : memref<64x32x1x1024xbf16, #tpu.memory_space<vmem>>, vector<1x32x1x1024xbf16>
    %swap3A_1296 = vector.shape_cast %swap3A_1295 : vector<1x32x1x1024xbf16> to vector<32x1024xbf16>
    %swap3A_1297 = vector.shape_cast %convert_element_type3A_1290 : vector<32x1024xbf16> to vector<1x32x1x1024xbf16>
    tpu.vector_store %arg3[%swap3A_1291, %swap3A_1292, %swap3A_1293, %swap3A_1294], %swap3A_1297 {strides = array<i32>} : memref<64x32x1x1024xbf16, #tpu.memory_space<vmem>>, vector<1x32x1x1024xbf16>,
    %get3A_1298 = arith.constant 0 : index
    %get3A_1299 = arith.constant 62 : index
    %get3A_1300 = arith.constant 0 : index
    %get3A_1301 = vector.load %arg1[%get3A_1298, %get3A_1299, %get3A_1300] : memref<32x64x16xf32, #tpu.memory_space<vmem>>, vector<32x1x16xf32>
    %get3A_1302 = vector.shape_cast %get3A_1301 : vector<32x1x16xf32> to vector<32x16xf32>
    %convert_element_type3A_1303 = arith.truncf %get3A_1302 : vector<32x16xf32> to vector<32x16xbf16>
    %get3A_1304 = arith.constant 62 : index
    %get3A_1305 = arith.constant 0 : index
    %get3A_1306 = arith.constant 0 : index
    %get3A_1307 = vector.load %arg2[%get3A_1304, %get3A_1305, %get3A_1306] : memref<64x16x1024xbf16, #tpu.memory_space<vmem>>, vector<1x16x1024xbf16>
    %get3A_1308 = vector.shape_cast %get3A_1307 : vector<1x16x1024xbf16> to vector<16x1024xbf16>
    %dot_general3A_1309 = arith.constant dense<0.000000e+00> : vector<32x1024xf32>
    %dot_general3A_1310 = tpu.matmul %convert_element_type3A_1303, %get3A_1308, %dot_general3A_1309 {dimension_numbers = #tpu.dot_dimension_numbers<[1], [0], [0], [1], [0, 0, 1, 1], [], []>, transpose_lhs_hint = false} : vector<32x16xbf16>, vector<16x1024xbf16>, vector<32x1024xf32> -> vector<32x1024xf32>
    %convert_element_type3A_1311 = arith.truncf %dot_general3A_1310 : vector<32x1024xf32> to vector<32x1024xbf16>
    %swap3A_1312 = arith.constant 62 : index
    %swap3A_1313 = arith.constant 0 : index
    %swap3A_1314 = arith.constant 0 : index
    %swap3A_1315 = arith.constant 0 : index
    %swap3A_1316 = vector.load %arg3[%swap3A_1312, %swap3A_1313, %swap3A_1314, %swap3A_1315] : memref<64x32x1x1024xbf16, #tpu.memory_space<vmem>>, vector<1x32x1x1024xbf16>
    %swap3A_1317 = vector.shape_cast %swap3A_1316 : vector<1x32x1x1024xbf16> to vector<32x1024xbf16>
    %swap3A_1318 = vector.shape_cast %convert_element_type3A_1311 : vector<32x1024xbf16> to vector<1x32x1x1024xbf16>
    tpu.vector_store %arg3[%swap3A_1312, %swap3A_1313, %swap3A_1314, %swap3A_1315], %swap3A_1318 {strides = array<i32>} : memref<64x32x1x1024xbf16, #tpu.memory_space<vmem>>, vector<1x32x1x1024xbf16>,
    %get3A_1319 = arith.constant 0 : index
    %get3A_1320 = arith.constant 63 : index
    %get3A_1321 = arith.constant 0 : index
    %get3A_1322 = vector.load %arg1[%get3A_1319, %get3A_1320, %get3A_1321] : memref<32x64x16xf32, #tpu.memory_space<vmem>>, vector<32x1x16xf32>
    %get3A_1323 = vector.shape_cast %get3A_1322 : vector<32x1x16xf32> to vector<32x16xf32>
    %convert_element_type3A_1324 = arith.truncf %get3A_1323 : vector<32x16xf32> to vector<32x16xbf16>
    %get3A_1325 = arith.constant 63 : index
    %get3A_1326 = arith.constant 0 : index
    %get3A_1327 = arith.constant 0 : index
    %get3A_1328 = vector.load %arg2[%get3A_1325, %get3A_1326, %get3A_1327] : memref<64x16x1024xbf16, #tpu.memory_space<vmem>>, vector<1x16x1024xbf16>
    %get3A_1329 = vector.shape_cast %get3A_1328 : vector<1x16x1024xbf16> to vector<16x1024xbf16>
    %dot_general3A_1330 = arith.constant dense<0.000000e+00> : vector<32x1024xf32>
    %dot_general3A_1331 = tpu.matmul %convert_element_type3A_1324, %get3A_1329, %dot_general3A_1330 {dimension_numbers = #tpu.dot_dimension_numbers<[1], [0], [0], [1], [0, 0, 1, 1], [], []>, transpose_lhs_hint = false} : vector<32x16xbf16>, vector<16x1024xbf16>, vector<32x1024xf32> -> vector<32x1024xf32>
    %convert_element_type3A_1332 = arith.truncf %dot_general3A_1331 : vector<32x1024xf32> to vector<32x1024xbf16>
    %swap3A_1333 = arith.constant 63 : index
    %swap3A_1334 = arith.constant 0 : index
    %swap3A_1335 = arith.constant 0 : index
    %swap3A_1336 = arith.constant 0 : index
    %swap3A_1337 = vector.load %arg3[%swap3A_1333, %swap3A_1334, %swap3A_1335, %swap3A_1336] : memref<64x32x1x1024xbf16, #tpu.memory_space<vmem>>, vector<1x32x1x1024xbf16>
    %swap3A_1338 = vector.shape_cast %swap3A_1337 : vector<1x32x1x1024xbf16> to vector<32x1024xbf16>
    %swap3A_1339 = vector.shape_cast %convert_element_type3A_1332 : vector<32x1024xbf16> to vector<1x32x1x1024xbf16>
    tpu.vector_store %arg3[%swap3A_1333, %swap3A_1334, %swap3A_1335, %swap3A_1336], %swap3A_1339 {strides = array<i32>} : memref<64x32x1x1024xbf16, #tpu.memory_space<vmem>>, vector<1x32x1x1024xbf16>,
    return
  }
  func.func @transform_0(%arg0: i32) -> (i32, i32, i32) {
    %c0_i32 = arith.constant 0 : i32
    %c0_i32_0 = arith.constant 0 : i32
    %c0_i32_1 = arith.constant 0 : i32
    return %c0_i32, %arg0, %c0_i32_0 : i32, i32, i32
  }
  func.func @transform_1(%arg0: i32) -> (i32, i32, i32) {
    %c0_i32 = arith.constant 0 : i32
    %c0_i32_0 = arith.constant 0 : i32
    %c0_i32_1 = arith.constant 0 : i32
    return %arg0, %c0_i32, %c0_i32_0 : i32, i32, i32
  }
  func.func @transform_2(%arg0: i32) -> (i32, i32, i32, i32) {
    %c0_i32 = arith.constant 0 : i32
    %c0_i32_0 = arith.constant 0 : i32
    %c0_i32_1 = arith.constant 0 : i32
    %c0_i32_2 = arith.constant 0 : i32
    return %arg0, %c0_i32, %c0_i32_0, %c0_i32_1 : i32, i32, i32, i32
  }
}

module attributes {stable_mosaic.version = 14 : i64} {
  func.func @_route_kernel(%arg0: i32, %arg1: memref<1024x1x1x1024xbf16, #tpu.memory_space<vmem>>, %arg2: memref<1x1024xf32, #tpu.memory_space<vmem>>, %arg3: memref<1x1x1024xf32, #tpu.memory_space<vmem>>, %arg4: memref<1024x64xf32, #tpu.memory_space<vmem>>, %arg5: memref<64x1024xbf16, #tpu.memory_space<vmem>>, %arg6: memref<64x1024xf32, #tpu.memory_space<vmem>>) attributes {dimension_semantics = [#tpu.dimension_semantics<arbitrary>], iteration_bounds = array<i64: 32>, scalar_prefetch = 0 : i64, scratch_operands = 3 : i64, tpu.core_type = #tpu.core_type<tc>, window_params = [{transform_indices = @transform_0, window_bounds = array<i64: 1024, 1, 1, 1024>}, {pipeline_mode = #tpu.pipeline_mode<synchronous>, transform_indices = @transform_1, window_bounds = array<i64: 1, 1024>}, {transform_indices = @transform_2, window_bounds = array<i64: 1, 1, 1024>}]} {
    %get3A = arith.constant 0 : index
    %get3A_0 = arith.constant 0 : index
    %get3A_1 = vector.load %arg2[%get3A, %get3A_0] : memref<1x1024xf32, #tpu.memory_space<vmem>>, vector<1x1024xf32>
    %get3A_2 = arith.constant 0 : index
    %get3A_3 = arith.constant 0 : index
    %get3A_4 = arith.constant 0 : index
    %get3A_5 = arith.constant 0 : index
    %get3A_6 = vector.load %arg1[%get3A_2, %get3A_3, %get3A_4, %get3A_5] : memref<1024x1x1x1024xbf16, #tpu.memory_space<vmem>>, vector<1024x1x1x1024xbf16>
    %get3A_7 = vector.shape_cast %get3A_6 : vector<1024x1x1x1024xbf16> to vector<1024x1024xbf16>
    %iota3A = tpu.iota {dimensions = array<i32: 0>} : vector<1024x64xi32>
    %jit3A = arith.constant 64 : i32
    %eq3A = arith.constant 0 : i32
    %eq3A_8 = arith.cmpi eq, %jit3A, %eq3A : i32
    %jit3A_9 = arith.constant 1 : i32
    %select_n3A = arith.select %eq3A_8, %jit3A_9, %jit3A : i32
    %rem3A = vector.broadcast %select_n3A : i32 to vector<1024x64xi32>
    %rem3A_10 = arith.remsi %iota3A, %rem3A : vector<1024x64xi32>
    %ne3A = arith.constant 0 : i32
    %ne3A_11 = vector.broadcast %ne3A : i32 to vector<1024x64xi32>
    %ne3A_12 = arith.cmpi ne, %rem3A_10, %ne3A_11 : vector<1024x64xi32>
    %lt3A = arith.constant 0 : i32
    %lt3A_13 = vector.broadcast %lt3A : i32 to vector<1024x64xi32>
    %lt3A_14 = arith.cmpi slt, %rem3A_10, %lt3A_13 : vector<1024x64xi32>
    %lt3A_15 = arith.constant 0 : i32
    %lt3A_16 = arith.cmpi slt, %select_n3A, %lt3A_15 : i32
    %ne3A_17 = vector.broadcast %lt3A_16 : i1 to vector<1024x64xi1>
    %ne3A_18 = vector.broadcast %ne3A_17 : vector<1024x64xi1> to vector<1024x64xi1>
    %ne3A_19 = arith.xori %lt3A_14, %ne3A_18 : vector<1024x64xi1>
    %and3A = arith.andi %ne3A_19, %ne3A_12 : vector<1024x64xi1>
    %add3A = vector.broadcast %select_n3A : i32 to vector<1024x64xi32>
    %add3A_20 = arith.addi %rem3A_10, %add3A : vector<1024x64xi32>
    %select_n3A_21 = arith.select %and3A, %add3A_20, %rem3A_10 : vector<1024x64xi1>, vector<1024x64xi32>
    %iota3A_22 = tpu.iota {dimensions = array<i32: 1>} : vector<1024x64xi32>
    %eq3A_23 = arith.cmpi eq, %select_n3A_21, %iota3A_22 : vector<1024x64xi32>
    %iota3A_24 = tpu.iota {dimensions = array<i32: 1>} : vector<64x1024xi32>
    %jit3A_25 = arith.constant 64 : i32
    %eq3A_26 = arith.constant 0 : i32
    %eq3A_27 = arith.cmpi eq, %jit3A_25, %eq3A_26 : i32
    %jit3A_28 = arith.constant 1 : i32
    %select_n3A_29 = arith.select %eq3A_27, %jit3A_28, %jit3A_25 : i32
    %rem3A_30 = vector.broadcast %select_n3A_29 : i32 to vector<64x1024xi32>
    %rem3A_31 = arith.remsi %iota3A_24, %rem3A_30 : vector<64x1024xi32>
    %ne3A_32 = arith.constant 0 : i32
    %ne3A_33 = vector.broadcast %ne3A_32 : i32 to vector<64x1024xi32>
    %ne3A_34 = arith.cmpi ne, %rem3A_31, %ne3A_33 : vector<64x1024xi32>
    %lt3A_35 = arith.constant 0 : i32
    %lt3A_36 = vector.broadcast %lt3A_35 : i32 to vector<64x1024xi32>
    %lt3A_37 = arith.cmpi slt, %rem3A_31, %lt3A_36 : vector<64x1024xi32>
    %lt3A_38 = arith.constant 0 : i32
    %lt3A_39 = arith.cmpi slt, %select_n3A_29, %lt3A_38 : i32
    %ne3A_40 = vector.broadcast %lt3A_39 : i1 to vector<64x1024xi1>
    %ne3A_41 = vector.broadcast %ne3A_40 : vector<64x1024xi1> to vector<64x1024xi1>
    %ne3A_42 = arith.xori %lt3A_37, %ne3A_41 : vector<64x1024xi1>
    %and3A_43 = arith.andi %ne3A_42, %ne3A_34 : vector<64x1024xi1>
    %add3A_44 = vector.broadcast %select_n3A_29 : i32 to vector<64x1024xi32>
    %add3A_45 = arith.addi %rem3A_31, %add3A_44 : vector<64x1024xi32>
    %select_n3A_46 = arith.select %and3A_43, %add3A_45, %rem3A_31 : vector<64x1024xi1>, vector<64x1024xi32>
    %iota3A_47 = tpu.iota {dimensions = array<i32: 0>} : vector<64x1024xi32>
    %eq3A_48 = arith.cmpi eq, %select_n3A_46, %iota3A_47 : vector<64x1024xi32>
    %broadcast_in_dim3A = arith.constant 1.000000e+00 : bf16
    %broadcast_in_dim3A_49 = vector.broadcast %broadcast_in_dim3A : bf16 to vector<1x1024xbf16>
    %dot_general3A = arith.constant dense<0.000000e+00> : vector<1x1024xf32>
    %dot_general3A_50 = tpu.matmul %broadcast_in_dim3A_49, %get3A_7, %dot_general3A {dimension_numbers = #tpu.dot_dimension_numbers<[1], [0], [0], [1], [0, 0, 1, 1], [], []>, transpose_lhs_hint = false} : vector<1x1024xbf16>, vector<1024x1024xbf16>, vector<1x1024xf32> -> vector<1x1024xf32>
    %mul3A = arith.constant 1.562500e-02 : f32
    %mul3A_51 = vector.broadcast %mul3A : f32 to vector<1x1024xf32>
    %mul3A_52 = arith.mulf %dot_general3A_50, %mul3A_51 : vector<1x1024xf32>
    %add3A_53 = arith.addf %mul3A_52, %get3A_1 : vector<1x1024xf32>
    %slice3A = vector.extract_strided_slice %add3A_53 {offsets = [0, 0], sizes = [1, 64], strides = [1, 1]} : vector<1x1024xf32> to vector<1x64xf32>
    %mul3A_54 = arith.mulf %slice3A, %slice3A : vector<1x64xf32>
    %slice3A_55 = vector.extract_strided_slice %add3A_53 {offsets = [0, 64], sizes = [1, 64], strides = [1, 1]} : vector<1x1024xf32> to vector<1x64xf32>
    %mul3A_56 = arith.mulf %slice3A_55, %slice3A_55 : vector<1x64xf32>
    %add3A_57 = arith.addf %mul3A_54, %mul3A_56 : vector<1x64xf32>
    %slice3A_58 = vector.extract_strided_slice %add3A_53 {offsets = [0, 128], sizes = [1, 64], strides = [1, 1]} : vector<1x1024xf32> to vector<1x64xf32>
    %mul3A_59 = arith.mulf %slice3A_58, %slice3A_58 : vector<1x64xf32>
    %add3A_60 = arith.addf %add3A_57, %mul3A_59 : vector<1x64xf32>
    %slice3A_61 = vector.extract_strided_slice %add3A_53 {offsets = [0, 192], sizes = [1, 64], strides = [1, 1]} : vector<1x1024xf32> to vector<1x64xf32>
    %mul3A_62 = arith.mulf %slice3A_61, %slice3A_61 : vector<1x64xf32>
    %add3A_63 = arith.addf %add3A_60, %mul3A_62 : vector<1x64xf32>
    %slice3A_64 = vector.extract_strided_slice %add3A_53 {offsets = [0, 256], sizes = [1, 64], strides = [1, 1]} : vector<1x1024xf32> to vector<1x64xf32>
    %mul3A_65 = arith.mulf %slice3A_64, %slice3A_64 : vector<1x64xf32>
    %add3A_66 = arith.addf %add3A_63, %mul3A_65 : vector<1x64xf32>
    %slice3A_67 = vector.extract_strided_slice %add3A_53 {offsets = [0, 320], sizes = [1, 64], strides = [1, 1]} : vector<1x1024xf32> to vector<1x64xf32>
    %mul3A_68 = arith.mulf %slice3A_67, %slice3A_67 : vector<1x64xf32>
    %add3A_69 = arith.addf %add3A_66, %mul3A_68 : vector<1x64xf32>
    %slice3A_70 = vector.extract_strided_slice %add3A_53 {offsets = [0, 384], sizes = [1, 64], strides = [1, 1]} : vector<1x1024xf32> to vector<1x64xf32>
    %mul3A_71 = arith.mulf %slice3A_70, %slice3A_70 : vector<1x64xf32>
    %add3A_72 = arith.addf %add3A_69, %mul3A_71 : vector<1x64xf32>
    %slice3A_73 = vector.extract_strided_slice %add3A_53 {offsets = [0, 448], sizes = [1, 64], strides = [1, 1]} : vector<1x1024xf32> to vector<1x64xf32>
    %mul3A_74 = arith.mulf %slice3A_73, %slice3A_73 : vector<1x64xf32>
    %add3A_75 = arith.addf %add3A_72, %mul3A_74 : vector<1x64xf32>
    %slice3A_76 = vector.extract_strided_slice %add3A_53 {offsets = [0, 512], sizes = [1, 64], strides = [1, 1]} : vector<1x1024xf32> to vector<1x64xf32>
    %mul3A_77 = arith.mulf %slice3A_76, %slice3A_76 : vector<1x64xf32>
    %add3A_78 = arith.addf %add3A_75, %mul3A_77 : vector<1x64xf32>
    %slice3A_79 = vector.extract_strided_slice %add3A_53 {offsets = [0, 576], sizes = [1, 64], strides = [1, 1]} : vector<1x1024xf32> to vector<1x64xf32>
    %mul3A_80 = arith.mulf %slice3A_79, %slice3A_79 : vector<1x64xf32>
    %add3A_81 = arith.addf %add3A_78, %mul3A_80 : vector<1x64xf32>
    %slice3A_82 = vector.extract_strided_slice %add3A_53 {offsets = [0, 640], sizes = [1, 64], strides = [1, 1]} : vector<1x1024xf32> to vector<1x64xf32>
    %mul3A_83 = arith.mulf %slice3A_82, %slice3A_82 : vector<1x64xf32>
    %add3A_84 = arith.addf %add3A_81, %mul3A_83 : vector<1x64xf32>
    %slice3A_85 = vector.extract_strided_slice %add3A_53 {offsets = [0, 704], sizes = [1, 64], strides = [1, 1]} : vector<1x1024xf32> to vector<1x64xf32>
    %mul3A_86 = arith.mulf %slice3A_85, %slice3A_85 : vector<1x64xf32>
    %add3A_87 = arith.addf %add3A_84, %mul3A_86 : vector<1x64xf32>
    %slice3A_88 = vector.extract_strided_slice %add3A_53 {offsets = [0, 768], sizes = [1, 64], strides = [1, 1]} : vector<1x1024xf32> to vector<1x64xf32>
    %mul3A_89 = arith.mulf %slice3A_88, %slice3A_88 : vector<1x64xf32>
    %add3A_90 = arith.addf %add3A_87, %mul3A_89 : vector<1x64xf32>
    %slice3A_91 = vector.extract_strided_slice %add3A_53 {offsets = [0, 832], sizes = [1, 64], strides = [1, 1]} : vector<1x1024xf32> to vector<1x64xf32>
    %mul3A_92 = arith.mulf %slice3A_91, %slice3A_91 : vector<1x64xf32>
    %add3A_93 = arith.addf %add3A_90, %mul3A_92 : vector<1x64xf32>
    %slice3A_94 = vector.extract_strided_slice %add3A_53 {offsets = [0, 896], sizes = [1, 64], strides = [1, 1]} : vector<1x1024xf32> to vector<1x64xf32>
    %mul3A_95 = arith.mulf %slice3A_94, %slice3A_94 : vector<1x64xf32>
    %add3A_96 = arith.addf %add3A_93, %mul3A_95 : vector<1x64xf32>
    %slice3A_97 = vector.extract_strided_slice %add3A_53 {offsets = [0, 960], sizes = [1, 64], strides = [1, 1]} : vector<1x1024xf32> to vector<1x64xf32>
    %mul3A_98 = arith.mulf %slice3A_97, %slice3A_97 : vector<1x64xf32>
    %add3A_99 = arith.addf %add3A_96, %mul3A_98 : vector<1x64xf32>
    %add3A_100 = arith.constant 1.000000e+00 : f32
    %add3A_101 = vector.broadcast %add3A_100 : f32 to vector<1x64xf32>
    %add3A_102 = arith.addf %add3A_101, %add3A_99 : vector<1x64xf32>
    %div3A = arith.divf %add3A_99, %add3A_102 : vector<1x64xf32>
    %add3A_103 = arith.constant 9.99999993E-9 : f32
    %add3A_104 = vector.broadcast %add3A_103 : f32 to vector<1x64xf32>
    %add3A_105 = arith.addf %add3A_99, %add3A_104 : vector<1x64xf32>
    %sqrt3A = math.sqrt %add3A_105 : vector<1x64xf32>
    %div3A_106 = arith.divf %div3A, %sqrt3A : vector<1x64xf32>
    %slice3A_107 = vector.extract_strided_slice %add3A_53 {offsets = [0, 0], sizes = [1, 64], strides = [1, 1]} : vector<1x1024xf32> to vector<1x64xf32>
    %mul3A_108 = arith.mulf %slice3A_107, %div3A_106 : vector<1x64xf32>
    %slice3A_109 = vector.extract_strided_slice %add3A_53 {offsets = [0, 64], sizes = [1, 64], strides = [1, 1]} : vector<1x1024xf32> to vector<1x64xf32>
    %mul3A_110 = arith.mulf %slice3A_109, %div3A_106 : vector<1x64xf32>
    %slice3A_111 = vector.extract_strided_slice %add3A_53 {offsets = [0, 128], sizes = [1, 64], strides = [1, 1]} : vector<1x1024xf32> to vector<1x64xf32>
    %mul3A_112 = arith.mulf %slice3A_111, %div3A_106 : vector<1x64xf32>
    %slice3A_113 = vector.extract_strided_slice %add3A_53 {offsets = [0, 192], sizes = [1, 64], strides = [1, 1]} : vector<1x1024xf32> to vector<1x64xf32>
    %mul3A_114 = arith.mulf %slice3A_113, %div3A_106 : vector<1x64xf32>
    %slice3A_115 = vector.extract_strided_slice %add3A_53 {offsets = [0, 256], sizes = [1, 64], strides = [1, 1]} : vector<1x1024xf32> to vector<1x64xf32>
    %mul3A_116 = arith.mulf %slice3A_115, %div3A_106 : vector<1x64xf32>
    %slice3A_117 = vector.extract_strided_slice %add3A_53 {offsets = [0, 320], sizes = [1, 64], strides = [1, 1]} : vector<1x1024xf32> to vector<1x64xf32>
    %mul3A_118 = arith.mulf %slice3A_117, %div3A_106 : vector<1x64xf32>
    %slice3A_119 = vector.extract_strided_slice %add3A_53 {offsets = [0, 384], sizes = [1, 64], strides = [1, 1]} : vector<1x1024xf32> to vector<1x64xf32>
    %mul3A_120 = arith.mulf %slice3A_119, %div3A_106 : vector<1x64xf32>
    %slice3A_121 = vector.extract_strided_slice %add3A_53 {offsets = [0, 448], sizes = [1, 64], strides = [1, 1]} : vector<1x1024xf32> to vector<1x64xf32>
    %mul3A_122 = arith.mulf %slice3A_121, %div3A_106 : vector<1x64xf32>
    %slice3A_123 = vector.extract_strided_slice %add3A_53 {offsets = [0, 512], sizes = [1, 64], strides = [1, 1]} : vector<1x1024xf32> to vector<1x64xf32>
    %mul3A_124 = arith.mulf %slice3A_123, %div3A_106 : vector<1x64xf32>
    %slice3A_125 = vector.extract_strided_slice %add3A_53 {offsets = [0, 576], sizes = [1, 64], strides = [1, 1]} : vector<1x1024xf32> to vector<1x64xf32>
    %mul3A_126 = arith.mulf %slice3A_125, %div3A_106 : vector<1x64xf32>
    %slice3A_127 = vector.extract_strided_slice %add3A_53 {offsets = [0, 640], sizes = [1, 64], strides = [1, 1]} : vector<1x1024xf32> to vector<1x64xf32>
    %mul3A_128 = arith.mulf %slice3A_127, %div3A_106 : vector<1x64xf32>
    %slice3A_129 = vector.extract_strided_slice %add3A_53 {offsets = [0, 704], sizes = [1, 64], strides = [1, 1]} : vector<1x1024xf32> to vector<1x64xf32>
    %mul3A_130 = arith.mulf %slice3A_129, %div3A_106 : vector<1x64xf32>
    %slice3A_131 = vector.extract_strided_slice %add3A_53 {offsets = [0, 768], sizes = [1, 64], strides = [1, 1]} : vector<1x1024xf32> to vector<1x64xf32>
    %mul3A_132 = arith.mulf %slice3A_131, %div3A_106 : vector<1x64xf32>
    %slice3A_133 = vector.extract_strided_slice %add3A_53 {offsets = [0, 832], sizes = [1, 64], strides = [1, 1]} : vector<1x1024xf32> to vector<1x64xf32>
    %mul3A_134 = arith.mulf %slice3A_133, %div3A_106 : vector<1x64xf32>
    %slice3A_135 = vector.extract_strided_slice %add3A_53 {offsets = [0, 896], sizes = [1, 64], strides = [1, 1]} : vector<1x1024xf32> to vector<1x64xf32>
    %mul3A_136 = arith.mulf %slice3A_135, %div3A_106 : vector<1x64xf32>
    %slice3A_137 = vector.extract_strided_slice %add3A_53 {offsets = [0, 960], sizes = [1, 64], strides = [1, 1]} : vector<1x1024xf32> to vector<1x64xf32>
    %mul3A_138 = arith.mulf %slice3A_137, %div3A_106 : vector<1x64xf32>
    %concatenate3A = tpu.concatenate %mul3A_108, %mul3A_110, %mul3A_112, %mul3A_114, %mul3A_116, %mul3A_118, %mul3A_120, %mul3A_122, %mul3A_124, %mul3A_126, %mul3A_128, %mul3A_130, %mul3A_132, %mul3A_134, %mul3A_136, %mul3A_138 in 1 : vector<1x64xf32>, vector<1x64xf32>, vector<1x64xf32>, vector<1x64xf32>, vector<1x64xf32>, vector<1x64xf32>, vector<1x64xf32>, vector<1x64xf32>, vector<1x64xf32>, vector<1x64xf32>, vector<1x64xf32>, vector<1x64xf32>, vector<1x64xf32>, vector<1x64xf32>, vector<1x64xf32>, vector<1x64xf32> -> vector<1x1024xf32>
    %transpose3A = tpu.transpose %concatenate3A, [1, 0] : vector<1x1024xf32> -> vector<1024x1xf32>
    %jit3A_139 = arith.constant 0.000000e+00 : f32
    %broadcast_in_dim3A_140 = vector.shape_cast %transpose3A : vector<1024x1xf32> to vector<1024x1xf32>
    %broadcast_in_dim3A_141 = vector.broadcast %broadcast_in_dim3A_140 : vector<1024x1xf32> to vector<1024x64xf32>
    %broadcast_in_dim3A_142 = vector.broadcast %jit3A_139 : f32 to vector<1024x64xf32>
    %select_n3A_143 = arith.select %eq3A_23, %broadcast_in_dim3A_141, %broadcast_in_dim3A_142 : vector<1024x64xi1>, vector<1024x64xf32>
    %convert_element_type3A = arith.truncf %select_n3A_143 : vector<1024x64xf32> to vector<1024x64xbf16>
    %dot_general3A_144 = arith.constant dense<0.000000e+00> : vector<1024x64xf32>
    %dot_general3A_145 = tpu.matmul %get3A_7, %convert_element_type3A, %dot_general3A_144 {dimension_numbers = #tpu.dot_dimension_numbers<[1], [0], [0], [1], [0, 0, 1, 1], [], []>, transpose_lhs_hint = false} : vector<1024x1024xbf16>, vector<1024x64xbf16>, vector<1024x64xf32> -> vector<1024x64xf32>
    %swap3A = arith.constant 0 : index
    %swap3A_146 = arith.constant 0 : index
    %swap3A_147 = vector.load %arg4[%swap3A, %swap3A_146] : memref<1024x64xf32, #tpu.memory_space<vmem>>, vector<1024x64xf32>
    tpu.vector_store %arg4[%swap3A, %swap3A_146], %dot_general3A_145 {strides = array<i32>} : memref<1024x64xf32, #tpu.memory_space<vmem>>, vector<1024x64xf32>,
    %get3A_148 = arith.constant 0 : index
    %get3A_149 = arith.constant 0 : index
    %get3A_150 = vector.load %arg4[%get3A_148, %get3A_149] : memref<1024x64xf32, #tpu.memory_space<vmem>>, vector<256x64xf32>
    %transpose3A_151 = tpu.transpose %get3A_150, [1, 0] : vector<256x64xf32> -> vector<64x256xf32>
    %swap3A_152 = arith.constant 0 : index
    %swap3A_153 = arith.constant 0 : index
    %swap3A_154 = vector.load %arg6[%swap3A_152, %swap3A_153] : memref<64x1024xf32, #tpu.memory_space<vmem>>, vector<64x256xf32>
    tpu.vector_store %arg6[%swap3A_152, %swap3A_153], %transpose3A_151 {strides = array<i32>} : memref<64x1024xf32, #tpu.memory_space<vmem>>, vector<64x256xf32>,
    %get3A_155 = arith.constant 256 : index
    %get3A_156 = arith.constant 0 : index
    %get3A_157 = vector.load %arg4[%get3A_155, %get3A_156] : memref<1024x64xf32, #tpu.memory_space<vmem>>, vector<256x64xf32>
    %transpose3A_158 = tpu.transpose %get3A_157, [1, 0] : vector<256x64xf32> -> vector<64x256xf32>
    %swap3A_159 = arith.constant 0 : index
    %swap3A_160 = arith.constant 256 : index
    %swap3A_161 = vector.load %arg6[%swap3A_159, %swap3A_160] : memref<64x1024xf32, #tpu.memory_space<vmem>>, vector<64x256xf32>
    tpu.vector_store %arg6[%swap3A_159, %swap3A_160], %transpose3A_158 {strides = array<i32>} : memref<64x1024xf32, #tpu.memory_space<vmem>>, vector<64x256xf32>,
    %get3A_162 = arith.constant 512 : index
    %get3A_163 = arith.constant 0 : index
    %get3A_164 = vector.load %arg4[%get3A_162, %get3A_163] : memref<1024x64xf32, #tpu.memory_space<vmem>>, vector<256x64xf32>
    %transpose3A_165 = tpu.transpose %get3A_164, [1, 0] : vector<256x64xf32> -> vector<64x256xf32>
    %swap3A_166 = arith.constant 0 : index
    %swap3A_167 = arith.constant 512 : index
    %swap3A_168 = vector.load %arg6[%swap3A_166, %swap3A_167] : memref<64x1024xf32, #tpu.memory_space<vmem>>, vector<64x256xf32>
    tpu.vector_store %arg6[%swap3A_166, %swap3A_167], %transpose3A_165 {strides = array<i32>} : memref<64x1024xf32, #tpu.memory_space<vmem>>, vector<64x256xf32>,
    %get3A_169 = arith.constant 768 : index
    %get3A_170 = arith.constant 0 : index
    %get3A_171 = vector.load %arg4[%get3A_169, %get3A_170] : memref<1024x64xf32, #tpu.memory_space<vmem>>, vector<256x64xf32>
    %transpose3A_172 = tpu.transpose %get3A_171, [1, 0] : vector<256x64xf32> -> vector<64x256xf32>
    %swap3A_173 = arith.constant 0 : index
    %swap3A_174 = arith.constant 768 : index
    %swap3A_175 = vector.load %arg6[%swap3A_173, %swap3A_174] : memref<64x1024xf32, #tpu.memory_space<vmem>>, vector<64x256xf32>
    tpu.vector_store %arg6[%swap3A_173, %swap3A_174], %transpose3A_172 {strides = array<i32>} : memref<64x1024xf32, #tpu.memory_space<vmem>>, vector<64x256xf32>,
    %get3A_176 = arith.constant 0 : index
    %get3A_177 = arith.constant 0 : index
    %get3A_178 = vector.load %arg6[%get3A_176, %get3A_177] : memref<64x1024xf32, #tpu.memory_space<vmem>>, vector<64x512xf32>
    %reduce_max3A = arith.constant dense<0xFF800000> : vector<512xf32>
    %reduce_max3A_179 = vector.multi_reduction <maximumf>, %get3A_178, %reduce_max3A [0] : vector<64x512xf32> to vector<512xf32>
    %broadcast_in_dim3A_180 = vector.shape_cast %reduce_max3A_179 : vector<512xf32> to vector<1x512xf32>
    %eq3A_181 = vector.broadcast %broadcast_in_dim3A_180 : vector<1x512xf32> to vector<64x512xf32>
    %eq3A_182 = arith.cmpf oeq, %get3A_178, %eq3A_181 : vector<64x512xf32>
    %jit3A_183 = arith.constant 1.000000e+00 : f32
    %jit3A_184 = arith.constant 0.000000e+00 : f32
    %broadcast_in_dim3A_185 = vector.broadcast %jit3A_183 : f32 to vector<64x512xf32>
    %broadcast_in_dim3A_186 = vector.broadcast %jit3A_184 : f32 to vector<64x512xf32>
    %select_n3A_187 = arith.select %eq3A_182, %broadcast_in_dim3A_185, %broadcast_in_dim3A_186 : vector<64x512xi1>, vector<64x512xf32>
    %reduce_sum3A = arith.constant dense<0.000000e+00> : vector<512xf32>
    %reduce_sum3A_188 = vector.multi_reduction <add>, %select_n3A_187, %reduce_sum3A [0] : vector<64x512xf32> to vector<512xf32>
    %broadcast_in_dim3A_189 = vector.shape_cast %reduce_sum3A_188 : vector<512xf32> to vector<1x512xf32>
    %eq3A_190 = vector.broadcast %broadcast_in_dim3A_180 : vector<1x512xf32> to vector<64x512xf32>
    %eq3A_191 = arith.cmpf oeq, %get3A_178, %eq3A_190 : vector<64x512xf32>
    %jit3A_192 = arith.constant 0xFF800000 : f32
    %broadcast_in_dim3A_193 = vector.broadcast %jit3A_192 : f32 to vector<64x512xf32>
    %select_n3A_194 = arith.select %eq3A_191, %broadcast_in_dim3A_193, %get3A_178 : vector<64x512xi1>, vector<64x512xf32>
    %reduce_max3A_195 = arith.constant dense<0xFF800000> : vector<512xf32>
    %reduce_max3A_196 = vector.multi_reduction <maximumf>, %select_n3A_194, %reduce_max3A_195 [0] : vector<64x512xf32> to vector<512xf32>
    %broadcast_in_dim3A_197 = vector.shape_cast %reduce_max3A_196 : vector<512xf32> to vector<1x512xf32>
    %eq3A_198 = vector.broadcast %broadcast_in_dim3A_197 : vector<1x512xf32> to vector<64x512xf32>
    %eq3A_199 = arith.cmpf oeq, %select_n3A_194, %eq3A_198 : vector<64x512xf32>
    %jit3A_200 = arith.constant 1.000000e+00 : f32
    %jit3A_201 = arith.constant 0.000000e+00 : f32
    %broadcast_in_dim3A_202 = vector.broadcast %jit3A_200 : f32 to vector<64x512xf32>
    %broadcast_in_dim3A_203 = vector.broadcast %jit3A_201 : f32 to vector<64x512xf32>
    %select_n3A_204 = arith.select %eq3A_199, %broadcast_in_dim3A_202, %broadcast_in_dim3A_203 : vector<64x512xi1>, vector<64x512xf32>
    %reduce_sum3A_205 = arith.constant dense<0.000000e+00> : vector<512xf32>
    %reduce_sum3A_206 = vector.multi_reduction <add>, %select_n3A_204, %reduce_sum3A_205 [0] : vector<64x512xf32> to vector<512xf32>
    %broadcast_in_dim3A_207 = vector.shape_cast %reduce_sum3A_206 : vector<512xf32> to vector<1x512xf32>
    %lt3A_208 = arith.constant 1.600000e+01 : f32
    %lt3A_209 = vector.broadcast %lt3A_208 : f32 to vector<1x512xf32>
    %lt3A_210 = arith.cmpf olt, %broadcast_in_dim3A_189, %lt3A_209 : vector<1x512xf32>
    %select_n3A_211 = arith.select %lt3A_210, %broadcast_in_dim3A_197, %broadcast_in_dim3A_180 : vector<1x512xi1>, vector<1x512xf32>
    %jit3A_212 = arith.constant 0.000000e+00 : f32
    %broadcast_in_dim3A_213 = vector.broadcast %jit3A_212 : f32 to vector<1x512xf32>
    %select_n3A_214 = arith.select %lt3A_210, %broadcast_in_dim3A_207, %broadcast_in_dim3A_213 : vector<1x512xi1>, vector<1x512xf32>
    %add3A_215 = arith.addf %broadcast_in_dim3A_189, %select_n3A_214 : vector<1x512xf32>
    %eq3A_216 = vector.broadcast %broadcast_in_dim3A_197 : vector<1x512xf32> to vector<64x512xf32>
    %eq3A_217 = arith.cmpf oeq, %select_n3A_194, %eq3A_216 : vector<64x512xf32>
    %jit3A_218 = arith.constant 0xFF800000 : f32
    %broadcast_in_dim3A_219 = vector.broadcast %jit3A_218 : f32 to vector<64x512xf32>
    %select_n3A_220 = arith.select %eq3A_217, %broadcast_in_dim3A_219, %select_n3A_194 : vector<64x512xi1>, vector<64x512xf32>
    %reduce_max3A_221 = arith.constant dense<0xFF800000> : vector<512xf32>
    %reduce_max3A_222 = vector.multi_reduction <maximumf>, %select_n3A_220, %reduce_max3A_221 [0] : vector<64x512xf32> to vector<512xf32>
    %broadcast_in_dim3A_223 = vector.shape_cast %reduce_max3A_222 : vector<512xf32> to vector<1x512xf32>
    %eq3A_224 = vector.broadcast %broadcast_in_dim3A_223 : vector<1x512xf32> to vector<64x512xf32>
    %eq3A_225 = arith.cmpf oeq, %select_n3A_220, %eq3A_224 : vector<64x512xf32>
    %jit3A_226 = arith.constant 1.000000e+00 : f32
    %jit3A_227 = arith.constant 0.000000e+00 : f32
    %broadcast_in_dim3A_228 = vector.broadcast %jit3A_226 : f32 to vector<64x512xf32>
    %broadcast_in_dim3A_229 = vector.broadcast %jit3A_227 : f32 to vector<64x512xf32>
    %select_n3A_230 = arith.select %eq3A_225, %broadcast_in_dim3A_228, %broadcast_in_dim3A_229 : vector<64x512xi1>, vector<64x512xf32>
    %reduce_sum3A_231 = arith.constant dense<0.000000e+00> : vector<512xf32>
    %reduce_sum3A_232 = vector.multi_reduction <add>, %select_n3A_230, %reduce_sum3A_231 [0] : vector<64x512xf32> to vector<512xf32>
    %broadcast_in_dim3A_233 = vector.shape_cast %reduce_sum3A_232 : vector<512xf32> to vector<1x512xf32>
    %lt3A_234 = arith.constant 1.600000e+01 : f32
    %lt3A_235 = vector.broadcast %lt3A_234 : f32 to vector<1x512xf32>
    %lt3A_236 = arith.cmpf olt, %add3A_215, %lt3A_235 : vector<1x512xf32>
    %select_n3A_237 = arith.select %lt3A_236, %broadcast_in_dim3A_223, %select_n3A_211 : vector<1x512xi1>, vector<1x512xf32>
    %jit3A_238 = arith.constant 0.000000e+00 : f32
    %broadcast_in_dim3A_239 = vector.broadcast %jit3A_238 : f32 to vector<1x512xf32>
    %select_n3A_240 = arith.select %lt3A_236, %broadcast_in_dim3A_233, %broadcast_in_dim3A_239 : vector<1x512xi1>, vector<1x512xf32>
    %add3A_241 = arith.addf %add3A_215, %select_n3A_240 : vector<1x512xf32>
    %eq3A_242 = vector.broadcast %broadcast_in_dim3A_223 : vector<1x512xf32> to vector<64x512xf32>
    %eq3A_243 = arith.cmpf oeq, %select_n3A_220, %eq3A_242 : vector<64x512xf32>
    %jit3A_244 = arith.constant 0xFF800000 : f32
    %broadcast_in_dim3A_245 = vector.broadcast %jit3A_244 : f32 to vector<64x512xf32>
    %select_n3A_246 = arith.select %eq3A_243, %broadcast_in_dim3A_245, %select_n3A_220 : vector<64x512xi1>, vector<64x512xf32>
    %reduce_max3A_247 = arith.constant dense<0xFF800000> : vector<512xf32>
    %reduce_max3A_248 = vector.multi_reduction <maximumf>, %select_n3A_246, %reduce_max3A_247 [0] : vector<64x512xf32> to vector<512xf32>
    %broadcast_in_dim3A_249 = vector.shape_cast %reduce_max3A_248 : vector<512xf32> to vector<1x512xf32>
    %eq3A_250 = vector.broadcast %broadcast_in_dim3A_249 : vector<1x512xf32> to vector<64x512xf32>
    %eq3A_251 = arith.cmpf oeq, %select_n3A_246, %eq3A_250 : vector<64x512xf32>
    %jit3A_252 = arith.constant 1.000000e+00 : f32
    %jit3A_253 = arith.constant 0.000000e+00 : f32
    %broadcast_in_dim3A_254 = vector.broadcast %jit3A_252 : f32 to vector<64x512xf32>
    %broadcast_in_dim3A_255 = vector.broadcast %jit3A_253 : f32 to vector<64x512xf32>
    %select_n3A_256 = arith.select %eq3A_251, %broadcast_in_dim3A_254, %broadcast_in_dim3A_255 : vector<64x512xi1>, vector<64x512xf32>
    %reduce_sum3A_257 = arith.constant dense<0.000000e+00> : vector<512xf32>
    %reduce_sum3A_258 = vector.multi_reduction <add>, %select_n3A_256, %reduce_sum3A_257 [0] : vector<64x512xf32> to vector<512xf32>
    %broadcast_in_dim3A_259 = vector.shape_cast %reduce_sum3A_258 : vector<512xf32> to vector<1x512xf32>
    %lt3A_260 = arith.constant 1.600000e+01 : f32
    %lt3A_261 = vector.broadcast %lt3A_260 : f32 to vector<1x512xf32>
    %lt3A_262 = arith.cmpf olt, %add3A_241, %lt3A_261 : vector<1x512xf32>
    %select_n3A_263 = arith.select %lt3A_262, %broadcast_in_dim3A_249, %select_n3A_237 : vector<1x512xi1>, vector<1x512xf32>
    %jit3A_264 = arith.constant 0.000000e+00 : f32
    %broadcast_in_dim3A_265 = vector.broadcast %jit3A_264 : f32 to vector<1x512xf32>
    %select_n3A_266 = arith.select %lt3A_262, %broadcast_in_dim3A_259, %broadcast_in_dim3A_265 : vector<1x512xi1>, vector<1x512xf32>
    %add3A_267 = arith.addf %add3A_241, %select_n3A_266 : vector<1x512xf32>
    %eq3A_268 = vector.broadcast %broadcast_in_dim3A_249 : vector<1x512xf32> to vector<64x512xf32>
    %eq3A_269 = arith.cmpf oeq, %select_n3A_246, %eq3A_268 : vector<64x512xf32>
    %jit3A_270 = arith.constant 0xFF800000 : f32
    %broadcast_in_dim3A_271 = vector.broadcast %jit3A_270 : f32 to vector<64x512xf32>
    %select_n3A_272 = arith.select %eq3A_269, %broadcast_in_dim3A_271, %select_n3A_246 : vector<64x512xi1>, vector<64x512xf32>
    %reduce_max3A_273 = arith.constant dense<0xFF800000> : vector<512xf32>
    %reduce_max3A_274 = vector.multi_reduction <maximumf>, %select_n3A_272, %reduce_max3A_273 [0] : vector<64x512xf32> to vector<512xf32>
    %broadcast_in_dim3A_275 = vector.shape_cast %reduce_max3A_274 : vector<512xf32> to vector<1x512xf32>
    %eq3A_276 = vector.broadcast %broadcast_in_dim3A_275 : vector<1x512xf32> to vector<64x512xf32>
    %eq3A_277 = arith.cmpf oeq, %select_n3A_272, %eq3A_276 : vector<64x512xf32>
    %jit3A_278 = arith.constant 1.000000e+00 : f32
    %jit3A_279 = arith.constant 0.000000e+00 : f32
    %broadcast_in_dim3A_280 = vector.broadcast %jit3A_278 : f32 to vector<64x512xf32>
    %broadcast_in_dim3A_281 = vector.broadcast %jit3A_279 : f32 to vector<64x512xf32>
    %select_n3A_282 = arith.select %eq3A_277, %broadcast_in_dim3A_280, %broadcast_in_dim3A_281 : vector<64x512xi1>, vector<64x512xf32>
    %reduce_sum3A_283 = arith.constant dense<0.000000e+00> : vector<512xf32>
    %reduce_sum3A_284 = vector.multi_reduction <add>, %select_n3A_282, %reduce_sum3A_283 [0] : vector<64x512xf32> to vector<512xf32>
    %broadcast_in_dim3A_285 = vector.shape_cast %reduce_sum3A_284 : vector<512xf32> to vector<1x512xf32>
    %lt3A_286 = arith.constant 1.600000e+01 : f32
    %lt3A_287 = vector.broadcast %lt3A_286 : f32 to vector<1x512xf32>
    %lt3A_288 = arith.cmpf olt, %add3A_267, %lt3A_287 : vector<1x512xf32>
    %select_n3A_289 = arith.select %lt3A_288, %broadcast_in_dim3A_275, %select_n3A_263 : vector<1x512xi1>, vector<1x512xf32>
    %jit3A_290 = arith.constant 0.000000e+00 : f32
    %broadcast_in_dim3A_291 = vector.broadcast %jit3A_290 : f32 to vector<1x512xf32>
    %select_n3A_292 = arith.select %lt3A_288, %broadcast_in_dim3A_285, %broadcast_in_dim3A_291 : vector<1x512xi1>, vector<1x512xf32>
    %add3A_293 = arith.addf %add3A_267, %select_n3A_292 : vector<1x512xf32>
    %eq3A_294 = vector.broadcast %broadcast_in_dim3A_275 : vector<1x512xf32> to vector<64x512xf32>
    %eq3A_295 = arith.cmpf oeq, %select_n3A_272, %eq3A_294 : vector<64x512xf32>
    %jit3A_296 = arith.constant 0xFF800000 : f32
    %broadcast_in_dim3A_297 = vector.broadcast %jit3A_296 : f32 to vector<64x512xf32>
    %select_n3A_298 = arith.select %eq3A_295, %broadcast_in_dim3A_297, %select_n3A_272 : vector<64x512xi1>, vector<64x512xf32>
    %reduce_max3A_299 = arith.constant dense<0xFF800000> : vector<512xf32>
    %reduce_max3A_300 = vector.multi_reduction <maximumf>, %select_n3A_298, %reduce_max3A_299 [0] : vector<64x512xf32> to vector<512xf32>
    %broadcast_in_dim3A_301 = vector.shape_cast %reduce_max3A_300 : vector<512xf32> to vector<1x512xf32>
    %eq3A_302 = vector.broadcast %broadcast_in_dim3A_301 : vector<1x512xf32> to vector<64x512xf32>
    %eq3A_303 = arith.cmpf oeq, %select_n3A_298, %eq3A_302 : vector<64x512xf32>
    %jit3A_304 = arith.constant 1.000000e+00 : f32
    %jit3A_305 = arith.constant 0.000000e+00 : f32
    %broadcast_in_dim3A_306 = vector.broadcast %jit3A_304 : f32 to vector<64x512xf32>
    %broadcast_in_dim3A_307 = vector.broadcast %jit3A_305 : f32 to vector<64x512xf32>
    %select_n3A_308 = arith.select %eq3A_303, %broadcast_in_dim3A_306, %broadcast_in_dim3A_307 : vector<64x512xi1>, vector<64x512xf32>
    %reduce_sum3A_309 = arith.constant dense<0.000000e+00> : vector<512xf32>
    %reduce_sum3A_310 = vector.multi_reduction <add>, %select_n3A_308, %reduce_sum3A_309 [0] : vector<64x512xf32> to vector<512xf32>
    %broadcast_in_dim3A_311 = vector.shape_cast %reduce_sum3A_310 : vector<512xf32> to vector<1x512xf32>
    %lt3A_312 = arith.constant 1.600000e+01 : f32
    %lt3A_313 = vector.broadcast %lt3A_312 : f32 to vector<1x512xf32>
    %lt3A_314 = arith.cmpf olt, %add3A_293, %lt3A_313 : vector<1x512xf32>
    %select_n3A_315 = arith.select %lt3A_314, %broadcast_in_dim3A_301, %select_n3A_289 : vector<1x512xi1>, vector<1x512xf32>
    %jit3A_316 = arith.constant 0.000000e+00 : f32
    %broadcast_in_dim3A_317 = vector.broadcast %jit3A_316 : f32 to vector<1x512xf32>
    %select_n3A_318 = arith.select %lt3A_314, %broadcast_in_dim3A_311, %broadcast_in_dim3A_317 : vector<1x512xi1>, vector<1x512xf32>
    %add3A_319 = arith.addf %add3A_293, %select_n3A_318 : vector<1x512xf32>
    %eq3A_320 = vector.broadcast %broadcast_in_dim3A_301 : vector<1x512xf32> to vector<64x512xf32>
    %eq3A_321 = arith.cmpf oeq, %select_n3A_298, %eq3A_320 : vector<64x512xf32>
    %jit3A_322 = arith.constant 0xFF800000 : f32
    %broadcast_in_dim3A_323 = vector.broadcast %jit3A_322 : f32 to vector<64x512xf32>
    %select_n3A_324 = arith.select %eq3A_321, %broadcast_in_dim3A_323, %select_n3A_298 : vector<64x512xi1>, vector<64x512xf32>
    %reduce_max3A_325 = arith.constant dense<0xFF800000> : vector<512xf32>
    %reduce_max3A_326 = vector.multi_reduction <maximumf>, %select_n3A_324, %reduce_max3A_325 [0] : vector<64x512xf32> to vector<512xf32>
    %broadcast_in_dim3A_327 = vector.shape_cast %reduce_max3A_326 : vector<512xf32> to vector<1x512xf32>
    %eq3A_328 = vector.broadcast %broadcast_in_dim3A_327 : vector<1x512xf32> to vector<64x512xf32>
    %eq3A_329 = arith.cmpf oeq, %select_n3A_324, %eq3A_328 : vector<64x512xf32>
    %jit3A_330 = arith.constant 1.000000e+00 : f32
    %jit3A_331 = arith.constant 0.000000e+00 : f32
    %broadcast_in_dim3A_332 = vector.broadcast %jit3A_330 : f32 to vector<64x512xf32>
    %broadcast_in_dim3A_333 = vector.broadcast %jit3A_331 : f32 to vector<64x512xf32>
    %select_n3A_334 = arith.select %eq3A_329, %broadcast_in_dim3A_332, %broadcast_in_dim3A_333 : vector<64x512xi1>, vector<64x512xf32>
    %reduce_sum3A_335 = arith.constant dense<0.000000e+00> : vector<512xf32>
    %reduce_sum3A_336 = vector.multi_reduction <add>, %select_n3A_334, %reduce_sum3A_335 [0] : vector<64x512xf32> to vector<512xf32>
    %broadcast_in_dim3A_337 = vector.shape_cast %reduce_sum3A_336 : vector<512xf32> to vector<1x512xf32>
    %lt3A_338 = arith.constant 1.600000e+01 : f32
    %lt3A_339 = vector.broadcast %lt3A_338 : f32 to vector<1x512xf32>
    %lt3A_340 = arith.cmpf olt, %add3A_319, %lt3A_339 : vector<1x512xf32>
    %select_n3A_341 = arith.select %lt3A_340, %broadcast_in_dim3A_327, %select_n3A_315 : vector<1x512xi1>, vector<1x512xf32>
    %jit3A_342 = arith.constant 0.000000e+00 : f32
    %broadcast_in_dim3A_343 = vector.broadcast %jit3A_342 : f32 to vector<1x512xf32>
    %select_n3A_344 = arith.select %lt3A_340, %broadcast_in_dim3A_337, %broadcast_in_dim3A_343 : vector<1x512xi1>, vector<1x512xf32>
    %add3A_345 = arith.addf %add3A_319, %select_n3A_344 : vector<1x512xf32>
    %eq3A_346 = vector.broadcast %broadcast_in_dim3A_327 : vector<1x512xf32> to vector<64x512xf32>
    %eq3A_347 = arith.cmpf oeq, %select_n3A_324, %eq3A_346 : vector<64x512xf32>
    %jit3A_348 = arith.constant 0xFF800000 : f32
    %broadcast_in_dim3A_349 = vector.broadcast %jit3A_348 : f32 to vector<64x512xf32>
    %select_n3A_350 = arith.select %eq3A_347, %broadcast_in_dim3A_349, %select_n3A_324 : vector<64x512xi1>, vector<64x512xf32>
    %reduce_max3A_351 = arith.constant dense<0xFF800000> : vector<512xf32>
    %reduce_max3A_352 = vector.multi_reduction <maximumf>, %select_n3A_350, %reduce_max3A_351 [0] : vector<64x512xf32> to vector<512xf32>
    %broadcast_in_dim3A_353 = vector.shape_cast %reduce_max3A_352 : vector<512xf32> to vector<1x512xf32>
    %eq3A_354 = vector.broadcast %broadcast_in_dim3A_353 : vector<1x512xf32> to vector<64x512xf32>
    %eq3A_355 = arith.cmpf oeq, %select_n3A_350, %eq3A_354 : vector<64x512xf32>
    %jit3A_356 = arith.constant 1.000000e+00 : f32
    %jit3A_357 = arith.constant 0.000000e+00 : f32
    %broadcast_in_dim3A_358 = vector.broadcast %jit3A_356 : f32 to vector<64x512xf32>
    %broadcast_in_dim3A_359 = vector.broadcast %jit3A_357 : f32 to vector<64x512xf32>
    %select_n3A_360 = arith.select %eq3A_355, %broadcast_in_dim3A_358, %broadcast_in_dim3A_359 : vector<64x512xi1>, vector<64x512xf32>
    %reduce_sum3A_361 = arith.constant dense<0.000000e+00> : vector<512xf32>
    %reduce_sum3A_362 = vector.multi_reduction <add>, %select_n3A_360, %reduce_sum3A_361 [0] : vector<64x512xf32> to vector<512xf32>
    %broadcast_in_dim3A_363 = vector.shape_cast %reduce_sum3A_362 : vector<512xf32> to vector<1x512xf32>
    %lt3A_364 = arith.constant 1.600000e+01 : f32
    %lt3A_365 = vector.broadcast %lt3A_364 : f32 to vector<1x512xf32>
    %lt3A_366 = arith.cmpf olt, %add3A_345, %lt3A_365 : vector<1x512xf32>
    %select_n3A_367 = arith.select %lt3A_366, %broadcast_in_dim3A_353, %select_n3A_341 : vector<1x512xi1>, vector<1x512xf32>
    %jit3A_368 = arith.constant 0.000000e+00 : f32
    %broadcast_in_dim3A_369 = vector.broadcast %jit3A_368 : f32 to vector<1x512xf32>
    %select_n3A_370 = arith.select %lt3A_366, %broadcast_in_dim3A_363, %broadcast_in_dim3A_369 : vector<1x512xi1>, vector<1x512xf32>
    %add3A_371 = arith.addf %add3A_345, %select_n3A_370 : vector<1x512xf32>
    %eq3A_372 = vector.broadcast %broadcast_in_dim3A_353 : vector<1x512xf32> to vector<64x512xf32>
    %eq3A_373 = arith.cmpf oeq, %select_n3A_350, %eq3A_372 : vector<64x512xf32>
    %jit3A_374 = arith.constant 0xFF800000 : f32
    %broadcast_in_dim3A_375 = vector.broadcast %jit3A_374 : f32 to vector<64x512xf32>
    %select_n3A_376 = arith.select %eq3A_373, %broadcast_in_dim3A_375, %select_n3A_350 : vector<64x512xi1>, vector<64x512xf32>
    %reduce_max3A_377 = arith.constant dense<0xFF800000> : vector<512xf32>
    %reduce_max3A_378 = vector.multi_reduction <maximumf>, %select_n3A_376, %reduce_max3A_377 [0] : vector<64x512xf32> to vector<512xf32>
    %broadcast_in_dim3A_379 = vector.shape_cast %reduce_max3A_378 : vector<512xf32> to vector<1x512xf32>
    %eq3A_380 = vector.broadcast %broadcast_in_dim3A_379 : vector<1x512xf32> to vector<64x512xf32>
    %eq3A_381 = arith.cmpf oeq, %select_n3A_376, %eq3A_380 : vector<64x512xf32>
    %jit3A_382 = arith.constant 1.000000e+00 : f32
    %jit3A_383 = arith.constant 0.000000e+00 : f32
    %broadcast_in_dim3A_384 = vector.broadcast %jit3A_382 : f32 to vector<64x512xf32>
    %broadcast_in_dim3A_385 = vector.broadcast %jit3A_383 : f32 to vector<64x512xf32>
    %select_n3A_386 = arith.select %eq3A_381, %broadcast_in_dim3A_384, %broadcast_in_dim3A_385 : vector<64x512xi1>, vector<64x512xf32>
    %reduce_sum3A_387 = arith.constant dense<0.000000e+00> : vector<512xf32>
    %reduce_sum3A_388 = vector.multi_reduction <add>, %select_n3A_386, %reduce_sum3A_387 [0] : vector<64x512xf32> to vector<512xf32>
    %broadcast_in_dim3A_389 = vector.shape_cast %reduce_sum3A_388 : vector<512xf32> to vector<1x512xf32>
    %lt3A_390 = arith.constant 1.600000e+01 : f32
    %lt3A_391 = vector.broadcast %lt3A_390 : f32 to vector<1x512xf32>
    %lt3A_392 = arith.cmpf olt, %add3A_371, %lt3A_391 : vector<1x512xf32>
    %select_n3A_393 = arith.select %lt3A_392, %broadcast_in_dim3A_379, %select_n3A_367 : vector<1x512xi1>, vector<1x512xf32>
    %jit3A_394 = arith.constant 0.000000e+00 : f32
    %broadcast_in_dim3A_395 = vector.broadcast %jit3A_394 : f32 to vector<1x512xf32>
    %select_n3A_396 = arith.select %lt3A_392, %broadcast_in_dim3A_389, %broadcast_in_dim3A_395 : vector<1x512xi1>, vector<1x512xf32>
    %add3A_397 = arith.addf %add3A_371, %select_n3A_396 : vector<1x512xf32>
    %eq3A_398 = vector.broadcast %broadcast_in_dim3A_379 : vector<1x512xf32> to vector<64x512xf32>
    %eq3A_399 = arith.cmpf oeq, %select_n3A_376, %eq3A_398 : vector<64x512xf32>
    %jit3A_400 = arith.constant 0xFF800000 : f32
    %broadcast_in_dim3A_401 = vector.broadcast %jit3A_400 : f32 to vector<64x512xf32>
    %select_n3A_402 = arith.select %eq3A_399, %broadcast_in_dim3A_401, %select_n3A_376 : vector<64x512xi1>, vector<64x512xf32>
    %reduce_max3A_403 = arith.constant dense<0xFF800000> : vector<512xf32>
    %reduce_max3A_404 = vector.multi_reduction <maximumf>, %select_n3A_402, %reduce_max3A_403 [0] : vector<64x512xf32> to vector<512xf32>
    %broadcast_in_dim3A_405 = vector.shape_cast %reduce_max3A_404 : vector<512xf32> to vector<1x512xf32>
    %eq3A_406 = vector.broadcast %broadcast_in_dim3A_405 : vector<1x512xf32> to vector<64x512xf32>
    %eq3A_407 = arith.cmpf oeq, %select_n3A_402, %eq3A_406 : vector<64x512xf32>
    %jit3A_408 = arith.constant 1.000000e+00 : f32
    %jit3A_409 = arith.constant 0.000000e+00 : f32
    %broadcast_in_dim3A_410 = vector.broadcast %jit3A_408 : f32 to vector<64x512xf32>
    %broadcast_in_dim3A_411 = vector.broadcast %jit3A_409 : f32 to vector<64x512xf32>
    %select_n3A_412 = arith.select %eq3A_407, %broadcast_in_dim3A_410, %broadcast_in_dim3A_411 : vector<64x512xi1>, vector<64x512xf32>
    %reduce_sum3A_413 = arith.constant dense<0.000000e+00> : vector<512xf32>
    %reduce_sum3A_414 = vector.multi_reduction <add>, %select_n3A_412, %reduce_sum3A_413 [0] : vector<64x512xf32> to vector<512xf32>
    %broadcast_in_dim3A_415 = vector.shape_cast %reduce_sum3A_414 : vector<512xf32> to vector<1x512xf32>
    %lt3A_416 = arith.constant 1.600000e+01 : f32
    %lt3A_417 = vector.broadcast %lt3A_416 : f32 to vector<1x512xf32>
    %lt3A_418 = arith.cmpf olt, %add3A_397, %lt3A_417 : vector<1x512xf32>
    %select_n3A_419 = arith.select %lt3A_418, %broadcast_in_dim3A_405, %select_n3A_393 : vector<1x512xi1>, vector<1x512xf32>
    %jit3A_420 = arith.constant 0.000000e+00 : f32
    %broadcast_in_dim3A_421 = vector.broadcast %jit3A_420 : f32 to vector<1x512xf32>
    %select_n3A_422 = arith.select %lt3A_418, %broadcast_in_dim3A_415, %broadcast_in_dim3A_421 : vector<1x512xi1>, vector<1x512xf32>
    %add3A_423 = arith.addf %add3A_397, %select_n3A_422 : vector<1x512xf32>
    %eq3A_424 = vector.broadcast %broadcast_in_dim3A_405 : vector<1x512xf32> to vector<64x512xf32>
    %eq3A_425 = arith.cmpf oeq, %select_n3A_402, %eq3A_424 : vector<64x512xf32>
    %jit3A_426 = arith.constant 0xFF800000 : f32
    %broadcast_in_dim3A_427 = vector.broadcast %jit3A_426 : f32 to vector<64x512xf32>
    %select_n3A_428 = arith.select %eq3A_425, %broadcast_in_dim3A_427, %select_n3A_402 : vector<64x512xi1>, vector<64x512xf32>
    %reduce_max3A_429 = arith.constant dense<0xFF800000> : vector<512xf32>
    %reduce_max3A_430 = vector.multi_reduction <maximumf>, %select_n3A_428, %reduce_max3A_429 [0] : vector<64x512xf32> to vector<512xf32>
    %broadcast_in_dim3A_431 = vector.shape_cast %reduce_max3A_430 : vector<512xf32> to vector<1x512xf32>
    %eq3A_432 = vector.broadcast %broadcast_in_dim3A_431 : vector<1x512xf32> to vector<64x512xf32>
    %eq3A_433 = arith.cmpf oeq, %select_n3A_428, %eq3A_432 : vector<64x512xf32>
    %jit3A_434 = arith.constant 1.000000e+00 : f32
    %jit3A_435 = arith.constant 0.000000e+00 : f32
    %broadcast_in_dim3A_436 = vector.broadcast %jit3A_434 : f32 to vector<64x512xf32>
    %broadcast_in_dim3A_437 = vector.broadcast %jit3A_435 : f32 to vector<64x512xf32>
    %select_n3A_438 = arith.select %eq3A_433, %broadcast_in_dim3A_436, %broadcast_in_dim3A_437 : vector<64x512xi1>, vector<64x512xf32>
    %reduce_sum3A_439 = arith.constant dense<0.000000e+00> : vector<512xf32>
    %reduce_sum3A_440 = vector.multi_reduction <add>, %select_n3A_438, %reduce_sum3A_439 [0] : vector<64x512xf32> to vector<512xf32>
    %broadcast_in_dim3A_441 = vector.shape_cast %reduce_sum3A_440 : vector<512xf32> to vector<1x512xf32>
    %lt3A_442 = arith.constant 1.600000e+01 : f32
    %lt3A_443 = vector.broadcast %lt3A_442 : f32 to vector<1x512xf32>
    %lt3A_444 = arith.cmpf olt, %add3A_423, %lt3A_443 : vector<1x512xf32>
    %select_n3A_445 = arith.select %lt3A_444, %broadcast_in_dim3A_431, %select_n3A_419 : vector<1x512xi1>, vector<1x512xf32>
    %jit3A_446 = arith.constant 0.000000e+00 : f32
    %broadcast_in_dim3A_447 = vector.broadcast %jit3A_446 : f32 to vector<1x512xf32>
    %select_n3A_448 = arith.select %lt3A_444, %broadcast_in_dim3A_441, %broadcast_in_dim3A_447 : vector<1x512xi1>, vector<1x512xf32>
    %add3A_449 = arith.addf %add3A_423, %select_n3A_448 : vector<1x512xf32>
    %eq3A_450 = vector.broadcast %broadcast_in_dim3A_431 : vector<1x512xf32> to vector<64x512xf32>
    %eq3A_451 = arith.cmpf oeq, %select_n3A_428, %eq3A_450 : vector<64x512xf32>
    %jit3A_452 = arith.constant 0xFF800000 : f32
    %broadcast_in_dim3A_453 = vector.broadcast %jit3A_452 : f32 to vector<64x512xf32>
    %select_n3A_454 = arith.select %eq3A_451, %broadcast_in_dim3A_453, %select_n3A_428 : vector<64x512xi1>, vector<64x512xf32>
    %reduce_max3A_455 = arith.constant dense<0xFF800000> : vector<512xf32>
    %reduce_max3A_456 = vector.multi_reduction <maximumf>, %select_n3A_454, %reduce_max3A_455 [0] : vector<64x512xf32> to vector<512xf32>
    %broadcast_in_dim3A_457 = vector.shape_cast %reduce_max3A_456 : vector<512xf32> to vector<1x512xf32>
    %eq3A_458 = vector.broadcast %broadcast_in_dim3A_457 : vector<1x512xf32> to vector<64x512xf32>
    %eq3A_459 = arith.cmpf oeq, %select_n3A_454, %eq3A_458 : vector<64x512xf32>
    %jit3A_460 = arith.constant 1.000000e+00 : f32
    %jit3A_461 = arith.constant 0.000000e+00 : f32
    %broadcast_in_dim3A_462 = vector.broadcast %jit3A_460 : f32 to vector<64x512xf32>
    %broadcast_in_dim3A_463 = vector.broadcast %jit3A_461 : f32 to vector<64x512xf32>
    %select_n3A_464 = arith.select %eq3A_459, %broadcast_in_dim3A_462, %broadcast_in_dim3A_463 : vector<64x512xi1>, vector<64x512xf32>
    %reduce_sum3A_465 = arith.constant dense<0.000000e+00> : vector<512xf32>
    %reduce_sum3A_466 = vector.multi_reduction <add>, %select_n3A_464, %reduce_sum3A_465 [0] : vector<64x512xf32> to vector<512xf32>
    %broadcast_in_dim3A_467 = vector.shape_cast %reduce_sum3A_466 : vector<512xf32> to vector<1x512xf32>
    %lt3A_468 = arith.constant 1.600000e+01 : f32
    %lt3A_469 = vector.broadcast %lt3A_468 : f32 to vector<1x512xf32>
    %lt3A_470 = arith.cmpf olt, %add3A_449, %lt3A_469 : vector<1x512xf32>
    %select_n3A_471 = arith.select %lt3A_470, %broadcast_in_dim3A_457, %select_n3A_445 : vector<1x512xi1>, vector<1x512xf32>
    %jit3A_472 = arith.constant 0.000000e+00 : f32
    %broadcast_in_dim3A_473 = vector.broadcast %jit3A_472 : f32 to vector<1x512xf32>
    %select_n3A_474 = arith.select %lt3A_470, %broadcast_in_dim3A_467, %broadcast_in_dim3A_473 : vector<1x512xi1>, vector<1x512xf32>
    %add3A_475 = arith.addf %add3A_449, %select_n3A_474 : vector<1x512xf32>
    %eq3A_476 = vector.broadcast %broadcast_in_dim3A_457 : vector<1x512xf32> to vector<64x512xf32>
    %eq3A_477 = arith.cmpf oeq, %select_n3A_454, %eq3A_476 : vector<64x512xf32>
    %jit3A_478 = arith.constant 0xFF800000 : f32
    %broadcast_in_dim3A_479 = vector.broadcast %jit3A_478 : f32 to vector<64x512xf32>
    %select_n3A_480 = arith.select %eq3A_477, %broadcast_in_dim3A_479, %select_n3A_454 : vector<64x512xi1>, vector<64x512xf32>
    %reduce_max3A_481 = arith.constant dense<0xFF800000> : vector<512xf32>
    %reduce_max3A_482 = vector.multi_reduction <maximumf>, %select_n3A_480, %reduce_max3A_481 [0] : vector<64x512xf32> to vector<512xf32>
    %broadcast_in_dim3A_483 = vector.shape_cast %reduce_max3A_482 : vector<512xf32> to vector<1x512xf32>
    %eq3A_484 = vector.broadcast %broadcast_in_dim3A_483 : vector<1x512xf32> to vector<64x512xf32>
    %eq3A_485 = arith.cmpf oeq, %select_n3A_480, %eq3A_484 : vector<64x512xf32>
    %jit3A_486 = arith.constant 1.000000e+00 : f32
    %jit3A_487 = arith.constant 0.000000e+00 : f32
    %broadcast_in_dim3A_488 = vector.broadcast %jit3A_486 : f32 to vector<64x512xf32>
    %broadcast_in_dim3A_489 = vector.broadcast %jit3A_487 : f32 to vector<64x512xf32>
    %select_n3A_490 = arith.select %eq3A_485, %broadcast_in_dim3A_488, %broadcast_in_dim3A_489 : vector<64x512xi1>, vector<64x512xf32>
    %reduce_sum3A_491 = arith.constant dense<0.000000e+00> : vector<512xf32>
    %reduce_sum3A_492 = vector.multi_reduction <add>, %select_n3A_490, %reduce_sum3A_491 [0] : vector<64x512xf32> to vector<512xf32>
    %broadcast_in_dim3A_493 = vector.shape_cast %reduce_sum3A_492 : vector<512xf32> to vector<1x512xf32>
    %lt3A_494 = arith.constant 1.600000e+01 : f32
    %lt3A_495 = vector.broadcast %lt3A_494 : f32 to vector<1x512xf32>
    %lt3A_496 = arith.cmpf olt, %add3A_475, %lt3A_495 : vector<1x512xf32>
    %select_n3A_497 = arith.select %lt3A_496, %broadcast_in_dim3A_483, %select_n3A_471 : vector<1x512xi1>, vector<1x512xf32>
    %jit3A_498 = arith.constant 0.000000e+00 : f32
    %broadcast_in_dim3A_499 = vector.broadcast %jit3A_498 : f32 to vector<1x512xf32>
    %select_n3A_500 = arith.select %lt3A_496, %broadcast_in_dim3A_493, %broadcast_in_dim3A_499 : vector<1x512xi1>, vector<1x512xf32>
    %add3A_501 = arith.addf %add3A_475, %select_n3A_500 : vector<1x512xf32>
    %eq3A_502 = vector.broadcast %broadcast_in_dim3A_483 : vector<1x512xf32> to vector<64x512xf32>
    %eq3A_503 = arith.cmpf oeq, %select_n3A_480, %eq3A_502 : vector<64x512xf32>
    %jit3A_504 = arith.constant 0xFF800000 : f32
    %broadcast_in_dim3A_505 = vector.broadcast %jit3A_504 : f32 to vector<64x512xf32>
    %select_n3A_506 = arith.select %eq3A_503, %broadcast_in_dim3A_505, %select_n3A_480 : vector<64x512xi1>, vector<64x512xf32>
    %reduce_max3A_507 = arith.constant dense<0xFF800000> : vector<512xf32>
    %reduce_max3A_508 = vector.multi_reduction <maximumf>, %select_n3A_506, %reduce_max3A_507 [0] : vector<64x512xf32> to vector<512xf32>
    %broadcast_in_dim3A_509 = vector.shape_cast %reduce_max3A_508 : vector<512xf32> to vector<1x512xf32>
    %eq3A_510 = vector.broadcast %broadcast_in_dim3A_509 : vector<1x512xf32> to vector<64x512xf32>
    %eq3A_511 = arith.cmpf oeq, %select_n3A_506, %eq3A_510 : vector<64x512xf32>
    %jit3A_512 = arith.constant 1.000000e+00 : f32
    %jit3A_513 = arith.constant 0.000000e+00 : f32
    %broadcast_in_dim3A_514 = vector.broadcast %jit3A_512 : f32 to vector<64x512xf32>
    %broadcast_in_dim3A_515 = vector.broadcast %jit3A_513 : f32 to vector<64x512xf32>
    %select_n3A_516 = arith.select %eq3A_511, %broadcast_in_dim3A_514, %broadcast_in_dim3A_515 : vector<64x512xi1>, vector<64x512xf32>
    %reduce_sum3A_517 = arith.constant dense<0.000000e+00> : vector<512xf32>
    %reduce_sum3A_518 = vector.multi_reduction <add>, %select_n3A_516, %reduce_sum3A_517 [0] : vector<64x512xf32> to vector<512xf32>
    %broadcast_in_dim3A_519 = vector.shape_cast %reduce_sum3A_518 : vector<512xf32> to vector<1x512xf32>
    %lt3A_520 = arith.constant 1.600000e+01 : f32
    %lt3A_521 = vector.broadcast %lt3A_520 : f32 to vector<1x512xf32>
    %lt3A_522 = arith.cmpf olt, %add3A_501, %lt3A_521 : vector<1x512xf32>
    %select_n3A_523 = arith.select %lt3A_522, %broadcast_in_dim3A_509, %select_n3A_497 : vector<1x512xi1>, vector<1x512xf32>
    %jit3A_524 = arith.constant 0.000000e+00 : f32
    %broadcast_in_dim3A_525 = vector.broadcast %jit3A_524 : f32 to vector<1x512xf32>
    %select_n3A_526 = arith.select %lt3A_522, %broadcast_in_dim3A_519, %broadcast_in_dim3A_525 : vector<1x512xi1>, vector<1x512xf32>
    %add3A_527 = arith.addf %add3A_501, %select_n3A_526 : vector<1x512xf32>
    %eq3A_528 = vector.broadcast %broadcast_in_dim3A_509 : vector<1x512xf32> to vector<64x512xf32>
    %eq3A_529 = arith.cmpf oeq, %select_n3A_506, %eq3A_528 : vector<64x512xf32>
    %jit3A_530 = arith.constant 0xFF800000 : f32
    %broadcast_in_dim3A_531 = vector.broadcast %jit3A_530 : f32 to vector<64x512xf32>
    %select_n3A_532 = arith.select %eq3A_529, %broadcast_in_dim3A_531, %select_n3A_506 : vector<64x512xi1>, vector<64x512xf32>
    %reduce_max3A_533 = arith.constant dense<0xFF800000> : vector<512xf32>
    %reduce_max3A_534 = vector.multi_reduction <maximumf>, %select_n3A_532, %reduce_max3A_533 [0] : vector<64x512xf32> to vector<512xf32>
    %broadcast_in_dim3A_535 = vector.shape_cast %reduce_max3A_534 : vector<512xf32> to vector<1x512xf32>
    %eq3A_536 = vector.broadcast %broadcast_in_dim3A_535 : vector<1x512xf32> to vector<64x512xf32>
    %eq3A_537 = arith.cmpf oeq, %select_n3A_532, %eq3A_536 : vector<64x512xf32>
    %jit3A_538 = arith.constant 1.000000e+00 : f32
    %jit3A_539 = arith.constant 0.000000e+00 : f32
    %broadcast_in_dim3A_540 = vector.broadcast %jit3A_538 : f32 to vector<64x512xf32>
    %broadcast_in_dim3A_541 = vector.broadcast %jit3A_539 : f32 to vector<64x512xf32>
    %select_n3A_542 = arith.select %eq3A_537, %broadcast_in_dim3A_540, %broadcast_in_dim3A_541 : vector<64x512xi1>, vector<64x512xf32>
    %reduce_sum3A_543 = arith.constant dense<0.000000e+00> : vector<512xf32>
    %reduce_sum3A_544 = vector.multi_reduction <add>, %select_n3A_542, %reduce_sum3A_543 [0] : vector<64x512xf32> to vector<512xf32>
    %broadcast_in_dim3A_545 = vector.shape_cast %reduce_sum3A_544 : vector<512xf32> to vector<1x512xf32>
    %lt3A_546 = arith.constant 1.600000e+01 : f32
    %lt3A_547 = vector.broadcast %lt3A_546 : f32 to vector<1x512xf32>
    %lt3A_548 = arith.cmpf olt, %add3A_527, %lt3A_547 : vector<1x512xf32>
    %select_n3A_549 = arith.select %lt3A_548, %broadcast_in_dim3A_535, %select_n3A_523 : vector<1x512xi1>, vector<1x512xf32>
    %jit3A_550 = arith.constant 0.000000e+00 : f32
    %broadcast_in_dim3A_551 = vector.broadcast %jit3A_550 : f32 to vector<1x512xf32>
    %select_n3A_552 = arith.select %lt3A_548, %broadcast_in_dim3A_545, %broadcast_in_dim3A_551 : vector<1x512xi1>, vector<1x512xf32>
    %add3A_553 = arith.addf %add3A_527, %select_n3A_552 : vector<1x512xf32>
    %eq3A_554 = vector.broadcast %broadcast_in_dim3A_535 : vector<1x512xf32> to vector<64x512xf32>
    %eq3A_555 = arith.cmpf oeq, %select_n3A_532, %eq3A_554 : vector<64x512xf32>
    %jit3A_556 = arith.constant 0xFF800000 : f32
    %broadcast_in_dim3A_557 = vector.broadcast %jit3A_556 : f32 to vector<64x512xf32>
    %select_n3A_558 = arith.select %eq3A_555, %broadcast_in_dim3A_557, %select_n3A_532 : vector<64x512xi1>, vector<64x512xf32>
    %reduce_max3A_559 = arith.constant dense<0xFF800000> : vector<512xf32>
    %reduce_max3A_560 = vector.multi_reduction <maximumf>, %select_n3A_558, %reduce_max3A_559 [0] : vector<64x512xf32> to vector<512xf32>
    %broadcast_in_dim3A_561 = vector.shape_cast %reduce_max3A_560 : vector<512xf32> to vector<1x512xf32>
    %lt3A_562 = arith.constant 1.600000e+01 : f32
    %lt3A_563 = vector.broadcast %lt3A_562 : f32 to vector<1x512xf32>
    %lt3A_564 = arith.cmpf olt, %add3A_553, %lt3A_563 : vector<1x512xf32>
    %select_n3A_565 = arith.select %lt3A_564, %broadcast_in_dim3A_561, %select_n3A_549 : vector<1x512xi1>, vector<1x512xf32>
    %ge3A = vector.broadcast %select_n3A_565 : vector<1x512xf32> to vector<64x512xf32>
    %ge3A_566 = arith.cmpf oge, %get3A_178, %ge3A : vector<64x512xf32>
    %sub3A = vector.broadcast %broadcast_in_dim3A_180 : vector<1x512xf32> to vector<64x512xf32>
    %sub3A_567 = arith.subf %get3A_178, %sub3A : vector<64x512xf32>
    %exp3A = math.exp %sub3A_567 : vector<64x512xf32>
    %jit3A_568 = arith.constant 0.000000e+00 : f32
    %broadcast_in_dim3A_569 = vector.broadcast %jit3A_568 : f32 to vector<64x512xf32>
    %select_n3A_570 = arith.select %ge3A_566, %exp3A, %broadcast_in_dim3A_569 : vector<64x512xi1>, vector<64x512xf32>
    %reduce_sum3A_571 = arith.constant dense<0.000000e+00> : vector<512xf32>
    %reduce_sum3A_572 = vector.multi_reduction <add>, %select_n3A_570, %reduce_sum3A_571 [0] : vector<64x512xf32> to vector<512xf32>
    %broadcast_in_dim3A_573 = vector.shape_cast %reduce_sum3A_572 : vector<512xf32> to vector<1x512xf32>
    %div3A_574 = vector.broadcast %broadcast_in_dim3A_573 : vector<1x512xf32> to vector<64x512xf32>
    %div3A_575 = arith.divf %select_n3A_570, %div3A_574 : vector<64x512xf32>
    %convert_element_type3A_576 = arith.truncf %div3A_575 : vector<64x512xf32> to vector<64x512xbf16>
    %swap3A_577 = arith.constant 0 : index
    %swap3A_578 = arith.constant 0 : index
    %swap3A_579 = vector.load %arg5[%swap3A_577, %swap3A_578] : memref<64x1024xbf16, #tpu.memory_space<vmem>>, vector<64x512xbf16>
    tpu.vector_store %arg5[%swap3A_577, %swap3A_578], %convert_element_type3A_576 {strides = array<i32>} : memref<64x1024xbf16, #tpu.memory_space<vmem>>, vector<64x512xbf16>,
    %get3A_580 = arith.constant 0 : index
    %get3A_581 = arith.constant 512 : index
    %get3A_582 = vector.load %arg6[%get3A_580, %get3A_581] : memref<64x1024xf32, #tpu.memory_space<vmem>>, vector<64x512xf32>
    %reduce_max3A_583 = arith.constant dense<0xFF800000> : vector<512xf32>
    %reduce_max3A_584 = vector.multi_reduction <maximumf>, %get3A_582, %reduce_max3A_583 [0] : vector<64x512xf32> to vector<512xf32>
    %broadcast_in_dim3A_585 = vector.shape_cast %reduce_max3A_584 : vector<512xf32> to vector<1x512xf32>
    %eq3A_586 = vector.broadcast %broadcast_in_dim3A_585 : vector<1x512xf32> to vector<64x512xf32>
    %eq3A_587 = arith.cmpf oeq, %get3A_582, %eq3A_586 : vector<64x512xf32>
    %jit3A_588 = arith.constant 1.000000e+00 : f32
    %jit3A_589 = arith.constant 0.000000e+00 : f32
    %broadcast_in_dim3A_590 = vector.broadcast %jit3A_588 : f32 to vector<64x512xf32>
    %broadcast_in_dim3A_591 = vector.broadcast %jit3A_589 : f32 to vector<64x512xf32>
    %select_n3A_592 = arith.select %eq3A_587, %broadcast_in_dim3A_590, %broadcast_in_dim3A_591 : vector<64x512xi1>, vector<64x512xf32>
    %reduce_sum3A_593 = arith.constant dense<0.000000e+00> : vector<512xf32>
    %reduce_sum3A_594 = vector.multi_reduction <add>, %select_n3A_592, %reduce_sum3A_593 [0] : vector<64x512xf32> to vector<512xf32>
    %broadcast_in_dim3A_595 = vector.shape_cast %reduce_sum3A_594 : vector<512xf32> to vector<1x512xf32>
    %eq3A_596 = vector.broadcast %broadcast_in_dim3A_585 : vector<1x512xf32> to vector<64x512xf32>
    %eq3A_597 = arith.cmpf oeq, %get3A_582, %eq3A_596 : vector<64x512xf32>
    %jit3A_598 = arith.constant 0xFF800000 : f32
    %broadcast_in_dim3A_599 = vector.broadcast %jit3A_598 : f32 to vector<64x512xf32>
    %select_n3A_600 = arith.select %eq3A_597, %broadcast_in_dim3A_599, %get3A_582 : vector<64x512xi1>, vector<64x512xf32>
    %reduce_max3A_601 = arith.constant dense<0xFF800000> : vector<512xf32>
    %reduce_max3A_602 = vector.multi_reduction <maximumf>, %select_n3A_600, %reduce_max3A_601 [0] : vector<64x512xf32> to vector<512xf32>
    %broadcast_in_dim3A_603 = vector.shape_cast %reduce_max3A_602 : vector<512xf32> to vector<1x512xf32>
    %eq3A_604 = vector.broadcast %broadcast_in_dim3A_603 : vector<1x512xf32> to vector<64x512xf32>
    %eq3A_605 = arith.cmpf oeq, %select_n3A_600, %eq3A_604 : vector<64x512xf32>
    %jit3A_606 = arith.constant 1.000000e+00 : f32
    %jit3A_607 = arith.constant 0.000000e+00 : f32
    %broadcast_in_dim3A_608 = vector.broadcast %jit3A_606 : f32 to vector<64x512xf32>
    %broadcast_in_dim3A_609 = vector.broadcast %jit3A_607 : f32 to vector<64x512xf32>
    %select_n3A_610 = arith.select %eq3A_605, %broadcast_in_dim3A_608, %broadcast_in_dim3A_609 : vector<64x512xi1>, vector<64x512xf32>
    %reduce_sum3A_611 = arith.constant dense<0.000000e+00> : vector<512xf32>
    %reduce_sum3A_612 = vector.multi_reduction <add>, %select_n3A_610, %reduce_sum3A_611 [0] : vector<64x512xf32> to vector<512xf32>
    %broadcast_in_dim3A_613 = vector.shape_cast %reduce_sum3A_612 : vector<512xf32> to vector<1x512xf32>
    %lt3A_614 = arith.constant 1.600000e+01 : f32
    %lt3A_615 = vector.broadcast %lt3A_614 : f32 to vector<1x512xf32>
    %lt3A_616 = arith.cmpf olt, %broadcast_in_dim3A_595, %lt3A_615 : vector<1x512xf32>
    %select_n3A_617 = arith.select %lt3A_616, %broadcast_in_dim3A_603, %broadcast_in_dim3A_585 : vector<1x512xi1>, vector<1x512xf32>
    %jit3A_618 = arith.constant 0.000000e+00 : f32
    %broadcast_in_dim3A_619 = vector.broadcast %jit3A_618 : f32 to vector<1x512xf32>
    %select_n3A_620 = arith.select %lt3A_616, %broadcast_in_dim3A_613, %broadcast_in_dim3A_619 : vector<1x512xi1>, vector<1x512xf32>
    %add3A_621 = arith.addf %broadcast_in_dim3A_595, %select_n3A_620 : vector<1x512xf32>
    %eq3A_622 = vector.broadcast %broadcast_in_dim3A_603 : vector<1x512xf32> to vector<64x512xf32>
    %eq3A_623 = arith.cmpf oeq, %select_n3A_600, %eq3A_622 : vector<64x512xf32>
    %jit3A_624 = arith.constant 0xFF800000 : f32
    %broadcast_in_dim3A_625 = vector.broadcast %jit3A_624 : f32 to vector<64x512xf32>
    %select_n3A_626 = arith.select %eq3A_623, %broadcast_in_dim3A_625, %select_n3A_600 : vector<64x512xi1>, vector<64x512xf32>
    %reduce_max3A_627 = arith.constant dense<0xFF800000> : vector<512xf32>
    %reduce_max3A_628 = vector.multi_reduction <maximumf>, %select_n3A_626, %reduce_max3A_627 [0] : vector<64x512xf32> to vector<512xf32>
    %broadcast_in_dim3A_629 = vector.shape_cast %reduce_max3A_628 : vector<512xf32> to vector<1x512xf32>
    %eq3A_630 = vector.broadcast %broadcast_in_dim3A_629 : vector<1x512xf32> to vector<64x512xf32>
    %eq3A_631 = arith.cmpf oeq, %select_n3A_626, %eq3A_630 : vector<64x512xf32>
    %jit3A_632 = arith.constant 1.000000e+00 : f32
    %jit3A_633 = arith.constant 0.000000e+00 : f32
    %broadcast_in_dim3A_634 = vector.broadcast %jit3A_632 : f32 to vector<64x512xf32>
    %broadcast_in_dim3A_635 = vector.broadcast %jit3A_633 : f32 to vector<64x512xf32>
    %select_n3A_636 = arith.select %eq3A_631, %broadcast_in_dim3A_634, %broadcast_in_dim3A_635 : vector<64x512xi1>, vector<64x512xf32>
    %reduce_sum3A_637 = arith.constant dense<0.000000e+00> : vector<512xf32>
    %reduce_sum3A_638 = vector.multi_reduction <add>, %select_n3A_636, %reduce_sum3A_637 [0] : vector<64x512xf32> to vector<512xf32>
    %broadcast_in_dim3A_639 = vector.shape_cast %reduce_sum3A_638 : vector<512xf32> to vector<1x512xf32>
    %lt3A_640 = arith.constant 1.600000e+01 : f32
    %lt3A_641 = vector.broadcast %lt3A_640 : f32 to vector<1x512xf32>
    %lt3A_642 = arith.cmpf olt, %add3A_621, %lt3A_641 : vector<1x512xf32>
    %select_n3A_643 = arith.select %lt3A_642, %broadcast_in_dim3A_629, %select_n3A_617 : vector<1x512xi1>, vector<1x512xf32>
    %jit3A_644 = arith.constant 0.000000e+00 : f32
    %broadcast_in_dim3A_645 = vector.broadcast %jit3A_644 : f32 to vector<1x512xf32>
    %select_n3A_646 = arith.select %lt3A_642, %broadcast_in_dim3A_639, %broadcast_in_dim3A_645 : vector<1x512xi1>, vector<1x512xf32>
    %add3A_647 = arith.addf %add3A_621, %select_n3A_646 : vector<1x512xf32>
    %eq3A_648 = vector.broadcast %broadcast_in_dim3A_629 : vector<1x512xf32> to vector<64x512xf32>
    %eq3A_649 = arith.cmpf oeq, %select_n3A_626, %eq3A_648 : vector<64x512xf32>
    %jit3A_650 = arith.constant 0xFF800000 : f32
    %broadcast_in_dim3A_651 = vector.broadcast %jit3A_650 : f32 to vector<64x512xf32>
    %select_n3A_652 = arith.select %eq3A_649, %broadcast_in_dim3A_651, %select_n3A_626 : vector<64x512xi1>, vector<64x512xf32>
    %reduce_max3A_653 = arith.constant dense<0xFF800000> : vector<512xf32>
    %reduce_max3A_654 = vector.multi_reduction <maximumf>, %select_n3A_652, %reduce_max3A_653 [0] : vector<64x512xf32> to vector<512xf32>
    %broadcast_in_dim3A_655 = vector.shape_cast %reduce_max3A_654 : vector<512xf32> to vector<1x512xf32>
    %eq3A_656 = vector.broadcast %broadcast_in_dim3A_655 : vector<1x512xf32> to vector<64x512xf32>
    %eq3A_657 = arith.cmpf oeq, %select_n3A_652, %eq3A_656 : vector<64x512xf32>
    %jit3A_658 = arith.constant 1.000000e+00 : f32
    %jit3A_659 = arith.constant 0.000000e+00 : f32
    %broadcast_in_dim3A_660 = vector.broadcast %jit3A_658 : f32 to vector<64x512xf32>
    %broadcast_in_dim3A_661 = vector.broadcast %jit3A_659 : f32 to vector<64x512xf32>
    %select_n3A_662 = arith.select %eq3A_657, %broadcast_in_dim3A_660, %broadcast_in_dim3A_661 : vector<64x512xi1>, vector<64x512xf32>
    %reduce_sum3A_663 = arith.constant dense<0.000000e+00> : vector<512xf32>
    %reduce_sum3A_664 = vector.multi_reduction <add>, %select_n3A_662, %reduce_sum3A_663 [0] : vector<64x512xf32> to vector<512xf32>
    %broadcast_in_dim3A_665 = vector.shape_cast %reduce_sum3A_664 : vector<512xf32> to vector<1x512xf32>
    %lt3A_666 = arith.constant 1.600000e+01 : f32
    %lt3A_667 = vector.broadcast %lt3A_666 : f32 to vector<1x512xf32>
    %lt3A_668 = arith.cmpf olt, %add3A_647, %lt3A_667 : vector<1x512xf32>
    %select_n3A_669 = arith.select %lt3A_668, %broadcast_in_dim3A_655, %select_n3A_643 : vector<1x512xi1>, vector<1x512xf32>
    %jit3A_670 = arith.constant 0.000000e+00 : f32
    %broadcast_in_dim3A_671 = vector.broadcast %jit3A_670 : f32 to vector<1x512xf32>
    %select_n3A_672 = arith.select %lt3A_668, %broadcast_in_dim3A_665, %broadcast_in_dim3A_671 : vector<1x512xi1>, vector<1x512xf32>
    %add3A_673 = arith.addf %add3A_647, %select_n3A_672 : vector<1x512xf32>
    %eq3A_674 = vector.broadcast %broadcast_in_dim3A_655 : vector<1x512xf32> to vector<64x512xf32>
    %eq3A_675 = arith.cmpf oeq, %select_n3A_652, %eq3A_674 : vector<64x512xf32>
    %jit3A_676 = arith.constant 0xFF800000 : f32
    %broadcast_in_dim3A_677 = vector.broadcast %jit3A_676 : f32 to vector<64x512xf32>
    %select_n3A_678 = arith.select %eq3A_675, %broadcast_in_dim3A_677, %select_n3A_652 : vector<64x512xi1>, vector<64x512xf32>
    %reduce_max3A_679 = arith.constant dense<0xFF800000> : vector<512xf32>
    %reduce_max3A_680 = vector.multi_reduction <maximumf>, %select_n3A_678, %reduce_max3A_679 [0] : vector<64x512xf32> to vector<512xf32>
    %broadcast_in_dim3A_681 = vector.shape_cast %reduce_max3A_680 : vector<512xf32> to vector<1x512xf32>
    %eq3A_682 = vector.broadcast %broadcast_in_dim3A_681 : vector<1x512xf32> to vector<64x512xf32>
    %eq3A_683 = arith.cmpf oeq, %select_n3A_678, %eq3A_682 : vector<64x512xf32>
    %jit3A_684 = arith.constant 1.000000e+00 : f32
    %jit3A_685 = arith.constant 0.000000e+00 : f32
    %broadcast_in_dim3A_686 = vector.broadcast %jit3A_684 : f32 to vector<64x512xf32>
    %broadcast_in_dim3A_687 = vector.broadcast %jit3A_685 : f32 to vector<64x512xf32>
    %select_n3A_688 = arith.select %eq3A_683, %broadcast_in_dim3A_686, %broadcast_in_dim3A_687 : vector<64x512xi1>, vector<64x512xf32>
    %reduce_sum3A_689 = arith.constant dense<0.000000e+00> : vector<512xf32>
    %reduce_sum3A_690 = vector.multi_reduction <add>, %select_n3A_688, %reduce_sum3A_689 [0] : vector<64x512xf32> to vector<512xf32>
    %broadcast_in_dim3A_691 = vector.shape_cast %reduce_sum3A_690 : vector<512xf32> to vector<1x512xf32>
    %lt3A_692 = arith.constant 1.600000e+01 : f32
    %lt3A_693 = vector.broadcast %lt3A_692 : f32 to vector<1x512xf32>
    %lt3A_694 = arith.cmpf olt, %add3A_673, %lt3A_693 : vector<1x512xf32>
    %select_n3A_695 = arith.select %lt3A_694, %broadcast_in_dim3A_681, %select_n3A_669 : vector<1x512xi1>, vector<1x512xf32>
    %jit3A_696 = arith.constant 0.000000e+00 : f32
    %broadcast_in_dim3A_697 = vector.broadcast %jit3A_696 : f32 to vector<1x512xf32>
    %select_n3A_698 = arith.select %lt3A_694, %broadcast_in_dim3A_691, %broadcast_in_dim3A_697 : vector<1x512xi1>, vector<1x512xf32>
    %add3A_699 = arith.addf %add3A_673, %select_n3A_698 : vector<1x512xf32>
    %eq3A_700 = vector.broadcast %broadcast_in_dim3A_681 : vector<1x512xf32> to vector<64x512xf32>
    %eq3A_701 = arith.cmpf oeq, %select_n3A_678, %eq3A_700 : vector<64x512xf32>
    %jit3A_702 = arith.constant 0xFF800000 : f32
    %broadcast_in_dim3A_703 = vector.broadcast %jit3A_702 : f32 to vector<64x512xf32>
    %select_n3A_704 = arith.select %eq3A_701, %broadcast_in_dim3A_703, %select_n3A_678 : vector<64x512xi1>, vector<64x512xf32>
    %reduce_max3A_705 = arith.constant dense<0xFF800000> : vector<512xf32>
    %reduce_max3A_706 = vector.multi_reduction <maximumf>, %select_n3A_704, %reduce_max3A_705 [0] : vector<64x512xf32> to vector<512xf32>
    %broadcast_in_dim3A_707 = vector.shape_cast %reduce_max3A_706 : vector<512xf32> to vector<1x512xf32>
    %eq3A_708 = vector.broadcast %broadcast_in_dim3A_707 : vector<1x512xf32> to vector<64x512xf32>
    %eq3A_709 = arith.cmpf oeq, %select_n3A_704, %eq3A_708 : vector<64x512xf32>
    %jit3A_710 = arith.constant 1.000000e+00 : f32
    %jit3A_711 = arith.constant 0.000000e+00 : f32
    %broadcast_in_dim3A_712 = vector.broadcast %jit3A_710 : f32 to vector<64x512xf32>
    %broadcast_in_dim3A_713 = vector.broadcast %jit3A_711 : f32 to vector<64x512xf32>
    %select_n3A_714 = arith.select %eq3A_709, %broadcast_in_dim3A_712, %broadcast_in_dim3A_713 : vector<64x512xi1>, vector<64x512xf32>
    %reduce_sum3A_715 = arith.constant dense<0.000000e+00> : vector<512xf32>
    %reduce_sum3A_716 = vector.multi_reduction <add>, %select_n3A_714, %reduce_sum3A_715 [0] : vector<64x512xf32> to vector<512xf32>
    %broadcast_in_dim3A_717 = vector.shape_cast %reduce_sum3A_716 : vector<512xf32> to vector<1x512xf32>
    %lt3A_718 = arith.constant 1.600000e+01 : f32
    %lt3A_719 = vector.broadcast %lt3A_718 : f32 to vector<1x512xf32>
    %lt3A_720 = arith.cmpf olt, %add3A_699, %lt3A_719 : vector<1x512xf32>
    %select_n3A_721 = arith.select %lt3A_720, %broadcast_in_dim3A_707, %select_n3A_695 : vector<1x512xi1>, vector<1x512xf32>
    %jit3A_722 = arith.constant 0.000000e+00 : f32
    %broadcast_in_dim3A_723 = vector.broadcast %jit3A_722 : f32 to vector<1x512xf32>
    %select_n3A_724 = arith.select %lt3A_720, %broadcast_in_dim3A_717, %broadcast_in_dim3A_723 : vector<1x512xi1>, vector<1x512xf32>
    %add3A_725 = arith.addf %add3A_699, %select_n3A_724 : vector<1x512xf32>
    %eq3A_726 = vector.broadcast %broadcast_in_dim3A_707 : vector<1x512xf32> to vector<64x512xf32>
    %eq3A_727 = arith.cmpf oeq, %select_n3A_704, %eq3A_726 : vector<64x512xf32>
    %jit3A_728 = arith.constant 0xFF800000 : f32
    %broadcast_in_dim3A_729 = vector.broadcast %jit3A_728 : f32 to vector<64x512xf32>
    %select_n3A_730 = arith.select %eq3A_727, %broadcast_in_dim3A_729, %select_n3A_704 : vector<64x512xi1>, vector<64x512xf32>
    %reduce_max3A_731 = arith.constant dense<0xFF800000> : vector<512xf32>
    %reduce_max3A_732 = vector.multi_reduction <maximumf>, %select_n3A_730, %reduce_max3A_731 [0] : vector<64x512xf32> to vector<512xf32>
    %broadcast_in_dim3A_733 = vector.shape_cast %reduce_max3A_732 : vector<512xf32> to vector<1x512xf32>
    %eq3A_734 = vector.broadcast %broadcast_in_dim3A_733 : vector<1x512xf32> to vector<64x512xf32>
    %eq3A_735 = arith.cmpf oeq, %select_n3A_730, %eq3A_734 : vector<64x512xf32>
    %jit3A_736 = arith.constant 1.000000e+00 : f32
    %jit3A_737 = arith.constant 0.000000e+00 : f32
    %broadcast_in_dim3A_738 = vector.broadcast %jit3A_736 : f32 to vector<64x512xf32>
    %broadcast_in_dim3A_739 = vector.broadcast %jit3A_737 : f32 to vector<64x512xf32>
    %select_n3A_740 = arith.select %eq3A_735, %broadcast_in_dim3A_738, %broadcast_in_dim3A_739 : vector<64x512xi1>, vector<64x512xf32>
    %reduce_sum3A_741 = arith.constant dense<0.000000e+00> : vector<512xf32>
    %reduce_sum3A_742 = vector.multi_reduction <add>, %select_n3A_740, %reduce_sum3A_741 [0] : vector<64x512xf32> to vector<512xf32>
    %broadcast_in_dim3A_743 = vector.shape_cast %reduce_sum3A_742 : vector<512xf32> to vector<1x512xf32>
    %lt3A_744 = arith.constant 1.600000e+01 : f32
    %lt3A_745 = vector.broadcast %lt3A_744 : f32 to vector<1x512xf32>
    %lt3A_746 = arith.cmpf olt, %add3A_725, %lt3A_745 : vector<1x512xf32>
    %select_n3A_747 = arith.select %lt3A_746, %broadcast_in_dim3A_733, %select_n3A_721 : vector<1x512xi1>, vector<1x512xf32>
    %jit3A_748 = arith.constant 0.000000e+00 : f32
    %broadcast_in_dim3A_749 = vector.broadcast %jit3A_748 : f32 to vector<1x512xf32>
    %select_n3A_750 = arith.select %lt3A_746, %broadcast_in_dim3A_743, %broadcast_in_dim3A_749 : vector<1x512xi1>, vector<1x512xf32>
    %add3A_751 = arith.addf %add3A_725, %select_n3A_750 : vector<1x512xf32>
    %eq3A_752 = vector.broadcast %broadcast_in_dim3A_733 : vector<1x512xf32> to vector<64x512xf32>
    %eq3A_753 = arith.cmpf oeq, %select_n3A_730, %eq3A_752 : vector<64x512xf32>
    %jit3A_754 = arith.constant 0xFF800000 : f32
    %broadcast_in_dim3A_755 = vector.broadcast %jit3A_754 : f32 to vector<64x512xf32>
    %select_n3A_756 = arith.select %eq3A_753, %broadcast_in_dim3A_755, %select_n3A_730 : vector<64x512xi1>, vector<64x512xf32>
    %reduce_max3A_757 = arith.constant dense<0xFF800000> : vector<512xf32>
    %reduce_max3A_758 = vector.multi_reduction <maximumf>, %select_n3A_756, %reduce_max3A_757 [0] : vector<64x512xf32> to vector<512xf32>
    %broadcast_in_dim3A_759 = vector.shape_cast %reduce_max3A_758 : vector<512xf32> to vector<1x512xf32>
    %eq3A_760 = vector.broadcast %broadcast_in_dim3A_759 : vector<1x512xf32> to vector<64x512xf32>
    %eq3A_761 = arith.cmpf oeq, %select_n3A_756, %eq3A_760 : vector<64x512xf32>
    %jit3A_762 = arith.constant 1.000000e+00 : f32
    %jit3A_763 = arith.constant 0.000000e+00 : f32
    %broadcast_in_dim3A_764 = vector.broadcast %jit3A_762 : f32 to vector<64x512xf32>
    %broadcast_in_dim3A_765 = vector.broadcast %jit3A_763 : f32 to vector<64x512xf32>
    %select_n3A_766 = arith.select %eq3A_761, %broadcast_in_dim3A_764, %broadcast_in_dim3A_765 : vector<64x512xi1>, vector<64x512xf32>
    %reduce_sum3A_767 = arith.constant dense<0.000000e+00> : vector<512xf32>
    %reduce_sum3A_768 = vector.multi_reduction <add>, %select_n3A_766, %reduce_sum3A_767 [0] : vector<64x512xf32> to vector<512xf32>
    %broadcast_in_dim3A_769 = vector.shape_cast %reduce_sum3A_768 : vector<512xf32> to vector<1x512xf32>
    %lt3A_770 = arith.constant 1.600000e+01 : f32
    %lt3A_771 = vector.broadcast %lt3A_770 : f32 to vector<1x512xf32>
    %lt3A_772 = arith.cmpf olt, %add3A_751, %lt3A_771 : vector<1x512xf32>
    %select_n3A_773 = arith.select %lt3A_772, %broadcast_in_dim3A_759, %select_n3A_747 : vector<1x512xi1>, vector<1x512xf32>
    %jit3A_774 = arith.constant 0.000000e+00 : f32
    %broadcast_in_dim3A_775 = vector.broadcast %jit3A_774 : f32 to vector<1x512xf32>
    %select_n3A_776 = arith.select %lt3A_772, %broadcast_in_dim3A_769, %broadcast_in_dim3A_775 : vector<1x512xi1>, vector<1x512xf32>
    %add3A_777 = arith.addf %add3A_751, %select_n3A_776 : vector<1x512xf32>
    %eq3A_778 = vector.broadcast %broadcast_in_dim3A_759 : vector<1x512xf32> to vector<64x512xf32>
    %eq3A_779 = arith.cmpf oeq, %select_n3A_756, %eq3A_778 : vector<64x512xf32>
    %jit3A_780 = arith.constant 0xFF800000 : f32
    %broadcast_in_dim3A_781 = vector.broadcast %jit3A_780 : f32 to vector<64x512xf32>
    %select_n3A_782 = arith.select %eq3A_779, %broadcast_in_dim3A_781, %select_n3A_756 : vector<64x512xi1>, vector<64x512xf32>
    %reduce_max3A_783 = arith.constant dense<0xFF800000> : vector<512xf32>
    %reduce_max3A_784 = vector.multi_reduction <maximumf>, %select_n3A_782, %reduce_max3A_783 [0] : vector<64x512xf32> to vector<512xf32>
    %broadcast_in_dim3A_785 = vector.shape_cast %reduce_max3A_784 : vector<512xf32> to vector<1x512xf32>
    %eq3A_786 = vector.broadcast %broadcast_in_dim3A_785 : vector<1x512xf32> to vector<64x512xf32>
    %eq3A_787 = arith.cmpf oeq, %select_n3A_782, %eq3A_786 : vector<64x512xf32>
    %jit3A_788 = arith.constant 1.000000e+00 : f32
    %jit3A_789 = arith.constant 0.000000e+00 : f32
    %broadcast_in_dim3A_790 = vector.broadcast %jit3A_788 : f32 to vector<64x512xf32>
    %broadcast_in_dim3A_791 = vector.broadcast %jit3A_789 : f32 to vector<64x512xf32>
    %select_n3A_792 = arith.select %eq3A_787, %broadcast_in_dim3A_790, %broadcast_in_dim3A_791 : vector<64x512xi1>, vector<64x512xf32>
    %reduce_sum3A_793 = arith.constant dense<0.000000e+00> : vector<512xf32>
    %reduce_sum3A_794 = vector.multi_reduction <add>, %select_n3A_792, %reduce_sum3A_793 [0] : vector<64x512xf32> to vector<512xf32>
    %broadcast_in_dim3A_795 = vector.shape_cast %reduce_sum3A_794 : vector<512xf32> to vector<1x512xf32>
    %lt3A_796 = arith.constant 1.600000e+01 : f32
    %lt3A_797 = vector.broadcast %lt3A_796 : f32 to vector<1x512xf32>
    %lt3A_798 = arith.cmpf olt, %add3A_777, %lt3A_797 : vector<1x512xf32>
    %select_n3A_799 = arith.select %lt3A_798, %broadcast_in_dim3A_785, %select_n3A_773 : vector<1x512xi1>, vector<1x512xf32>
    %jit3A_800 = arith.constant 0.000000e+00 : f32
    %broadcast_in_dim3A_801 = vector.broadcast %jit3A_800 : f32 to vector<1x512xf32>
    %select_n3A_802 = arith.select %lt3A_798, %broadcast_in_dim3A_795, %broadcast_in_dim3A_801 : vector<1x512xi1>, vector<1x512xf32>
    %add3A_803 = arith.addf %add3A_777, %select_n3A_802 : vector<1x512xf32>
    %eq3A_804 = vector.broadcast %broadcast_in_dim3A_785 : vector<1x512xf32> to vector<64x512xf32>
    %eq3A_805 = arith.cmpf oeq, %select_n3A_782, %eq3A_804 : vector<64x512xf32>
    %jit3A_806 = arith.constant 0xFF800000 : f32
    %broadcast_in_dim3A_807 = vector.broadcast %jit3A_806 : f32 to vector<64x512xf32>
    %select_n3A_808 = arith.select %eq3A_805, %broadcast_in_dim3A_807, %select_n3A_782 : vector<64x512xi1>, vector<64x512xf32>
    %reduce_max3A_809 = arith.constant dense<0xFF800000> : vector<512xf32>
    %reduce_max3A_810 = vector.multi_reduction <maximumf>, %select_n3A_808, %reduce_max3A_809 [0] : vector<64x512xf32> to vector<512xf32>
    %broadcast_in_dim3A_811 = vector.shape_cast %reduce_max3A_810 : vector<512xf32> to vector<1x512xf32>
    %eq3A_812 = vector.broadcast %broadcast_in_dim3A_811 : vector<1x512xf32> to vector<64x512xf32>
    %eq3A_813 = arith.cmpf oeq, %select_n3A_808, %eq3A_812 : vector<64x512xf32>
    %jit3A_814 = arith.constant 1.000000e+00 : f32
    %jit3A_815 = arith.constant 0.000000e+00 : f32
    %broadcast_in_dim3A_816 = vector.broadcast %jit3A_814 : f32 to vector<64x512xf32>
    %broadcast_in_dim3A_817 = vector.broadcast %jit3A_815 : f32 to vector<64x512xf32>
    %select_n3A_818 = arith.select %eq3A_813, %broadcast_in_dim3A_816, %broadcast_in_dim3A_817 : vector<64x512xi1>, vector<64x512xf32>
    %reduce_sum3A_819 = arith.constant dense<0.000000e+00> : vector<512xf32>
    %reduce_sum3A_820 = vector.multi_reduction <add>, %select_n3A_818, %reduce_sum3A_819 [0] : vector<64x512xf32> to vector<512xf32>
    %broadcast_in_dim3A_821 = vector.shape_cast %reduce_sum3A_820 : vector<512xf32> to vector<1x512xf32>
    %lt3A_822 = arith.constant 1.600000e+01 : f32
    %lt3A_823 = vector.broadcast %lt3A_822 : f32 to vector<1x512xf32>
    %lt3A_824 = arith.cmpf olt, %add3A_803, %lt3A_823 : vector<1x512xf32>
    %select_n3A_825 = arith.select %lt3A_824, %broadcast_in_dim3A_811, %select_n3A_799 : vector<1x512xi1>, vector<1x512xf32>
    %jit3A_826 = arith.constant 0.000000e+00 : f32
    %broadcast_in_dim3A_827 = vector.broadcast %jit3A_826 : f32 to vector<1x512xf32>
    %select_n3A_828 = arith.select %lt3A_824, %broadcast_in_dim3A_821, %broadcast_in_dim3A_827 : vector<1x512xi1>, vector<1x512xf32>
    %add3A_829 = arith.addf %add3A_803, %select_n3A_828 : vector<1x512xf32>
    %eq3A_830 = vector.broadcast %broadcast_in_dim3A_811 : vector<1x512xf32> to vector<64x512xf32>
    %eq3A_831 = arith.cmpf oeq, %select_n3A_808, %eq3A_830 : vector<64x512xf32>
    %jit3A_832 = arith.constant 0xFF800000 : f32
    %broadcast_in_dim3A_833 = vector.broadcast %jit3A_832 : f32 to vector<64x512xf32>
    %select_n3A_834 = arith.select %eq3A_831, %broadcast_in_dim3A_833, %select_n3A_808 : vector<64x512xi1>, vector<64x512xf32>
    %reduce_max3A_835 = arith.constant dense<0xFF800000> : vector<512xf32>
    %reduce_max3A_836 = vector.multi_reduction <maximumf>, %select_n3A_834, %reduce_max3A_835 [0] : vector<64x512xf32> to vector<512xf32>
    %broadcast_in_dim3A_837 = vector.shape_cast %reduce_max3A_836 : vector<512xf32> to vector<1x512xf32>
    %eq3A_838 = vector.broadcast %broadcast_in_dim3A_837 : vector<1x512xf32> to vector<64x512xf32>
    %eq3A_839 = arith.cmpf oeq, %select_n3A_834, %eq3A_838 : vector<64x512xf32>
    %jit3A_840 = arith.constant 1.000000e+00 : f32
    %jit3A_841 = arith.constant 0.000000e+00 : f32
    %broadcast_in_dim3A_842 = vector.broadcast %jit3A_840 : f32 to vector<64x512xf32>
    %broadcast_in_dim3A_843 = vector.broadcast %jit3A_841 : f32 to vector<64x512xf32>
    %select_n3A_844 = arith.select %eq3A_839, %broadcast_in_dim3A_842, %broadcast_in_dim3A_843 : vector<64x512xi1>, vector<64x512xf32>
    %reduce_sum3A_845 = arith.constant dense<0.000000e+00> : vector<512xf32>
    %reduce_sum3A_846 = vector.multi_reduction <add>, %select_n3A_844, %reduce_sum3A_845 [0] : vector<64x512xf32> to vector<512xf32>
    %broadcast_in_dim3A_847 = vector.shape_cast %reduce_sum3A_846 : vector<512xf32> to vector<1x512xf32>
    %lt3A_848 = arith.constant 1.600000e+01 : f32
    %lt3A_849 = vector.broadcast %lt3A_848 : f32 to vector<1x512xf32>
    %lt3A_850 = arith.cmpf olt, %add3A_829, %lt3A_849 : vector<1x512xf32>
    %select_n3A_851 = arith.select %lt3A_850, %broadcast_in_dim3A_837, %select_n3A_825 : vector<1x512xi1>, vector<1x512xf32>
    %jit3A_852 = arith.constant 0.000000e+00 : f32
    %broadcast_in_dim3A_853 = vector.broadcast %jit3A_852 : f32 to vector<1x512xf32>
    %select_n3A_854 = arith.select %lt3A_850, %broadcast_in_dim3A_847, %broadcast_in_dim3A_853 : vector<1x512xi1>, vector<1x512xf32>
    %add3A_855 = arith.addf %add3A_829, %select_n3A_854 : vector<1x512xf32>
    %eq3A_856 = vector.broadcast %broadcast_in_dim3A_837 : vector<1x512xf32> to vector<64x512xf32>
    %eq3A_857 = arith.cmpf oeq, %select_n3A_834, %eq3A_856 : vector<64x512xf32>
    %jit3A_858 = arith.constant 0xFF800000 : f32
    %broadcast_in_dim3A_859 = vector.broadcast %jit3A_858 : f32 to vector<64x512xf32>
    %select_n3A_860 = arith.select %eq3A_857, %broadcast_in_dim3A_859, %select_n3A_834 : vector<64x512xi1>, vector<64x512xf32>
    %reduce_max3A_861 = arith.constant dense<0xFF800000> : vector<512xf32>
    %reduce_max3A_862 = vector.multi_reduction <maximumf>, %select_n3A_860, %reduce_max3A_861 [0] : vector<64x512xf32> to vector<512xf32>
    %broadcast_in_dim3A_863 = vector.shape_cast %reduce_max3A_862 : vector<512xf32> to vector<1x512xf32>
    %eq3A_864 = vector.broadcast %broadcast_in_dim3A_863 : vector<1x512xf32> to vector<64x512xf32>
    %eq3A_865 = arith.cmpf oeq, %select_n3A_860, %eq3A_864 : vector<64x512xf32>
    %jit3A_866 = arith.constant 1.000000e+00 : f32
    %jit3A_867 = arith.constant 0.000000e+00 : f32
    %broadcast_in_dim3A_868 = vector.broadcast %jit3A_866 : f32 to vector<64x512xf32>
    %broadcast_in_dim3A_869 = vector.broadcast %jit3A_867 : f32 to vector<64x512xf32>
    %select_n3A_870 = arith.select %eq3A_865, %broadcast_in_dim3A_868, %broadcast_in_dim3A_869 : vector<64x512xi1>, vector<64x512xf32>
    %reduce_sum3A_871 = arith.constant dense<0.000000e+00> : vector<512xf32>
    %reduce_sum3A_872 = vector.multi_reduction <add>, %select_n3A_870, %reduce_sum3A_871 [0] : vector<64x512xf32> to vector<512xf32>
    %broadcast_in_dim3A_873 = vector.shape_cast %reduce_sum3A_872 : vector<512xf32> to vector<1x512xf32>
    %lt3A_874 = arith.constant 1.600000e+01 : f32
    %lt3A_875 = vector.broadcast %lt3A_874 : f32 to vector<1x512xf32>
    %lt3A_876 = arith.cmpf olt, %add3A_855, %lt3A_875 : vector<1x512xf32>
    %select_n3A_877 = arith.select %lt3A_876, %broadcast_in_dim3A_863, %select_n3A_851 : vector<1x512xi1>, vector<1x512xf32>
    %jit3A_878 = arith.constant 0.000000e+00 : f32
    %broadcast_in_dim3A_879 = vector.broadcast %jit3A_878 : f32 to vector<1x512xf32>
    %select_n3A_880 = arith.select %lt3A_876, %broadcast_in_dim3A_873, %broadcast_in_dim3A_879 : vector<1x512xi1>, vector<1x512xf32>
    %add3A_881 = arith.addf %add3A_855, %select_n3A_880 : vector<1x512xf32>
    %eq3A_882 = vector.broadcast %broadcast_in_dim3A_863 : vector<1x512xf32> to vector<64x512xf32>
    %eq3A_883 = arith.cmpf oeq, %select_n3A_860, %eq3A_882 : vector<64x512xf32>
    %jit3A_884 = arith.constant 0xFF800000 : f32
    %broadcast_in_dim3A_885 = vector.broadcast %jit3A_884 : f32 to vector<64x512xf32>
    %select_n3A_886 = arith.select %eq3A_883, %broadcast_in_dim3A_885, %select_n3A_860 : vector<64x512xi1>, vector<64x512xf32>
    %reduce_max3A_887 = arith.constant dense<0xFF800000> : vector<512xf32>
    %reduce_max3A_888 = vector.multi_reduction <maximumf>, %select_n3A_886, %reduce_max3A_887 [0] : vector<64x512xf32> to vector<512xf32>
    %broadcast_in_dim3A_889 = vector.shape_cast %reduce_max3A_888 : vector<512xf32> to vector<1x512xf32>
    %eq3A_890 = vector.broadcast %broadcast_in_dim3A_889 : vector<1x512xf32> to vector<64x512xf32>
    %eq3A_891 = arith.cmpf oeq, %select_n3A_886, %eq3A_890 : vector<64x512xf32>
    %jit3A_892 = arith.constant 1.000000e+00 : f32
    %jit3A_893 = arith.constant 0.000000e+00 : f32
    %broadcast_in_dim3A_894 = vector.broadcast %jit3A_892 : f32 to vector<64x512xf32>
    %broadcast_in_dim3A_895 = vector.broadcast %jit3A_893 : f32 to vector<64x512xf32>
    %select_n3A_896 = arith.select %eq3A_891, %broadcast_in_dim3A_894, %broadcast_in_dim3A_895 : vector<64x512xi1>, vector<64x512xf32>
    %reduce_sum3A_897 = arith.constant dense<0.000000e+00> : vector<512xf32>
    %reduce_sum3A_898 = vector.multi_reduction <add>, %select_n3A_896, %reduce_sum3A_897 [0] : vector<64x512xf32> to vector<512xf32>
    %broadcast_in_dim3A_899 = vector.shape_cast %reduce_sum3A_898 : vector<512xf32> to vector<1x512xf32>
    %lt3A_900 = arith.constant 1.600000e+01 : f32
    %lt3A_901 = vector.broadcast %lt3A_900 : f32 to vector<1x512xf32>
    %lt3A_902 = arith.cmpf olt, %add3A_881, %lt3A_901 : vector<1x512xf32>
    %select_n3A_903 = arith.select %lt3A_902, %broadcast_in_dim3A_889, %select_n3A_877 : vector<1x512xi1>, vector<1x512xf32>
    %jit3A_904 = arith.constant 0.000000e+00 : f32
    %broadcast_in_dim3A_905 = vector.broadcast %jit3A_904 : f32 to vector<1x512xf32>
    %select_n3A_906 = arith.select %lt3A_902, %broadcast_in_dim3A_899, %broadcast_in_dim3A_905 : vector<1x512xi1>, vector<1x512xf32>
    %add3A_907 = arith.addf %add3A_881, %select_n3A_906 : vector<1x512xf32>
    %eq3A_908 = vector.broadcast %broadcast_in_dim3A_889 : vector<1x512xf32> to vector<64x512xf32>
    %eq3A_909 = arith.cmpf oeq, %select_n3A_886, %eq3A_908 : vector<64x512xf32>
    %jit3A_910 = arith.constant 0xFF800000 : f32
    %broadcast_in_dim3A_911 = vector.broadcast %jit3A_910 : f32 to vector<64x512xf32>
    %select_n3A_912 = arith.select %eq3A_909, %broadcast_in_dim3A_911, %select_n3A_886 : vector<64x512xi1>, vector<64x512xf32>
    %reduce_max3A_913 = arith.constant dense<0xFF800000> : vector<512xf32>
    %reduce_max3A_914 = vector.multi_reduction <maximumf>, %select_n3A_912, %reduce_max3A_913 [0] : vector<64x512xf32> to vector<512xf32>
    %broadcast_in_dim3A_915 = vector.shape_cast %reduce_max3A_914 : vector<512xf32> to vector<1x512xf32>
    %eq3A_916 = vector.broadcast %broadcast_in_dim3A_915 : vector<1x512xf32> to vector<64x512xf32>
    %eq3A_917 = arith.cmpf oeq, %select_n3A_912, %eq3A_916 : vector<64x512xf32>
    %jit3A_918 = arith.constant 1.000000e+00 : f32
    %jit3A_919 = arith.constant 0.000000e+00 : f32
    %broadcast_in_dim3A_920 = vector.broadcast %jit3A_918 : f32 to vector<64x512xf32>
    %broadcast_in_dim3A_921 = vector.broadcast %jit3A_919 : f32 to vector<64x512xf32>
    %select_n3A_922 = arith.select %eq3A_917, %broadcast_in_dim3A_920, %broadcast_in_dim3A_921 : vector<64x512xi1>, vector<64x512xf32>
    %reduce_sum3A_923 = arith.constant dense<0.000000e+00> : vector<512xf32>
    %reduce_sum3A_924 = vector.multi_reduction <add>, %select_n3A_922, %reduce_sum3A_923 [0] : vector<64x512xf32> to vector<512xf32>
    %broadcast_in_dim3A_925 = vector.shape_cast %reduce_sum3A_924 : vector<512xf32> to vector<1x512xf32>
    %lt3A_926 = arith.constant 1.600000e+01 : f32
    %lt3A_927 = vector.broadcast %lt3A_926 : f32 to vector<1x512xf32>
    %lt3A_928 = arith.cmpf olt, %add3A_907, %lt3A_927 : vector<1x512xf32>
    %select_n3A_929 = arith.select %lt3A_928, %broadcast_in_dim3A_915, %select_n3A_903 : vector<1x512xi1>, vector<1x512xf32>
    %jit3A_930 = arith.constant 0.000000e+00 : f32
    %broadcast_in_dim3A_931 = vector.broadcast %jit3A_930 : f32 to vector<1x512xf32>
    %select_n3A_932 = arith.select %lt3A_928, %broadcast_in_dim3A_925, %broadcast_in_dim3A_931 : vector<1x512xi1>, vector<1x512xf32>
    %add3A_933 = arith.addf %add3A_907, %select_n3A_932 : vector<1x512xf32>
    %eq3A_934 = vector.broadcast %broadcast_in_dim3A_915 : vector<1x512xf32> to vector<64x512xf32>
    %eq3A_935 = arith.cmpf oeq, %select_n3A_912, %eq3A_934 : vector<64x512xf32>
    %jit3A_936 = arith.constant 0xFF800000 : f32
    %broadcast_in_dim3A_937 = vector.broadcast %jit3A_936 : f32 to vector<64x512xf32>
    %select_n3A_938 = arith.select %eq3A_935, %broadcast_in_dim3A_937, %select_n3A_912 : vector<64x512xi1>, vector<64x512xf32>
    %reduce_max3A_939 = arith.constant dense<0xFF800000> : vector<512xf32>
    %reduce_max3A_940 = vector.multi_reduction <maximumf>, %select_n3A_938, %reduce_max3A_939 [0] : vector<64x512xf32> to vector<512xf32>
    %broadcast_in_dim3A_941 = vector.shape_cast %reduce_max3A_940 : vector<512xf32> to vector<1x512xf32>
    %eq3A_942 = vector.broadcast %broadcast_in_dim3A_941 : vector<1x512xf32> to vector<64x512xf32>
    %eq3A_943 = arith.cmpf oeq, %select_n3A_938, %eq3A_942 : vector<64x512xf32>
    %jit3A_944 = arith.constant 1.000000e+00 : f32
    %jit3A_945 = arith.constant 0.000000e+00 : f32
    %broadcast_in_dim3A_946 = vector.broadcast %jit3A_944 : f32 to vector<64x512xf32>
    %broadcast_in_dim3A_947 = vector.broadcast %jit3A_945 : f32 to vector<64x512xf32>
    %select_n3A_948 = arith.select %eq3A_943, %broadcast_in_dim3A_946, %broadcast_in_dim3A_947 : vector<64x512xi1>, vector<64x512xf32>
    %reduce_sum3A_949 = arith.constant dense<0.000000e+00> : vector<512xf32>
    %reduce_sum3A_950 = vector.multi_reduction <add>, %select_n3A_948, %reduce_sum3A_949 [0] : vector<64x512xf32> to vector<512xf32>
    %broadcast_in_dim3A_951 = vector.shape_cast %reduce_sum3A_950 : vector<512xf32> to vector<1x512xf32>
    %lt3A_952 = arith.constant 1.600000e+01 : f32
    %lt3A_953 = vector.broadcast %lt3A_952 : f32 to vector<1x512xf32>
    %lt3A_954 = arith.cmpf olt, %add3A_933, %lt3A_953 : vector<1x512xf32>
    %select_n3A_955 = arith.select %lt3A_954, %broadcast_in_dim3A_941, %select_n3A_929 : vector<1x512xi1>, vector<1x512xf32>
    %jit3A_956 = arith.constant 0.000000e+00 : f32
    %broadcast_in_dim3A_957 = vector.broadcast %jit3A_956 : f32 to vector<1x512xf32>
    %select_n3A_958 = arith.select %lt3A_954, %broadcast_in_dim3A_951, %broadcast_in_dim3A_957 : vector<1x512xi1>, vector<1x512xf32>
    %add3A_959 = arith.addf %add3A_933, %select_n3A_958 : vector<1x512xf32>
    %eq3A_960 = vector.broadcast %broadcast_in_dim3A_941 : vector<1x512xf32> to vector<64x512xf32>
    %eq3A_961 = arith.cmpf oeq, %select_n3A_938, %eq3A_960 : vector<64x512xf32>
    %jit3A_962 = arith.constant 0xFF800000 : f32
    %broadcast_in_dim3A_963 = vector.broadcast %jit3A_962 : f32 to vector<64x512xf32>
    %select_n3A_964 = arith.select %eq3A_961, %broadcast_in_dim3A_963, %select_n3A_938 : vector<64x512xi1>, vector<64x512xf32>
    %reduce_max3A_965 = arith.constant dense<0xFF800000> : vector<512xf32>
    %reduce_max3A_966 = vector.multi_reduction <maximumf>, %select_n3A_964, %reduce_max3A_965 [0] : vector<64x512xf32> to vector<512xf32>
    %broadcast_in_dim3A_967 = vector.shape_cast %reduce_max3A_966 : vector<512xf32> to vector<1x512xf32>
    %lt3A_968 = arith.constant 1.600000e+01 : f32
    %lt3A_969 = vector.broadcast %lt3A_968 : f32 to vector<1x512xf32>
    %lt3A_970 = arith.cmpf olt, %add3A_959, %lt3A_969 : vector<1x512xf32>
    %select_n3A_971 = arith.select %lt3A_970, %broadcast_in_dim3A_967, %select_n3A_955 : vector<1x512xi1>, vector<1x512xf32>
    %ge3A_972 = vector.broadcast %select_n3A_971 : vector<1x512xf32> to vector<64x512xf32>
    %ge3A_973 = arith.cmpf oge, %get3A_582, %ge3A_972 : vector<64x512xf32>
    %sub3A_974 = vector.broadcast %broadcast_in_dim3A_585 : vector<1x512xf32> to vector<64x512xf32>
    %sub3A_975 = arith.subf %get3A_582, %sub3A_974 : vector<64x512xf32>
    %exp3A_976 = math.exp %sub3A_975 : vector<64x512xf32>
    %jit3A_977 = arith.constant 0.000000e+00 : f32
    %broadcast_in_dim3A_978 = vector.broadcast %jit3A_977 : f32 to vector<64x512xf32>
    %select_n3A_979 = arith.select %ge3A_973, %exp3A_976, %broadcast_in_dim3A_978 : vector<64x512xi1>, vector<64x512xf32>
    %reduce_sum3A_980 = arith.constant dense<0.000000e+00> : vector<512xf32>
    %reduce_sum3A_981 = vector.multi_reduction <add>, %select_n3A_979, %reduce_sum3A_980 [0] : vector<64x512xf32> to vector<512xf32>
    %broadcast_in_dim3A_982 = vector.shape_cast %reduce_sum3A_981 : vector<512xf32> to vector<1x512xf32>
    %div3A_983 = vector.broadcast %broadcast_in_dim3A_982 : vector<1x512xf32> to vector<64x512xf32>
    %div3A_984 = arith.divf %select_n3A_979, %div3A_983 : vector<64x512xf32>
    %convert_element_type3A_985 = arith.truncf %div3A_984 : vector<64x512xf32> to vector<64x512xbf16>
    %swap3A_986 = arith.constant 0 : index
    %swap3A_987 = arith.constant 512 : index
    %swap3A_988 = vector.load %arg5[%swap3A_986, %swap3A_987] : memref<64x1024xbf16, #tpu.memory_space<vmem>>, vector<64x512xbf16>
    tpu.vector_store %arg5[%swap3A_986, %swap3A_987], %convert_element_type3A_985 {strides = array<i32>} : memref<64x1024xbf16, #tpu.memory_space<vmem>>, vector<64x512xbf16>,
    %get3A_989 = arith.constant 0 : index
    %get3A_990 = arith.constant 0 : index
    %get3A_991 = vector.load %arg5[%get3A_989, %get3A_990] : memref<64x1024xbf16, #tpu.memory_space<vmem>>, vector<64x1024xbf16>
    %dot_general3A_992 = arith.constant dense<0.000000e+00> : vector<64x1024xf32>
    %dot_general3A_993 = tpu.matmul %get3A_991, %get3A_7, %dot_general3A_992 {dimension_numbers = #tpu.dot_dimension_numbers<[1], [0], [0], [1], [0, 0, 1, 1], [], []>, transpose_lhs_hint = false} : vector<64x1024xbf16>, vector<1024x1024xbf16>, vector<64x1024xf32> -> vector<64x1024xf32>
    %jit3A_994 = arith.constant 0.000000e+00 : f32
    %broadcast_in_dim3A_995 = vector.broadcast %jit3A_994 : f32 to vector<64x1024xf32>
    %select_n3A_996 = arith.select %eq3A_48, %dot_general3A_993, %broadcast_in_dim3A_995 : vector<64x1024xi1>, vector<64x1024xf32>
    %reduce_sum3A_997 = arith.constant dense<0.000000e+00> : vector<1024xf32>
    %reduce_sum3A_998 = vector.multi_reduction <add>, %select_n3A_996, %reduce_sum3A_997 [0] : vector<64x1024xf32> to vector<1024xf32>
    %broadcast_in_dim3A_999 = vector.shape_cast %reduce_sum3A_998 : vector<1024xf32> to vector<1x1024xf32>
    %add3A_1000 = arith.addf %broadcast_in_dim3A_999, %get3A_1 : vector<1x1024xf32>
    %slice3A_1001 = vector.extract_strided_slice %add3A_1000 {offsets = [0, 0], sizes = [1, 64], strides = [1, 1]} : vector<1x1024xf32> to vector<1x64xf32>
    %mul3A_1002 = arith.mulf %slice3A_1001, %slice3A_1001 : vector<1x64xf32>
    %slice3A_1003 = vector.extract_strided_slice %add3A_1000 {offsets = [0, 64], sizes = [1, 64], strides = [1, 1]} : vector<1x1024xf32> to vector<1x64xf32>
    %mul3A_1004 = arith.mulf %slice3A_1003, %slice3A_1003 : vector<1x64xf32>
    %add3A_1005 = arith.addf %mul3A_1002, %mul3A_1004 : vector<1x64xf32>
    %slice3A_1006 = vector.extract_strided_slice %add3A_1000 {offsets = [0, 128], sizes = [1, 64], strides = [1, 1]} : vector<1x1024xf32> to vector<1x64xf32>
    %mul3A_1007 = arith.mulf %slice3A_1006, %slice3A_1006 : vector<1x64xf32>
    %add3A_1008 = arith.addf %add3A_1005, %mul3A_1007 : vector<1x64xf32>
    %slice3A_1009 = vector.extract_strided_slice %add3A_1000 {offsets = [0, 192], sizes = [1, 64], strides = [1, 1]} : vector<1x1024xf32> to vector<1x64xf32>
    %mul3A_1010 = arith.mulf %slice3A_1009, %slice3A_1009 : vector<1x64xf32>
    %add3A_1011 = arith.addf %add3A_1008, %mul3A_1010 : vector<1x64xf32>
    %slice3A_1012 = vector.extract_strided_slice %add3A_1000 {offsets = [0, 256], sizes = [1, 64], strides = [1, 1]} : vector<1x1024xf32> to vector<1x64xf32>
    %mul3A_1013 = arith.mulf %slice3A_1012, %slice3A_1012 : vector<1x64xf32>
    %add3A_1014 = arith.addf %add3A_1011, %mul3A_1013 : vector<1x64xf32>
    %slice3A_1015 = vector.extract_strided_slice %add3A_1000 {offsets = [0, 320], sizes = [1, 64], strides = [1, 1]} : vector<1x1024xf32> to vector<1x64xf32>
    %mul3A_1016 = arith.mulf %slice3A_1015, %slice3A_1015 : vector<1x64xf32>
    %add3A_1017 = arith.addf %add3A_1014, %mul3A_1016 : vector<1x64xf32>
    %slice3A_1018 = vector.extract_strided_slice %add3A_1000 {offsets = [0, 384], sizes = [1, 64], strides = [1, 1]} : vector<1x1024xf32> to vector<1x64xf32>
    %mul3A_1019 = arith.mulf %slice3A_1018, %slice3A_1018 : vector<1x64xf32>
    %add3A_1020 = arith.addf %add3A_1017, %mul3A_1019 : vector<1x64xf32>
    %slice3A_1021 = vector.extract_strided_slice %add3A_1000 {offsets = [0, 448], sizes = [1, 64], strides = [1, 1]} : vector<1x1024xf32> to vector<1x64xf32>
    %mul3A_1022 = arith.mulf %slice3A_1021, %slice3A_1021 : vector<1x64xf32>
    %add3A_1023 = arith.addf %add3A_1020, %mul3A_1022 : vector<1x64xf32>
    %slice3A_1024 = vector.extract_strided_slice %add3A_1000 {offsets = [0, 512], sizes = [1, 64], strides = [1, 1]} : vector<1x1024xf32> to vector<1x64xf32>
    %mul3A_1025 = arith.mulf %slice3A_1024, %slice3A_1024 : vector<1x64xf32>
    %add3A_1026 = arith.addf %add3A_1023, %mul3A_1025 : vector<1x64xf32>
    %slice3A_1027 = vector.extract_strided_slice %add3A_1000 {offsets = [0, 576], sizes = [1, 64], strides = [1, 1]} : vector<1x1024xf32> to vector<1x64xf32>
    %mul3A_1028 = arith.mulf %slice3A_1027, %slice3A_1027 : vector<1x64xf32>
    %add3A_1029 = arith.addf %add3A_1026, %mul3A_1028 : vector<1x64xf32>
    %slice3A_1030 = vector.extract_strided_slice %add3A_1000 {offsets = [0, 640], sizes = [1, 64], strides = [1, 1]} : vector<1x1024xf32> to vector<1x64xf32>
    %mul3A_1031 = arith.mulf %slice3A_1030, %slice3A_1030 : vector<1x64xf32>
    %add3A_1032 = arith.addf %add3A_1029, %mul3A_1031 : vector<1x64xf32>
    %slice3A_1033 = vector.extract_strided_slice %add3A_1000 {offsets = [0, 704], sizes = [1, 64], strides = [1, 1]} : vector<1x1024xf32> to vector<1x64xf32>
    %mul3A_1034 = arith.mulf %slice3A_1033, %slice3A_1033 : vector<1x64xf32>
    %add3A_1035 = arith.addf %add3A_1032, %mul3A_1034 : vector<1x64xf32>
    %slice3A_1036 = vector.extract_strided_slice %add3A_1000 {offsets = [0, 768], sizes = [1, 64], strides = [1, 1]} : vector<1x1024xf32> to vector<1x64xf32>
    %mul3A_1037 = arith.mulf %slice3A_1036, %slice3A_1036 : vector<1x64xf32>
    %add3A_1038 = arith.addf %add3A_1035, %mul3A_1037 : vector<1x64xf32>
    %slice3A_1039 = vector.extract_strided_slice %add3A_1000 {offsets = [0, 832], sizes = [1, 64], strides = [1, 1]} : vector<1x1024xf32> to vector<1x64xf32>
    %mul3A_1040 = arith.mulf %slice3A_1039, %slice3A_1039 : vector<1x64xf32>
    %add3A_1041 = arith.addf %add3A_1038, %mul3A_1040 : vector<1x64xf32>
    %slice3A_1042 = vector.extract_strided_slice %add3A_1000 {offsets = [0, 896], sizes = [1, 64], strides = [1, 1]} : vector<1x1024xf32> to vector<1x64xf32>
    %mul3A_1043 = arith.mulf %slice3A_1042, %slice3A_1042 : vector<1x64xf32>
    %add3A_1044 = arith.addf %add3A_1041, %mul3A_1043 : vector<1x64xf32>
    %slice3A_1045 = vector.extract_strided_slice %add3A_1000 {offsets = [0, 960], sizes = [1, 64], strides = [1, 1]} : vector<1x1024xf32> to vector<1x64xf32>
    %mul3A_1046 = arith.mulf %slice3A_1045, %slice3A_1045 : vector<1x64xf32>
    %add3A_1047 = arith.addf %add3A_1044, %mul3A_1046 : vector<1x64xf32>
    %add3A_1048 = arith.constant 1.000000e+00 : f32
    %add3A_1049 = vector.broadcast %add3A_1048 : f32 to vector<1x64xf32>
    %add3A_1050 = arith.addf %add3A_1049, %add3A_1047 : vector<1x64xf32>
    %div3A_1051 = arith.divf %add3A_1047, %add3A_1050 : vector<1x64xf32>
    %add3A_1052 = arith.constant 9.99999993E-9 : f32
    %add3A_1053 = vector.broadcast %add3A_1052 : f32 to vector<1x64xf32>
    %add3A_1054 = arith.addf %add3A_1047, %add3A_1053 : vector<1x64xf32>
    %sqrt3A_1055 = math.sqrt %add3A_1054 : vector<1x64xf32>
    %div3A_1056 = arith.divf %div3A_1051, %sqrt3A_1055 : vector<1x64xf32>
    %slice3A_1057 = vector.extract_strided_slice %add3A_1000 {offsets = [0, 0], sizes = [1, 64], strides = [1, 1]} : vector<1x1024xf32> to vector<1x64xf32>
    %mul3A_1058 = arith.mulf %slice3A_1057, %div3A_1056 : vector<1x64xf32>
    %slice3A_1059 = vector.extract_strided_slice %add3A_1000 {offsets = [0, 64], sizes = [1, 64], strides = [1, 1]} : vector<1x1024xf32> to vector<1x64xf32>
    %mul3A_1060 = arith.mulf %slice3A_1059, %div3A_1056 : vector<1x64xf32>
    %slice3A_1061 = vector.extract_strided_slice %add3A_1000 {offsets = [0, 128], sizes = [1, 64], strides = [1, 1]} : vector<1x1024xf32> to vector<1x64xf32>
    %mul3A_1062 = arith.mulf %slice3A_1061, %div3A_1056 : vector<1x64xf32>
    %slice3A_1063 = vector.extract_strided_slice %add3A_1000 {offsets = [0, 192], sizes = [1, 64], strides = [1, 1]} : vector<1x1024xf32> to vector<1x64xf32>
    %mul3A_1064 = arith.mulf %slice3A_1063, %div3A_1056 : vector<1x64xf32>
    %slice3A_1065 = vector.extract_strided_slice %add3A_1000 {offsets = [0, 256], sizes = [1, 64], strides = [1, 1]} : vector<1x1024xf32> to vector<1x64xf32>
    %mul3A_1066 = arith.mulf %slice3A_1065, %div3A_1056 : vector<1x64xf32>
    %slice3A_1067 = vector.extract_strided_slice %add3A_1000 {offsets = [0, 320], sizes = [1, 64], strides = [1, 1]} : vector<1x1024xf32> to vector<1x64xf32>
    %mul3A_1068 = arith.mulf %slice3A_1067, %div3A_1056 : vector<1x64xf32>
    %slice3A_1069 = vector.extract_strided_slice %add3A_1000 {offsets = [0, 384], sizes = [1, 64], strides = [1, 1]} : vector<1x1024xf32> to vector<1x64xf32>
    %mul3A_1070 = arith.mulf %slice3A_1069, %div3A_1056 : vector<1x64xf32>
    %slice3A_1071 = vector.extract_strided_slice %add3A_1000 {offsets = [0, 448], sizes = [1, 64], strides = [1, 1]} : vector<1x1024xf32> to vector<1x64xf32>
    %mul3A_1072 = arith.mulf %slice3A_1071, %div3A_1056 : vector<1x64xf32>
    %slice3A_1073 = vector.extract_strided_slice %add3A_1000 {offsets = [0, 512], sizes = [1, 64], strides = [1, 1]} : vector<1x1024xf32> to vector<1x64xf32>
    %mul3A_1074 = arith.mulf %slice3A_1073, %div3A_1056 : vector<1x64xf32>
    %slice3A_1075 = vector.extract_strided_slice %add3A_1000 {offsets = [0, 576], sizes = [1, 64], strides = [1, 1]} : vector<1x1024xf32> to vector<1x64xf32>
    %mul3A_1076 = arith.mulf %slice3A_1075, %div3A_1056 : vector<1x64xf32>
    %slice3A_1077 = vector.extract_strided_slice %add3A_1000 {offsets = [0, 640], sizes = [1, 64], strides = [1, 1]} : vector<1x1024xf32> to vector<1x64xf32>
    %mul3A_1078 = arith.mulf %slice3A_1077, %div3A_1056 : vector<1x64xf32>
    %slice3A_1079 = vector.extract_strided_slice %add3A_1000 {offsets = [0, 704], sizes = [1, 64], strides = [1, 1]} : vector<1x1024xf32> to vector<1x64xf32>
    %mul3A_1080 = arith.mulf %slice3A_1079, %div3A_1056 : vector<1x64xf32>
    %slice3A_1081 = vector.extract_strided_slice %add3A_1000 {offsets = [0, 768], sizes = [1, 64], strides = [1, 1]} : vector<1x1024xf32> to vector<1x64xf32>
    %mul3A_1082 = arith.mulf %slice3A_1081, %div3A_1056 : vector<1x64xf32>
    %slice3A_1083 = vector.extract_strided_slice %add3A_1000 {offsets = [0, 832], sizes = [1, 64], strides = [1, 1]} : vector<1x1024xf32> to vector<1x64xf32>
    %mul3A_1084 = arith.mulf %slice3A_1083, %div3A_1056 : vector<1x64xf32>
    %slice3A_1085 = vector.extract_strided_slice %add3A_1000 {offsets = [0, 896], sizes = [1, 64], strides = [1, 1]} : vector<1x1024xf32> to vector<1x64xf32>
    %mul3A_1086 = arith.mulf %slice3A_1085, %div3A_1056 : vector<1x64xf32>
    %slice3A_1087 = vector.extract_strided_slice %add3A_1000 {offsets = [0, 960], sizes = [1, 64], strides = [1, 1]} : vector<1x1024xf32> to vector<1x64xf32>
    %mul3A_1088 = arith.mulf %slice3A_1087, %div3A_1056 : vector<1x64xf32>
    %concatenate3A_1089 = tpu.concatenate %mul3A_1058, %mul3A_1060, %mul3A_1062, %mul3A_1064, %mul3A_1066, %mul3A_1068, %mul3A_1070, %mul3A_1072, %mul3A_1074, %mul3A_1076, %mul3A_1078, %mul3A_1080, %mul3A_1082, %mul3A_1084, %mul3A_1086, %mul3A_1088 in 1 : vector<1x64xf32>, vector<1x64xf32>, vector<1x64xf32>, vector<1x64xf32>, vector<1x64xf32>, vector<1x64xf32>, vector<1x64xf32>, vector<1x64xf32>, vector<1x64xf32>, vector<1x64xf32>, vector<1x64xf32>, vector<1x64xf32>, vector<1x64xf32>, vector<1x64xf32>, vector<1x64xf32>, vector<1x64xf32> -> vector<1x1024xf32>
    %transpose3A_1090 = tpu.transpose %concatenate3A_1089, [1, 0] : vector<1x1024xf32> -> vector<1024x1xf32>
    %jit3A_1091 = arith.constant 0.000000e+00 : f32
    %broadcast_in_dim3A_1092 = vector.shape_cast %transpose3A_1090 : vector<1024x1xf32> to vector<1024x1xf32>
    %broadcast_in_dim3A_1093 = vector.broadcast %broadcast_in_dim3A_1092 : vector<1024x1xf32> to vector<1024x64xf32>
    %broadcast_in_dim3A_1094 = vector.broadcast %jit3A_1091 : f32 to vector<1024x64xf32>
    %select_n3A_1095 = arith.select %eq3A_23, %broadcast_in_dim3A_1093, %broadcast_in_dim3A_1094 : vector<1024x64xi1>, vector<1024x64xf32>
    %convert_element_type3A_1096 = arith.truncf %select_n3A_1095 : vector<1024x64xf32> to vector<1024x64xbf16>
    %dot_general3A_1097 = arith.constant dense<0.000000e+00> : vector<1024x64xf32>
    %dot_general3A_1098 = tpu.matmul %get3A_7, %convert_element_type3A_1096, %dot_general3A_1097 {dimension_numbers = #tpu.dot_dimension_numbers<[1], [0], [0], [1], [0, 0, 1, 1], [], []>, transpose_lhs_hint = false} : vector<1024x1024xbf16>, vector<1024x64xbf16>, vector<1024x64xf32> -> vector<1024x64xf32>
    %get3A_1099 = arith.constant 0 : index
    %get3A_1100 = arith.constant 0 : index
    %get3A_1101 = vector.load %arg4[%get3A_1099, %get3A_1100] : memref<1024x64xf32, #tpu.memory_space<vmem>>, vector<1024x64xf32>
    %add3A_1102 = arith.addf %get3A_1101, %dot_general3A_1098 : vector<1024x64xf32>
    %swap3A_1103 = arith.constant 0 : index
    %swap3A_1104 = arith.constant 0 : index
    %swap3A_1105 = vector.load %arg4[%swap3A_1103, %swap3A_1104] : memref<1024x64xf32, #tpu.memory_space<vmem>>, vector<1024x64xf32>
    tpu.vector_store %arg4[%swap3A_1103, %swap3A_1104], %add3A_1102 {strides = array<i32>} : memref<1024x64xf32, #tpu.memory_space<vmem>>, vector<1024x64xf32>,
    %get3A_1106 = arith.constant 0 : index
    %get3A_1107 = arith.constant 0 : index
    %get3A_1108 = vector.load %arg4[%get3A_1106, %get3A_1107] : memref<1024x64xf32, #tpu.memory_space<vmem>>, vector<256x64xf32>
    %transpose3A_1109 = tpu.transpose %get3A_1108, [1, 0] : vector<256x64xf32> -> vector<64x256xf32>
    %swap3A_1110 = arith.constant 0 : index
    %swap3A_1111 = arith.constant 0 : index
    %swap3A_1112 = vector.load %arg6[%swap3A_1110, %swap3A_1111] : memref<64x1024xf32, #tpu.memory_space<vmem>>, vector<64x256xf32>
    tpu.vector_store %arg6[%swap3A_1110, %swap3A_1111], %transpose3A_1109 {strides = array<i32>} : memref<64x1024xf32, #tpu.memory_space<vmem>>, vector<64x256xf32>,
    %get3A_1113 = arith.constant 256 : index
    %get3A_1114 = arith.constant 0 : index
    %get3A_1115 = vector.load %arg4[%get3A_1113, %get3A_1114] : memref<1024x64xf32, #tpu.memory_space<vmem>>, vector<256x64xf32>
    %transpose3A_1116 = tpu.transpose %get3A_1115, [1, 0] : vector<256x64xf32> -> vector<64x256xf32>
    %swap3A_1117 = arith.constant 0 : index
    %swap3A_1118 = arith.constant 256 : index
    %swap3A_1119 = vector.load %arg6[%swap3A_1117, %swap3A_1118] : memref<64x1024xf32, #tpu.memory_space<vmem>>, vector<64x256xf32>
    tpu.vector_store %arg6[%swap3A_1117, %swap3A_1118], %transpose3A_1116 {strides = array<i32>} : memref<64x1024xf32, #tpu.memory_space<vmem>>, vector<64x256xf32>,
    %get3A_1120 = arith.constant 512 : index
    %get3A_1121 = arith.constant 0 : index
    %get3A_1122 = vector.load %arg4[%get3A_1120, %get3A_1121] : memref<1024x64xf32, #tpu.memory_space<vmem>>, vector<256x64xf32>
    %transpose3A_1123 = tpu.transpose %get3A_1122, [1, 0] : vector<256x64xf32> -> vector<64x256xf32>
    %swap3A_1124 = arith.constant 0 : index
    %swap3A_1125 = arith.constant 512 : index
    %swap3A_1126 = vector.load %arg6[%swap3A_1124, %swap3A_1125] : memref<64x1024xf32, #tpu.memory_space<vmem>>, vector<64x256xf32>
    tpu.vector_store %arg6[%swap3A_1124, %swap3A_1125], %transpose3A_1123 {strides = array<i32>} : memref<64x1024xf32, #tpu.memory_space<vmem>>, vector<64x256xf32>,
    %get3A_1127 = arith.constant 768 : index
    %get3A_1128 = arith.constant 0 : index
    %get3A_1129 = vector.load %arg4[%get3A_1127, %get3A_1128] : memref<1024x64xf32, #tpu.memory_space<vmem>>, vector<256x64xf32>
    %transpose3A_1130 = tpu.transpose %get3A_1129, [1, 0] : vector<256x64xf32> -> vector<64x256xf32>
    %swap3A_1131 = arith.constant 0 : index
    %swap3A_1132 = arith.constant 768 : index
    %swap3A_1133 = vector.load %arg6[%swap3A_1131, %swap3A_1132] : memref<64x1024xf32, #tpu.memory_space<vmem>>, vector<64x256xf32>
    tpu.vector_store %arg6[%swap3A_1131, %swap3A_1132], %transpose3A_1130 {strides = array<i32>} : memref<64x1024xf32, #tpu.memory_space<vmem>>, vector<64x256xf32>,
    %get3A_1134 = arith.constant 0 : index
    %get3A_1135 = arith.constant 0 : index
    %get3A_1136 = vector.load %arg6[%get3A_1134, %get3A_1135] : memref<64x1024xf32, #tpu.memory_space<vmem>>, vector<64x512xf32>
    %reduce_max3A_1137 = arith.constant dense<0xFF800000> : vector<512xf32>
    %reduce_max3A_1138 = vector.multi_reduction <maximumf>, %get3A_1136, %reduce_max3A_1137 [0] : vector<64x512xf32> to vector<512xf32>
    %broadcast_in_dim3A_1139 = vector.shape_cast %reduce_max3A_1138 : vector<512xf32> to vector<1x512xf32>
    %eq3A_1140 = vector.broadcast %broadcast_in_dim3A_1139 : vector<1x512xf32> to vector<64x512xf32>
    %eq3A_1141 = arith.cmpf oeq, %get3A_1136, %eq3A_1140 : vector<64x512xf32>
    %jit3A_1142 = arith.constant 1.000000e+00 : f32
    %jit3A_1143 = arith.constant 0.000000e+00 : f32
    %broadcast_in_dim3A_1144 = vector.broadcast %jit3A_1142 : f32 to vector<64x512xf32>
    %broadcast_in_dim3A_1145 = vector.broadcast %jit3A_1143 : f32 to vector<64x512xf32>
    %select_n3A_1146 = arith.select %eq3A_1141, %broadcast_in_dim3A_1144, %broadcast_in_dim3A_1145 : vector<64x512xi1>, vector<64x512xf32>
    %reduce_sum3A_1147 = arith.constant dense<0.000000e+00> : vector<512xf32>
    %reduce_sum3A_1148 = vector.multi_reduction <add>, %select_n3A_1146, %reduce_sum3A_1147 [0] : vector<64x512xf32> to vector<512xf32>
    %broadcast_in_dim3A_1149 = vector.shape_cast %reduce_sum3A_1148 : vector<512xf32> to vector<1x512xf32>
    %eq3A_1150 = vector.broadcast %broadcast_in_dim3A_1139 : vector<1x512xf32> to vector<64x512xf32>
    %eq3A_1151 = arith.cmpf oeq, %get3A_1136, %eq3A_1150 : vector<64x512xf32>
    %jit3A_1152 = arith.constant 0xFF800000 : f32
    %broadcast_in_dim3A_1153 = vector.broadcast %jit3A_1152 : f32 to vector<64x512xf32>
    %select_n3A_1154 = arith.select %eq3A_1151, %broadcast_in_dim3A_1153, %get3A_1136 : vector<64x512xi1>, vector<64x512xf32>
    %reduce_max3A_1155 = arith.constant dense<0xFF800000> : vector<512xf32>
    %reduce_max3A_1156 = vector.multi_reduction <maximumf>, %select_n3A_1154, %reduce_max3A_1155 [0] : vector<64x512xf32> to vector<512xf32>
    %broadcast_in_dim3A_1157 = vector.shape_cast %reduce_max3A_1156 : vector<512xf32> to vector<1x512xf32>
    %eq3A_1158 = vector.broadcast %broadcast_in_dim3A_1157 : vector<1x512xf32> to vector<64x512xf32>
    %eq3A_1159 = arith.cmpf oeq, %select_n3A_1154, %eq3A_1158 : vector<64x512xf32>
    %jit3A_1160 = arith.constant 1.000000e+00 : f32
    %jit3A_1161 = arith.constant 0.000000e+00 : f32
    %broadcast_in_dim3A_1162 = vector.broadcast %jit3A_1160 : f32 to vector<64x512xf32>
    %broadcast_in_dim3A_1163 = vector.broadcast %jit3A_1161 : f32 to vector<64x512xf32>
    %select_n3A_1164 = arith.select %eq3A_1159, %broadcast_in_dim3A_1162, %broadcast_in_dim3A_1163 : vector<64x512xi1>, vector<64x512xf32>
    %reduce_sum3A_1165 = arith.constant dense<0.000000e+00> : vector<512xf32>
    %reduce_sum3A_1166 = vector.multi_reduction <add>, %select_n3A_1164, %reduce_sum3A_1165 [0] : vector<64x512xf32> to vector<512xf32>
    %broadcast_in_dim3A_1167 = vector.shape_cast %reduce_sum3A_1166 : vector<512xf32> to vector<1x512xf32>
    %lt3A_1168 = arith.constant 1.600000e+01 : f32
    %lt3A_1169 = vector.broadcast %lt3A_1168 : f32 to vector<1x512xf32>
    %lt3A_1170 = arith.cmpf olt, %broadcast_in_dim3A_1149, %lt3A_1169 : vector<1x512xf32>
    %select_n3A_1171 = arith.select %lt3A_1170, %broadcast_in_dim3A_1157, %broadcast_in_dim3A_1139 : vector<1x512xi1>, vector<1x512xf32>
    %jit3A_1172 = arith.constant 0.000000e+00 : f32
    %broadcast_in_dim3A_1173 = vector.broadcast %jit3A_1172 : f32 to vector<1x512xf32>
    %select_n3A_1174 = arith.select %lt3A_1170, %broadcast_in_dim3A_1167, %broadcast_in_dim3A_1173 : vector<1x512xi1>, vector<1x512xf32>
    %add3A_1175 = arith.addf %broadcast_in_dim3A_1149, %select_n3A_1174 : vector<1x512xf32>
    %eq3A_1176 = vector.broadcast %broadcast_in_dim3A_1157 : vector<1x512xf32> to vector<64x512xf32>
    %eq3A_1177 = arith.cmpf oeq, %select_n3A_1154, %eq3A_1176 : vector<64x512xf32>
    %jit3A_1178 = arith.constant 0xFF800000 : f32
    %broadcast_in_dim3A_1179 = vector.broadcast %jit3A_1178 : f32 to vector<64x512xf32>
    %select_n3A_1180 = arith.select %eq3A_1177, %broadcast_in_dim3A_1179, %select_n3A_1154 : vector<64x512xi1>, vector<64x512xf32>
    %reduce_max3A_1181 = arith.constant dense<0xFF800000> : vector<512xf32>
    %reduce_max3A_1182 = vector.multi_reduction <maximumf>, %select_n3A_1180, %reduce_max3A_1181 [0] : vector<64x512xf32> to vector<512xf32>
    %broadcast_in_dim3A_1183 = vector.shape_cast %reduce_max3A_1182 : vector<512xf32> to vector<1x512xf32>
    %eq3A_1184 = vector.broadcast %broadcast_in_dim3A_1183 : vector<1x512xf32> to vector<64x512xf32>
    %eq3A_1185 = arith.cmpf oeq, %select_n3A_1180, %eq3A_1184 : vector<64x512xf32>
    %jit3A_1186 = arith.constant 1.000000e+00 : f32
    %jit3A_1187 = arith.constant 0.000000e+00 : f32
    %broadcast_in_dim3A_1188 = vector.broadcast %jit3A_1186 : f32 to vector<64x512xf32>
    %broadcast_in_dim3A_1189 = vector.broadcast %jit3A_1187 : f32 to vector<64x512xf32>
    %select_n3A_1190 = arith.select %eq3A_1185, %broadcast_in_dim3A_1188, %broadcast_in_dim3A_1189 : vector<64x512xi1>, vector<64x512xf32>
    %reduce_sum3A_1191 = arith.constant dense<0.000000e+00> : vector<512xf32>
    %reduce_sum3A_1192 = vector.multi_reduction <add>, %select_n3A_1190, %reduce_sum3A_1191 [0] : vector<64x512xf32> to vector<512xf32>
    %broadcast_in_dim3A_1193 = vector.shape_cast %reduce_sum3A_1192 : vector<512xf32> to vector<1x512xf32>
    %lt3A_1194 = arith.constant 1.600000e+01 : f32
    %lt3A_1195 = vector.broadcast %lt3A_1194 : f32 to vector<1x512xf32>
    %lt3A_1196 = arith.cmpf olt, %add3A_1175, %lt3A_1195 : vector<1x512xf32>
    %select_n3A_1197 = arith.select %lt3A_1196, %broadcast_in_dim3A_1183, %select_n3A_1171 : vector<1x512xi1>, vector<1x512xf32>
    %jit3A_1198 = arith.constant 0.000000e+00 : f32
    %broadcast_in_dim3A_1199 = vector.broadcast %jit3A_1198 : f32 to vector<1x512xf32>
    %select_n3A_1200 = arith.select %lt3A_1196, %broadcast_in_dim3A_1193, %broadcast_in_dim3A_1199 : vector<1x512xi1>, vector<1x512xf32>
    %add3A_1201 = arith.addf %add3A_1175, %select_n3A_1200 : vector<1x512xf32>
    %eq3A_1202 = vector.broadcast %broadcast_in_dim3A_1183 : vector<1x512xf32> to vector<64x512xf32>
    %eq3A_1203 = arith.cmpf oeq, %select_n3A_1180, %eq3A_1202 : vector<64x512xf32>
    %jit3A_1204 = arith.constant 0xFF800000 : f32
    %broadcast_in_dim3A_1205 = vector.broadcast %jit3A_1204 : f32 to vector<64x512xf32>
    %select_n3A_1206 = arith.select %eq3A_1203, %broadcast_in_dim3A_1205, %select_n3A_1180 : vector<64x512xi1>, vector<64x512xf32>
    %reduce_max3A_1207 = arith.constant dense<0xFF800000> : vector<512xf32>
    %reduce_max3A_1208 = vector.multi_reduction <maximumf>, %select_n3A_1206, %reduce_max3A_1207 [0] : vector<64x512xf32> to vector<512xf32>
    %broadcast_in_dim3A_1209 = vector.shape_cast %reduce_max3A_1208 : vector<512xf32> to vector<1x512xf32>
    %eq3A_1210 = vector.broadcast %broadcast_in_dim3A_1209 : vector<1x512xf32> to vector<64x512xf32>
    %eq3A_1211 = arith.cmpf oeq, %select_n3A_1206, %eq3A_1210 : vector<64x512xf32>
    %jit3A_1212 = arith.constant 1.000000e+00 : f32
    %jit3A_1213 = arith.constant 0.000000e+00 : f32
    %broadcast_in_dim3A_1214 = vector.broadcast %jit3A_1212 : f32 to vector<64x512xf32>
    %broadcast_in_dim3A_1215 = vector.broadcast %jit3A_1213 : f32 to vector<64x512xf32>
    %select_n3A_1216 = arith.select %eq3A_1211, %broadcast_in_dim3A_1214, %broadcast_in_dim3A_1215 : vector<64x512xi1>, vector<64x512xf32>
    %reduce_sum3A_1217 = arith.constant dense<0.000000e+00> : vector<512xf32>
    %reduce_sum3A_1218 = vector.multi_reduction <add>, %select_n3A_1216, %reduce_sum3A_1217 [0] : vector<64x512xf32> to vector<512xf32>
    %broadcast_in_dim3A_1219 = vector.shape_cast %reduce_sum3A_1218 : vector<512xf32> to vector<1x512xf32>
    %lt3A_1220 = arith.constant 1.600000e+01 : f32
    %lt3A_1221 = vector.broadcast %lt3A_1220 : f32 to vector<1x512xf32>
    %lt3A_1222 = arith.cmpf olt, %add3A_1201, %lt3A_1221 : vector<1x512xf32>
    %select_n3A_1223 = arith.select %lt3A_1222, %broadcast_in_dim3A_1209, %select_n3A_1197 : vector<1x512xi1>, vector<1x512xf32>
    %jit3A_1224 = arith.constant 0.000000e+00 : f32
    %broadcast_in_dim3A_1225 = vector.broadcast %jit3A_1224 : f32 to vector<1x512xf32>
    %select_n3A_1226 = arith.select %lt3A_1222, %broadcast_in_dim3A_1219, %broadcast_in_dim3A_1225 : vector<1x512xi1>, vector<1x512xf32>
    %add3A_1227 = arith.addf %add3A_1201, %select_n3A_1226 : vector<1x512xf32>
    %eq3A_1228 = vector.broadcast %broadcast_in_dim3A_1209 : vector<1x512xf32> to vector<64x512xf32>
    %eq3A_1229 = arith.cmpf oeq, %select_n3A_1206, %eq3A_1228 : vector<64x512xf32>
    %jit3A_1230 = arith.constant 0xFF800000 : f32
    %broadcast_in_dim3A_1231 = vector.broadcast %jit3A_1230 : f32 to vector<64x512xf32>
    %select_n3A_1232 = arith.select %eq3A_1229, %broadcast_in_dim3A_1231, %select_n3A_1206 : vector<64x512xi1>, vector<64x512xf32>
    %reduce_max3A_1233 = arith.constant dense<0xFF800000> : vector<512xf32>
    %reduce_max3A_1234 = vector.multi_reduction <maximumf>, %select_n3A_1232, %reduce_max3A_1233 [0] : vector<64x512xf32> to vector<512xf32>
    %broadcast_in_dim3A_1235 = vector.shape_cast %reduce_max3A_1234 : vector<512xf32> to vector<1x512xf32>
    %eq3A_1236 = vector.broadcast %broadcast_in_dim3A_1235 : vector<1x512xf32> to vector<64x512xf32>
    %eq3A_1237 = arith.cmpf oeq, %select_n3A_1232, %eq3A_1236 : vector<64x512xf32>
    %jit3A_1238 = arith.constant 1.000000e+00 : f32
    %jit3A_1239 = arith.constant 0.000000e+00 : f32
    %broadcast_in_dim3A_1240 = vector.broadcast %jit3A_1238 : f32 to vector<64x512xf32>
    %broadcast_in_dim3A_1241 = vector.broadcast %jit3A_1239 : f32 to vector<64x512xf32>
    %select_n3A_1242 = arith.select %eq3A_1237, %broadcast_in_dim3A_1240, %broadcast_in_dim3A_1241 : vector<64x512xi1>, vector<64x512xf32>
    %reduce_sum3A_1243 = arith.constant dense<0.000000e+00> : vector<512xf32>
    %reduce_sum3A_1244 = vector.multi_reduction <add>, %select_n3A_1242, %reduce_sum3A_1243 [0] : vector<64x512xf32> to vector<512xf32>
    %broadcast_in_dim3A_1245 = vector.shape_cast %reduce_sum3A_1244 : vector<512xf32> to vector<1x512xf32>
    %lt3A_1246 = arith.constant 1.600000e+01 : f32
    %lt3A_1247 = vector.broadcast %lt3A_1246 : f32 to vector<1x512xf32>
    %lt3A_1248 = arith.cmpf olt, %add3A_1227, %lt3A_1247 : vector<1x512xf32>
    %select_n3A_1249 = arith.select %lt3A_1248, %broadcast_in_dim3A_1235, %select_n3A_1223 : vector<1x512xi1>, vector<1x512xf32>
    %jit3A_1250 = arith.constant 0.000000e+00 : f32
    %broadcast_in_dim3A_1251 = vector.broadcast %jit3A_1250 : f32 to vector<1x512xf32>
    %select_n3A_1252 = arith.select %lt3A_1248, %broadcast_in_dim3A_1245, %broadcast_in_dim3A_1251 : vector<1x512xi1>, vector<1x512xf32>
    %add3A_1253 = arith.addf %add3A_1227, %select_n3A_1252 : vector<1x512xf32>
    %eq3A_1254 = vector.broadcast %broadcast_in_dim3A_1235 : vector<1x512xf32> to vector<64x512xf32>
    %eq3A_1255 = arith.cmpf oeq, %select_n3A_1232, %eq3A_1254 : vector<64x512xf32>
    %jit3A_1256 = arith.constant 0xFF800000 : f32
    %broadcast_in_dim3A_1257 = vector.broadcast %jit3A_1256 : f32 to vector<64x512xf32>
    %select_n3A_1258 = arith.select %eq3A_1255, %broadcast_in_dim3A_1257, %select_n3A_1232 : vector<64x512xi1>, vector<64x512xf32>
    %reduce_max3A_1259 = arith.constant dense<0xFF800000> : vector<512xf32>
    %reduce_max3A_1260 = vector.multi_reduction <maximumf>, %select_n3A_1258, %reduce_max3A_1259 [0] : vector<64x512xf32> to vector<512xf32>
    %broadcast_in_dim3A_1261 = vector.shape_cast %reduce_max3A_1260 : vector<512xf32> to vector<1x512xf32>
    %eq3A_1262 = vector.broadcast %broadcast_in_dim3A_1261 : vector<1x512xf32> to vector<64x512xf32>
    %eq3A_1263 = arith.cmpf oeq, %select_n3A_1258, %eq3A_1262 : vector<64x512xf32>
    %jit3A_1264 = arith.constant 1.000000e+00 : f32
    %jit3A_1265 = arith.constant 0.000000e+00 : f32
    %broadcast_in_dim3A_1266 = vector.broadcast %jit3A_1264 : f32 to vector<64x512xf32>
    %broadcast_in_dim3A_1267 = vector.broadcast %jit3A_1265 : f32 to vector<64x512xf32>
    %select_n3A_1268 = arith.select %eq3A_1263, %broadcast_in_dim3A_1266, %broadcast_in_dim3A_1267 : vector<64x512xi1>, vector<64x512xf32>
    %reduce_sum3A_1269 = arith.constant dense<0.000000e+00> : vector<512xf32>
    %reduce_sum3A_1270 = vector.multi_reduction <add>, %select_n3A_1268, %reduce_sum3A_1269 [0] : vector<64x512xf32> to vector<512xf32>
    %broadcast_in_dim3A_1271 = vector.shape_cast %reduce_sum3A_1270 : vector<512xf32> to vector<1x512xf32>
    %lt3A_1272 = arith.constant 1.600000e+01 : f32
    %lt3A_1273 = vector.broadcast %lt3A_1272 : f32 to vector<1x512xf32>
    %lt3A_1274 = arith.cmpf olt, %add3A_1253, %lt3A_1273 : vector<1x512xf32>
    %select_n3A_1275 = arith.select %lt3A_1274, %broadcast_in_dim3A_1261, %select_n3A_1249 : vector<1x512xi1>, vector<1x512xf32>
    %jit3A_1276 = arith.constant 0.000000e+00 : f32
    %broadcast_in_dim3A_1277 = vector.broadcast %jit3A_1276 : f32 to vector<1x512xf32>
    %select_n3A_1278 = arith.select %lt3A_1274, %broadcast_in_dim3A_1271, %broadcast_in_dim3A_1277 : vector<1x512xi1>, vector<1x512xf32>
    %add3A_1279 = arith.addf %add3A_1253, %select_n3A_1278 : vector<1x512xf32>
    %eq3A_1280 = vector.broadcast %broadcast_in_dim3A_1261 : vector<1x512xf32> to vector<64x512xf32>
    %eq3A_1281 = arith.cmpf oeq, %select_n3A_1258, %eq3A_1280 : vector<64x512xf32>
    %jit3A_1282 = arith.constant 0xFF800000 : f32
    %broadcast_in_dim3A_1283 = vector.broadcast %jit3A_1282 : f32 to vector<64x512xf32>
    %select_n3A_1284 = arith.select %eq3A_1281, %broadcast_in_dim3A_1283, %select_n3A_1258 : vector<64x512xi1>, vector<64x512xf32>
    %reduce_max3A_1285 = arith.constant dense<0xFF800000> : vector<512xf32>
    %reduce_max3A_1286 = vector.multi_reduction <maximumf>, %select_n3A_1284, %reduce_max3A_1285 [0] : vector<64x512xf32> to vector<512xf32>
    %broadcast_in_dim3A_1287 = vector.shape_cast %reduce_max3A_1286 : vector<512xf32> to vector<1x512xf32>
    %eq3A_1288 = vector.broadcast %broadcast_in_dim3A_1287 : vector<1x512xf32> to vector<64x512xf32>
    %eq3A_1289 = arith.cmpf oeq, %select_n3A_1284, %eq3A_1288 : vector<64x512xf32>
    %jit3A_1290 = arith.constant 1.000000e+00 : f32
    %jit3A_1291 = arith.constant 0.000000e+00 : f32
    %broadcast_in_dim3A_1292 = vector.broadcast %jit3A_1290 : f32 to vector<64x512xf32>
    %broadcast_in_dim3A_1293 = vector.broadcast %jit3A_1291 : f32 to vector<64x512xf32>
    %select_n3A_1294 = arith.select %eq3A_1289, %broadcast_in_dim3A_1292, %broadcast_in_dim3A_1293 : vector<64x512xi1>, vector<64x512xf32>
    %reduce_sum3A_1295 = arith.constant dense<0.000000e+00> : vector<512xf32>
    %reduce_sum3A_1296 = vector.multi_reduction <add>, %select_n3A_1294, %reduce_sum3A_1295 [0] : vector<64x512xf32> to vector<512xf32>
    %broadcast_in_dim3A_1297 = vector.shape_cast %reduce_sum3A_1296 : vector<512xf32> to vector<1x512xf32>
    %lt3A_1298 = arith.constant 1.600000e+01 : f32
    %lt3A_1299 = vector.broadcast %lt3A_1298 : f32 to vector<1x512xf32>
    %lt3A_1300 = arith.cmpf olt, %add3A_1279, %lt3A_1299 : vector<1x512xf32>
    %select_n3A_1301 = arith.select %lt3A_1300, %broadcast_in_dim3A_1287, %select_n3A_1275 : vector<1x512xi1>, vector<1x512xf32>
    %jit3A_1302 = arith.constant 0.000000e+00 : f32
    %broadcast_in_dim3A_1303 = vector.broadcast %jit3A_1302 : f32 to vector<1x512xf32>
    %select_n3A_1304 = arith.select %lt3A_1300, %broadcast_in_dim3A_1297, %broadcast_in_dim3A_1303 : vector<1x512xi1>, vector<1x512xf32>
    %add3A_1305 = arith.addf %add3A_1279, %select_n3A_1304 : vector<1x512xf32>
    %eq3A_1306 = vector.broadcast %broadcast_in_dim3A_1287 : vector<1x512xf32> to vector<64x512xf32>
    %eq3A_1307 = arith.cmpf oeq, %select_n3A_1284, %eq3A_1306 : vector<64x512xf32>
    %jit3A_1308 = arith.constant 0xFF800000 : f32
    %broadcast_in_dim3A_1309 = vector.broadcast %jit3A_1308 : f32 to vector<64x512xf32>
    %select_n3A_1310 = arith.select %eq3A_1307, %broadcast_in_dim3A_1309, %select_n3A_1284 : vector<64x512xi1>, vector<64x512xf32>
    %reduce_max3A_1311 = arith.constant dense<0xFF800000> : vector<512xf32>
    %reduce_max3A_1312 = vector.multi_reduction <maximumf>, %select_n3A_1310, %reduce_max3A_1311 [0] : vector<64x512xf32> to vector<512xf32>
    %broadcast_in_dim3A_1313 = vector.shape_cast %reduce_max3A_1312 : vector<512xf32> to vector<1x512xf32>
    %eq3A_1314 = vector.broadcast %broadcast_in_dim3A_1313 : vector<1x512xf32> to vector<64x512xf32>
    %eq3A_1315 = arith.cmpf oeq, %select_n3A_1310, %eq3A_1314 : vector<64x512xf32>
    %jit3A_1316 = arith.constant 1.000000e+00 : f32
    %jit3A_1317 = arith.constant 0.000000e+00 : f32
    %broadcast_in_dim3A_1318 = vector.broadcast %jit3A_1316 : f32 to vector<64x512xf32>
    %broadcast_in_dim3A_1319 = vector.broadcast %jit3A_1317 : f32 to vector<64x512xf32>
    %select_n3A_1320 = arith.select %eq3A_1315, %broadcast_in_dim3A_1318, %broadcast_in_dim3A_1319 : vector<64x512xi1>, vector<64x512xf32>
    %reduce_sum3A_1321 = arith.constant dense<0.000000e+00> : vector<512xf32>
    %reduce_sum3A_1322 = vector.multi_reduction <add>, %select_n3A_1320, %reduce_sum3A_1321 [0] : vector<64x512xf32> to vector<512xf32>
    %broadcast_in_dim3A_1323 = vector.shape_cast %reduce_sum3A_1322 : vector<512xf32> to vector<1x512xf32>
    %lt3A_1324 = arith.constant 1.600000e+01 : f32
    %lt3A_1325 = vector.broadcast %lt3A_1324 : f32 to vector<1x512xf32>
    %lt3A_1326 = arith.cmpf olt, %add3A_1305, %lt3A_1325 : vector<1x512xf32>
    %select_n3A_1327 = arith.select %lt3A_1326, %broadcast_in_dim3A_1313, %select_n3A_1301 : vector<1x512xi1>, vector<1x512xf32>
    %jit3A_1328 = arith.constant 0.000000e+00 : f32
    %broadcast_in_dim3A_1329 = vector.broadcast %jit3A_1328 : f32 to vector<1x512xf32>
    %select_n3A_1330 = arith.select %lt3A_1326, %broadcast_in_dim3A_1323, %broadcast_in_dim3A_1329 : vector<1x512xi1>, vector<1x512xf32>
    %add3A_1331 = arith.addf %add3A_1305, %select_n3A_1330 : vector<1x512xf32>
    %eq3A_1332 = vector.broadcast %broadcast_in_dim3A_1313 : vector<1x512xf32> to vector<64x512xf32>
    %eq3A_1333 = arith.cmpf oeq, %select_n3A_1310, %eq3A_1332 : vector<64x512xf32>
    %jit3A_1334 = arith.constant 0xFF800000 : f32
    %broadcast_in_dim3A_1335 = vector.broadcast %jit3A_1334 : f32 to vector<64x512xf32>
    %select_n3A_1336 = arith.select %eq3A_1333, %broadcast_in_dim3A_1335, %select_n3A_1310 : vector<64x512xi1>, vector<64x512xf32>
    %reduce_max3A_1337 = arith.constant dense<0xFF800000> : vector<512xf32>
    %reduce_max3A_1338 = vector.multi_reduction <maximumf>, %select_n3A_1336, %reduce_max3A_1337 [0] : vector<64x512xf32> to vector<512xf32>
    %broadcast_in_dim3A_1339 = vector.shape_cast %reduce_max3A_1338 : vector<512xf32> to vector<1x512xf32>
    %eq3A_1340 = vector.broadcast %broadcast_in_dim3A_1339 : vector<1x512xf32> to vector<64x512xf32>
    %eq3A_1341 = arith.cmpf oeq, %select_n3A_1336, %eq3A_1340 : vector<64x512xf32>
    %jit3A_1342 = arith.constant 1.000000e+00 : f32
    %jit3A_1343 = arith.constant 0.000000e+00 : f32
    %broadcast_in_dim3A_1344 = vector.broadcast %jit3A_1342 : f32 to vector<64x512xf32>
    %broadcast_in_dim3A_1345 = vector.broadcast %jit3A_1343 : f32 to vector<64x512xf32>
    %select_n3A_1346 = arith.select %eq3A_1341, %broadcast_in_dim3A_1344, %broadcast_in_dim3A_1345 : vector<64x512xi1>, vector<64x512xf32>
    %reduce_sum3A_1347 = arith.constant dense<0.000000e+00> : vector<512xf32>
    %reduce_sum3A_1348 = vector.multi_reduction <add>, %select_n3A_1346, %reduce_sum3A_1347 [0] : vector<64x512xf32> to vector<512xf32>
    %broadcast_in_dim3A_1349 = vector.shape_cast %reduce_sum3A_1348 : vector<512xf32> to vector<1x512xf32>
    %lt3A_1350 = arith.constant 1.600000e+01 : f32
    %lt3A_1351 = vector.broadcast %lt3A_1350 : f32 to vector<1x512xf32>
    %lt3A_1352 = arith.cmpf olt, %add3A_1331, %lt3A_1351 : vector<1x512xf32>
    %select_n3A_1353 = arith.select %lt3A_1352, %broadcast_in_dim3A_1339, %select_n3A_1327 : vector<1x512xi1>, vector<1x512xf32>
    %jit3A_1354 = arith.constant 0.000000e+00 : f32
    %broadcast_in_dim3A_1355 = vector.broadcast %jit3A_1354 : f32 to vector<1x512xf32>
    %select_n3A_1356 = arith.select %lt3A_1352, %broadcast_in_dim3A_1349, %broadcast_in_dim3A_1355 : vector<1x512xi1>, vector<1x512xf32>
    %add3A_1357 = arith.addf %add3A_1331, %select_n3A_1356 : vector<1x512xf32>
    %eq3A_1358 = vector.broadcast %broadcast_in_dim3A_1339 : vector<1x512xf32> to vector<64x512xf32>
    %eq3A_1359 = arith.cmpf oeq, %select_n3A_1336, %eq3A_1358 : vector<64x512xf32>
    %jit3A_1360 = arith.constant 0xFF800000 : f32
    %broadcast_in_dim3A_1361 = vector.broadcast %jit3A_1360 : f32 to vector<64x512xf32>
    %select_n3A_1362 = arith.select %eq3A_1359, %broadcast_in_dim3A_1361, %select_n3A_1336 : vector<64x512xi1>, vector<64x512xf32>
    %reduce_max3A_1363 = arith.constant dense<0xFF800000> : vector<512xf32>
    %reduce_max3A_1364 = vector.multi_reduction <maximumf>, %select_n3A_1362, %reduce_max3A_1363 [0] : vector<64x512xf32> to vector<512xf32>
    %broadcast_in_dim3A_1365 = vector.shape_cast %reduce_max3A_1364 : vector<512xf32> to vector<1x512xf32>
    %eq3A_1366 = vector.broadcast %broadcast_in_dim3A_1365 : vector<1x512xf32> to vector<64x512xf32>
    %eq3A_1367 = arith.cmpf oeq, %select_n3A_1362, %eq3A_1366 : vector<64x512xf32>
    %jit3A_1368 = arith.constant 1.000000e+00 : f32
    %jit3A_1369 = arith.constant 0.000000e+00 : f32
    %broadcast_in_dim3A_1370 = vector.broadcast %jit3A_1368 : f32 to vector<64x512xf32>
    %broadcast_in_dim3A_1371 = vector.broadcast %jit3A_1369 : f32 to vector<64x512xf32>
    %select_n3A_1372 = arith.select %eq3A_1367, %broadcast_in_dim3A_1370, %broadcast_in_dim3A_1371 : vector<64x512xi1>, vector<64x512xf32>
    %reduce_sum3A_1373 = arith.constant dense<0.000000e+00> : vector<512xf32>
    %reduce_sum3A_1374 = vector.multi_reduction <add>, %select_n3A_1372, %reduce_sum3A_1373 [0] : vector<64x512xf32> to vector<512xf32>
    %broadcast_in_dim3A_1375 = vector.shape_cast %reduce_sum3A_1374 : vector<512xf32> to vector<1x512xf32>
    %lt3A_1376 = arith.constant 1.600000e+01 : f32
    %lt3A_1377 = vector.broadcast %lt3A_1376 : f32 to vector<1x512xf32>
    %lt3A_1378 = arith.cmpf olt, %add3A_1357, %lt3A_1377 : vector<1x512xf32>
    %select_n3A_1379 = arith.select %lt3A_1378, %broadcast_in_dim3A_1365, %select_n3A_1353 : vector<1x512xi1>, vector<1x512xf32>
    %jit3A_1380 = arith.constant 0.000000e+00 : f32
    %broadcast_in_dim3A_1381 = vector.broadcast %jit3A_1380 : f32 to vector<1x512xf32>
    %select_n3A_1382 = arith.select %lt3A_1378, %broadcast_in_dim3A_1375, %broadcast_in_dim3A_1381 : vector<1x512xi1>, vector<1x512xf32>
    %add3A_1383 = arith.addf %add3A_1357, %select_n3A_1382 : vector<1x512xf32>
    %eq3A_1384 = vector.broadcast %broadcast_in_dim3A_1365 : vector<1x512xf32> to vector<64x512xf32>
    %eq3A_1385 = arith.cmpf oeq, %select_n3A_1362, %eq3A_1384 : vector<64x512xf32>
    %jit3A_1386 = arith.constant 0xFF800000 : f32
    %broadcast_in_dim3A_1387 = vector.broadcast %jit3A_1386 : f32 to vector<64x512xf32>
    %select_n3A_1388 = arith.select %eq3A_1385, %broadcast_in_dim3A_1387, %select_n3A_1362 : vector<64x512xi1>, vector<64x512xf32>
    %reduce_max3A_1389 = arith.constant dense<0xFF800000> : vector<512xf32>
    %reduce_max3A_1390 = vector.multi_reduction <maximumf>, %select_n3A_1388, %reduce_max3A_1389 [0] : vector<64x512xf32> to vector<512xf32>
    %broadcast_in_dim3A_1391 = vector.shape_cast %reduce_max3A_1390 : vector<512xf32> to vector<1x512xf32>
    %eq3A_1392 = vector.broadcast %broadcast_in_dim3A_1391 : vector<1x512xf32> to vector<64x512xf32>
    %eq3A_1393 = arith.cmpf oeq, %select_n3A_1388, %eq3A_1392 : vector<64x512xf32>
    %jit3A_1394 = arith.constant 1.000000e+00 : f32
    %jit3A_1395 = arith.constant 0.000000e+00 : f32
    %broadcast_in_dim3A_1396 = vector.broadcast %jit3A_1394 : f32 to vector<64x512xf32>
    %broadcast_in_dim3A_1397 = vector.broadcast %jit3A_1395 : f32 to vector<64x512xf32>
    %select_n3A_1398 = arith.select %eq3A_1393, %broadcast_in_dim3A_1396, %broadcast_in_dim3A_1397 : vector<64x512xi1>, vector<64x512xf32>
    %reduce_sum3A_1399 = arith.constant dense<0.000000e+00> : vector<512xf32>
    %reduce_sum3A_1400 = vector.multi_reduction <add>, %select_n3A_1398, %reduce_sum3A_1399 [0] : vector<64x512xf32> to vector<512xf32>
    %broadcast_in_dim3A_1401 = vector.shape_cast %reduce_sum3A_1400 : vector<512xf32> to vector<1x512xf32>
    %lt3A_1402 = arith.constant 1.600000e+01 : f32
    %lt3A_1403 = vector.broadcast %lt3A_1402 : f32 to vector<1x512xf32>
    %lt3A_1404 = arith.cmpf olt, %add3A_1383, %lt3A_1403 : vector<1x512xf32>
    %select_n3A_1405 = arith.select %lt3A_1404, %broadcast_in_dim3A_1391, %select_n3A_1379 : vector<1x512xi1>, vector<1x512xf32>
    %jit3A_1406 = arith.constant 0.000000e+00 : f32
    %broadcast_in_dim3A_1407 = vector.broadcast %jit3A_1406 : f32 to vector<1x512xf32>
    %select_n3A_1408 = arith.select %lt3A_1404, %broadcast_in_dim3A_1401, %broadcast_in_dim3A_1407 : vector<1x512xi1>, vector<1x512xf32>
    %add3A_1409 = arith.addf %add3A_1383, %select_n3A_1408 : vector<1x512xf32>
    %eq3A_1410 = vector.broadcast %broadcast_in_dim3A_1391 : vector<1x512xf32> to vector<64x512xf32>
    %eq3A_1411 = arith.cmpf oeq, %select_n3A_1388, %eq3A_1410 : vector<64x512xf32>
    %jit3A_1412 = arith.constant 0xFF800000 : f32
    %broadcast_in_dim3A_1413 = vector.broadcast %jit3A_1412 : f32 to vector<64x512xf32>
    %select_n3A_1414 = arith.select %eq3A_1411, %broadcast_in_dim3A_1413, %select_n3A_1388 : vector<64x512xi1>, vector<64x512xf32>
    %reduce_max3A_1415 = arith.constant dense<0xFF800000> : vector<512xf32>
    %reduce_max3A_1416 = vector.multi_reduction <maximumf>, %select_n3A_1414, %reduce_max3A_1415 [0] : vector<64x512xf32> to vector<512xf32>
    %broadcast_in_dim3A_1417 = vector.shape_cast %reduce_max3A_1416 : vector<512xf32> to vector<1x512xf32>
    %eq3A_1418 = vector.broadcast %broadcast_in_dim3A_1417 : vector<1x512xf32> to vector<64x512xf32>
    %eq3A_1419 = arith.cmpf oeq, %select_n3A_1414, %eq3A_1418 : vector<64x512xf32>
    %jit3A_1420 = arith.constant 1.000000e+00 : f32
    %jit3A_1421 = arith.constant 0.000000e+00 : f32
    %broadcast_in_dim3A_1422 = vector.broadcast %jit3A_1420 : f32 to vector<64x512xf32>
    %broadcast_in_dim3A_1423 = vector.broadcast %jit3A_1421 : f32 to vector<64x512xf32>
    %select_n3A_1424 = arith.select %eq3A_1419, %broadcast_in_dim3A_1422, %broadcast_in_dim3A_1423 : vector<64x512xi1>, vector<64x512xf32>
    %reduce_sum3A_1425 = arith.constant dense<0.000000e+00> : vector<512xf32>
    %reduce_sum3A_1426 = vector.multi_reduction <add>, %select_n3A_1424, %reduce_sum3A_1425 [0] : vector<64x512xf32> to vector<512xf32>
    %broadcast_in_dim3A_1427 = vector.shape_cast %reduce_sum3A_1426 : vector<512xf32> to vector<1x512xf32>
    %lt3A_1428 = arith.constant 1.600000e+01 : f32
    %lt3A_1429 = vector.broadcast %lt3A_1428 : f32 to vector<1x512xf32>
    %lt3A_1430 = arith.cmpf olt, %add3A_1409, %lt3A_1429 : vector<1x512xf32>
    %select_n3A_1431 = arith.select %lt3A_1430, %broadcast_in_dim3A_1417, %select_n3A_1405 : vector<1x512xi1>, vector<1x512xf32>
    %jit3A_1432 = arith.constant 0.000000e+00 : f32
    %broadcast_in_dim3A_1433 = vector.broadcast %jit3A_1432 : f32 to vector<1x512xf32>
    %select_n3A_1434 = arith.select %lt3A_1430, %broadcast_in_dim3A_1427, %broadcast_in_dim3A_1433 : vector<1x512xi1>, vector<1x512xf32>
    %add3A_1435 = arith.addf %add3A_1409, %select_n3A_1434 : vector<1x512xf32>
    %eq3A_1436 = vector.broadcast %broadcast_in_dim3A_1417 : vector<1x512xf32> to vector<64x512xf32>
    %eq3A_1437 = arith.cmpf oeq, %select_n3A_1414, %eq3A_1436 : vector<64x512xf32>
    %jit3A_1438 = arith.constant 0xFF800000 : f32
    %broadcast_in_dim3A_1439 = vector.broadcast %jit3A_1438 : f32 to vector<64x512xf32>
    %select_n3A_1440 = arith.select %eq3A_1437, %broadcast_in_dim3A_1439, %select_n3A_1414 : vector<64x512xi1>, vector<64x512xf32>
    %reduce_max3A_1441 = arith.constant dense<0xFF800000> : vector<512xf32>
    %reduce_max3A_1442 = vector.multi_reduction <maximumf>, %select_n3A_1440, %reduce_max3A_1441 [0] : vector<64x512xf32> to vector<512xf32>
    %broadcast_in_dim3A_1443 = vector.shape_cast %reduce_max3A_1442 : vector<512xf32> to vector<1x512xf32>
    %eq3A_1444 = vector.broadcast %broadcast_in_dim3A_1443 : vector<1x512xf32> to vector<64x512xf32>
    %eq3A_1445 = arith.cmpf oeq, %select_n3A_1440, %eq3A_1444 : vector<64x512xf32>
    %jit3A_1446 = arith.constant 1.000000e+00 : f32
    %jit3A_1447 = arith.constant 0.000000e+00 : f32
    %broadcast_in_dim3A_1448 = vector.broadcast %jit3A_1446 : f32 to vector<64x512xf32>
    %broadcast_in_dim3A_1449 = vector.broadcast %jit3A_1447 : f32 to vector<64x512xf32>
    %select_n3A_1450 = arith.select %eq3A_1445, %broadcast_in_dim3A_1448, %broadcast_in_dim3A_1449 : vector<64x512xi1>, vector<64x512xf32>
    %reduce_sum3A_1451 = arith.constant dense<0.000000e+00> : vector<512xf32>
    %reduce_sum3A_1452 = vector.multi_reduction <add>, %select_n3A_1450, %reduce_sum3A_1451 [0] : vector<64x512xf32> to vector<512xf32>
    %broadcast_in_dim3A_1453 = vector.shape_cast %reduce_sum3A_1452 : vector<512xf32> to vector<1x512xf32>
    %lt3A_1454 = arith.constant 1.600000e+01 : f32
    %lt3A_1455 = vector.broadcast %lt3A_1454 : f32 to vector<1x512xf32>
    %lt3A_1456 = arith.cmpf olt, %add3A_1435, %lt3A_1455 : vector<1x512xf32>
    %select_n3A_1457 = arith.select %lt3A_1456, %broadcast_in_dim3A_1443, %select_n3A_1431 : vector<1x512xi1>, vector<1x512xf32>
    %jit3A_1458 = arith.constant 0.000000e+00 : f32
    %broadcast_in_dim3A_1459 = vector.broadcast %jit3A_1458 : f32 to vector<1x512xf32>
    %select_n3A_1460 = arith.select %lt3A_1456, %broadcast_in_dim3A_1453, %broadcast_in_dim3A_1459 : vector<1x512xi1>, vector<1x512xf32>
    %add3A_1461 = arith.addf %add3A_1435, %select_n3A_1460 : vector<1x512xf32>
    %eq3A_1462 = vector.broadcast %broadcast_in_dim3A_1443 : vector<1x512xf32> to vector<64x512xf32>
    %eq3A_1463 = arith.cmpf oeq, %select_n3A_1440, %eq3A_1462 : vector<64x512xf32>
    %jit3A_1464 = arith.constant 0xFF800000 : f32
    %broadcast_in_dim3A_1465 = vector.broadcast %jit3A_1464 : f32 to vector<64x512xf32>
    %select_n3A_1466 = arith.select %eq3A_1463, %broadcast_in_dim3A_1465, %select_n3A_1440 : vector<64x512xi1>, vector<64x512xf32>
    %reduce_max3A_1467 = arith.constant dense<0xFF800000> : vector<512xf32>
    %reduce_max3A_1468 = vector.multi_reduction <maximumf>, %select_n3A_1466, %reduce_max3A_1467 [0] : vector<64x512xf32> to vector<512xf32>
    %broadcast_in_dim3A_1469 = vector.shape_cast %reduce_max3A_1468 : vector<512xf32> to vector<1x512xf32>
    %eq3A_1470 = vector.broadcast %broadcast_in_dim3A_1469 : vector<1x512xf32> to vector<64x512xf32>
    %eq3A_1471 = arith.cmpf oeq, %select_n3A_1466, %eq3A_1470 : vector<64x512xf32>
    %jit3A_1472 = arith.constant 1.000000e+00 : f32
    %jit3A_1473 = arith.constant 0.000000e+00 : f32
    %broadcast_in_dim3A_1474 = vector.broadcast %jit3A_1472 : f32 to vector<64x512xf32>
    %broadcast_in_dim3A_1475 = vector.broadcast %jit3A_1473 : f32 to vector<64x512xf32>
    %select_n3A_1476 = arith.select %eq3A_1471, %broadcast_in_dim3A_1474, %broadcast_in_dim3A_1475 : vector<64x512xi1>, vector<64x512xf32>
    %reduce_sum3A_1477 = arith.constant dense<0.000000e+00> : vector<512xf32>
    %reduce_sum3A_1478 = vector.multi_reduction <add>, %select_n3A_1476, %reduce_sum3A_1477 [0] : vector<64x512xf32> to vector<512xf32>
    %broadcast_in_dim3A_1479 = vector.shape_cast %reduce_sum3A_1478 : vector<512xf32> to vector<1x512xf32>
    %lt3A_1480 = arith.constant 1.600000e+01 : f32
    %lt3A_1481 = vector.broadcast %lt3A_1480 : f32 to vector<1x512xf32>
    %lt3A_1482 = arith.cmpf olt, %add3A_1461, %lt3A_1481 : vector<1x512xf32>
    %select_n3A_1483 = arith.select %lt3A_1482, %broadcast_in_dim3A_1469, %select_n3A_1457 : vector<1x512xi1>, vector<1x512xf32>
    %jit3A_1484 = arith.constant 0.000000e+00 : f32
    %broadcast_in_dim3A_1485 = vector.broadcast %jit3A_1484 : f32 to vector<1x512xf32>
    %select_n3A_1486 = arith.select %lt3A_1482, %broadcast_in_dim3A_1479, %broadcast_in_dim3A_1485 : vector<1x512xi1>, vector<1x512xf32>
    %add3A_1487 = arith.addf %add3A_1461, %select_n3A_1486 : vector<1x512xf32>
    %eq3A_1488 = vector.broadcast %broadcast_in_dim3A_1469 : vector<1x512xf32> to vector<64x512xf32>
    %eq3A_1489 = arith.cmpf oeq, %select_n3A_1466, %eq3A_1488 : vector<64x512xf32>
    %jit3A_1490 = arith.constant 0xFF800000 : f32
    %broadcast_in_dim3A_1491 = vector.broadcast %jit3A_1490 : f32 to vector<64x512xf32>
    %select_n3A_1492 = arith.select %eq3A_1489, %broadcast_in_dim3A_1491, %select_n3A_1466 : vector<64x512xi1>, vector<64x512xf32>
    %reduce_max3A_1493 = arith.constant dense<0xFF800000> : vector<512xf32>
    %reduce_max3A_1494 = vector.multi_reduction <maximumf>, %select_n3A_1492, %reduce_max3A_1493 [0] : vector<64x512xf32> to vector<512xf32>
    %broadcast_in_dim3A_1495 = vector.shape_cast %reduce_max3A_1494 : vector<512xf32> to vector<1x512xf32>
    %eq3A_1496 = vector.broadcast %broadcast_in_dim3A_1495 : vector<1x512xf32> to vector<64x512xf32>
    %eq3A_1497 = arith.cmpf oeq, %select_n3A_1492, %eq3A_1496 : vector<64x512xf32>
    %jit3A_1498 = arith.constant 1.000000e+00 : f32
    %jit3A_1499 = arith.constant 0.000000e+00 : f32
    %broadcast_in_dim3A_1500 = vector.broadcast %jit3A_1498 : f32 to vector<64x512xf32>
    %broadcast_in_dim3A_1501 = vector.broadcast %jit3A_1499 : f32 to vector<64x512xf32>
    %select_n3A_1502 = arith.select %eq3A_1497, %broadcast_in_dim3A_1500, %broadcast_in_dim3A_1501 : vector<64x512xi1>, vector<64x512xf32>
    %reduce_sum3A_1503 = arith.constant dense<0.000000e+00> : vector<512xf32>
    %reduce_sum3A_1504 = vector.multi_reduction <add>, %select_n3A_1502, %reduce_sum3A_1503 [0] : vector<64x512xf32> to vector<512xf32>
    %broadcast_in_dim3A_1505 = vector.shape_cast %reduce_sum3A_1504 : vector<512xf32> to vector<1x512xf32>
    %lt3A_1506 = arith.constant 1.600000e+01 : f32
    %lt3A_1507 = vector.broadcast %lt3A_1506 : f32 to vector<1x512xf32>
    %lt3A_1508 = arith.cmpf olt, %add3A_1487, %lt3A_1507 : vector<1x512xf32>
    %select_n3A_1509 = arith.select %lt3A_1508, %broadcast_in_dim3A_1495, %select_n3A_1483 : vector<1x512xi1>, vector<1x512xf32>
    %jit3A_1510 = arith.constant 0.000000e+00 : f32
    %broadcast_in_dim3A_1511 = vector.broadcast %jit3A_1510 : f32 to vector<1x512xf32>
    %select_n3A_1512 = arith.select %lt3A_1508, %broadcast_in_dim3A_1505, %broadcast_in_dim3A_1511 : vector<1x512xi1>, vector<1x512xf32>
    %add3A_1513 = arith.addf %add3A_1487, %select_n3A_1512 : vector<1x512xf32>
    %eq3A_1514 = vector.broadcast %broadcast_in_dim3A_1495 : vector<1x512xf32> to vector<64x512xf32>
    %eq3A_1515 = arith.cmpf oeq, %select_n3A_1492, %eq3A_1514 : vector<64x512xf32>
    %jit3A_1516 = arith.constant 0xFF800000 : f32
    %broadcast_in_dim3A_1517 = vector.broadcast %jit3A_1516 : f32 to vector<64x512xf32>
    %select_n3A_1518 = arith.select %eq3A_1515, %broadcast_in_dim3A_1517, %select_n3A_1492 : vector<64x512xi1>, vector<64x512xf32>
    %reduce_max3A_1519 = arith.constant dense<0xFF800000> : vector<512xf32>
    %reduce_max3A_1520 = vector.multi_reduction <maximumf>, %select_n3A_1518, %reduce_max3A_1519 [0] : vector<64x512xf32> to vector<512xf32>
    %broadcast_in_dim3A_1521 = vector.shape_cast %reduce_max3A_1520 : vector<512xf32> to vector<1x512xf32>
    %lt3A_1522 = arith.constant 1.600000e+01 : f32
    %lt3A_1523 = vector.broadcast %lt3A_1522 : f32 to vector<1x512xf32>
    %lt3A_1524 = arith.cmpf olt, %add3A_1513, %lt3A_1523 : vector<1x512xf32>
    %select_n3A_1525 = arith.select %lt3A_1524, %broadcast_in_dim3A_1521, %select_n3A_1509 : vector<1x512xi1>, vector<1x512xf32>
    %ge3A_1526 = vector.broadcast %select_n3A_1525 : vector<1x512xf32> to vector<64x512xf32>
    %ge3A_1527 = arith.cmpf oge, %get3A_1136, %ge3A_1526 : vector<64x512xf32>
    %sub3A_1528 = vector.broadcast %broadcast_in_dim3A_1139 : vector<1x512xf32> to vector<64x512xf32>
    %sub3A_1529 = arith.subf %get3A_1136, %sub3A_1528 : vector<64x512xf32>
    %exp3A_1530 = math.exp %sub3A_1529 : vector<64x512xf32>
    %jit3A_1531 = arith.constant 0.000000e+00 : f32
    %broadcast_in_dim3A_1532 = vector.broadcast %jit3A_1531 : f32 to vector<64x512xf32>
    %select_n3A_1533 = arith.select %ge3A_1527, %exp3A_1530, %broadcast_in_dim3A_1532 : vector<64x512xi1>, vector<64x512xf32>
    %reduce_sum3A_1534 = arith.constant dense<0.000000e+00> : vector<512xf32>
    %reduce_sum3A_1535 = vector.multi_reduction <add>, %select_n3A_1533, %reduce_sum3A_1534 [0] : vector<64x512xf32> to vector<512xf32>
    %broadcast_in_dim3A_1536 = vector.shape_cast %reduce_sum3A_1535 : vector<512xf32> to vector<1x512xf32>
    %div3A_1537 = vector.broadcast %broadcast_in_dim3A_1536 : vector<1x512xf32> to vector<64x512xf32>
    %div3A_1538 = arith.divf %select_n3A_1533, %div3A_1537 : vector<64x512xf32>
    %convert_element_type3A_1539 = arith.truncf %div3A_1538 : vector<64x512xf32> to vector<64x512xbf16>
    %swap3A_1540 = arith.constant 0 : index
    %swap3A_1541 = arith.constant 0 : index
    %swap3A_1542 = vector.load %arg5[%swap3A_1540, %swap3A_1541] : memref<64x1024xbf16, #tpu.memory_space<vmem>>, vector<64x512xbf16>
    tpu.vector_store %arg5[%swap3A_1540, %swap3A_1541], %convert_element_type3A_1539 {strides = array<i32>} : memref<64x1024xbf16, #tpu.memory_space<vmem>>, vector<64x512xbf16>,
    %get3A_1543 = arith.constant 0 : index
    %get3A_1544 = arith.constant 512 : index
    %get3A_1545 = vector.load %arg6[%get3A_1543, %get3A_1544] : memref<64x1024xf32, #tpu.memory_space<vmem>>, vector<64x512xf32>
    %reduce_max3A_1546 = arith.constant dense<0xFF800000> : vector<512xf32>
    %reduce_max3A_1547 = vector.multi_reduction <maximumf>, %get3A_1545, %reduce_max3A_1546 [0] : vector<64x512xf32> to vector<512xf32>
    %broadcast_in_dim3A_1548 = vector.shape_cast %reduce_max3A_1547 : vector<512xf32> to vector<1x512xf32>
    %eq3A_1549 = vector.broadcast %broadcast_in_dim3A_1548 : vector<1x512xf32> to vector<64x512xf32>
    %eq3A_1550 = arith.cmpf oeq, %get3A_1545, %eq3A_1549 : vector<64x512xf32>
    %jit3A_1551 = arith.constant 1.000000e+00 : f32
    %jit3A_1552 = arith.constant 0.000000e+00 : f32
    %broadcast_in_dim3A_1553 = vector.broadcast %jit3A_1551 : f32 to vector<64x512xf32>
    %broadcast_in_dim3A_1554 = vector.broadcast %jit3A_1552 : f32 to vector<64x512xf32>
    %select_n3A_1555 = arith.select %eq3A_1550, %broadcast_in_dim3A_1553, %broadcast_in_dim3A_1554 : vector<64x512xi1>, vector<64x512xf32>
    %reduce_sum3A_1556 = arith.constant dense<0.000000e+00> : vector<512xf32>
    %reduce_sum3A_1557 = vector.multi_reduction <add>, %select_n3A_1555, %reduce_sum3A_1556 [0] : vector<64x512xf32> to vector<512xf32>
    %broadcast_in_dim3A_1558 = vector.shape_cast %reduce_sum3A_1557 : vector<512xf32> to vector<1x512xf32>
    %eq3A_1559 = vector.broadcast %broadcast_in_dim3A_1548 : vector<1x512xf32> to vector<64x512xf32>
    %eq3A_1560 = arith.cmpf oeq, %get3A_1545, %eq3A_1559 : vector<64x512xf32>
    %jit3A_1561 = arith.constant 0xFF800000 : f32
    %broadcast_in_dim3A_1562 = vector.broadcast %jit3A_1561 : f32 to vector<64x512xf32>
    %select_n3A_1563 = arith.select %eq3A_1560, %broadcast_in_dim3A_1562, %get3A_1545 : vector<64x512xi1>, vector<64x512xf32>
    %reduce_max3A_1564 = arith.constant dense<0xFF800000> : vector<512xf32>
    %reduce_max3A_1565 = vector.multi_reduction <maximumf>, %select_n3A_1563, %reduce_max3A_1564 [0] : vector<64x512xf32> to vector<512xf32>
    %broadcast_in_dim3A_1566 = vector.shape_cast %reduce_max3A_1565 : vector<512xf32> to vector<1x512xf32>
    %eq3A_1567 = vector.broadcast %broadcast_in_dim3A_1566 : vector<1x512xf32> to vector<64x512xf32>
    %eq3A_1568 = arith.cmpf oeq, %select_n3A_1563, %eq3A_1567 : vector<64x512xf32>
    %jit3A_1569 = arith.constant 1.000000e+00 : f32
    %jit3A_1570 = arith.constant 0.000000e+00 : f32
    %broadcast_in_dim3A_1571 = vector.broadcast %jit3A_1569 : f32 to vector<64x512xf32>
    %broadcast_in_dim3A_1572 = vector.broadcast %jit3A_1570 : f32 to vector<64x512xf32>
    %select_n3A_1573 = arith.select %eq3A_1568, %broadcast_in_dim3A_1571, %broadcast_in_dim3A_1572 : vector<64x512xi1>, vector<64x512xf32>
    %reduce_sum3A_1574 = arith.constant dense<0.000000e+00> : vector<512xf32>
    %reduce_sum3A_1575 = vector.multi_reduction <add>, %select_n3A_1573, %reduce_sum3A_1574 [0] : vector<64x512xf32> to vector<512xf32>
    %broadcast_in_dim3A_1576 = vector.shape_cast %reduce_sum3A_1575 : vector<512xf32> to vector<1x512xf32>
    %lt3A_1577 = arith.constant 1.600000e+01 : f32
    %lt3A_1578 = vector.broadcast %lt3A_1577 : f32 to vector<1x512xf32>
    %lt3A_1579 = arith.cmpf olt, %broadcast_in_dim3A_1558, %lt3A_1578 : vector<1x512xf32>
    %select_n3A_1580 = arith.select %lt3A_1579, %broadcast_in_dim3A_1566, %broadcast_in_dim3A_1548 : vector<1x512xi1>, vector<1x512xf32>
    %jit3A_1581 = arith.constant 0.000000e+00 : f32
    %broadcast_in_dim3A_1582 = vector.broadcast %jit3A_1581 : f32 to vector<1x512xf32>
    %select_n3A_1583 = arith.select %lt3A_1579, %broadcast_in_dim3A_1576, %broadcast_in_dim3A_1582 : vector<1x512xi1>, vector<1x512xf32>
    %add3A_1584 = arith.addf %broadcast_in_dim3A_1558, %select_n3A_1583 : vector<1x512xf32>
    %eq3A_1585 = vector.broadcast %broadcast_in_dim3A_1566 : vector<1x512xf32> to vector<64x512xf32>
    %eq3A_1586 = arith.cmpf oeq, %select_n3A_1563, %eq3A_1585 : vector<64x512xf32>
    %jit3A_1587 = arith.constant 0xFF800000 : f32
    %broadcast_in_dim3A_1588 = vector.broadcast %jit3A_1587 : f32 to vector<64x512xf32>
    %select_n3A_1589 = arith.select %eq3A_1586, %broadcast_in_dim3A_1588, %select_n3A_1563 : vector<64x512xi1>, vector<64x512xf32>
    %reduce_max3A_1590 = arith.constant dense<0xFF800000> : vector<512xf32>
    %reduce_max3A_1591 = vector.multi_reduction <maximumf>, %select_n3A_1589, %reduce_max3A_1590 [0] : vector<64x512xf32> to vector<512xf32>
    %broadcast_in_dim3A_1592 = vector.shape_cast %reduce_max3A_1591 : vector<512xf32> to vector<1x512xf32>
    %eq3A_1593 = vector.broadcast %broadcast_in_dim3A_1592 : vector<1x512xf32> to vector<64x512xf32>
    %eq3A_1594 = arith.cmpf oeq, %select_n3A_1589, %eq3A_1593 : vector<64x512xf32>
    %jit3A_1595 = arith.constant 1.000000e+00 : f32
    %jit3A_1596 = arith.constant 0.000000e+00 : f32
    %broadcast_in_dim3A_1597 = vector.broadcast %jit3A_1595 : f32 to vector<64x512xf32>
    %broadcast_in_dim3A_1598 = vector.broadcast %jit3A_1596 : f32 to vector<64x512xf32>
    %select_n3A_1599 = arith.select %eq3A_1594, %broadcast_in_dim3A_1597, %broadcast_in_dim3A_1598 : vector<64x512xi1>, vector<64x512xf32>
    %reduce_sum3A_1600 = arith.constant dense<0.000000e+00> : vector<512xf32>
    %reduce_sum3A_1601 = vector.multi_reduction <add>, %select_n3A_1599, %reduce_sum3A_1600 [0] : vector<64x512xf32> to vector<512xf32>
    %broadcast_in_dim3A_1602 = vector.shape_cast %reduce_sum3A_1601 : vector<512xf32> to vector<1x512xf32>
    %lt3A_1603 = arith.constant 1.600000e+01 : f32
    %lt3A_1604 = vector.broadcast %lt3A_1603 : f32 to vector<1x512xf32>
    %lt3A_1605 = arith.cmpf olt, %add3A_1584, %lt3A_1604 : vector<1x512xf32>
    %select_n3A_1606 = arith.select %lt3A_1605, %broadcast_in_dim3A_1592, %select_n3A_1580 : vector<1x512xi1>, vector<1x512xf32>
    %jit3A_1607 = arith.constant 0.000000e+00 : f32
    %broadcast_in_dim3A_1608 = vector.broadcast %jit3A_1607 : f32 to vector<1x512xf32>
    %select_n3A_1609 = arith.select %lt3A_1605, %broadcast_in_dim3A_1602, %broadcast_in_dim3A_1608 : vector<1x512xi1>, vector<1x512xf32>
    %add3A_1610 = arith.addf %add3A_1584, %select_n3A_1609 : vector<1x512xf32>
    %eq3A_1611 = vector.broadcast %broadcast_in_dim3A_1592 : vector<1x512xf32> to vector<64x512xf32>
    %eq3A_1612 = arith.cmpf oeq, %select_n3A_1589, %eq3A_1611 : vector<64x512xf32>
    %jit3A_1613 = arith.constant 0xFF800000 : f32
    %broadcast_in_dim3A_1614 = vector.broadcast %jit3A_1613 : f32 to vector<64x512xf32>
    %select_n3A_1615 = arith.select %eq3A_1612, %broadcast_in_dim3A_1614, %select_n3A_1589 : vector<64x512xi1>, vector<64x512xf32>
    %reduce_max3A_1616 = arith.constant dense<0xFF800000> : vector<512xf32>
    %reduce_max3A_1617 = vector.multi_reduction <maximumf>, %select_n3A_1615, %reduce_max3A_1616 [0] : vector<64x512xf32> to vector<512xf32>
    %broadcast_in_dim3A_1618 = vector.shape_cast %reduce_max3A_1617 : vector<512xf32> to vector<1x512xf32>
    %eq3A_1619 = vector.broadcast %broadcast_in_dim3A_1618 : vector<1x512xf32> to vector<64x512xf32>
    %eq3A_1620 = arith.cmpf oeq, %select_n3A_1615, %eq3A_1619 : vector<64x512xf32>
    %jit3A_1621 = arith.constant 1.000000e+00 : f32
    %jit3A_1622 = arith.constant 0.000000e+00 : f32
    %broadcast_in_dim3A_1623 = vector.broadcast %jit3A_1621 : f32 to vector<64x512xf32>
    %broadcast_in_dim3A_1624 = vector.broadcast %jit3A_1622 : f32 to vector<64x512xf32>
    %select_n3A_1625 = arith.select %eq3A_1620, %broadcast_in_dim3A_1623, %broadcast_in_dim3A_1624 : vector<64x512xi1>, vector<64x512xf32>
    %reduce_sum3A_1626 = arith.constant dense<0.000000e+00> : vector<512xf32>
    %reduce_sum3A_1627 = vector.multi_reduction <add>, %select_n3A_1625, %reduce_sum3A_1626 [0] : vector<64x512xf32> to vector<512xf32>
    %broadcast_in_dim3A_1628 = vector.shape_cast %reduce_sum3A_1627 : vector<512xf32> to vector<1x512xf32>
    %lt3A_1629 = arith.constant 1.600000e+01 : f32
    %lt3A_1630 = vector.broadcast %lt3A_1629 : f32 to vector<1x512xf32>
    %lt3A_1631 = arith.cmpf olt, %add3A_1610, %lt3A_1630 : vector<1x512xf32>
    %select_n3A_1632 = arith.select %lt3A_1631, %broadcast_in_dim3A_1618, %select_n3A_1606 : vector<1x512xi1>, vector<1x512xf32>
    %jit3A_1633 = arith.constant 0.000000e+00 : f32
    %broadcast_in_dim3A_1634 = vector.broadcast %jit3A_1633 : f32 to vector<1x512xf32>
    %select_n3A_1635 = arith.select %lt3A_1631, %broadcast_in_dim3A_1628, %broadcast_in_dim3A_1634 : vector<1x512xi1>, vector<1x512xf32>
    %add3A_1636 = arith.addf %add3A_1610, %select_n3A_1635 : vector<1x512xf32>
    %eq3A_1637 = vector.broadcast %broadcast_in_dim3A_1618 : vector<1x512xf32> to vector<64x512xf32>
    %eq3A_1638 = arith.cmpf oeq, %select_n3A_1615, %eq3A_1637 : vector<64x512xf32>
    %jit3A_1639 = arith.constant 0xFF800000 : f32
    %broadcast_in_dim3A_1640 = vector.broadcast %jit3A_1639 : f32 to vector<64x512xf32>
    %select_n3A_1641 = arith.select %eq3A_1638, %broadcast_in_dim3A_1640, %select_n3A_1615 : vector<64x512xi1>, vector<64x512xf32>
    %reduce_max3A_1642 = arith.constant dense<0xFF800000> : vector<512xf32>
    %reduce_max3A_1643 = vector.multi_reduction <maximumf>, %select_n3A_1641, %reduce_max3A_1642 [0] : vector<64x512xf32> to vector<512xf32>
    %broadcast_in_dim3A_1644 = vector.shape_cast %reduce_max3A_1643 : vector<512xf32> to vector<1x512xf32>
    %eq3A_1645 = vector.broadcast %broadcast_in_dim3A_1644 : vector<1x512xf32> to vector<64x512xf32>
    %eq3A_1646 = arith.cmpf oeq, %select_n3A_1641, %eq3A_1645 : vector<64x512xf32>
    %jit3A_1647 = arith.constant 1.000000e+00 : f32
    %jit3A_1648 = arith.constant 0.000000e+00 : f32
    %broadcast_in_dim3A_1649 = vector.broadcast %jit3A_1647 : f32 to vector<64x512xf32>
    %broadcast_in_dim3A_1650 = vector.broadcast %jit3A_1648 : f32 to vector<64x512xf32>
    %select_n3A_1651 = arith.select %eq3A_1646, %broadcast_in_dim3A_1649, %broadcast_in_dim3A_1650 : vector<64x512xi1>, vector<64x512xf32>
    %reduce_sum3A_1652 = arith.constant dense<0.000000e+00> : vector<512xf32>
    %reduce_sum3A_1653 = vector.multi_reduction <add>, %select_n3A_1651, %reduce_sum3A_1652 [0] : vector<64x512xf32> to vector<512xf32>
    %broadcast_in_dim3A_1654 = vector.shape_cast %reduce_sum3A_1653 : vector<512xf32> to vector<1x512xf32>
    %lt3A_1655 = arith.constant 1.600000e+01 : f32
    %lt3A_1656 = vector.broadcast %lt3A_1655 : f32 to vector<1x512xf32>
    %lt3A_1657 = arith.cmpf olt, %add3A_1636, %lt3A_1656 : vector<1x512xf32>
    %select_n3A_1658 = arith.select %lt3A_1657, %broadcast_in_dim3A_1644, %select_n3A_1632 : vector<1x512xi1>, vector<1x512xf32>
    %jit3A_1659 = arith.constant 0.000000e+00 : f32
    %broadcast_in_dim3A_1660 = vector.broadcast %jit3A_1659 : f32 to vector<1x512xf32>
    %select_n3A_1661 = arith.select %lt3A_1657, %broadcast_in_dim3A_1654, %broadcast_in_dim3A_1660 : vector<1x512xi1>, vector<1x512xf32>
    %add3A_1662 = arith.addf %add3A_1636, %select_n3A_1661 : vector<1x512xf32>
    %eq3A_1663 = vector.broadcast %broadcast_in_dim3A_1644 : vector<1x512xf32> to vector<64x512xf32>
    %eq3A_1664 = arith.cmpf oeq, %select_n3A_1641, %eq3A_1663 : vector<64x512xf32>
    %jit3A_1665 = arith.constant 0xFF800000 : f32
    %broadcast_in_dim3A_1666 = vector.broadcast %jit3A_1665 : f32 to vector<64x512xf32>
    %select_n3A_1667 = arith.select %eq3A_1664, %broadcast_in_dim3A_1666, %select_n3A_1641 : vector<64x512xi1>, vector<64x512xf32>
    %reduce_max3A_1668 = arith.constant dense<0xFF800000> : vector<512xf32>
    %reduce_max3A_1669 = vector.multi_reduction <maximumf>, %select_n3A_1667, %reduce_max3A_1668 [0] : vector<64x512xf32> to vector<512xf32>
    %broadcast_in_dim3A_1670 = vector.shape_cast %reduce_max3A_1669 : vector<512xf32> to vector<1x512xf32>
    %eq3A_1671 = vector.broadcast %broadcast_in_dim3A_1670 : vector<1x512xf32> to vector<64x512xf32>
    %eq3A_1672 = arith.cmpf oeq, %select_n3A_1667, %eq3A_1671 : vector<64x512xf32>
    %jit3A_1673 = arith.constant 1.000000e+00 : f32
    %jit3A_1674 = arith.constant 0.000000e+00 : f32
    %broadcast_in_dim3A_1675 = vector.broadcast %jit3A_1673 : f32 to vector<64x512xf32>
    %broadcast_in_dim3A_1676 = vector.broadcast %jit3A_1674 : f32 to vector<64x512xf32>
    %select_n3A_1677 = arith.select %eq3A_1672, %broadcast_in_dim3A_1675, %broadcast_in_dim3A_1676 : vector<64x512xi1>, vector<64x512xf32>
    %reduce_sum3A_1678 = arith.constant dense<0.000000e+00> : vector<512xf32>
    %reduce_sum3A_1679 = vector.multi_reduction <add>, %select_n3A_1677, %reduce_sum3A_1678 [0] : vector<64x512xf32> to vector<512xf32>
    %broadcast_in_dim3A_1680 = vector.shape_cast %reduce_sum3A_1679 : vector<512xf32> to vector<1x512xf32>
    %lt3A_1681 = arith.constant 1.600000e+01 : f32
    %lt3A_1682 = vector.broadcast %lt3A_1681 : f32 to vector<1x512xf32>
    %lt3A_1683 = arith.cmpf olt, %add3A_1662, %lt3A_1682 : vector<1x512xf32>
    %select_n3A_1684 = arith.select %lt3A_1683, %broadcast_in_dim3A_1670, %select_n3A_1658 : vector<1x512xi1>, vector<1x512xf32>
    %jit3A_1685 = arith.constant 0.000000e+00 : f32
    %broadcast_in_dim3A_1686 = vector.broadcast %jit3A_1685 : f32 to vector<1x512xf32>
    %select_n3A_1687 = arith.select %lt3A_1683, %broadcast_in_dim3A_1680, %broadcast_in_dim3A_1686 : vector<1x512xi1>, vector<1x512xf32>
    %add3A_1688 = arith.addf %add3A_1662, %select_n3A_1687 : vector<1x512xf32>
    %eq3A_1689 = vector.broadcast %broadcast_in_dim3A_1670 : vector<1x512xf32> to vector<64x512xf32>
    %eq3A_1690 = arith.cmpf oeq, %select_n3A_1667, %eq3A_1689 : vector<64x512xf32>
    %jit3A_1691 = arith.constant 0xFF800000 : f32
    %broadcast_in_dim3A_1692 = vector.broadcast %jit3A_1691 : f32 to vector<64x512xf32>
    %select_n3A_1693 = arith.select %eq3A_1690, %broadcast_in_dim3A_1692, %select_n3A_1667 : vector<64x512xi1>, vector<64x512xf32>
    %reduce_max3A_1694 = arith.constant dense<0xFF800000> : vector<512xf32>
    %reduce_max3A_1695 = vector.multi_reduction <maximumf>, %select_n3A_1693, %reduce_max3A_1694 [0] : vector<64x512xf32> to vector<512xf32>
    %broadcast_in_dim3A_1696 = vector.shape_cast %reduce_max3A_1695 : vector<512xf32> to vector<1x512xf32>
    %eq3A_1697 = vector.broadcast %broadcast_in_dim3A_1696 : vector<1x512xf32> to vector<64x512xf32>
    %eq3A_1698 = arith.cmpf oeq, %select_n3A_1693, %eq3A_1697 : vector<64x512xf32>
    %jit3A_1699 = arith.constant 1.000000e+00 : f32
    %jit3A_1700 = arith.constant 0.000000e+00 : f32
    %broadcast_in_dim3A_1701 = vector.broadcast %jit3A_1699 : f32 to vector<64x512xf32>
    %broadcast_in_dim3A_1702 = vector.broadcast %jit3A_1700 : f32 to vector<64x512xf32>
    %select_n3A_1703 = arith.select %eq3A_1698, %broadcast_in_dim3A_1701, %broadcast_in_dim3A_1702 : vector<64x512xi1>, vector<64x512xf32>
    %reduce_sum3A_1704 = arith.constant dense<0.000000e+00> : vector<512xf32>
    %reduce_sum3A_1705 = vector.multi_reduction <add>, %select_n3A_1703, %reduce_sum3A_1704 [0] : vector<64x512xf32> to vector<512xf32>
    %broadcast_in_dim3A_1706 = vector.shape_cast %reduce_sum3A_1705 : vector<512xf32> to vector<1x512xf32>
    %lt3A_1707 = arith.constant 1.600000e+01 : f32
    %lt3A_1708 = vector.broadcast %lt3A_1707 : f32 to vector<1x512xf32>
    %lt3A_1709 = arith.cmpf olt, %add3A_1688, %lt3A_1708 : vector<1x512xf32>
    %select_n3A_1710 = arith.select %lt3A_1709, %broadcast_in_dim3A_1696, %select_n3A_1684 : vector<1x512xi1>, vector<1x512xf32>
    %jit3A_1711 = arith.constant 0.000000e+00 : f32
    %broadcast_in_dim3A_1712 = vector.broadcast %jit3A_1711 : f32 to vector<1x512xf32>
    %select_n3A_1713 = arith.select %lt3A_1709, %broadcast_in_dim3A_1706, %broadcast_in_dim3A_1712 : vector<1x512xi1>, vector<1x512xf32>
    %add3A_1714 = arith.addf %add3A_1688, %select_n3A_1713 : vector<1x512xf32>
    %eq3A_1715 = vector.broadcast %broadcast_in_dim3A_1696 : vector<1x512xf32> to vector<64x512xf32>
    %eq3A_1716 = arith.cmpf oeq, %select_n3A_1693, %eq3A_1715 : vector<64x512xf32>
    %jit3A_1717 = arith.constant 0xFF800000 : f32
    %broadcast_in_dim3A_1718 = vector.broadcast %jit3A_1717 : f32 to vector<64x512xf32>
    %select_n3A_1719 = arith.select %eq3A_1716, %broadcast_in_dim3A_1718, %select_n3A_1693 : vector<64x512xi1>, vector<64x512xf32>
    %reduce_max3A_1720 = arith.constant dense<0xFF800000> : vector<512xf32>
    %reduce_max3A_1721 = vector.multi_reduction <maximumf>, %select_n3A_1719, %reduce_max3A_1720 [0] : vector<64x512xf32> to vector<512xf32>
    %broadcast_in_dim3A_1722 = vector.shape_cast %reduce_max3A_1721 : vector<512xf32> to vector<1x512xf32>
    %eq3A_1723 = vector.broadcast %broadcast_in_dim3A_1722 : vector<1x512xf32> to vector<64x512xf32>
    %eq3A_1724 = arith.cmpf oeq, %select_n3A_1719, %eq3A_1723 : vector<64x512xf32>
    %jit3A_1725 = arith.constant 1.000000e+00 : f32
    %jit3A_1726 = arith.constant 0.000000e+00 : f32
    %broadcast_in_dim3A_1727 = vector.broadcast %jit3A_1725 : f32 to vector<64x512xf32>
    %broadcast_in_dim3A_1728 = vector.broadcast %jit3A_1726 : f32 to vector<64x512xf32>
    %select_n3A_1729 = arith.select %eq3A_1724, %broadcast_in_dim3A_1727, %broadcast_in_dim3A_1728 : vector<64x512xi1>, vector<64x512xf32>
    %reduce_sum3A_1730 = arith.constant dense<0.000000e+00> : vector<512xf32>
    %reduce_sum3A_1731 = vector.multi_reduction <add>, %select_n3A_1729, %reduce_sum3A_1730 [0] : vector<64x512xf32> to vector<512xf32>
    %broadcast_in_dim3A_1732 = vector.shape_cast %reduce_sum3A_1731 : vector<512xf32> to vector<1x512xf32>
    %lt3A_1733 = arith.constant 1.600000e+01 : f32
    %lt3A_1734 = vector.broadcast %lt3A_1733 : f32 to vector<1x512xf32>
    %lt3A_1735 = arith.cmpf olt, %add3A_1714, %lt3A_1734 : vector<1x512xf32>
    %select_n3A_1736 = arith.select %lt3A_1735, %broadcast_in_dim3A_1722, %select_n3A_1710 : vector<1x512xi1>, vector<1x512xf32>
    %jit3A_1737 = arith.constant 0.000000e+00 : f32
    %broadcast_in_dim3A_1738 = vector.broadcast %jit3A_1737 : f32 to vector<1x512xf32>
    %select_n3A_1739 = arith.select %lt3A_1735, %broadcast_in_dim3A_1732, %broadcast_in_dim3A_1738 : vector<1x512xi1>, vector<1x512xf32>
    %add3A_1740 = arith.addf %add3A_1714, %select_n3A_1739 : vector<1x512xf32>
    %eq3A_1741 = vector.broadcast %broadcast_in_dim3A_1722 : vector<1x512xf32> to vector<64x512xf32>
    %eq3A_1742 = arith.cmpf oeq, %select_n3A_1719, %eq3A_1741 : vector<64x512xf32>
    %jit3A_1743 = arith.constant 0xFF800000 : f32
    %broadcast_in_dim3A_1744 = vector.broadcast %jit3A_1743 : f32 to vector<64x512xf32>
    %select_n3A_1745 = arith.select %eq3A_1742, %broadcast_in_dim3A_1744, %select_n3A_1719 : vector<64x512xi1>, vector<64x512xf32>
    %reduce_max3A_1746 = arith.constant dense<0xFF800000> : vector<512xf32>
    %reduce_max3A_1747 = vector.multi_reduction <maximumf>, %select_n3A_1745, %reduce_max3A_1746 [0] : vector<64x512xf32> to vector<512xf32>
    %broadcast_in_dim3A_1748 = vector.shape_cast %reduce_max3A_1747 : vector<512xf32> to vector<1x512xf32>
    %eq3A_1749 = vector.broadcast %broadcast_in_dim3A_1748 : vector<1x512xf32> to vector<64x512xf32>
    %eq3A_1750 = arith.cmpf oeq, %select_n3A_1745, %eq3A_1749 : vector<64x512xf32>
    %jit3A_1751 = arith.constant 1.000000e+00 : f32
    %jit3A_1752 = arith.constant 0.000000e+00 : f32
    %broadcast_in_dim3A_1753 = vector.broadcast %jit3A_1751 : f32 to vector<64x512xf32>
    %broadcast_in_dim3A_1754 = vector.broadcast %jit3A_1752 : f32 to vector<64x512xf32>
    %select_n3A_1755 = arith.select %eq3A_1750, %broadcast_in_dim3A_1753, %broadcast_in_dim3A_1754 : vector<64x512xi1>, vector<64x512xf32>
    %reduce_sum3A_1756 = arith.constant dense<0.000000e+00> : vector<512xf32>
    %reduce_sum3A_1757 = vector.multi_reduction <add>, %select_n3A_1755, %reduce_sum3A_1756 [0] : vector<64x512xf32> to vector<512xf32>
    %broadcast_in_dim3A_1758 = vector.shape_cast %reduce_sum3A_1757 : vector<512xf32> to vector<1x512xf32>
    %lt3A_1759 = arith.constant 1.600000e+01 : f32
    %lt3A_1760 = vector.broadcast %lt3A_1759 : f32 to vector<1x512xf32>
    %lt3A_1761 = arith.cmpf olt, %add3A_1740, %lt3A_1760 : vector<1x512xf32>
    %select_n3A_1762 = arith.select %lt3A_1761, %broadcast_in_dim3A_1748, %select_n3A_1736 : vector<1x512xi1>, vector<1x512xf32>
    %jit3A_1763 = arith.constant 0.000000e+00 : f32
    %broadcast_in_dim3A_1764 = vector.broadcast %jit3A_1763 : f32 to vector<1x512xf32>
    %select_n3A_1765 = arith.select %lt3A_1761, %broadcast_in_dim3A_1758, %broadcast_in_dim3A_1764 : vector<1x512xi1>, vector<1x512xf32>
    %add3A_1766 = arith.addf %add3A_1740, %select_n3A_1765 : vector<1x512xf32>
    %eq3A_1767 = vector.broadcast %broadcast_in_dim3A_1748 : vector<1x512xf32> to vector<64x512xf32>
    %eq3A_1768 = arith.cmpf oeq, %select_n3A_1745, %eq3A_1767 : vector<64x512xf32>
    %jit3A_1769 = arith.constant 0xFF800000 : f32
    %broadcast_in_dim3A_1770 = vector.broadcast %jit3A_1769 : f32 to vector<64x512xf32>
    %select_n3A_1771 = arith.select %eq3A_1768, %broadcast_in_dim3A_1770, %select_n3A_1745 : vector<64x512xi1>, vector<64x512xf32>
    %reduce_max3A_1772 = arith.constant dense<0xFF800000> : vector<512xf32>
    %reduce_max3A_1773 = vector.multi_reduction <maximumf>, %select_n3A_1771, %reduce_max3A_1772 [0] : vector<64x512xf32> to vector<512xf32>
    %broadcast_in_dim3A_1774 = vector.shape_cast %reduce_max3A_1773 : vector<512xf32> to vector<1x512xf32>
    %eq3A_1775 = vector.broadcast %broadcast_in_dim3A_1774 : vector<1x512xf32> to vector<64x512xf32>
    %eq3A_1776 = arith.cmpf oeq, %select_n3A_1771, %eq3A_1775 : vector<64x512xf32>
    %jit3A_1777 = arith.constant 1.000000e+00 : f32
    %jit3A_1778 = arith.constant 0.000000e+00 : f32
    %broadcast_in_dim3A_1779 = vector.broadcast %jit3A_1777 : f32 to vector<64x512xf32>
    %broadcast_in_dim3A_1780 = vector.broadcast %jit3A_1778 : f32 to vector<64x512xf32>
    %select_n3A_1781 = arith.select %eq3A_1776, %broadcast_in_dim3A_1779, %broadcast_in_dim3A_1780 : vector<64x512xi1>, vector<64x512xf32>
    %reduce_sum3A_1782 = arith.constant dense<0.000000e+00> : vector<512xf32>
    %reduce_sum3A_1783 = vector.multi_reduction <add>, %select_n3A_1781, %reduce_sum3A_1782 [0] : vector<64x512xf32> to vector<512xf32>
    %broadcast_in_dim3A_1784 = vector.shape_cast %reduce_sum3A_1783 : vector<512xf32> to vector<1x512xf32>
    %lt3A_1785 = arith.constant 1.600000e+01 : f32
    %lt3A_1786 = vector.broadcast %lt3A_1785 : f32 to vector<1x512xf32>
    %lt3A_1787 = arith.cmpf olt, %add3A_1766, %lt3A_1786 : vector<1x512xf32>
    %select_n3A_1788 = arith.select %lt3A_1787, %broadcast_in_dim3A_1774, %select_n3A_1762 : vector<1x512xi1>, vector<1x512xf32>
    %jit3A_1789 = arith.constant 0.000000e+00 : f32
    %broadcast_in_dim3A_1790 = vector.broadcast %jit3A_1789 : f32 to vector<1x512xf32>
    %select_n3A_1791 = arith.select %lt3A_1787, %broadcast_in_dim3A_1784, %broadcast_in_dim3A_1790 : vector<1x512xi1>, vector<1x512xf32>
    %add3A_1792 = arith.addf %add3A_1766, %select_n3A_1791 : vector<1x512xf32>
    %eq3A_1793 = vector.broadcast %broadcast_in_dim3A_1774 : vector<1x512xf32> to vector<64x512xf32>
    %eq3A_1794 = arith.cmpf oeq, %select_n3A_1771, %eq3A_1793 : vector<64x512xf32>
    %jit3A_1795 = arith.constant 0xFF800000 : f32
    %broadcast_in_dim3A_1796 = vector.broadcast %jit3A_1795 : f32 to vector<64x512xf32>
    %select_n3A_1797 = arith.select %eq3A_1794, %broadcast_in_dim3A_1796, %select_n3A_1771 : vector<64x512xi1>, vector<64x512xf32>
    %reduce_max3A_1798 = arith.constant dense<0xFF800000> : vector<512xf32>
    %reduce_max3A_1799 = vector.multi_reduction <maximumf>, %select_n3A_1797, %reduce_max3A_1798 [0] : vector<64x512xf32> to vector<512xf32>
    %broadcast_in_dim3A_1800 = vector.shape_cast %reduce_max3A_1799 : vector<512xf32> to vector<1x512xf32>
    %eq3A_1801 = vector.broadcast %broadcast_in_dim3A_1800 : vector<1x512xf32> to vector<64x512xf32>
    %eq3A_1802 = arith.cmpf oeq, %select_n3A_1797, %eq3A_1801 : vector<64x512xf32>
    %jit3A_1803 = arith.constant 1.000000e+00 : f32
    %jit3A_1804 = arith.constant 0.000000e+00 : f32
    %broadcast_in_dim3A_1805 = vector.broadcast %jit3A_1803 : f32 to vector<64x512xf32>
    %broadcast_in_dim3A_1806 = vector.broadcast %jit3A_1804 : f32 to vector<64x512xf32>
    %select_n3A_1807 = arith.select %eq3A_1802, %broadcast_in_dim3A_1805, %broadcast_in_dim3A_1806 : vector<64x512xi1>, vector<64x512xf32>
    %reduce_sum3A_1808 = arith.constant dense<0.000000e+00> : vector<512xf32>
    %reduce_sum3A_1809 = vector.multi_reduction <add>, %select_n3A_1807, %reduce_sum3A_1808 [0] : vector<64x512xf32> to vector<512xf32>
    %broadcast_in_dim3A_1810 = vector.shape_cast %reduce_sum3A_1809 : vector<512xf32> to vector<1x512xf32>
    %lt3A_1811 = arith.constant 1.600000e+01 : f32
    %lt3A_1812 = vector.broadcast %lt3A_1811 : f32 to vector<1x512xf32>
    %lt3A_1813 = arith.cmpf olt, %add3A_1792, %lt3A_1812 : vector<1x512xf32>
    %select_n3A_1814 = arith.select %lt3A_1813, %broadcast_in_dim3A_1800, %select_n3A_1788 : vector<1x512xi1>, vector<1x512xf32>
    %jit3A_1815 = arith.constant 0.000000e+00 : f32
    %broadcast_in_dim3A_1816 = vector.broadcast %jit3A_1815 : f32 to vector<1x512xf32>
    %select_n3A_1817 = arith.select %lt3A_1813, %broadcast_in_dim3A_1810, %broadcast_in_dim3A_1816 : vector<1x512xi1>, vector<1x512xf32>
    %add3A_1818 = arith.addf %add3A_1792, %select_n3A_1817 : vector<1x512xf32>
    %eq3A_1819 = vector.broadcast %broadcast_in_dim3A_1800 : vector<1x512xf32> to vector<64x512xf32>
    %eq3A_1820 = arith.cmpf oeq, %select_n3A_1797, %eq3A_1819 : vector<64x512xf32>
    %jit3A_1821 = arith.constant 0xFF800000 : f32
    %broadcast_in_dim3A_1822 = vector.broadcast %jit3A_1821 : f32 to vector<64x512xf32>
    %select_n3A_1823 = arith.select %eq3A_1820, %broadcast_in_dim3A_1822, %select_n3A_1797 : vector<64x512xi1>, vector<64x512xf32>
    %reduce_max3A_1824 = arith.constant dense<0xFF800000> : vector<512xf32>
    %reduce_max3A_1825 = vector.multi_reduction <maximumf>, %select_n3A_1823, %reduce_max3A_1824 [0] : vector<64x512xf32> to vector<512xf32>
    %broadcast_in_dim3A_1826 = vector.shape_cast %reduce_max3A_1825 : vector<512xf32> to vector<1x512xf32>
    %eq3A_1827 = vector.broadcast %broadcast_in_dim3A_1826 : vector<1x512xf32> to vector<64x512xf32>
    %eq3A_1828 = arith.cmpf oeq, %select_n3A_1823, %eq3A_1827 : vector<64x512xf32>
    %jit3A_1829 = arith.constant 1.000000e+00 : f32
    %jit3A_1830 = arith.constant 0.000000e+00 : f32
    %broadcast_in_dim3A_1831 = vector.broadcast %jit3A_1829 : f32 to vector<64x512xf32>
    %broadcast_in_dim3A_1832 = vector.broadcast %jit3A_1830 : f32 to vector<64x512xf32>
    %select_n3A_1833 = arith.select %eq3A_1828, %broadcast_in_dim3A_1831, %broadcast_in_dim3A_1832 : vector<64x512xi1>, vector<64x512xf32>
    %reduce_sum3A_1834 = arith.constant dense<0.000000e+00> : vector<512xf32>
    %reduce_sum3A_1835 = vector.multi_reduction <add>, %select_n3A_1833, %reduce_sum3A_1834 [0] : vector<64x512xf32> to vector<512xf32>
    %broadcast_in_dim3A_1836 = vector.shape_cast %reduce_sum3A_1835 : vector<512xf32> to vector<1x512xf32>
    %lt3A_1837 = arith.constant 1.600000e+01 : f32
    %lt3A_1838 = vector.broadcast %lt3A_1837 : f32 to vector<1x512xf32>
    %lt3A_1839 = arith.cmpf olt, %add3A_1818, %lt3A_1838 : vector<1x512xf32>
    %select_n3A_1840 = arith.select %lt3A_1839, %broadcast_in_dim3A_1826, %select_n3A_1814 : vector<1x512xi1>, vector<1x512xf32>
    %jit3A_1841 = arith.constant 0.000000e+00 : f32
    %broadcast_in_dim3A_1842 = vector.broadcast %jit3A_1841 : f32 to vector<1x512xf32>
    %select_n3A_1843 = arith.select %lt3A_1839, %broadcast_in_dim3A_1836, %broadcast_in_dim3A_1842 : vector<1x512xi1>, vector<1x512xf32>
    %add3A_1844 = arith.addf %add3A_1818, %select_n3A_1843 : vector<1x512xf32>
    %eq3A_1845 = vector.broadcast %broadcast_in_dim3A_1826 : vector<1x512xf32> to vector<64x512xf32>
    %eq3A_1846 = arith.cmpf oeq, %select_n3A_1823, %eq3A_1845 : vector<64x512xf32>
    %jit3A_1847 = arith.constant 0xFF800000 : f32
    %broadcast_in_dim3A_1848 = vector.broadcast %jit3A_1847 : f32 to vector<64x512xf32>
    %select_n3A_1849 = arith.select %eq3A_1846, %broadcast_in_dim3A_1848, %select_n3A_1823 : vector<64x512xi1>, vector<64x512xf32>
    %reduce_max3A_1850 = arith.constant dense<0xFF800000> : vector<512xf32>
    %reduce_max3A_1851 = vector.multi_reduction <maximumf>, %select_n3A_1849, %reduce_max3A_1850 [0] : vector<64x512xf32> to vector<512xf32>
    %broadcast_in_dim3A_1852 = vector.shape_cast %reduce_max3A_1851 : vector<512xf32> to vector<1x512xf32>
    %eq3A_1853 = vector.broadcast %broadcast_in_dim3A_1852 : vector<1x512xf32> to vector<64x512xf32>
    %eq3A_1854 = arith.cmpf oeq, %select_n3A_1849, %eq3A_1853 : vector<64x512xf32>
    %jit3A_1855 = arith.constant 1.000000e+00 : f32
    %jit3A_1856 = arith.constant 0.000000e+00 : f32
    %broadcast_in_dim3A_1857 = vector.broadcast %jit3A_1855 : f32 to vector<64x512xf32>
    %broadcast_in_dim3A_1858 = vector.broadcast %jit3A_1856 : f32 to vector<64x512xf32>
    %select_n3A_1859 = arith.select %eq3A_1854, %broadcast_in_dim3A_1857, %broadcast_in_dim3A_1858 : vector<64x512xi1>, vector<64x512xf32>
    %reduce_sum3A_1860 = arith.constant dense<0.000000e+00> : vector<512xf32>
    %reduce_sum3A_1861 = vector.multi_reduction <add>, %select_n3A_1859, %reduce_sum3A_1860 [0] : vector<64x512xf32> to vector<512xf32>
    %broadcast_in_dim3A_1862 = vector.shape_cast %reduce_sum3A_1861 : vector<512xf32> to vector<1x512xf32>
    %lt3A_1863 = arith.constant 1.600000e+01 : f32
    %lt3A_1864 = vector.broadcast %lt3A_1863 : f32 to vector<1x512xf32>
    %lt3A_1865 = arith.cmpf olt, %add3A_1844, %lt3A_1864 : vector<1x512xf32>
    %select_n3A_1866 = arith.select %lt3A_1865, %broadcast_in_dim3A_1852, %select_n3A_1840 : vector<1x512xi1>, vector<1x512xf32>
    %jit3A_1867 = arith.constant 0.000000e+00 : f32
    %broadcast_in_dim3A_1868 = vector.broadcast %jit3A_1867 : f32 to vector<1x512xf32>
    %select_n3A_1869 = arith.select %lt3A_1865, %broadcast_in_dim3A_1862, %broadcast_in_dim3A_1868 : vector<1x512xi1>, vector<1x512xf32>
    %add3A_1870 = arith.addf %add3A_1844, %select_n3A_1869 : vector<1x512xf32>
    %eq3A_1871 = vector.broadcast %broadcast_in_dim3A_1852 : vector<1x512xf32> to vector<64x512xf32>
    %eq3A_1872 = arith.cmpf oeq, %select_n3A_1849, %eq3A_1871 : vector<64x512xf32>
    %jit3A_1873 = arith.constant 0xFF800000 : f32
    %broadcast_in_dim3A_1874 = vector.broadcast %jit3A_1873 : f32 to vector<64x512xf32>
    %select_n3A_1875 = arith.select %eq3A_1872, %broadcast_in_dim3A_1874, %select_n3A_1849 : vector<64x512xi1>, vector<64x512xf32>
    %reduce_max3A_1876 = arith.constant dense<0xFF800000> : vector<512xf32>
    %reduce_max3A_1877 = vector.multi_reduction <maximumf>, %select_n3A_1875, %reduce_max3A_1876 [0] : vector<64x512xf32> to vector<512xf32>
    %broadcast_in_dim3A_1878 = vector.shape_cast %reduce_max3A_1877 : vector<512xf32> to vector<1x512xf32>
    %eq3A_1879 = vector.broadcast %broadcast_in_dim3A_1878 : vector<1x512xf32> to vector<64x512xf32>
    %eq3A_1880 = arith.cmpf oeq, %select_n3A_1875, %eq3A_1879 : vector<64x512xf32>
    %jit3A_1881 = arith.constant 1.000000e+00 : f32
    %jit3A_1882 = arith.constant 0.000000e+00 : f32
    %broadcast_in_dim3A_1883 = vector.broadcast %jit3A_1881 : f32 to vector<64x512xf32>
    %broadcast_in_dim3A_1884 = vector.broadcast %jit3A_1882 : f32 to vector<64x512xf32>
    %select_n3A_1885 = arith.select %eq3A_1880, %broadcast_in_dim3A_1883, %broadcast_in_dim3A_1884 : vector<64x512xi1>, vector<64x512xf32>
    %reduce_sum3A_1886 = arith.constant dense<0.000000e+00> : vector<512xf32>
    %reduce_sum3A_1887 = vector.multi_reduction <add>, %select_n3A_1885, %reduce_sum3A_1886 [0] : vector<64x512xf32> to vector<512xf32>
    %broadcast_in_dim3A_1888 = vector.shape_cast %reduce_sum3A_1887 : vector<512xf32> to vector<1x512xf32>
    %lt3A_1889 = arith.constant 1.600000e+01 : f32
    %lt3A_1890 = vector.broadcast %lt3A_1889 : f32 to vector<1x512xf32>
    %lt3A_1891 = arith.cmpf olt, %add3A_1870, %lt3A_1890 : vector<1x512xf32>
    %select_n3A_1892 = arith.select %lt3A_1891, %broadcast_in_dim3A_1878, %select_n3A_1866 : vector<1x512xi1>, vector<1x512xf32>
    %jit3A_1893 = arith.constant 0.000000e+00 : f32
    %broadcast_in_dim3A_1894 = vector.broadcast %jit3A_1893 : f32 to vector<1x512xf32>
    %select_n3A_1895 = arith.select %lt3A_1891, %broadcast_in_dim3A_1888, %broadcast_in_dim3A_1894 : vector<1x512xi1>, vector<1x512xf32>
    %add3A_1896 = arith.addf %add3A_1870, %select_n3A_1895 : vector<1x512xf32>
    %eq3A_1897 = vector.broadcast %broadcast_in_dim3A_1878 : vector<1x512xf32> to vector<64x512xf32>
    %eq3A_1898 = arith.cmpf oeq, %select_n3A_1875, %eq3A_1897 : vector<64x512xf32>
    %jit3A_1899 = arith.constant 0xFF800000 : f32
    %broadcast_in_dim3A_1900 = vector.broadcast %jit3A_1899 : f32 to vector<64x512xf32>
    %select_n3A_1901 = arith.select %eq3A_1898, %broadcast_in_dim3A_1900, %select_n3A_1875 : vector<64x512xi1>, vector<64x512xf32>
    %reduce_max3A_1902 = arith.constant dense<0xFF800000> : vector<512xf32>
    %reduce_max3A_1903 = vector.multi_reduction <maximumf>, %select_n3A_1901, %reduce_max3A_1902 [0] : vector<64x512xf32> to vector<512xf32>
    %broadcast_in_dim3A_1904 = vector.shape_cast %reduce_max3A_1903 : vector<512xf32> to vector<1x512xf32>
    %eq3A_1905 = vector.broadcast %broadcast_in_dim3A_1904 : vector<1x512xf32> to vector<64x512xf32>
    %eq3A_1906 = arith.cmpf oeq, %select_n3A_1901, %eq3A_1905 : vector<64x512xf32>
    %jit3A_1907 = arith.constant 1.000000e+00 : f32
    %jit3A_1908 = arith.constant 0.000000e+00 : f32
    %broadcast_in_dim3A_1909 = vector.broadcast %jit3A_1907 : f32 to vector<64x512xf32>
    %broadcast_in_dim3A_1910 = vector.broadcast %jit3A_1908 : f32 to vector<64x512xf32>
    %select_n3A_1911 = arith.select %eq3A_1906, %broadcast_in_dim3A_1909, %broadcast_in_dim3A_1910 : vector<64x512xi1>, vector<64x512xf32>
    %reduce_sum3A_1912 = arith.constant dense<0.000000e+00> : vector<512xf32>
    %reduce_sum3A_1913 = vector.multi_reduction <add>, %select_n3A_1911, %reduce_sum3A_1912 [0] : vector<64x512xf32> to vector<512xf32>
    %broadcast_in_dim3A_1914 = vector.shape_cast %reduce_sum3A_1913 : vector<512xf32> to vector<1x512xf32>
    %lt3A_1915 = arith.constant 1.600000e+01 : f32
    %lt3A_1916 = vector.broadcast %lt3A_1915 : f32 to vector<1x512xf32>
    %lt3A_1917 = arith.cmpf olt, %add3A_1896, %lt3A_1916 : vector<1x512xf32>
    %select_n3A_1918 = arith.select %lt3A_1917, %broadcast_in_dim3A_1904, %select_n3A_1892 : vector<1x512xi1>, vector<1x512xf32>
    %jit3A_1919 = arith.constant 0.000000e+00 : f32
    %broadcast_in_dim3A_1920 = vector.broadcast %jit3A_1919 : f32 to vector<1x512xf32>
    %select_n3A_1921 = arith.select %lt3A_1917, %broadcast_in_dim3A_1914, %broadcast_in_dim3A_1920 : vector<1x512xi1>, vector<1x512xf32>
    %add3A_1922 = arith.addf %add3A_1896, %select_n3A_1921 : vector<1x512xf32>
    %eq3A_1923 = vector.broadcast %broadcast_in_dim3A_1904 : vector<1x512xf32> to vector<64x512xf32>
    %eq3A_1924 = arith.cmpf oeq, %select_n3A_1901, %eq3A_1923 : vector<64x512xf32>
    %jit3A_1925 = arith.constant 0xFF800000 : f32
    %broadcast_in_dim3A_1926 = vector.broadcast %jit3A_1925 : f32 to vector<64x512xf32>
    %select_n3A_1927 = arith.select %eq3A_1924, %broadcast_in_dim3A_1926, %select_n3A_1901 : vector<64x512xi1>, vector<64x512xf32>
    %reduce_max3A_1928 = arith.constant dense<0xFF800000> : vector<512xf32>
    %reduce_max3A_1929 = vector.multi_reduction <maximumf>, %select_n3A_1927, %reduce_max3A_1928 [0] : vector<64x512xf32> to vector<512xf32>
    %broadcast_in_dim3A_1930 = vector.shape_cast %reduce_max3A_1929 : vector<512xf32> to vector<1x512xf32>
    %lt3A_1931 = arith.constant 1.600000e+01 : f32
    %lt3A_1932 = vector.broadcast %lt3A_1931 : f32 to vector<1x512xf32>
    %lt3A_1933 = arith.cmpf olt, %add3A_1922, %lt3A_1932 : vector<1x512xf32>
    %select_n3A_1934 = arith.select %lt3A_1933, %broadcast_in_dim3A_1930, %select_n3A_1918 : vector<1x512xi1>, vector<1x512xf32>
    %ge3A_1935 = vector.broadcast %select_n3A_1934 : vector<1x512xf32> to vector<64x512xf32>
    %ge3A_1936 = arith.cmpf oge, %get3A_1545, %ge3A_1935 : vector<64x512xf32>
    %sub3A_1937 = vector.broadcast %broadcast_in_dim3A_1548 : vector<1x512xf32> to vector<64x512xf32>
    %sub3A_1938 = arith.subf %get3A_1545, %sub3A_1937 : vector<64x512xf32>
    %exp3A_1939 = math.exp %sub3A_1938 : vector<64x512xf32>
    %jit3A_1940 = arith.constant 0.000000e+00 : f32
    %broadcast_in_dim3A_1941 = vector.broadcast %jit3A_1940 : f32 to vector<64x512xf32>
    %select_n3A_1942 = arith.select %ge3A_1936, %exp3A_1939, %broadcast_in_dim3A_1941 : vector<64x512xi1>, vector<64x512xf32>
    %reduce_sum3A_1943 = arith.constant dense<0.000000e+00> : vector<512xf32>
    %reduce_sum3A_1944 = vector.multi_reduction <add>, %select_n3A_1942, %reduce_sum3A_1943 [0] : vector<64x512xf32> to vector<512xf32>
    %broadcast_in_dim3A_1945 = vector.shape_cast %reduce_sum3A_1944 : vector<512xf32> to vector<1x512xf32>
    %div3A_1946 = vector.broadcast %broadcast_in_dim3A_1945 : vector<1x512xf32> to vector<64x512xf32>
    %div3A_1947 = arith.divf %select_n3A_1942, %div3A_1946 : vector<64x512xf32>
    %convert_element_type3A_1948 = arith.truncf %div3A_1947 : vector<64x512xf32> to vector<64x512xbf16>
    %swap3A_1949 = arith.constant 0 : index
    %swap3A_1950 = arith.constant 512 : index
    %swap3A_1951 = vector.load %arg5[%swap3A_1949, %swap3A_1950] : memref<64x1024xbf16, #tpu.memory_space<vmem>>, vector<64x512xbf16>
    tpu.vector_store %arg5[%swap3A_1949, %swap3A_1950], %convert_element_type3A_1948 {strides = array<i32>} : memref<64x1024xbf16, #tpu.memory_space<vmem>>, vector<64x512xbf16>,
    %get3A_1952 = arith.constant 0 : index
    %get3A_1953 = arith.constant 0 : index
    %get3A_1954 = vector.load %arg5[%get3A_1952, %get3A_1953] : memref<64x1024xbf16, #tpu.memory_space<vmem>>, vector<64x1024xbf16>
    %dot_general3A_1955 = arith.constant dense<0.000000e+00> : vector<64x1024xf32>
    %dot_general3A_1956 = tpu.matmul %get3A_1954, %get3A_7, %dot_general3A_1955 {dimension_numbers = #tpu.dot_dimension_numbers<[1], [0], [0], [1], [0, 0, 1, 1], [], []>, transpose_lhs_hint = false} : vector<64x1024xbf16>, vector<1024x1024xbf16>, vector<64x1024xf32> -> vector<64x1024xf32>
    %jit3A_1957 = arith.constant 0.000000e+00 : f32
    %broadcast_in_dim3A_1958 = vector.broadcast %jit3A_1957 : f32 to vector<64x1024xf32>
    %select_n3A_1959 = arith.select %eq3A_48, %dot_general3A_1956, %broadcast_in_dim3A_1958 : vector<64x1024xi1>, vector<64x1024xf32>
    %reduce_sum3A_1960 = arith.constant dense<0.000000e+00> : vector<1024xf32>
    %reduce_sum3A_1961 = vector.multi_reduction <add>, %select_n3A_1959, %reduce_sum3A_1960 [0] : vector<64x1024xf32> to vector<1024xf32>
    %broadcast_in_dim3A_1962 = vector.shape_cast %reduce_sum3A_1961 : vector<1024xf32> to vector<1x1024xf32>
    %add3A_1963 = arith.addf %broadcast_in_dim3A_1962, %get3A_1 : vector<1x1024xf32>
    %slice3A_1964 = vector.extract_strided_slice %add3A_1963 {offsets = [0, 0], sizes = [1, 64], strides = [1, 1]} : vector<1x1024xf32> to vector<1x64xf32>
    %mul3A_1965 = arith.mulf %slice3A_1964, %slice3A_1964 : vector<1x64xf32>
    %slice3A_1966 = vector.extract_strided_slice %add3A_1963 {offsets = [0, 64], sizes = [1, 64], strides = [1, 1]} : vector<1x1024xf32> to vector<1x64xf32>
    %mul3A_1967 = arith.mulf %slice3A_1966, %slice3A_1966 : vector<1x64xf32>
    %add3A_1968 = arith.addf %mul3A_1965, %mul3A_1967 : vector<1x64xf32>
    %slice3A_1969 = vector.extract_strided_slice %add3A_1963 {offsets = [0, 128], sizes = [1, 64], strides = [1, 1]} : vector<1x1024xf32> to vector<1x64xf32>
    %mul3A_1970 = arith.mulf %slice3A_1969, %slice3A_1969 : vector<1x64xf32>
    %add3A_1971 = arith.addf %add3A_1968, %mul3A_1970 : vector<1x64xf32>
    %slice3A_1972 = vector.extract_strided_slice %add3A_1963 {offsets = [0, 192], sizes = [1, 64], strides = [1, 1]} : vector<1x1024xf32> to vector<1x64xf32>
    %mul3A_1973 = arith.mulf %slice3A_1972, %slice3A_1972 : vector<1x64xf32>
    %add3A_1974 = arith.addf %add3A_1971, %mul3A_1973 : vector<1x64xf32>
    %slice3A_1975 = vector.extract_strided_slice %add3A_1963 {offsets = [0, 256], sizes = [1, 64], strides = [1, 1]} : vector<1x1024xf32> to vector<1x64xf32>
    %mul3A_1976 = arith.mulf %slice3A_1975, %slice3A_1975 : vector<1x64xf32>
    %add3A_1977 = arith.addf %add3A_1974, %mul3A_1976 : vector<1x64xf32>
    %slice3A_1978 = vector.extract_strided_slice %add3A_1963 {offsets = [0, 320], sizes = [1, 64], strides = [1, 1]} : vector<1x1024xf32> to vector<1x64xf32>
    %mul3A_1979 = arith.mulf %slice3A_1978, %slice3A_1978 : vector<1x64xf32>
    %add3A_1980 = arith.addf %add3A_1977, %mul3A_1979 : vector<1x64xf32>
    %slice3A_1981 = vector.extract_strided_slice %add3A_1963 {offsets = [0, 384], sizes = [1, 64], strides = [1, 1]} : vector<1x1024xf32> to vector<1x64xf32>
    %mul3A_1982 = arith.mulf %slice3A_1981, %slice3A_1981 : vector<1x64xf32>
    %add3A_1983 = arith.addf %add3A_1980, %mul3A_1982 : vector<1x64xf32>
    %slice3A_1984 = vector.extract_strided_slice %add3A_1963 {offsets = [0, 448], sizes = [1, 64], strides = [1, 1]} : vector<1x1024xf32> to vector<1x64xf32>
    %mul3A_1985 = arith.mulf %slice3A_1984, %slice3A_1984 : vector<1x64xf32>
    %add3A_1986 = arith.addf %add3A_1983, %mul3A_1985 : vector<1x64xf32>
    %slice3A_1987 = vector.extract_strided_slice %add3A_1963 {offsets = [0, 512], sizes = [1, 64], strides = [1, 1]} : vector<1x1024xf32> to vector<1x64xf32>
    %mul3A_1988 = arith.mulf %slice3A_1987, %slice3A_1987 : vector<1x64xf32>
    %add3A_1989 = arith.addf %add3A_1986, %mul3A_1988 : vector<1x64xf32>
    %slice3A_1990 = vector.extract_strided_slice %add3A_1963 {offsets = [0, 576], sizes = [1, 64], strides = [1, 1]} : vector<1x1024xf32> to vector<1x64xf32>
    %mul3A_1991 = arith.mulf %slice3A_1990, %slice3A_1990 : vector<1x64xf32>
    %add3A_1992 = arith.addf %add3A_1989, %mul3A_1991 : vector<1x64xf32>
    %slice3A_1993 = vector.extract_strided_slice %add3A_1963 {offsets = [0, 640], sizes = [1, 64], strides = [1, 1]} : vector<1x1024xf32> to vector<1x64xf32>
    %mul3A_1994 = arith.mulf %slice3A_1993, %slice3A_1993 : vector<1x64xf32>
    %add3A_1995 = arith.addf %add3A_1992, %mul3A_1994 : vector<1x64xf32>
    %slice3A_1996 = vector.extract_strided_slice %add3A_1963 {offsets = [0, 704], sizes = [1, 64], strides = [1, 1]} : vector<1x1024xf32> to vector<1x64xf32>
    %mul3A_1997 = arith.mulf %slice3A_1996, %slice3A_1996 : vector<1x64xf32>
    %add3A_1998 = arith.addf %add3A_1995, %mul3A_1997 : vector<1x64xf32>
    %slice3A_1999 = vector.extract_strided_slice %add3A_1963 {offsets = [0, 768], sizes = [1, 64], strides = [1, 1]} : vector<1x1024xf32> to vector<1x64xf32>
    %mul3A_2000 = arith.mulf %slice3A_1999, %slice3A_1999 : vector<1x64xf32>
    %add3A_2001 = arith.addf %add3A_1998, %mul3A_2000 : vector<1x64xf32>
    %slice3A_2002 = vector.extract_strided_slice %add3A_1963 {offsets = [0, 832], sizes = [1, 64], strides = [1, 1]} : vector<1x1024xf32> to vector<1x64xf32>
    %mul3A_2003 = arith.mulf %slice3A_2002, %slice3A_2002 : vector<1x64xf32>
    %add3A_2004 = arith.addf %add3A_2001, %mul3A_2003 : vector<1x64xf32>
    %slice3A_2005 = vector.extract_strided_slice %add3A_1963 {offsets = [0, 896], sizes = [1, 64], strides = [1, 1]} : vector<1x1024xf32> to vector<1x64xf32>
    %mul3A_2006 = arith.mulf %slice3A_2005, %slice3A_2005 : vector<1x64xf32>
    %add3A_2007 = arith.addf %add3A_2004, %mul3A_2006 : vector<1x64xf32>
    %slice3A_2008 = vector.extract_strided_slice %add3A_1963 {offsets = [0, 960], sizes = [1, 64], strides = [1, 1]} : vector<1x1024xf32> to vector<1x64xf32>
    %mul3A_2009 = arith.mulf %slice3A_2008, %slice3A_2008 : vector<1x64xf32>
    %add3A_2010 = arith.addf %add3A_2007, %mul3A_2009 : vector<1x64xf32>
    %add3A_2011 = arith.constant 1.000000e+00 : f32
    %add3A_2012 = vector.broadcast %add3A_2011 : f32 to vector<1x64xf32>
    %add3A_2013 = arith.addf %add3A_2012, %add3A_2010 : vector<1x64xf32>
    %div3A_2014 = arith.divf %add3A_2010, %add3A_2013 : vector<1x64xf32>
    %add3A_2015 = arith.constant 9.99999993E-9 : f32
    %add3A_2016 = vector.broadcast %add3A_2015 : f32 to vector<1x64xf32>
    %add3A_2017 = arith.addf %add3A_2010, %add3A_2016 : vector<1x64xf32>
    %sqrt3A_2018 = math.sqrt %add3A_2017 : vector<1x64xf32>
    %div3A_2019 = arith.divf %div3A_2014, %sqrt3A_2018 : vector<1x64xf32>
    %slice3A_2020 = vector.extract_strided_slice %add3A_1963 {offsets = [0, 0], sizes = [1, 64], strides = [1, 1]} : vector<1x1024xf32> to vector<1x64xf32>
    %mul3A_2021 = arith.mulf %slice3A_2020, %div3A_2019 : vector<1x64xf32>
    %slice3A_2022 = vector.extract_strided_slice %add3A_1963 {offsets = [0, 64], sizes = [1, 64], strides = [1, 1]} : vector<1x1024xf32> to vector<1x64xf32>
    %mul3A_2023 = arith.mulf %slice3A_2022, %div3A_2019 : vector<1x64xf32>
    %slice3A_2024 = vector.extract_strided_slice %add3A_1963 {offsets = [0, 128], sizes = [1, 64], strides = [1, 1]} : vector<1x1024xf32> to vector<1x64xf32>
    %mul3A_2025 = arith.mulf %slice3A_2024, %div3A_2019 : vector<1x64xf32>
    %slice3A_2026 = vector.extract_strided_slice %add3A_1963 {offsets = [0, 192], sizes = [1, 64], strides = [1, 1]} : vector<1x1024xf32> to vector<1x64xf32>
    %mul3A_2027 = arith.mulf %slice3A_2026, %div3A_2019 : vector<1x64xf32>
    %slice3A_2028 = vector.extract_strided_slice %add3A_1963 {offsets = [0, 256], sizes = [1, 64], strides = [1, 1]} : vector<1x1024xf32> to vector<1x64xf32>
    %mul3A_2029 = arith.mulf %slice3A_2028, %div3A_2019 : vector<1x64xf32>
    %slice3A_2030 = vector.extract_strided_slice %add3A_1963 {offsets = [0, 320], sizes = [1, 64], strides = [1, 1]} : vector<1x1024xf32> to vector<1x64xf32>
    %mul3A_2031 = arith.mulf %slice3A_2030, %div3A_2019 : vector<1x64xf32>
    %slice3A_2032 = vector.extract_strided_slice %add3A_1963 {offsets = [0, 384], sizes = [1, 64], strides = [1, 1]} : vector<1x1024xf32> to vector<1x64xf32>
    %mul3A_2033 = arith.mulf %slice3A_2032, %div3A_2019 : vector<1x64xf32>
    %slice3A_2034 = vector.extract_strided_slice %add3A_1963 {offsets = [0, 448], sizes = [1, 64], strides = [1, 1]} : vector<1x1024xf32> to vector<1x64xf32>
    %mul3A_2035 = arith.mulf %slice3A_2034, %div3A_2019 : vector<1x64xf32>
    %slice3A_2036 = vector.extract_strided_slice %add3A_1963 {offsets = [0, 512], sizes = [1, 64], strides = [1, 1]} : vector<1x1024xf32> to vector<1x64xf32>
    %mul3A_2037 = arith.mulf %slice3A_2036, %div3A_2019 : vector<1x64xf32>
    %slice3A_2038 = vector.extract_strided_slice %add3A_1963 {offsets = [0, 576], sizes = [1, 64], strides = [1, 1]} : vector<1x1024xf32> to vector<1x64xf32>
    %mul3A_2039 = arith.mulf %slice3A_2038, %div3A_2019 : vector<1x64xf32>
    %slice3A_2040 = vector.extract_strided_slice %add3A_1963 {offsets = [0, 640], sizes = [1, 64], strides = [1, 1]} : vector<1x1024xf32> to vector<1x64xf32>
    %mul3A_2041 = arith.mulf %slice3A_2040, %div3A_2019 : vector<1x64xf32>
    %slice3A_2042 = vector.extract_strided_slice %add3A_1963 {offsets = [0, 704], sizes = [1, 64], strides = [1, 1]} : vector<1x1024xf32> to vector<1x64xf32>
    %mul3A_2043 = arith.mulf %slice3A_2042, %div3A_2019 : vector<1x64xf32>
    %slice3A_2044 = vector.extract_strided_slice %add3A_1963 {offsets = [0, 768], sizes = [1, 64], strides = [1, 1]} : vector<1x1024xf32> to vector<1x64xf32>
    %mul3A_2045 = arith.mulf %slice3A_2044, %div3A_2019 : vector<1x64xf32>
    %slice3A_2046 = vector.extract_strided_slice %add3A_1963 {offsets = [0, 832], sizes = [1, 64], strides = [1, 1]} : vector<1x1024xf32> to vector<1x64xf32>
    %mul3A_2047 = arith.mulf %slice3A_2046, %div3A_2019 : vector<1x64xf32>
    %slice3A_2048 = vector.extract_strided_slice %add3A_1963 {offsets = [0, 896], sizes = [1, 64], strides = [1, 1]} : vector<1x1024xf32> to vector<1x64xf32>
    %mul3A_2049 = arith.mulf %slice3A_2048, %div3A_2019 : vector<1x64xf32>
    %slice3A_2050 = vector.extract_strided_slice %add3A_1963 {offsets = [0, 960], sizes = [1, 64], strides = [1, 1]} : vector<1x1024xf32> to vector<1x64xf32>
    %mul3A_2051 = arith.mulf %slice3A_2050, %div3A_2019 : vector<1x64xf32>
    %concatenate3A_2052 = tpu.concatenate %mul3A_2021, %mul3A_2023, %mul3A_2025, %mul3A_2027, %mul3A_2029, %mul3A_2031, %mul3A_2033, %mul3A_2035, %mul3A_2037, %mul3A_2039, %mul3A_2041, %mul3A_2043, %mul3A_2045, %mul3A_2047, %mul3A_2049, %mul3A_2051 in 1 : vector<1x64xf32>, vector<1x64xf32>, vector<1x64xf32>, vector<1x64xf32>, vector<1x64xf32>, vector<1x64xf32>, vector<1x64xf32>, vector<1x64xf32>, vector<1x64xf32>, vector<1x64xf32>, vector<1x64xf32>, vector<1x64xf32>, vector<1x64xf32>, vector<1x64xf32>, vector<1x64xf32>, vector<1x64xf32> -> vector<1x1024xf32>
    %swap3A_2053 = arith.constant 0 : index
    %swap3A_2054 = arith.constant 0 : index
    %swap3A_2055 = arith.constant 0 : index
    %swap3A_2056 = vector.load %arg3[%swap3A_2053, %swap3A_2054, %swap3A_2055] : memref<1x1x1024xf32, #tpu.memory_space<vmem>>, vector<1x1x1024xf32>
    %swap3A_2057 = vector.shape_cast %swap3A_2056 : vector<1x1x1024xf32> to vector<1x1024xf32>
    %swap3A_2058 = vector.shape_cast %concatenate3A_2052 : vector<1x1024xf32> to vector<1x1x1024xf32>
    tpu.vector_store %arg3[%swap3A_2053, %swap3A_2054, %swap3A_2055], %swap3A_2058 {strides = array<i32>} : memref<1x1x1024xf32, #tpu.memory_space<vmem>>, vector<1x1x1024xf32>,
    return
  }
  func.func @transform_0(%arg0: i32) -> (i32, i32, i32, i32) {
    %c0_i32 = arith.constant 0 : i32
    %c0_i32_0 = arith.constant 0 : i32
    %c0_i32_1 = arith.constant 0 : i32
    %c0_i32_2 = arith.constant 0 : i32
    return %c0_i32, %arg0, %c0_i32_0, %c0_i32_1 : i32, i32, i32, i32
  }
  func.func @transform_1(%arg0: i32) -> (i32, i32) {
    %c0_i32 = arith.constant 0 : i32
    %c0_i32_0 = arith.constant 0 : i32
    %c0_i32_1 = arith.constant 0 : i32
    return %c0_i32, %c0_i32_0 : i32, i32
  }
  func.func @transform_2(%arg0: i32) -> (i32, i32, i32) {
    %c0_i32 = arith.constant 0 : i32
    %c0_i32_0 = arith.constant 0 : i32
    %c0_i32_1 = arith.constant 0 : i32
    return %arg0, %c0_i32, %c0_i32_0 : i32, i32, i32
  }
}

</mosaic_0001>

<sc_bundles>
// kernel: sparse-core-data-format-call.cloned.1.call-start
scs
called_computation_lowered:
.L_overlay_start_0:
0x0: {  	s1 =	sld [smem:$0x3FD9]  }
0x1: {  	s2 =	sld [smem:$0x3FFE];
	_ =	sdelay $0x1  }
0x2: {  	s3 =	srdreg.scid  }
0x3: {  	s0 =	sand.u32 $0x1, s3  }
0x4: {  	s17 =	sshll.u32 s0, $0xA;
	s1 =	sadd.s32 s2, s1  }
0x5: {  	s1 =	sadd.s32 s1, s17  }
0x6: {  	[smem:$0x3FC5] =	sst s1  }
0x7: {  	_ = 	snop  }
0x8: {  	(tm) =	ssettm $0x1  }
0x9: {  	s18 =	sld [smem:$0x3FFB];
	_ =	sdelay $0x3  }
0xa: {  	_ =	strace s18  }
0xb: {  	s1 =	sld [smem:$0x3FFC];
	_ =	sdelay $0x3  }
0xc: {  	_ =	strace s1  }
0xd: {  	s1 =	sld [smem:$0x3FFD];
	_ =	sdelay $0x3  }
0xe: {  	_ =	strace s1  }
0xf: {  	_ =	strace $0x8FFFFFFF  }
0x10: {  	s19 =	sld [smem:$0x3FDB];
	_ =	sdelay $0x1  }
0x11: {  	s20 =	simm.s32 $_scs_section_size  }
0x12: {  	s4 =	simm.s32 $_size__tile_overlayer_lowered;
	s5 =	simm.s32 $_tile_overlayer_lowered  }
0x13: {  	s23 =	simm.s32 $0x1BFF;
	s22 =	sshll.u32 s5, $0x1;
	s1 =	sadd.s32 s20, s19  }
0x14: {  	s6 =	simm.s32 $0x0;
	s21 =	sshll.u32 s4, $0x1;
	s4 =	sadd.s32 s22, s1  }
0x15: {  	[timem:s6], [sflag:s23] =	dma.local [hbm:s4], s21  }
0x16: {  	_ =	swait.ge [sflag:s23], s21  }
0x17: {  	s2 =	ssub.s32 $0x0, s21;
	[sflag:s23] =	ssyncset.done $0x0  }
0x18: {  	[sflag:s23] =	ssyncadd.s32 s2;
	_ =	sdelay $0x1  }
0x19: {  	s24 =	simm.s32 $0x1B8B  }
0x1a: {  	_ =	swait.ge [sflag:s24], $0x1  }
0x1b: {  	[sflag:s24] =	ssyncset.done $0x0  }
0x1c: {  	s26 =	simm.s32 $0x1B8E;
	s25 =	sld [smem:$0x3FFE];
	[sflag:s24] =	ssyncadd.s32 $0xFFFFFFFF  }
0x1d: {  	s27 =	simm.s32 $execute0_lowered;
	[smem:$0x3FD2] =	sst s26  }
0x1e: {  	s4 =	sshll.u32 s27, $0x1;
	_ =	strace $0x80000046;
	[dreg:$0x1] =	wrdreg $0xFFFFFFFF  }
0x1f: {  	s28 =	simm.s32 $_size_execute0_lowered;
	s1 =	sadd.s32 s1, s4;
	[dreg:$0x0] =	wrdreg $0x0  }
0x20: {  	s4 =	sshll.u32 s28, $0x1;
	[dreg:$0x2] =	wrdreg s1  }
0x21: {  	[dreg:$0x3] =	wrdreg s4  }
0x22: {  	[dreg:$0x4] =	wrdreg $0xC0  }
0x23: {  	_ =	task [dreg:s6], $0x5FFFF  }
0x24: {  	[dreg:$0x1] =	wrdreg $0xFFFFFFFF  }
0x25: {  	[dreg:$0x0] =	wrdreg $0x60  }
0x26: {  	[dreg:$0x2] =	wrdreg s25  }
0x27: {  	[dreg:$0x3] =	wrdreg $0x9  }
0x28: {  	_ =	task.clear_ibuf [dreg:s6], $0x4FFFF;
	_ =	strace $0x90000046  }
0x29: {  	s29 =	simm.s32 $0x9;
	_ =	strace $0x80000048  }
0x2a: {  	_ =	swait.ge [sflag:s29], $0x1  }
0x2b: {  	[sflag:s29] =	ssyncadd.s32 $0xFFFFFFFF  }
0x2c: {  	_ =	strace $0x90000048  }
0x2d: {  	_ =	sfence  }
0x2e: {  	s30 =	sld [smem:$0x0];
	_ =	sdelay $0x2  }
0x2f: {  	s31 =	sshll.u32 s3, $0xD;
	s3 =	sshrl.u32 s3, $0x2  }
0x30: {  	s2 =	sand.u32 $0x4000, s31;
	s1 =	sadd.s32 s3, s30  }
0x31: {  	s0 =	sor.u32 s2, s0;
	s1 =	sshll.u32 s1, $0x11  }
0x32: {  	s0 =	sor.u32 s1, s0  }
0x33: {  	s0 =	sadd.s32 $0x8F2B, s0  }
0x34: {  	[sflag:s0] =	ssyncadd.remote.s32 $0x1  }
0x35: {  	_ =	sfence.sel $0xFFFF  }
0x36: {  	[dreg:$0x0] =	wrdreg $0xFFFFFFFF;
	(pc) =	sbr.abs _section_cstart, $3  }
0x37: {  	[dreg:$0x1] =	wrdreg $0xFFFFFFFF  }
0x38: {  	_ =	task.clear_ibuf [dreg:s6], $0x2FFFF;
	_ =	strace $0x9FFFFFFF  }
0x39: {  	(tm) =	ssettm $0x7FFFFFFF  }
tec
execute0_lowered:
.L_overlay_start_1:
0x0: {  	(tag) =	ssettag $0x1  }
0x1: {  	s0 =	srdreg.scid;
	s4 =	rddreg [dreg:$0x0];
	s6 =	simm.s32 $0x1  }
0x2: {  	s31 =	simm.s32 $0x2;
	s15 =	simm.s32 $0x0;
	s1 =	sshll.u32 s0, $0x4  }
0x3: {  	s8 =	simm.s32 $0x8000;
	s0 =	stileid.u32;
	s1 =	sand.u32 $0x10, s1  }
0x4: {  	s9 =	simm.s32 $0x0;
	s16 =	simm.s32 $0x0;
	s1 =	sor.u32 s0, s1  }
0x5: {  	s17 =	simm.s32 $0x0;
	s18 =	simm.s32 $0x0;
	s2 =	sshll.u32 s1, $0x1  }
0x6: {  	s10 =	simm.s32 $0x0;
	s11 =	simm.s32 $0x0;
	s5 =	ssub.s32 $0x40, s2  }
0x7: {  	s12 =	simm.s32 $0x0;
	s14 =	simm.s32 $0x0;
	s3 =	sand.u32 $0x3E, s5  }
.Ltmp0:
0x8: {  	s1 =	rddreg [dreg:$0x1];
	p0 =	sne.s32 s3, $0x0;
	(pc) =	sbr.rel .LBB1_1-.Ltmp0, $4  }
0x9: {  	_ =	strace $0x80000047;
	s7 =	sshrl.u32 s5, $0x6;
	s6 =	simm.s32 @!p0 $0x0  }
0xa: {  	s13 =	smov.u32 s2;
	s5 =	simm.s32 $0x1;
	s6 =	sadd.s32 s6, s7  }
0xb: {  	s3 =	sadd.s32 $0x400, s4;
	[sflag:s5] =	ssyncpa.u1 $0x0;
	s6 =	sshll.u32 s6, $0x4  }
0xc: {  	s4 =	sadd.s32 $0x100400, s4;
	[sflag:s31] =	ssyncpa.u1 $0x0;
	s7 =	sor.u32 $0x1, s6  }
.LBB1_7:
0xd: {  	s19 =	sadd.s32 $0x80, s10  }
0xe: {  	s15 =	sadd.s32 $0x8, s11;
	s20 =	smov.u32 s11;
	p1 =	sgt.s32 s19, $0x3FF  }
0xf: {  	s20 =	smov.u32 @p1 s15  }
0x10: {  	s21 =	smov.u32 s12;
	s15 =	sadd.s32 $0x10, s12;
	p2 =	sgt.s32 s20, $0xF  }
0x11: {  	s21 =	smov.u32 @p2 s15  }
0x12: {  	s22 =	smov.u32 s13;
	s15 =	sadd.s32 $0x40, s13;
	p3 =	sgt.s32 s21, $0xF  }
0x13: {  	p0 =	slt.u32 s14, $0x2;
	s22 =	smov.u32 @p3 s15  }
0x14: {  	s16 =	smov.u32 s11;
	s19 =	simm.s32 @p1 $0x0;
	p1 =	sgt.s32 s22, $0x3F  }
0x15: {  	s23 =	simm.s32 @!p0 $0x2;
	s22 =	smov.u32 @p1 s2;
	p1 =	sne.s32 s14, s7  }
.Ltmp1:
0x16: {  	s17 =	smov.u32 s12;
	_ =	swait.ge @!p0 [sflag:s23], $0x4000;
	(pc) =	sbr.rel @!p1 .LBB1_8-.Ltmp1, $4  }
0x17: {  	s18 =	smov.u32 s13;
	[sflag:s23] =	ssyncset.done @!p0 $0x0;
	s20 =	simm.s32 @p2 $0x0  }
0x18: {  	s9 =	sadd.s32 $0x8000, s9;
	[sflag:s23] =	ssyncadd.s32 @!p0 $0xFFFFC000;
	s11 =	smov.u32 s20  }
0x19: {  	s21 =	simm.s32 @p3 $0x0;
	s15 =	smov.u32 s10;
	s10 =	smov.u32 s19  }
0x1a: {  	s12 =	smov.u32 s21;
	s14 =	sadd.s32 $0x1, s14;
	s13 =	smov.u32 s22  }
.LBB1_1:
0x1b: {  	p0 =	sge.u32 s14, s6  }
0x1c: {  	s31 =	sadd.s32 $0xFFFFFFFF, s14;
	s19 =	sshll.u32 @!p0 s11, $0xA  }
0x1d: {  	s20 =	sxor.u32 @!p0 $0xFFFFFFFF, s14;
	s21 =	sshll.u32 @!p0 s10, $0x3;
	s19 =	sand.u32 @!p0 $0x2000, s19  }
0x1e: {  	s22 =	sshll.u32 @!p0 s10, $0x1;
	s19 =	sadd.s32 @!p0 s19, s21;
	s21 =	sshll.u32 @!p0 s11, $0x7  }
0x1f: {  	s23 =	sshll.u32 @!p0 s13, $0xE;
	s22 =	sand.u32 @!p0 $0xF0, s22;
	s21 =	sand.u32 @!p0 $0x300, s21  }
0x20: {  	s23 =	sadd.s32 @!p0 s3, s23;
	s21 =	sor.u32 @!p0 s21, s22;
	s22 =	sshll.u32 @!p0 s12, $0xA  }
0x21: {  	s19 =	sshrl.u32 @!p0 s19, $0x4;
	s21 =	sshrl.u32 @!p0 s21, $0x4;
	s22 =	sadd.s32 @!p0 s22, s23  }
0x22: {  	s19 =	sand.u32 @!p0 $0x3C0, s19;
	s21 =	sadd.s32 @!p0 s21, s22;
	s22 =	sand.u32 @!p0 $0x7, s10  }
0x23: {  	s20 =	sshll.u32 @!p0 s20, $0xE;
	s19 =	sadd.s32 @!p0 s19, s21;
	s21 =	sshll.u32 @!p0 s22, $0x12  }
0x24: {  	s20 =	sand.u32 @!p0 $0x4000, s20;
	s22 =	simm.s32 @!p0 $0x2000;
	s21 =	sor.u32 @!p0 $0x200, s21  }
0x25: {  	[tilespmem:s20], [sflag:$0x1] =	stream.strided.gather @!p0 [hbm4b:s19+s21], $0x4000, s22, s21, $0x38;
	[tilespmem:$0x10000] =	vst v63  }
0x26: {  	p0 =	sge.u32 s31, s6  }
.Ltmp2:
0x27: {  	_ = 	snop;
	(pc) =	sbr.rel @p0 .LBB1_7-.Ltmp2, $1  }
0x28: {  	_ =	sdelay $0x3  }
0x29: {  	s19 =	sshrl.u32 s9, $0x1;
	_ =	swait.ge [sflag:s5], $0x4000  }
0x2a: {  	s22 =	sshll.u32 s14, $0xE;
	s19 =	sand.u32 $0x4000, s19;
	[sflag:s5] =	ssyncset.done $0x0  }
0x2b: {  	s31 =	sand.u32 $0x4000, s22;
	s22 =	simm.s32 $0x0;
	s20 =	sor.u32 $0x2000, s19  }
0x2c: {  	s21 =	sor.u32 $0x8800, s19;
	[sflag:s5] =	ssyncadd.s32 $0xFFFFC000;
	s19 =	sor.u32 $0x8000, s31  }
.LBB1_3:
0x2d: {  	v0 =	vld [tilespmem:s20+$0xFFFFE070]  }
0x2e: {  	v1 =	vld [tilespmem:s20+$0x70]  }
0x2f: {  	v2 =	vld [tilespmem:s20+$0x0]  }
0x30: {  	v3 =	vld [tilespmem:s20+$0xFFFFE010]  }
0x31: {  	v4 =	vld [tilespmem:s20+$0x10]  }
0x32: {  	v5 =	vld [tilespmem:s20+$0xFFFFE020]  }
0x33: {  	v7 =	vld [tilespmem:s20+$0x20]  }
0x34: {  	v11 =	vld [tilespmem:s20+$0x30];
	v6 =	vunpack.i.l.s16.s32 v0;
	v8 =	vunpack.i.u.s16.s32 v0;
	v9 =	vunpack.i.u.s16.s32 v1  }
0x35: {  	v10 =	vunpack.i.l.s16.s32 v1;
	v0 =	vunpack.i.u.s16.s32 v2;
	v1 =	vunpack.i.l.s16.s32 v2;
	v2 =	vld [tilespmem:s20+$0xFFFFE030]  }
0x36: {  	v8 =	vpack.i.b32.b16 v9, v8;
	v9 =	vunpack.i.u.s16.s32 v3;
	v3 =	vunpack.i.l.s16.s32 v3  }
0x37: {  	v12 =	vld [tilespmem:s20+$0xFFFFE040];
	v6 =	vpack.i.b32.b16 v10, v6;
	[tilespmem:s21+$0x70] =	vst v8;
	v8 =	vunpack.i.u.s16.s32 v4;
	v4 =	vunpack.i.l.s16.s32 v4  }
0x38: {  	v13 =	vld [tilespmem:s20+$0x40];
	v10 =	vunpack.i.u.s16.s32 v5;
	v5 =	vunpack.i.l.s16.s32 v5;
	[tilespmem:s21+$0xFFFFF870] =	vst v6;
	v3 =	vpack.i.b32.b16 v4, v3  }
0x39: {  	v6 =	vunpack.i.l.s16.s32 v7;
	v4 =	vld [tilespmem:s20+$0xFFFFE050];
	[tilespmem:s21+$0xFFFFF810] =	vst v3;
	v3 =	vpack.i.b32.b16 v8, v9;
	v8 =	vunpack.i.u.s16.s32 v7  }
0x3a: {  	v7 =	vunpack.i.l.s16.s32 v11;
	[tilespmem:s21+$0x10] =	vst v3;
	v3 =	vpack.i.b32.b16 v6, v5;
	v9 =	vunpack.i.u.s16.s32 v2;
	v6 =	vld [tilespmem:s20+$0x50]  }
0x3b: {  	v5 =	vunpack.i.l.s16.s32 v2;
	v2 =	vld [tilespmem:s20+$0xFFFFE060];
	[tilespmem:s21+$0xFFFFF820] =	vst v3;
	v3 =	vpack.i.b32.b16 v8, v10;
	v10 =	vunpack.i.u.s16.s32 v11  }
0x3c: {  	s25 =	simm.s32 $0x0;
	v11 =	vpack.i.b32.b16 v7, v5;
	v7 =	vunpack.i.u.s16.s32 v12;
	v8 =	vunpack.i.l.s16.s32 v12;
	[tilespmem:s21+$0x20] =	vst v3;
	v3 =	vld [tilespmem:s20+$0x60]  }
0x3d: {  	s26 =	sadd.s32 $0x80, s20;
	s24 =	smov.u32 s21;
	s23 =	smov.u32 s21;
	v5 =	vld [tilespmem:s20+$0xFFFFE000];
	[tilespmem:s21+$0xFFFFF830] =	vst v11;
	v10 =	vpack.i.b32.b16 v10, v9;
	v9 =	vunpack.i.u.s16.s32 v13;
	v11 =	vunpack.i.l.s16.s32 v13  }
.LBB1_4:
0x3e: {  	v12 =	vld [tilespmem:s26+$0xFFFFE070];
	[tilespmem:s24+$0x30] =	vst v10;
	v8 =	vpack.i.b32.b16 v11, v8;
	v10 =	vunpack.i.u.s16.s32 v4;
	v4 =	vunpack.i.l.s16.s32 v4  }
0x3f: {  	s25 =	sadd.s32 $0x2, s25;
	v7 =	vpack.i.b32.b16 v9, v7;
	v11 =	vld [tilespmem:s26+$0x70];
	[tilespmem:s24+$0xFFFFF840] =	vst v8;
	v8 =	vunpack.i.u.s16.s32 v6;
	v6 =	vunpack.i.l.s16.s32 v6  }
0x40: {  	p0 =	slt.u32 s25, $0x6;
	v9 =	vld [tilespmem:s26+$0x0];
	[tilespmem:s24+$0x40] =	vst v7;
	v4 =	vpack.i.b32.b16 v6, v4;
	v6 =	vunpack.i.u.s16.s32 v2;
	v2 =	vunpack.i.l.s16.s32 v2  }
0x41: {  	v7 =	vld [tilespmem:s26+$0xFFFFE010];
	[tilespmem:s24+$0xFFFFF850] =	vst v4;
	v4 =	vpack.i.b32.b16 v8, v10;
	v8 =	vunpack.i.u.s16.s32 v3;
	v3 =	vunpack.i.l.s16.s32 v3  }
0x42: {  	v10 =	vld [tilespmem:s26+$0x10];
	v13 =	vunpack.i.u.s16.s32 v5;
	v5 =	vunpack.i.l.s16.s32 v5;
	[tilespmem:s24+$0x50] =	vst v4;
	v2 =	vpack.i.b32.b16 v3, v2  }
0x43: {  	v3 =	vld [tilespmem:s26+$0xFFFFE020];
	v4 =	vunpack.i.l.s16.s32 v12;
	v1 =	vpack.i.b32.b16 v1, v5;
	v5 =	vpack.i.b32.b16 v0, v13;
	[tilespmem:s24+$0xFFFFF860] =	vst v2  }
0x44: {  	v12 =	vunpack.i.u.s16.s32 v12;
	v2 =	vld [tilespmem:s26+$0x20];
	v13 =	vunpack.i.u.s16.s32 v11;
	v11 =	vunpack.i.l.s16.s32 v11;
	[tilespmem:s24+$0xFFFFF800] =	vst v1  }
0x45: {  	s24 =	sadd.s32 $0x1000, s24;
	v0 =	vunpack.i.u.s16.s32 v9;
	v1 =	vunpack.i.l.s16.s32 v9;
	v9 =	vld [tilespmem:s26+$0xFFFFE030];
	v12 =	vpack.i.b32.b16 v13, v12;
	[tilespmem:s23+$0x0] =	vst v5  }
0x46: {  	v6 =	vpack.i.b32.b16 v8, v6;
	v5 =	vunpack.i.u.s16.s32 v7;
	v7 =	vunpack.i.l.s16.s32 v7;
	v13 =	vld [tilespmem:s26+$0x30];
	[tilespmem:s24+$0x70] =	vst v12  }
0x47: {  	v4 =	vpack.i.b32.b16 v11, v4;
	v8 =	vunpack.i.u.s16.s32 v10;
	v10 =	vunpack.i.l.s16.s32 v10;
	v12 =	vld [tilespmem:s26+$0xFFFFE040];
	[tilespmem:s23+$0x60] =	vst v6;
	s23 =	smov.u32 s24  }
0x48: {  	v6 =	vpack.i.b32.b16 v10, v7;
	v7 =	vunpack.i.u.s16.s32 v3;
	v3 =	vunpack.i.l.s16.s32 v3;
	v11 =	vld [tilespmem:s26+$0x40];
	[tilespmem:s24+$0xFFFFF870] =	vst v4  }
.Ltmp3:
0x49: {  	v5 =	vpack.i.b32.b16 v8, v5;
	[tilespmem:s24+$0xFFFFF810] =	vst v6;
	v8 =	vunpack.i.u.s16.s32 v2;
	v2 =	vunpack.i.l.s16.s32 v2;
	v4 =	vld [tilespmem:s26+$0xFFFFE050];
	(pc) =	sbr.rel @p0 .LBB1_4-.Ltmp3, $4  }
0x4a: {  	[tilespmem:s24+$0x10] =	vst v5;
	v2 =	vpack.i.b32.b16 v2, v3;
	v10 =	vunpack.i.u.s16.s32 v9;
	v3 =	vunpack.i.l.s16.s32 v9;
	v6 =	vld [tilespmem:s26+$0x50]  }
0x4b: {  	v5 =	vpack.i.b32.b16 v8, v7;
	[tilespmem:s24+$0xFFFFF820] =	vst v2;
	v9 =	vunpack.i.u.s16.s32 v13;
	v7 =	vunpack.i.l.s16.s32 v13;
	v2 =	vld [tilespmem:s26+$0xFFFFE060]  }
0x4c: {  	[tilespmem:s24+$0x20] =	vst v5;
	v13 =	vpack.i.b32.b16 v7, v3;
	v7 =	vunpack.i.u.s16.s32 v12;
	v8 =	vunpack.i.l.s16.s32 v12;
	v3 =	vld [tilespmem:s26+$0x60]  }
0x4d: {  	v10 =	vpack.i.b32.b16 v9, v10;
	v5 =	vld [tilespmem:s26+$0xFFFFE000];
	[tilespmem:s24+$0xFFFFF830] =	vst v13;
	v9 =	vunpack.i.u.s16.s32 v11;
	v11 =	vunpack.i.l.s16.s32 v11;
	s26 =	sadd.s32 $0x80, s26  }
0x4e: {  	[tilespmem:s24+$0x30] =	vst v10;
	v8 =	vpack.i.b32.b16 v11, v8  }
0x4f: {  	v51 =	vunpack.i.l.s16.s32 v4;
	v7 =	vpack.i.b32.b16 v9, v7;
	[tilespmem:s24+$0xFFFFF840] =	vst v8;
	v52 =	vunpack.i.l.s16.s32 v6  }
0x50: {  	v53 =	vunpack.i.u.s16.s32 v4;
	s22 =	sadd.s32 $0x1, s22;
	v54 =	vunpack.i.u.s16.s32 v6;
	[tilespmem:s24+$0x40] =	vst v7;
	v55 =	vpack.i.b32.b16 v52, v51  }
0x51: {  	p0 =	sne.s32 s22, $0x10;
	v56 =	vunpack.i.l.s16.s32 v2;
	v4 =	vpack.i.b32.b16 v54, v53;
	[tilespmem:s24+$0xFFFFF850] =	vst v55;
	v57 =	vunpack.i.l.s16.s32 v3  }
.Ltmp4:
0x52: {  	[tilespmem:s24+$0x50] =	vst v4;
	v58 =	vunpack.i.l.s16.s32 v5;
	v59 =	vpack.i.b32.b16 v57, v56;
	(pc) =	sbr.rel @p0 .LBB1_3-.Ltmp4, $4  }
0x53: {  	v61 =	vunpack.i.u.s16.s32 v2;
	v62 =	vunpack.i.u.s16.s32 v3;
	v1 =	vpack.i.b32.b16 v1, v58;
	[tilespmem:s24+$0xFFFFF860] =	vst v59  }
0x54: {  	v60 =	vunpack.i.u.s16.s32 v5;
	v63 =	vpack.i.b32.b16 v62, v61;
	[tilespmem:s24+$0xFFFFF800] =	vst v1  }
0x55: {  	v0 =	vpack.i.b32.b16 v0, v60;
	[tilespmem:s23+$0x60] =	vst v63  }
0x56: {  	s20 =	sadd.s32 $0x200, s20;
	s21 =	sadd.s32 $0x80, s21;
	[tilespmem:s23+$0x0] =	vst v0  }
0x57: {  	s20 =	sshll.u32 s18, $0xA;
	s29 =	sshll.u32 s18, $0x7  }
0x58: {  	s21 =	sshll.u32 s15, $0x1;
	s22 =	sshll.u32 s15, $0x3;
	s17 =	sshll.u32 s17, $0xC  }
0x59: {  	s16 =	sshll.u32 s16, $0x10;
	s30 =	sand.u32 $0x7, s15;
	s20 =	sand.u32 $0xE000, s20  }
0x5a: {  	s18 =	sand.u32 $0x300, s29;
	s21 =	sand.u32 $0xF0, s21;
	s17 =	sadd.s32 s4, s17  }
.Ltmp5:
0x5b: {  	s20 =	sadd.s32 s20, s22;
	s18 =	sor.u32 s18, s21;
	(pc) =	sbr.rel .LBB1_7-.Ltmp5, $4  }
0x5c: {  	s16 =	sadd.s32 s16, s17;
	s20 =	sshrl.u32 s20, $0x4;
	s18 =	sshrl.u32 s18, $0x4  }
0x5d: {  	s15 =	sshll.u32 s30, $0x12;
	s31 =	sand.u32 $0xFC0, s20;
	s16 =	sadd.s32 s18, s16  }
0x5e: {  	s15 =	sor.u32 $0x80, s15;
	s16 =	sadd.s32 s31, s16  }
0x5f: {  	[hbm4b:s16+s15] =	stream.strided.scatter [tilespmem:s19], [sflag:$0x2], $0x4000, s8, s15, $0x38;
	[tilespmem:$0x10000] =	vst v63  }
.LBB1_8:
0x60: {  	_ =	sfence.sel $0x180000  }
0x61: {  	s2 =	simm.s32 $0x1;
	[bflag:$0x0] =	sbarrier.arrive $0xFFFF  }
0x62: {  	s31 =	simm.s32 $0x2;
	[sflag:s2] =	ssyncpa.u1 $0x1  }
0x63: {  	[sflag:s31] =	ssyncpa.u1 $0x1  }
0x64: {  	p0 =	sne.s32 s0, $0x0;
	_ =	strace $0x90000047  }
0x65: {  	s0 =	sadd.s32 @!p0 $0x100000, s1;
	[bflag:$0x2] =	sbarrier.arrive $0xFFFF  }
0x66: {  	[sflag:s0] =	ssyncadd.tile.s32 @!p0 $0x1;
	_ =	shalt  }
.Lfunc_end1:
_tile_overlayer_lowered:
.L_overlay_start_2:
0x67: {  	(tag) =	ssettag $0x2  }
0x68: {  	s0 =	rddreg [dreg:$0x0];
	s2 =	stileid.u32  }
0x69: {  	s1 =	rddreg [dreg:$0x1];
	p0 =	sne.s32 s2, $0x0  }
0x6a: {  	s3 =	rddreg [dreg:$0x2];
	[bflag:$0x3] =	sbarrier.arrive $0xFFFF;
	s2 =	simm.s32 @!p0 $0x1C01  }
0x6b: {  	[timem:s3], [sflag:s2] =	dma.local @!p0 [hbm:s0], s1  }
0x6c: {  	s0 =	simm.s32 @!p0 $0x1  }
0x6d: {  	_ =	swait.ge @!p0 [sflag:s0], s1  }
0x6e: {  	s1 =	ssub.s32 @!p0 $0x0, s1;
	[sflag:s0] =	ssyncset.done @!p0 $0x0  }
0x6f: {  	[sflag:s0] =	ssyncadd.s32 @!p0 s1  }
0x70: {  	[bflag:$0x3] =	sbarrier.arrive $0xFFFF  }
0x71: {  	_ =	shalt  }

</sc_bundles>
